<compile_context>
chip_gen: v7x
topology: tpu7x:2x2x1
jax: 0.10.2.dev20260603
libtpu: 0.0.44.dev20260713+nightly
codegen_flags: <defaults>
</compile_context>

<pallas_src>
import functools
import math

import jax
import jax.numpy as jnp
import numpy as np
from jax import lax
from jax.experimental import pallas as pl
from jax.experimental.pallas import tpu as pltpu
from jax.experimental.pallas import tpu_sc as plsc

B, S, T, D = 1024, 50, 20, 64
RULES = B * S
NW = 32
RPW = RULES // NW
CH = 32
NCHUNK = RPW // CH
IDS = CH * T
IG = IDS // 128


def _pe_const(seq_len, dim):
    position = np.arange(seq_len, dtype=np.float32)[:, None]
    div_term = np.exp(
        np.arange(0, dim, 2, dtype=np.float32) * -(math.log(10000.0) / dim)
    )[None, :]
    pe = np.zeros((seq_len, dim), dtype=np.float32)
    pe[:, 0::2] = np.sin(position * div_term)
    pe[:, 1::2] = np.cos(position * div_term)
    return pe


_PE50 = _pe_const(S, D)


def _sc_gather(tok_idx, rule_idx, token_table, rule_table):
    mesh = plsc.VectorSubcoreMesh(core_axis_name="c", subcore_axis_name="s")

    @functools.partial(
        pl.kernel,
        out_type=(
            jax.ShapeDtypeStruct((RULES, 2 * D), jnp.float32),
            jax.ShapeDtypeStruct((RULES // 2, 2 * D), jnp.float32),
        ),
        mesh=mesh,
        compiler_params=pltpu.CompilerParams(use_tc_tiling_on_sc=False),
        scratch_types=[
            pltpu.VMEM((3, IDS), jnp.int32),
            pltpu.VMEM((2, IDS, D), jnp.float32),
            pltpu.VMEM((3, CH + 16), jnp.int32),
            pltpu.VMEM((2, CH, D), jnp.float32),
            pltpu.VMEM((2, CH, 2 * D), jnp.float32),
            pltpu.VMEM((2, CH // 2, 2 * D), jnp.float32),
            pltpu.VMEM((1, D), jnp.float32),
            pltpu.SemaphoreType.DMA,
            pltpu.SemaphoreType.DMA,
            pltpu.SemaphoreType.DMA,
            pltpu.SemaphoreType.DMA,
            pltpu.SemaphoreType.DMA,
        ],
    )
    def k(tok_idx_hbm2, rule_idx2, tok_tab, rule_tab,
          pc_hbm, rid_hbm,
          idxv, rowsv, ridxv, rrowsv, pcv, ridv, tab0v,
          semi, semg0, semg1, semw0, semw1):
        tok_idx_hbm = tok_idx_hbm2
        rule_idx_hbm = rule_idx2
        wid = lax.axis_index("s") * 2 + lax.axis_index("c")
        base = wid * RPW
        semg = (semg0, semg1)
        semw = (semw0, semw1)

        pltpu.sync_copy(tok_tab.at[pl.ds(0, 1)], tab0v)
        tab0_vecs = [tab0v[0, pl.ds(d * 16, 16)] for d in range(D // 16)]
        lane = lax.iota(jnp.int32, 16)

        def idx_copies(ci):
            rb = base + ci * CH
            q = lax.rem(ci, 3)
            return (
                pltpu.make_async_copy(
                    tok_idx_hbm.at[pl.ds(rb * T, IDS)], idxv.at[q], semi),
                pltpu.make_async_copy(
                    rule_idx_hbm.at[pl.ds(rb, CH)],
                    ridxv.at[q, pl.ds(0, CH)], semi),
            )

        def gather_copies(ci, p):
            q = lax.rem(ci, 3)
            cps = [
                pltpu.make_async_copy(
                    tok_tab.at[idxv.at[q, pl.ds(g * 128, 128)]],
                    rowsv.at[p, pl.ds(g * 128, 128)],
                    semg[p],
                )
                for g in range(IG)
            ]
            cps.append(
                pltpu.make_async_copy(
                    rule_tab.at[ridxv.at[q, pl.ds(0, CH)]],
                    rrowsv.at[p], semg[p]))
            return cps

        def out_copies(ci, p):
            rb = base + ci * CH
            return (
                pltpu.make_async_copy(
                    pcv.at[p], pc_hbm.at[pl.ds(rb, CH)], semw[p]),
                pltpu.make_async_copy(
                    ridv.at[p], rid_hbm.at[pl.ds(rb // 2, CH // 2)], semw[p]),
            )

        def compute(ci, p):
            q = lax.rem(ci, 3)

            def rule_body(r, c):
                rowbase = r * T
                v0 = idxv[q, pl.ds(rowbase, 16)]
                v1 = idxv[q, pl.ds(rowbase + 4, 16)]
                cnt = (v0[0] == 0).astype(jnp.int32)
                for t in range(1, 16):
                    cnt = cnt + (v0[t] == 0).astype(jnp.int32)
                for t in range(12, 16):
                    cnt = cnt + (v1[t] == 0).astype(jnp.int32)
                cntf = cnt.astype(jnp.float32)
                pmask = (v0[0] != 0).astype(jnp.float32)
                rv = ridxv[q, pl.ds(r, 16)]
                rmask = (rv[0] != 0).astype(jnp.float32)
                for d in range(D // 16):
                    sl = pl.ds(d * 16, 16)
                    first = rowsv[p, rowbase, sl]
                    acc = first
                    for t in range(1, T):
                        acc = acc + rowsv[p, rowbase + t, sl]
                    pcv[p, r, sl] = first * pmask
                    pcv[p, r, pl.ds(D + d * 16, 16)] = acc - cntf * tab0_vecs[d]
                    ridv[p, r // 2, pl.ds((r % 2) * D + d * 16, 16)] = \
                        rrowsv[p, r, sl] * rmask
                return c

            lax.fori_loop(0, CH, rule_body, 0)

        for cp in idx_copies(0):
            cp.start()
        for cp in idx_copies(0):
            cp.wait()
        for cp in idx_copies(1):
            cp.start()
        for cp in gather_copies(0, 0):
            cp.start()

        def half_iter(ci, p):
            @pl.when(ci + 1 < NCHUNK)
            def _():
                for cp in idx_copies(ci + 1):
                    cp.wait()
                for cp in gather_copies(ci + 1, 1 - p):
                    cp.start()

            for cp in gather_copies(ci, p):
                cp.wait()

            @pl.when(ci + 2 < NCHUNK)
            def _():
                for cp in idx_copies(ci + 2):
                    cp.start()

            @pl.when(ci >= 2)
            def _():
                for cp in out_copies(ci - 2, p):
                    cp.wait()

            compute(ci, p)
            for cp in out_copies(ci, p):
                cp.start()

        def pipe(i, carry):
            half_iter(2 * i, 0)
            half_iter(2 * i + 1, 1)
            return carry

        lax.fori_loop(0, NCHUNK // 2, pipe, 0)

        for cp in out_copies(NCHUNK - 2, 0):
            cp.wait()
        for cp in out_copies(NCHUNK - 1, 1):
            cp.wait()

    return k(tok_idx, rule_idx, token_table, rule_table)


BB = 32
TCR = BB * S


def _tc_dense(pc, rid2, wt, bias, addv):

    def body(pc_ref, rid_ref, wt_ref, b_ref, add_ref, out_ref):
        pcb = jax.nn.relu(pc_ref[...])
        wt = wt_ref[...]
        acc = pcb[:, :D] @ wt[0:D] + pcb[:, D:] @ wt[D:2 * D]
        r2 = jax.nn.relu(rid_ref[...])
        w3 = wt[2 * D:3 * D]
        eo = jnp.concatenate(
            [(r2[:, :D] @ w3)[:, None, :], (r2[:, D:] @ w3)[:, None, :]],
            axis=1,
        ).reshape(TCR, D)
        out = ((acc + eo + b_ref[...]) * 8.0).reshape(BB, S, D)
        out_ref[...] = out + add_ref[...][None, :, :]

    grid = (B // BB,)
    return pl.pallas_call(
        body,
        grid=grid,
        in_specs=[
            pl.BlockSpec((TCR, 2 * D), lambda i: (i, 0)),
            pl.BlockSpec((TCR // 2, 2 * D), lambda i: (i, 0)),
            pl.BlockSpec((3 * D, D), lambda i: (0, 0)),
            pl.BlockSpec((1, D), lambda i: (0, 0)),
            pl.BlockSpec((S, D), lambda i: (0, 0)),
        ],
        out_specs=pl.BlockSpec((BB, S, D), lambda i: (i, 0, 0)),
        out_shape=jax.ShapeDtypeStruct((B, S, D), jnp.float32),
    )(pc, rid2, wt, bias, addv)


def kernel(rule_token_ids, rule_ids, token_table, rule_table, pos_table, W, b):
    tok_flat = rule_token_ids.reshape(RULES * T).astype(jnp.int32)
    ridx_flat = rule_ids.reshape(RULES).astype(jnp.int32)

    pc, rid2 = _sc_gather(tok_flat, ridx_flat, token_table, rule_table)

    addv = pos_table[:S] + jnp.asarray(_PE50)
    return _tc_dense(pc, rid2, W.T, b.reshape(1, D), addv)

# --- scband reference (transcript-rebuilt; emitter-appended) ---
"""Pipeline reference for scband-rule-embedder-83296595739233 (READ-ONLY COPY).

The authoritative reference and input builder live on the scoring server;
editing this copy changes nothing except your own understanding.
"""

import jax, jax.numpy as jnp
import numpy as np
import math

RULE_SIZE = 100000
TOK_SIZE = 100000
DIM = 64
B, S, T = 1024, 50, 20


def _positional_encoding(seq_len, dim):
    position = np.arange(seq_len, dtype=np.float32)[:, None]
    div_term = np.exp(np.arange(0, dim, 2, dtype=np.float32) * -(math.log(10000.0) / dim))[None, :]
    pe = np.zeros((seq_len, dim), dtype=np.float32)
    pe[:, 0::2] = np.sin(position * div_term)
    pe[:, 1::2] = np.cos(position * div_term)
    return jnp.asarray(pe)


def setup_inputs(seed: int = 0):
    key = jax.random.key(seed)
    ks = jax.random.split(key, 8)
    rule_token_ids = jax.random.randint(ks[0], (B, S, T), 0, TOK_SIZE + 1, dtype=jnp.int64 if jax.config.jax_enable_x64 else jnp.int32)
    rule_ids = jax.random.randint(ks[1], (B, S), 0, RULE_SIZE + 1, dtype=jnp.int64 if jax.config.jax_enable_x64 else jnp.int32)
    token_table = jax.random.normal(ks[2], (TOK_SIZE + 1, DIM), dtype=jnp.float32) * 0.05
    rule_table = jax.random.normal(ks[3], (RULE_SIZE + 1, DIM), dtype=jnp.float32) * 0.05
    pos_table = jax.random.normal(ks[4], (100, DIM), dtype=jnp.float32) * 0.05
    W = jax.random.normal(ks[5], (DIM, 3 * DIM), dtype=jnp.float32) * 0.05
    b = jnp.zeros((DIM,), dtype=jnp.float32)
    return {"rule_token_ids": rule_token_ids, "rule_ids": rule_ids,
            "token_table": token_table, "rule_table": rule_table,
            "pos_table": pos_table, "W": W, "b": b}


def reference(rule_token_ids, rule_ids, token_table, rule_table, pos_table, W, b):
    # RuleEmbedding: embedding lookups with padding_idx=0 semantics
    tok = jnp.take(token_table, rule_token_ids, axis=0) * (rule_token_ids != 0).astype(jnp.float32)[..., None]
    rid = jnp.take(rule_table, rule_ids, axis=0) * (rule_ids != 0).astype(jnp.float32)[..., None]
    parent = tok[..., 0, :]                 # [B, S, DIM]
    content = jnp.sum(tok, axis=2)          # [B, S, DIM]
    r = jax.nn.relu(jnp.concatenate([parent, content, rid], axis=-1))  # [B, S, 3*DIM]
    rule_rep = r @ W.T + b                  # Linear(3*DIM -> DIM)
    # PositionalEncoding (dropout is identity in deterministic reference)
    seq = rule_rep.shape[1]
    rule_rep = rule_rep * math.sqrt(DIM) + _positional_encoding(seq, DIM)[None, :, :]
    # learned positional embedding, step=None training path
    pos_rep = jnp.take(pos_table, jnp.arange(seq), axis=0)[None, :, :]
    return rule_rep + pos_rep

if __name__ == "__main__":
    import jax
    _d = setup_inputs()
    print(jax.jit(kernel)(*tuple(_d.values())))

</pallas_src>

<mosaic_0001>
#map = affine_map<(d0, d1) -> (0)>
#map1 = affine_map<(d0, d1) -> (0, 0)>
module attributes {stable_mosaic.version = 14 : i64} {
  func.func @k(%arg0: i32, %arg1: i32, %arg2: memref<1024000xi32, #tpu.memory_space<hbm>>, %arg3: memref<51200xi32, #tpu.memory_space<hbm>>, %arg4: memref<100001x64xf32, #tpu.memory_space<hbm>>, %arg5: memref<100001x64xf32, #tpu.memory_space<hbm>>, %arg6: memref<51200x128xf32, #tpu.memory_space<hbm>>, %arg7: memref<25600x128xf32, #tpu.memory_space<hbm>>, %arg8: memref<3x640xi32, #tpu.memory_space<vmem>>, %arg9: memref<2x640x64xf32, #tpu.memory_space<vmem>>, %arg10: memref<3x48xi32, #tpu.memory_space<vmem>>, %arg11: memref<2x32x64xf32, #tpu.memory_space<vmem>>, %arg12: memref<2x32x128xf32, #tpu.memory_space<vmem>>, %arg13: memref<2x16x128xf32, #tpu.memory_space<vmem>>, %arg14: memref<1x64xf32, #tpu.memory_space<vmem>>, %arg15: memref<!tpu.dma_semaphore, #tpu.memory_space<semaphore_mem>>, %arg16: memref<!tpu.dma_semaphore, #tpu.memory_space<semaphore_mem>>, %arg17: memref<!tpu.dma_semaphore, #tpu.memory_space<semaphore_mem>>, %arg18: memref<!tpu.dma_semaphore, #tpu.memory_space<semaphore_mem>>, %arg19: memref<!tpu.dma_semaphore, #tpu.memory_space<semaphore_mem>>) attributes {dimension_semantics = [#tpu.dimension_semantics<core_parallel>, #tpu.dimension_semantics<subcore_parallel>], iteration_bounds = array<i64: 2, 16>, scalar_prefetch = 0 : i64, scratch_operands = 12 : i64, tpu.core_type = #tpu.core_type<sc_vector_subcore>, window_params = [{transform_indices = #map}, {transform_indices = #map}, {transform_indices = #map1}, {transform_indices = #map1}, {transform_indices = #map1}, {transform_indices = #map1}]} {
    %mul3A = arith.constant 2 : i32
    %mul3A_0 = arith.muli %arg1, %mul3A : i32
    %add3A = arith.addi %mul3A_0, %arg0 : i32
    %mul3A_1 = arith.constant 1600 : i32
    %mul3A_2 = arith.muli %add3A, %mul3A_1 : i32
    "tpu.region"() ({
      %run_scoped3A = tpu.sem_alloc : memref<!tpu.dma_semaphore, #tpu.memory_space<semaphore_mem>>
      %dma_start3A_259 = arith.constant 0 : i32
      %dma_start3A_260 = arith.constant 0 : i32
      %dma_start3A_261 = tpu.memref_slice %arg4[%dma_start3A_259, %dma_start3A_260] : memref<100001x64xf32, #tpu.memory_space<hbm>> -> memref<1x64xf32, #tpu.memory_space<hbm>>
      %dma_start3A_262 = arith.constant 0 : i32
      %dma_start3A_263 = arith.constant 0 : i32
      %dma_start3A_264 = tpu.memref_slice %arg4[%dma_start3A_262, %dma_start3A_263] : memref<100001x64xf32, #tpu.memory_space<hbm>> -> memref<1x64xf32, #tpu.memory_space<hbm>>
      tpu.enqueue_dma source(%dma_start3A_264 : memref<1x64xf32, #tpu.memory_space<hbm>>) target(%arg14 : memref<1x64xf32, #tpu.memory_space<vmem>>) target_semaphore(%run_scoped3A : memref<!tpu.dma_semaphore, #tpu.memory_space<semaphore_mem>>)
      %dma_wait3A_265 = arith.constant 0 : i32
      %dma_wait3A_266 = arith.constant 0 : i32
      %dma_wait3A_267 = tpu.memref_slice %arg4[%dma_wait3A_265, %dma_wait3A_266] : memref<100001x64xf32, #tpu.memory_space<hbm>> -> memref<1x64xf32, #tpu.memory_space<hbm>>
      %dma_wait3A_268 = arith.constant 0 : i32
      %dma_wait3A_269 = arith.constant 0 : i32
      %dma_wait3A_270 = tpu.memref_slice %arg4[%dma_wait3A_268, %dma_wait3A_269] : memref<100001x64xf32, #tpu.memory_space<hbm>> -> memref<1x64xf32, #tpu.memory_space<hbm>>
      tpu.wait_dma2 semaphore(%run_scoped3A : memref<!tpu.dma_semaphore, #tpu.memory_space<semaphore_mem>>) src(%dma_wait3A_270 : memref<1x64xf32, #tpu.memory_space<hbm>>) dst(%arg14 : memref<1x64xf32, #tpu.memory_space<vmem>>)
      tpu.yield
    }) : () -> ()
    %get3A = arith.constant 0 : i32
    %get3A_3 = arith.index_cast %get3A : i32 to index
    %get3A_4 = arith.constant 0 : index
    %get3A_5 = tpu.vector_load %arg14[%get3A_3, %get3A_4] {strides = array<i32>} : memref<1x64xf32, #tpu.memory_space<vmem>>, vector<1x16xf32>,
    %get3A_6 = vector.shape_cast %get3A_5 : vector<1x16xf32> to vector<16xf32>
    %get3A_7 = arith.constant 0 : i32
    %get3A_8 = arith.index_cast %get3A_7 : i32 to index
    %get3A_9 = arith.constant 16 : index
    %get3A_10 = tpu.vector_load %arg14[%get3A_8, %get3A_9] {strides = array<i32>} : memref<1x64xf32, #tpu.memory_space<vmem>>, vector<1x16xf32>,
    %get3A_11 = vector.shape_cast %get3A_10 : vector<1x16xf32> to vector<16xf32>
    %get3A_12 = arith.constant 0 : i32
    %get3A_13 = arith.index_cast %get3A_12 : i32 to index
    %get3A_14 = arith.constant 32 : index
    %get3A_15 = tpu.vector_load %arg14[%get3A_13, %get3A_14] {strides = array<i32>} : memref<1x64xf32, #tpu.memory_space<vmem>>, vector<1x16xf32>,
    %get3A_16 = vector.shape_cast %get3A_15 : vector<1x16xf32> to vector<16xf32>
    %get3A_17 = arith.constant 0 : i32
    %get3A_18 = arith.index_cast %get3A_17 : i32 to index
    %get3A_19 = arith.constant 48 : index
    %get3A_20 = tpu.vector_load %arg14[%get3A_18, %get3A_19] {strides = array<i32>} : memref<1x64xf32, #tpu.memory_space<vmem>>, vector<1x16xf32>,
    %get3A_21 = vector.shape_cast %get3A_20 : vector<1x16xf32> to vector<16xf32>
    %iota3A = tpu.iota {dimensions = array<i32: 0>} : vector<16xi32>
    %add3A_22 = arith.constant 0 : i32
    %add3A_23 = arith.addi %mul3A_2, %add3A_22 : i32
    %rem3A = arith.constant 0 : i32
    %rem3A_24 = arith.constant 3 : i32
    %rem3A_25 = arith.remsi %rem3A, %rem3A_24 : i32
    %mul3A_26 = arith.constant 20 : i32
    %mul3A_27 = arith.muli %add3A_23, %mul3A_26 : i32
    %dma_start3A = arith.constant 0 : i32
    %dma_start3A_28 = tpu.memref_slice %arg8[%rem3A_25, %dma_start3A] : memref<3x640xi32, #tpu.memory_space<vmem>> -> memref<1x640xi32, #tpu.memory_space<vmem>>
    %dma_start3A_29 = tpu.memref_squeeze %dma_start3A_28 : memref<1x640xi32, #tpu.memory_space<vmem>> -> memref<640xi32, #tpu.memory_space<vmem>>
    %dma_start3A_30 = tpu.memref_slice %arg2[%mul3A_27] : memref<1024000xi32, #tpu.memory_space<hbm>> -> memref<640xi32, #tpu.memory_space<hbm>>
    %dma_start3A_31 = arith.constant 0 : i32
    %dma_start3A_32 = tpu.memref_slice %arg8[%rem3A_25, %dma_start3A_31] : memref<3x640xi32, #tpu.memory_space<vmem>> -> memref<1x640xi32, #tpu.memory_space<vmem>>
    %dma_start3A_33 = tpu.memref_squeeze %dma_start3A_32 : memref<1x640xi32, #tpu.memory_space<vmem>> -> memref<640xi32, #tpu.memory_space<vmem>>
    %dma_start3A_34 = tpu.memref_slice %arg2[%mul3A_27] : memref<1024000xi32, #tpu.memory_space<hbm>> -> memref<640xi32, #tpu.memory_space<hbm>>
    tpu.enqueue_dma source(%dma_start3A_34 : memref<640xi32, #tpu.memory_space<hbm>>) target(%dma_start3A_33 : memref<640xi32, #tpu.memory_space<vmem>>) target_semaphore(%arg15 : memref<!tpu.dma_semaphore, #tpu.memory_space<semaphore_mem>>)
    %dma_start3A_35 = arith.constant 0 : i32
    %dma_start3A_36 = tpu.memref_slice %arg10[%rem3A_25, %dma_start3A_35] : memref<3x48xi32, #tpu.memory_space<vmem>> -> memref<1x32xi32, #tpu.memory_space<vmem>>
    %dma_start3A_37 = tpu.memref_squeeze %dma_start3A_36 : memref<1x32xi32, #tpu.memory_space<vmem>> -> memref<32xi32, #tpu.memory_space<vmem>>
    %dma_start3A_38 = tpu.memref_slice %arg3[%add3A_23] : memref<51200xi32, #tpu.memory_space<hbm>> -> memref<32xi32, #tpu.memory_space<hbm>>
    %dma_start3A_39 = arith.constant 0 : i32
    %dma_start3A_40 = tpu.memref_slice %arg10[%rem3A_25, %dma_start3A_39] : memref<3x48xi32, #tpu.memory_space<vmem>> -> memref<1x32xi32, #tpu.memory_space<vmem>>
    %dma_start3A_41 = tpu.memref_squeeze %dma_start3A_40 : memref<1x32xi32, #tpu.memory_space<vmem>> -> memref<32xi32, #tpu.memory_space<vmem>>
    %dma_start3A_42 = tpu.memref_slice %arg3[%add3A_23] : memref<51200xi32, #tpu.memory_space<hbm>> -> memref<32xi32, #tpu.memory_space<hbm>>
    tpu.enqueue_dma source(%dma_start3A_42 : memref<32xi32, #tpu.memory_space<hbm>>) target(%dma_start3A_41 : memref<32xi32, #tpu.memory_space<vmem>>) target_semaphore(%arg15 : memref<!tpu.dma_semaphore, #tpu.memory_space<semaphore_mem>>)
    %add3A_43 = arith.constant 0 : i32
    %add3A_44 = arith.addi %mul3A_2, %add3A_43 : i32
    %rem3A_45 = arith.constant 0 : i32
    %rem3A_46 = arith.constant 3 : i32
    %rem3A_47 = arith.remsi %rem3A_45, %rem3A_46 : i32
    %mul3A_48 = arith.constant 20 : i32
    %mul3A_49 = arith.muli %add3A_44, %mul3A_48 : i32
    %dma_wait3A = arith.constant 0 : i32
    %dma_wait3A_50 = tpu.memref_slice %arg8[%rem3A_47, %dma_wait3A] : memref<3x640xi32, #tpu.memory_space<vmem>> -> memref<1x640xi32, #tpu.memory_space<vmem>>
    %dma_wait3A_51 = tpu.memref_squeeze %dma_wait3A_50 : memref<1x640xi32, #tpu.memory_space<vmem>> -> memref<640xi32, #tpu.memory_space<vmem>>
    %dma_wait3A_52 = tpu.memref_slice %arg2[%mul3A_49] : memref<1024000xi32, #tpu.memory_space<hbm>> -> memref<640xi32, #tpu.memory_space<hbm>>
    %dma_wait3A_53 = arith.constant 0 : i32
    %dma_wait3A_54 = tpu.memref_slice %arg8[%rem3A_47, %dma_wait3A_53] : memref<3x640xi32, #tpu.memory_space<vmem>> -> memref<1x640xi32, #tpu.memory_space<vmem>>
    %dma_wait3A_55 = tpu.memref_squeeze %dma_wait3A_54 : memref<1x640xi32, #tpu.memory_space<vmem>> -> memref<640xi32, #tpu.memory_space<vmem>>
    %dma_wait3A_56 = tpu.memref_slice %arg2[%mul3A_49] : memref<1024000xi32, #tpu.memory_space<hbm>> -> memref<640xi32, #tpu.memory_space<hbm>>
    tpu.wait_dma2 semaphore(%arg15 : memref<!tpu.dma_semaphore, #tpu.memory_space<semaphore_mem>>) src(%dma_wait3A_56 : memref<640xi32, #tpu.memory_space<hbm>>) dst(%dma_wait3A_55 : memref<640xi32, #tpu.memory_space<vmem>>)
    %dma_wait3A_57 = arith.constant 0 : i32
    %dma_wait3A_58 = tpu.memref_slice %arg10[%rem3A_47, %dma_wait3A_57] : memref<3x48xi32, #tpu.memory_space<vmem>> -> memref<1x32xi32, #tpu.memory_space<vmem>>
    %dma_wait3A_59 = tpu.memref_squeeze %dma_wait3A_58 : memref<1x32xi32, #tpu.memory_space<vmem>> -> memref<32xi32, #tpu.memory_space<vmem>>
    %dma_wait3A_60 = tpu.memref_slice %arg3[%add3A_44] : memref<51200xi32, #tpu.memory_space<hbm>> -> memref<32xi32, #tpu.memory_space<hbm>>
    %dma_wait3A_61 = arith.constant 0 : i32
    %dma_wait3A_62 = tpu.memref_slice %arg10[%rem3A_47, %dma_wait3A_61] : memref<3x48xi32, #tpu.memory_space<vmem>> -> memref<1x32xi32, #tpu.memory_space<vmem>>
    %dma_wait3A_63 = tpu.memref_squeeze %dma_wait3A_62 : memref<1x32xi32, #tpu.memory_space<vmem>> -> memref<32xi32, #tpu.memory_space<vmem>>
    %dma_wait3A_64 = tpu.memref_slice %arg3[%add3A_44] : memref<51200xi32, #tpu.memory_space<hbm>> -> memref<32xi32, #tpu.memory_space<hbm>>
    tpu.wait_dma2 semaphore(%arg15 : memref<!tpu.dma_semaphore, #tpu.memory_space<semaphore_mem>>) src(%dma_wait3A_64 : memref<32xi32, #tpu.memory_space<hbm>>) dst(%dma_wait3A_63 : memref<32xi32, #tpu.memory_space<vmem>>)
    %add3A_65 = arith.constant 32 : i32
    %add3A_66 = arith.addi %mul3A_2, %add3A_65 : i32
    %rem3A_67 = arith.constant 1 : i32
    %rem3A_68 = arith.constant 3 : i32
    %rem3A_69 = arith.remsi %rem3A_67, %rem3A_68 : i32
    %mul3A_70 = arith.constant 20 : i32
    %mul3A_71 = arith.muli %add3A_66, %mul3A_70 : i32
    %dma_start3A_72 = arith.constant 0 : i32
    %dma_start3A_73 = tpu.memref_slice %arg8[%rem3A_69, %dma_start3A_72] : memref<3x640xi32, #tpu.memory_space<vmem>> -> memref<1x640xi32, #tpu.memory_space<vmem>>
    %dma_start3A_74 = tpu.memref_squeeze %dma_start3A_73 : memref<1x640xi32, #tpu.memory_space<vmem>> -> memref<640xi32, #tpu.memory_space<vmem>>
    %dma_start3A_75 = tpu.memref_slice %arg2[%mul3A_71] : memref<1024000xi32, #tpu.memory_space<hbm>> -> memref<640xi32, #tpu.memory_space<hbm>>
    %dma_start3A_76 = arith.constant 0 : i32
    %dma_start3A_77 = tpu.memref_slice %arg8[%rem3A_69, %dma_start3A_76] : memref<3x640xi32, #tpu.memory_space<vmem>> -> memref<1x640xi32, #tpu.memory_space<vmem>>
    %dma_start3A_78 = tpu.memref_squeeze %dma_start3A_77 : memref<1x640xi32, #tpu.memory_space<vmem>> -> memref<640xi32, #tpu.memory_space<vmem>>
    %dma_start3A_79 = tpu.memref_slice %arg2[%mul3A_71] : memref<1024000xi32, #tpu.memory_space<hbm>> -> memref<640xi32, #tpu.memory_space<hbm>>
    tpu.enqueue_dma source(%dma_start3A_79 : memref<640xi32, #tpu.memory_space<hbm>>) target(%dma_start3A_78 : memref<640xi32, #tpu.memory_space<vmem>>) target_semaphore(%arg15 : memref<!tpu.dma_semaphore, #tpu.memory_space<semaphore_mem>>)
    %dma_start3A_80 = arith.constant 0 : i32
    %dma_start3A_81 = tpu.memref_slice %arg10[%rem3A_69, %dma_start3A_80] : memref<3x48xi32, #tpu.memory_space<vmem>> -> memref<1x32xi32, #tpu.memory_space<vmem>>
    %dma_start3A_82 = tpu.memref_squeeze %dma_start3A_81 : memref<1x32xi32, #tpu.memory_space<vmem>> -> memref<32xi32, #tpu.memory_space<vmem>>
    %dma_start3A_83 = tpu.memref_slice %arg3[%add3A_66] : memref<51200xi32, #tpu.memory_space<hbm>> -> memref<32xi32, #tpu.memory_space<hbm>>
    %dma_start3A_84 = arith.constant 0 : i32
    %dma_start3A_85 = tpu.memref_slice %arg10[%rem3A_69, %dma_start3A_84] : memref<3x48xi32, #tpu.memory_space<vmem>> -> memref<1x32xi32, #tpu.memory_space<vmem>>
    %dma_start3A_86 = tpu.memref_squeeze %dma_start3A_85 : memref<1x32xi32, #tpu.memory_space<vmem>> -> memref<32xi32, #tpu.memory_space<vmem>>
    %dma_start3A_87 = tpu.memref_slice %arg3[%add3A_66] : memref<51200xi32, #tpu.memory_space<hbm>> -> memref<32xi32, #tpu.memory_space<hbm>>
    tpu.enqueue_dma source(%dma_start3A_87 : memref<32xi32, #tpu.memory_space<hbm>>) target(%dma_start3A_86 : memref<32xi32, #tpu.memory_space<vmem>>) target_semaphore(%arg15 : memref<!tpu.dma_semaphore, #tpu.memory_space<semaphore_mem>>)
    %rem3A_88 = arith.constant 0 : i32
    %rem3A_89 = arith.constant 3 : i32
    %rem3A_90 = arith.remsi %rem3A_88, %rem3A_89 : i32
    %dma_start3A_91 = arith.constant 0 : i32
    %dma_start3A_92 = arith.constant 0 : i32
    %dma_start3A_93 = arith.constant 0 : i32
    %dma_start3A_94 = tpu.memref_slice %arg9[%dma_start3A_91, %dma_start3A_92, %dma_start3A_93] : memref<2x640x64xf32, #tpu.memory_space<vmem>> -> memref<1x128x64xf32, #tpu.memory_space<vmem>>
    %dma_start3A_95 = tpu.memref_squeeze %dma_start3A_94 : memref<1x128x64xf32, #tpu.memory_space<vmem>> -> memref<128x64xf32, #tpu.memory_space<vmem>>
    %dma_start3A_96 = arith.constant 0 : i32
    %dma_start3A_97 = tpu.memref_slice %arg8[%rem3A_90, %dma_start3A_96] : memref<3x640xi32, #tpu.memory_space<vmem>> -> memref<1x128xi32, #tpu.memory_space<vmem>>
    %dma_start3A_98 = tpu.memref_squeeze %dma_start3A_97 : memref<1x128xi32, #tpu.memory_space<vmem>> -> memref<128xi32, #tpu.memory_space<vmem>>
    %dma_start3A_99 = arith.constant 0 : i32
    %dma_start3A_100 = arith.constant 0 : i32
    %dma_start3A_101 = tpu.memref_slice %arg4[%dma_start3A_99, %dma_start3A_100] : memref<100001x64xf32, #tpu.memory_space<hbm>> -> memref<100001x64xf32, #tpu.memory_space<hbm>>
    tpu.enqueue_indirect_dma source(%dma_start3A_101 : memref<100001x64xf32, #tpu.memory_space<hbm>>) target(%dma_start3A_95 : memref<128x64xf32, #tpu.memory_space<vmem>>) offsets(%dma_start3A_98 : memref<128xi32, #tpu.memory_space<vmem>>) semaphore(%arg16 : memref<!tpu.dma_semaphore, #tpu.memory_space<semaphore_mem>>)
    %dma_start3A_102 = arith.constant 0 : i32
    %dma_start3A_103 = arith.constant 128 : i32
    %dma_start3A_104 = arith.constant 0 : i32
    %dma_start3A_105 = tpu.memref_slice %arg9[%dma_start3A_102, %dma_start3A_103, %dma_start3A_104] : memref<2x640x64xf32, #tpu.memory_space<vmem>> -> memref<1x128x64xf32, #tpu.memory_space<vmem>>
    %dma_start3A_106 = tpu.memref_squeeze %dma_start3A_105 : memref<1x128x64xf32, #tpu.memory_space<vmem>> -> memref<128x64xf32, #tpu.memory_space<vmem>>
    %dma_start3A_107 = arith.constant 128 : i32
    %dma_start3A_108 = tpu.memref_slice %arg8[%rem3A_90, %dma_start3A_107] : memref<3x640xi32, #tpu.memory_space<vmem>> -> memref<1x128xi32, #tpu.memory_space<vmem>>
    %dma_start3A_109 = tpu.memref_squeeze %dma_start3A_108 : memref<1x128xi32, #tpu.memory_space<vmem>> -> memref<128xi32, #tpu.memory_space<vmem>>
    %dma_start3A_110 = arith.constant 0 : i32
    %dma_start3A_111 = arith.constant 0 : i32
    %dma_start3A_112 = tpu.memref_slice %arg4[%dma_start3A_110, %dma_start3A_111] : memref<100001x64xf32, #tpu.memory_space<hbm>> -> memref<100001x64xf32, #tpu.memory_space<hbm>>
    tpu.enqueue_indirect_dma source(%dma_start3A_112 : memref<100001x64xf32, #tpu.memory_space<hbm>>) target(%dma_start3A_106 : memref<128x64xf32, #tpu.memory_space<vmem>>) offsets(%dma_start3A_109 : memref<128xi32, #tpu.memory_space<vmem>>) semaphore(%arg16 : memref<!tpu.dma_semaphore, #tpu.memory_space<semaphore_mem>>)
    %dma_start3A_113 = arith.constant 0 : i32
    %dma_start3A_114 = arith.constant 256 : i32
    %dma_start3A_115 = arith.constant 0 : i32
    %dma_start3A_116 = tpu.memref_slice %arg9[%dma_start3A_113, %dma_start3A_114, %dma_start3A_115] : memref<2x640x64xf32, #tpu.memory_space<vmem>> -> memref<1x128x64xf32, #tpu.memory_space<vmem>>
    %dma_start3A_117 = tpu.memref_squeeze %dma_start3A_116 : memref<1x128x64xf32, #tpu.memory_space<vmem>> -> memref<128x64xf32, #tpu.memory_space<vmem>>
    %dma_start3A_118 = arith.constant 256 : i32
    %dma_start3A_119 = tpu.memref_slice %arg8[%rem3A_90, %dma_start3A_118] : memref<3x640xi32, #tpu.memory_space<vmem>> -> memref<1x128xi32, #tpu.memory_space<vmem>>
    %dma_start3A_120 = tpu.memref_squeeze %dma_start3A_119 : memref<1x128xi32, #tpu.memory_space<vmem>> -> memref<128xi32, #tpu.memory_space<vmem>>
    %dma_start3A_121 = arith.constant 0 : i32
    %dma_start3A_122 = arith.constant 0 : i32
    %dma_start3A_123 = tpu.memref_slice %arg4[%dma_start3A_121, %dma_start3A_122] : memref<100001x64xf32, #tpu.memory_space<hbm>> -> memref<100001x64xf32, #tpu.memory_space<hbm>>
    tpu.enqueue_indirect_dma source(%dma_start3A_123 : memref<100001x64xf32, #tpu.memory_space<hbm>>) target(%dma_start3A_117 : memref<128x64xf32, #tpu.memory_space<vmem>>) offsets(%dma_start3A_120 : memref<128xi32, #tpu.memory_space<vmem>>) semaphore(%arg16 : memref<!tpu.dma_semaphore, #tpu.memory_space<semaphore_mem>>)
    %dma_start3A_124 = arith.constant 0 : i32
    %dma_start3A_125 = arith.constant 384 : i32
    %dma_start3A_126 = arith.constant 0 : i32
    %dma_start3A_127 = tpu.memref_slice %arg9[%dma_start3A_124, %dma_start3A_125, %dma_start3A_126] : memref<2x640x64xf32, #tpu.memory_space<vmem>> -> memref<1x128x64xf32, #tpu.memory_space<vmem>>
    %dma_start3A_128 = tpu.memref_squeeze %dma_start3A_127 : memref<1x128x64xf32, #tpu.memory_space<vmem>> -> memref<128x64xf32, #tpu.memory_space<vmem>>
    %dma_start3A_129 = arith.constant 384 : i32
    %dma_start3A_130 = tpu.memref_slice %arg8[%rem3A_90, %dma_start3A_129] : memref<3x640xi32, #tpu.memory_space<vmem>> -> memref<1x128xi32, #tpu.memory_space<vmem>>
    %dma_start3A_131 = tpu.memref_squeeze %dma_start3A_130 : memref<1x128xi32, #tpu.memory_space<vmem>> -> memref<128xi32, #tpu.memory_space<vmem>>
    %dma_start3A_132 = arith.constant 0 : i32
    %dma_start3A_133 = arith.constant 0 : i32
    %dma_start3A_134 = tpu.memref_slice %arg4[%dma_start3A_132, %dma_start3A_133] : memref<100001x64xf32, #tpu.memory_space<hbm>> -> memref<100001x64xf32, #tpu.memory_space<hbm>>
    tpu.enqueue_indirect_dma source(%dma_start3A_134 : memref<100001x64xf32, #tpu.memory_space<hbm>>) target(%dma_start3A_128 : memref<128x64xf32, #tpu.memory_space<vmem>>) offsets(%dma_start3A_131 : memref<128xi32, #tpu.memory_space<vmem>>) semaphore(%arg16 : memref<!tpu.dma_semaphore, #tpu.memory_space<semaphore_mem>>)
    %dma_start3A_135 = arith.constant 0 : i32
    %dma_start3A_136 = arith.constant 512 : i32
    %dma_start3A_137 = arith.constant 0 : i32
    %dma_start3A_138 = tpu.memref_slice %arg9[%dma_start3A_135, %dma_start3A_136, %dma_start3A_137] : memref<2x640x64xf32, #tpu.memory_space<vmem>> -> memref<1x128x64xf32, #tpu.memory_space<vmem>>
    %dma_start3A_139 = tpu.memref_squeeze %dma_start3A_138 : memref<1x128x64xf32, #tpu.memory_space<vmem>> -> memref<128x64xf32, #tpu.memory_space<vmem>>
    %dma_start3A_140 = arith.constant 512 : i32
    %dma_start3A_141 = tpu.memref_slice %arg8[%rem3A_90, %dma_start3A_140] : memref<3x640xi32, #tpu.memory_space<vmem>> -> memref<1x128xi32, #tpu.memory_space<vmem>>
    %dma_start3A_142 = tpu.memref_squeeze %dma_start3A_141 : memref<1x128xi32, #tpu.memory_space<vmem>> -> memref<128xi32, #tpu.memory_space<vmem>>
    %dma_start3A_143 = arith.constant 0 : i32
    %dma_start3A_144 = arith.constant 0 : i32
    %dma_start3A_145 = tpu.memref_slice %arg4[%dma_start3A_143, %dma_start3A_144] : memref<100001x64xf32, #tpu.memory_space<hbm>> -> memref<100001x64xf32, #tpu.memory_space<hbm>>
    tpu.enqueue_indirect_dma source(%dma_start3A_145 : memref<100001x64xf32, #tpu.memory_space<hbm>>) target(%dma_start3A_139 : memref<128x64xf32, #tpu.memory_space<vmem>>) offsets(%dma_start3A_142 : memref<128xi32, #tpu.memory_space<vmem>>) semaphore(%arg16 : memref<!tpu.dma_semaphore, #tpu.memory_space<semaphore_mem>>)
    %dma_start3A_146 = arith.constant 0 : i32
    %dma_start3A_147 = arith.constant 0 : i32
    %dma_start3A_148 = arith.constant 0 : i32
    %dma_start3A_149 = tpu.memref_slice %arg11[%dma_start3A_146, %dma_start3A_147, %dma_start3A_148] : memref<2x32x64xf32, #tpu.memory_space<vmem>> -> memref<1x32x64xf32, #tpu.memory_space<vmem>>
    %dma_start3A_150 = tpu.memref_squeeze %dma_start3A_149 : memref<1x32x64xf32, #tpu.memory_space<vmem>> -> memref<32x64xf32, #tpu.memory_space<vmem>>
    %dma_start3A_151 = arith.constant 0 : i32
    %dma_start3A_152 = tpu.memref_slice %arg10[%rem3A_90, %dma_start3A_151] : memref<3x48xi32, #tpu.memory_space<vmem>> -> memref<1x32xi32, #tpu.memory_space<vmem>>
    %dma_start3A_153 = tpu.memref_squeeze %dma_start3A_152 : memref<1x32xi32, #tpu.memory_space<vmem>> -> memref<32xi32, #tpu.memory_space<vmem>>
    %dma_start3A_154 = arith.constant 0 : i32
    %dma_start3A_155 = arith.constant 0 : i32
    %dma_start3A_156 = tpu.memref_slice %arg5[%dma_start3A_154, %dma_start3A_155] : memref<100001x64xf32, #tpu.memory_space<hbm>> -> memref<100001x64xf32, #tpu.memory_space<hbm>>
    tpu.enqueue_indirect_dma source(%dma_start3A_156 : memref<100001x64xf32, #tpu.memory_space<hbm>>) target(%dma_start3A_150 : memref<32x64xf32, #tpu.memory_space<vmem>>) offsets(%dma_start3A_153 : memref<32xi32, #tpu.memory_space<vmem>>) semaphore(%arg16 : memref<!tpu.dma_semaphore, #tpu.memory_space<semaphore_mem>>)
    %scan3A = arith.constant 0 : i32
    %scan3A_157 = arith.constant 0 : i32
    %scan3A_158 = arith.constant 25 : i32
    %scan3A_159 = arith.addi %scan3A_157, %scan3A_158 : i32
    %scan3A_160 = arith.constant 1 : i32
    scf.for %scan3A_259 = %scan3A_157 to %scan3A_159 step %scan3A_160  : i32 {
      %mul3A_260 = arith.constant 2 : i32
      %mul3A_261 = arith.muli %mul3A_260, %scan3A_259 : i32
      %add3A_262 = arith.constant 1 : i32
      %add3A_263 = arith.addi %mul3A_261, %add3A_262 : i32
      %lt3A = arith.constant 50 : i32
      %lt3A_264 = arith.cmpi slt, %add3A_263, %lt3A : i32
      %convert_element_type3A = arith.extui %lt3A_264 : i1 to i32
      %cond3A = arith.constant 0 : i32
      %cond3A_265 = arith.cmpi ne, %convert_element_type3A, %cond3A : i32
      scf.if %cond3A_265 {
        %add3A_558 = arith.constant 1 : i32
        %add3A_559 = arith.addi %mul3A_261, %add3A_558 : i32
        %mul3A_560 = arith.constant 32 : i32
        %mul3A_561 = arith.muli %add3A_559, %mul3A_560 : i32
        %add3A_562 = arith.addi %mul3A_2, %mul3A_561 : i32
        %rem3A_563 = arith.constant 3 : i32
        %rem3A_564 = arith.remsi %add3A_559, %rem3A_563 : i32
        %mul3A_565 = arith.constant 20 : i32
        %mul3A_566 = arith.muli %add3A_562, %mul3A_565 : i32
        %dma_wait3A_567 = arith.constant 0 : i32
        %dma_wait3A_568 = tpu.memref_slice %arg8[%rem3A_564, %dma_wait3A_567] : memref<3x640xi32, #tpu.memory_space<vmem>> -> memref<1x640xi32, #tpu.memory_space<vmem>>
        %dma_wait3A_569 = tpu.memref_squeeze %dma_wait3A_568 : memref<1x640xi32, #tpu.memory_space<vmem>> -> memref<640xi32, #tpu.memory_space<vmem>>
        %dma_wait3A_570 = tpu.memref_slice %arg2[%mul3A_566] : memref<1024000xi32, #tpu.memory_space<hbm>> -> memref<640xi32, #tpu.memory_space<hbm>>
        %dma_wait3A_571 = arith.constant 0 : i32
        %dma_wait3A_572 = tpu.memref_slice %arg8[%rem3A_564, %dma_wait3A_571] : memref<3x640xi32, #tpu.memory_space<vmem>> -> memref<1x640xi32, #tpu.memory_space<vmem>>
        %dma_wait3A_573 = tpu.memref_squeeze %dma_wait3A_572 : memref<1x640xi32, #tpu.memory_space<vmem>> -> memref<640xi32, #tpu.memory_space<vmem>>
        %dma_wait3A_574 = tpu.memref_slice %arg2[%mul3A_566] : memref<1024000xi32, #tpu.memory_space<hbm>> -> memref<640xi32, #tpu.memory_space<hbm>>
        tpu.wait_dma2 semaphore(%arg15 : memref<!tpu.dma_semaphore, #tpu.memory_space<semaphore_mem>>) src(%dma_wait3A_574 : memref<640xi32, #tpu.memory_space<hbm>>) dst(%dma_wait3A_573 : memref<640xi32, #tpu.memory_space<vmem>>)
        %dma_wait3A_575 = arith.constant 0 : i32
        %dma_wait3A_576 = tpu.memref_slice %arg10[%rem3A_564, %dma_wait3A_575] : memref<3x48xi32, #tpu.memory_space<vmem>> -> memref<1x32xi32, #tpu.memory_space<vmem>>
        %dma_wait3A_577 = tpu.memref_squeeze %dma_wait3A_576 : memref<1x32xi32, #tpu.memory_space<vmem>> -> memref<32xi32, #tpu.memory_space<vmem>>
        %dma_wait3A_578 = tpu.memref_slice %arg3[%add3A_562] : memref<51200xi32, #tpu.memory_space<hbm>> -> memref<32xi32, #tpu.memory_space<hbm>>
        %dma_wait3A_579 = arith.constant 0 : i32
        %dma_wait3A_580 = tpu.memref_slice %arg10[%rem3A_564, %dma_wait3A_579] : memref<3x48xi32, #tpu.memory_space<vmem>> -> memref<1x32xi32, #tpu.memory_space<vmem>>
        %dma_wait3A_581 = tpu.memref_squeeze %dma_wait3A_580 : memref<1x32xi32, #tpu.memory_space<vmem>> -> memref<32xi32, #tpu.memory_space<vmem>>
        %dma_wait3A_582 = tpu.memref_slice %arg3[%add3A_562] : memref<51200xi32, #tpu.memory_space<hbm>> -> memref<32xi32, #tpu.memory_space<hbm>>
        tpu.wait_dma2 semaphore(%arg15 : memref<!tpu.dma_semaphore, #tpu.memory_space<semaphore_mem>>) src(%dma_wait3A_582 : memref<32xi32, #tpu.memory_space<hbm>>) dst(%dma_wait3A_581 : memref<32xi32, #tpu.memory_space<vmem>>)
        %add3A_583 = arith.constant 1 : i32
        %add3A_584 = arith.addi %mul3A_261, %add3A_583 : i32
        %rem3A_585 = arith.constant 3 : i32
        %rem3A_586 = arith.remsi %add3A_584, %rem3A_585 : i32
        %dma_start3A_587 = arith.constant 1 : i32
        %dma_start3A_588 = arith.constant 0 : i32
        %dma_start3A_589 = arith.constant 0 : i32
        %dma_start3A_590 = tpu.memref_slice %arg9[%dma_start3A_587, %dma_start3A_588, %dma_start3A_589] : memref<2x640x64xf32, #tpu.memory_space<vmem>> -> memref<1x128x64xf32, #tpu.memory_space<vmem>>
        %dma_start3A_591 = tpu.memref_squeeze %dma_start3A_590 : memref<1x128x64xf32, #tpu.memory_space<vmem>> -> memref<128x64xf32, #tpu.memory_space<vmem>>
        %dma_start3A_592 = arith.constant 0 : i32
        %dma_start3A_593 = tpu.memref_slice %arg8[%rem3A_586, %dma_start3A_592] : memref<3x640xi32, #tpu.memory_space<vmem>> -> memref<1x128xi32, #tpu.memory_space<vmem>>
        %dma_start3A_594 = tpu.memref_squeeze %dma_start3A_593 : memref<1x128xi32, #tpu.memory_space<vmem>> -> memref<128xi32, #tpu.memory_space<vmem>>
        %dma_start3A_595 = arith.constant 0 : i32
        %dma_start3A_596 = arith.constant 0 : i32
        %dma_start3A_597 = tpu.memref_slice %arg4[%dma_start3A_595, %dma_start3A_596] : memref<100001x64xf32, #tpu.memory_space<hbm>> -> memref<100001x64xf32, #tpu.memory_space<hbm>>
        tpu.enqueue_indirect_dma source(%dma_start3A_597 : memref<100001x64xf32, #tpu.memory_space<hbm>>) target(%dma_start3A_591 : memref<128x64xf32, #tpu.memory_space<vmem>>) offsets(%dma_start3A_594 : memref<128xi32, #tpu.memory_space<vmem>>) semaphore(%arg17 : memref<!tpu.dma_semaphore, #tpu.memory_space<semaphore_mem>>)
        %dma_start3A_598 = arith.constant 1 : i32
        %dma_start3A_599 = arith.constant 128 : i32
        %dma_start3A_600 = arith.constant 0 : i32
        %dma_start3A_601 = tpu.memref_slice %arg9[%dma_start3A_598, %dma_start3A_599, %dma_start3A_600] : memref<2x640x64xf32, #tpu.memory_space<vmem>> -> memref<1x128x64xf32, #tpu.memory_space<vmem>>
        %dma_start3A_602 = tpu.memref_squeeze %dma_start3A_601 : memref<1x128x64xf32, #tpu.memory_space<vmem>> -> memref<128x64xf32, #tpu.memory_space<vmem>>
        %dma_start3A_603 = arith.constant 128 : i32
        %dma_start3A_604 = tpu.memref_slice %arg8[%rem3A_586, %dma_start3A_603] : memref<3x640xi32, #tpu.memory_space<vmem>> -> memref<1x128xi32, #tpu.memory_space<vmem>>
        %dma_start3A_605 = tpu.memref_squeeze %dma_start3A_604 : memref<1x128xi32, #tpu.memory_space<vmem>> -> memref<128xi32, #tpu.memory_space<vmem>>
        %dma_start3A_606 = arith.constant 0 : i32
        %dma_start3A_607 = arith.constant 0 : i32
        %dma_start3A_608 = tpu.memref_slice %arg4[%dma_start3A_606, %dma_start3A_607] : memref<100001x64xf32, #tpu.memory_space<hbm>> -> memref<100001x64xf32, #tpu.memory_space<hbm>>
        tpu.enqueue_indirect_dma source(%dma_start3A_608 : memref<100001x64xf32, #tpu.memory_space<hbm>>) target(%dma_start3A_602 : memref<128x64xf32, #tpu.memory_space<vmem>>) offsets(%dma_start3A_605 : memref<128xi32, #tpu.memory_space<vmem>>) semaphore(%arg17 : memref<!tpu.dma_semaphore, #tpu.memory_space<semaphore_mem>>)
        %dma_start3A_609 = arith.constant 1 : i32
        %dma_start3A_610 = arith.constant 256 : i32
        %dma_start3A_611 = arith.constant 0 : i32
        %dma_start3A_612 = tpu.memref_slice %arg9[%dma_start3A_609, %dma_start3A_610, %dma_start3A_611] : memref<2x640x64xf32, #tpu.memory_space<vmem>> -> memref<1x128x64xf32, #tpu.memory_space<vmem>>
        %dma_start3A_613 = tpu.memref_squeeze %dma_start3A_612 : memref<1x128x64xf32, #tpu.memory_space<vmem>> -> memref<128x64xf32, #tpu.memory_space<vmem>>
        %dma_start3A_614 = arith.constant 256 : i32
        %dma_start3A_615 = tpu.memref_slice %arg8[%rem3A_586, %dma_start3A_614] : memref<3x640xi32, #tpu.memory_space<vmem>> -> memref<1x128xi32, #tpu.memory_space<vmem>>
        %dma_start3A_616 = tpu.memref_squeeze %dma_start3A_615 : memref<1x128xi32, #tpu.memory_space<vmem>> -> memref<128xi32, #tpu.memory_space<vmem>>
        %dma_start3A_617 = arith.constant 0 : i32
        %dma_start3A_618 = arith.constant 0 : i32
        %dma_start3A_619 = tpu.memref_slice %arg4[%dma_start3A_617, %dma_start3A_618] : memref<100001x64xf32, #tpu.memory_space<hbm>> -> memref<100001x64xf32, #tpu.memory_space<hbm>>
        tpu.enqueue_indirect_dma source(%dma_start3A_619 : memref<100001x64xf32, #tpu.memory_space<hbm>>) target(%dma_start3A_613 : memref<128x64xf32, #tpu.memory_space<vmem>>) offsets(%dma_start3A_616 : memref<128xi32, #tpu.memory_space<vmem>>) semaphore(%arg17 : memref<!tpu.dma_semaphore, #tpu.memory_space<semaphore_mem>>)
        %dma_start3A_620 = arith.constant 1 : i32
        %dma_start3A_621 = arith.constant 384 : i32
        %dma_start3A_622 = arith.constant 0 : i32
        %dma_start3A_623 = tpu.memref_slice %arg9[%dma_start3A_620, %dma_start3A_621, %dma_start3A_622] : memref<2x640x64xf32, #tpu.memory_space<vmem>> -> memref<1x128x64xf32, #tpu.memory_space<vmem>>
        %dma_start3A_624 = tpu.memref_squeeze %dma_start3A_623 : memref<1x128x64xf32, #tpu.memory_space<vmem>> -> memref<128x64xf32, #tpu.memory_space<vmem>>
        %dma_start3A_625 = arith.constant 384 : i32
        %dma_start3A_626 = tpu.memref_slice %arg8[%rem3A_586, %dma_start3A_625] : memref<3x640xi32, #tpu.memory_space<vmem>> -> memref<1x128xi32, #tpu.memory_space<vmem>>
        %dma_start3A_627 = tpu.memref_squeeze %dma_start3A_626 : memref<1x128xi32, #tpu.memory_space<vmem>> -> memref<128xi32, #tpu.memory_space<vmem>>
        %dma_start3A_628 = arith.constant 0 : i32
        %dma_start3A_629 = arith.constant 0 : i32
        %dma_start3A_630 = tpu.memref_slice %arg4[%dma_start3A_628, %dma_start3A_629] : memref<100001x64xf32, #tpu.memory_space<hbm>> -> memref<100001x64xf32, #tpu.memory_space<hbm>>
        tpu.enqueue_indirect_dma source(%dma_start3A_630 : memref<100001x64xf32, #tpu.memory_space<hbm>>) target(%dma_start3A_624 : memref<128x64xf32, #tpu.memory_space<vmem>>) offsets(%dma_start3A_627 : memref<128xi32, #tpu.memory_space<vmem>>) semaphore(%arg17 : memref<!tpu.dma_semaphore, #tpu.memory_space<semaphore_mem>>)
        %dma_start3A_631 = arith.constant 1 : i32
        %dma_start3A_632 = arith.constant 512 : i32
        %dma_start3A_633 = arith.constant 0 : i32
        %dma_start3A_634 = tpu.memref_slice %arg9[%dma_start3A_631, %dma_start3A_632, %dma_start3A_633] : memref<2x640x64xf32, #tpu.memory_space<vmem>> -> memref<1x128x64xf32, #tpu.memory_space<vmem>>
        %dma_start3A_635 = tpu.memref_squeeze %dma_start3A_634 : memref<1x128x64xf32, #tpu.memory_space<vmem>> -> memref<128x64xf32, #tpu.memory_space<vmem>>
        %dma_start3A_636 = arith.constant 512 : i32
        %dma_start3A_637 = tpu.memref_slice %arg8[%rem3A_586, %dma_start3A_636] : memref<3x640xi32, #tpu.memory_space<vmem>> -> memref<1x128xi32, #tpu.memory_space<vmem>>
        %dma_start3A_638 = tpu.memref_squeeze %dma_start3A_637 : memref<1x128xi32, #tpu.memory_space<vmem>> -> memref<128xi32, #tpu.memory_space<vmem>>
        %dma_start3A_639 = arith.constant 0 : i32
        %dma_start3A_640 = arith.constant 0 : i32
        %dma_start3A_641 = tpu.memref_slice %arg4[%dma_start3A_639, %dma_start3A_640] : memref<100001x64xf32, #tpu.memory_space<hbm>> -> memref<100001x64xf32, #tpu.memory_space<hbm>>
        tpu.enqueue_indirect_dma source(%dma_start3A_641 : memref<100001x64xf32, #tpu.memory_space<hbm>>) target(%dma_start3A_635 : memref<128x64xf32, #tpu.memory_space<vmem>>) offsets(%dma_start3A_638 : memref<128xi32, #tpu.memory_space<vmem>>) semaphore(%arg17 : memref<!tpu.dma_semaphore, #tpu.memory_space<semaphore_mem>>)
        %dma_start3A_642 = arith.constant 1 : i32
        %dma_start3A_643 = arith.constant 0 : i32
        %dma_start3A_644 = arith.constant 0 : i32
        %dma_start3A_645 = tpu.memref_slice %arg11[%dma_start3A_642, %dma_start3A_643, %dma_start3A_644] : memref<2x32x64xf32, #tpu.memory_space<vmem>> -> memref<1x32x64xf32, #tpu.memory_space<vmem>>
        %dma_start3A_646 = tpu.memref_squeeze %dma_start3A_645 : memref<1x32x64xf32, #tpu.memory_space<vmem>> -> memref<32x64xf32, #tpu.memory_space<vmem>>
        %dma_start3A_647 = arith.constant 0 : i32
        %dma_start3A_648 = tpu.memref_slice %arg10[%rem3A_586, %dma_start3A_647] : memref<3x48xi32, #tpu.memory_space<vmem>> -> memref<1x32xi32, #tpu.memory_space<vmem>>
        %dma_start3A_649 = tpu.memref_squeeze %dma_start3A_648 : memref<1x32xi32, #tpu.memory_space<vmem>> -> memref<32xi32, #tpu.memory_space<vmem>>
        %dma_start3A_650 = arith.constant 0 : i32
        %dma_start3A_651 = arith.constant 0 : i32
        %dma_start3A_652 = tpu.memref_slice %arg5[%dma_start3A_650, %dma_start3A_651] : memref<100001x64xf32, #tpu.memory_space<hbm>> -> memref<100001x64xf32, #tpu.memory_space<hbm>>
        tpu.enqueue_indirect_dma source(%dma_start3A_652 : memref<100001x64xf32, #tpu.memory_space<hbm>>) target(%dma_start3A_646 : memref<32x64xf32, #tpu.memory_space<vmem>>) offsets(%dma_start3A_649 : memref<32xi32, #tpu.memory_space<vmem>>) semaphore(%arg17 : memref<!tpu.dma_semaphore, #tpu.memory_space<semaphore_mem>>)
      } else {
      }
      %rem3A_266 = arith.constant 3 : i32
      %rem3A_267 = arith.remsi %mul3A_261, %rem3A_266 : i32
      %dma_wait3A_268 = arith.constant 0 : i32
      %dma_wait3A_269 = arith.constant 0 : i32
      %dma_wait3A_270 = arith.constant 0 : i32
      %dma_wait3A_271 = tpu.memref_slice %arg9[%dma_wait3A_268, %dma_wait3A_269, %dma_wait3A_270] : memref<2x640x64xf32, #tpu.memory_space<vmem>> -> memref<1x128x64xf32, #tpu.memory_space<vmem>>
      %dma_wait3A_272 = tpu.memref_squeeze %dma_wait3A_271 : memref<1x128x64xf32, #tpu.memory_space<vmem>> -> memref<128x64xf32, #tpu.memory_space<vmem>>
      %dma_wait3A_273 = arith.constant 0 : i32
      %dma_wait3A_274 = tpu.memref_slice %arg8[%rem3A_267, %dma_wait3A_273] : memref<3x640xi32, #tpu.memory_space<vmem>> -> memref<1x128xi32, #tpu.memory_space<vmem>>
      %dma_wait3A_275 = tpu.memref_squeeze %dma_wait3A_274 : memref<1x128xi32, #tpu.memory_space<vmem>> -> memref<128xi32, #tpu.memory_space<vmem>>
      %dma_wait3A_276 = arith.constant 0 : i32
      %dma_wait3A_277 = arith.constant 0 : i32
      %dma_wait3A_278 = tpu.memref_slice %arg4[%dma_wait3A_276, %dma_wait3A_277] : memref<100001x64xf32, #tpu.memory_space<hbm>> -> memref<100001x64xf32, #tpu.memory_space<hbm>>
      tpu.wait_indirect_dma semaphore(%arg16 : memref<!tpu.dma_semaphore, #tpu.memory_space<semaphore_mem>>) src(%dma_wait3A_278 : memref<100001x64xf32, #tpu.memory_space<hbm>>) dst(%dma_wait3A_272 : memref<128x64xf32, #tpu.memory_space<vmem>>)
      %dma_wait3A_279 = arith.constant 0 : i32
      %dma_wait3A_280 = arith.constant 128 : i32
      %dma_wait3A_281 = arith.constant 0 : i32
      %dma_wait3A_282 = tpu.memref_slice %arg9[%dma_wait3A_279, %dma_wait3A_280, %dma_wait3A_281] : memref<2x640x64xf32, #tpu.memory_space<vmem>> -> memref<1x128x64xf32, #tpu.memory_space<vmem>>
      %dma_wait3A_283 = tpu.memref_squeeze %dma_wait3A_282 : memref<1x128x64xf32, #tpu.memory_space<vmem>> -> memref<128x64xf32, #tpu.memory_space<vmem>>
      %dma_wait3A_284 = arith.constant 128 : i32
      %dma_wait3A_285 = tpu.memref_slice %arg8[%rem3A_267, %dma_wait3A_284] : memref<3x640xi32, #tpu.memory_space<vmem>> -> memref<1x128xi32, #tpu.memory_space<vmem>>
      %dma_wait3A_286 = tpu.memref_squeeze %dma_wait3A_285 : memref<1x128xi32, #tpu.memory_space<vmem>> -> memref<128xi32, #tpu.memory_space<vmem>>
      %dma_wait3A_287 = arith.constant 0 : i32
      %dma_wait3A_288 = arith.constant 0 : i32
      %dma_wait3A_289 = tpu.memref_slice %arg4[%dma_wait3A_287, %dma_wait3A_288] : memref<100001x64xf32, #tpu.memory_space<hbm>> -> memref<100001x64xf32, #tpu.memory_space<hbm>>
      tpu.wait_indirect_dma semaphore(%arg16 : memref<!tpu.dma_semaphore, #tpu.memory_space<semaphore_mem>>) src(%dma_wait3A_289 : memref<100001x64xf32, #tpu.memory_space<hbm>>) dst(%dma_wait3A_283 : memref<128x64xf32, #tpu.memory_space<vmem>>)
      %dma_wait3A_290 = arith.constant 0 : i32
      %dma_wait3A_291 = arith.constant 256 : i32
      %dma_wait3A_292 = arith.constant 0 : i32
      %dma_wait3A_293 = tpu.memref_slice %arg9[%dma_wait3A_290, %dma_wait3A_291, %dma_wait3A_292] : memref<2x640x64xf32, #tpu.memory_space<vmem>> -> memref<1x128x64xf32, #tpu.memory_space<vmem>>
      %dma_wait3A_294 = tpu.memref_squeeze %dma_wait3A_293 : memref<1x128x64xf32, #tpu.memory_space<vmem>> -> memref<128x64xf32, #tpu.memory_space<vmem>>
      %dma_wait3A_295 = arith.constant 256 : i32
      %dma_wait3A_296 = tpu.memref_slice %arg8[%rem3A_267, %dma_wait3A_295] : memref<3x640xi32, #tpu.memory_space<vmem>> -> memref<1x128xi32, #tpu.memory_space<vmem>>
      %dma_wait3A_297 = tpu.memref_squeeze %dma_wait3A_296 : memref<1x128xi32, #tpu.memory_space<vmem>> -> memref<128xi32, #tpu.memory_space<vmem>>
      %dma_wait3A_298 = arith.constant 0 : i32
      %dma_wait3A_299 = arith.constant 0 : i32
      %dma_wait3A_300 = tpu.memref_slice %arg4[%dma_wait3A_298, %dma_wait3A_299] : memref<100001x64xf32, #tpu.memory_space<hbm>> -> memref<100001x64xf32, #tpu.memory_space<hbm>>
      tpu.wait_indirect_dma semaphore(%arg16 : memref<!tpu.dma_semaphore, #tpu.memory_space<semaphore_mem>>) src(%dma_wait3A_300 : memref<100001x64xf32, #tpu.memory_space<hbm>>) dst(%dma_wait3A_294 : memref<128x64xf32, #tpu.memory_space<vmem>>)
      %dma_wait3A_301 = arith.constant 0 : i32
      %dma_wait3A_302 = arith.constant 384 : i32
      %dma_wait3A_303 = arith.constant 0 : i32
      %dma_wait3A_304 = tpu.memref_slice %arg9[%dma_wait3A_301, %dma_wait3A_302, %dma_wait3A_303] : memref<2x640x64xf32, #tpu.memory_space<vmem>> -> memref<1x128x64xf32, #tpu.memory_space<vmem>>
      %dma_wait3A_305 = tpu.memref_squeeze %dma_wait3A_304 : memref<1x128x64xf32, #tpu.memory_space<vmem>> -> memref<128x64xf32, #tpu.memory_space<vmem>>
      %dma_wait3A_306 = arith.constant 384 : i32
      %dma_wait3A_307 = tpu.memref_slice %arg8[%rem3A_267, %dma_wait3A_306] : memref<3x640xi32, #tpu.memory_space<vmem>> -> memref<1x128xi32, #tpu.memory_space<vmem>>
      %dma_wait3A_308 = tpu.memref_squeeze %dma_wait3A_307 : memref<1x128xi32, #tpu.memory_space<vmem>> -> memref<128xi32, #tpu.memory_space<vmem>>
      %dma_wait3A_309 = arith.constant 0 : i32
      %dma_wait3A_310 = arith.constant 0 : i32
      %dma_wait3A_311 = tpu.memref_slice %arg4[%dma_wait3A_309, %dma_wait3A_310] : memref<100001x64xf32, #tpu.memory_space<hbm>> -> memref<100001x64xf32, #tpu.memory_space<hbm>>
      tpu.wait_indirect_dma semaphore(%arg16 : memref<!tpu.dma_semaphore, #tpu.memory_space<semaphore_mem>>) src(%dma_wait3A_311 : memref<100001x64xf32, #tpu.memory_space<hbm>>) dst(%dma_wait3A_305 : memref<128x64xf32, #tpu.memory_space<vmem>>)
      %dma_wait3A_312 = arith.constant 0 : i32
      %dma_wait3A_313 = arith.constant 512 : i32
      %dma_wait3A_314 = arith.constant 0 : i32
      %dma_wait3A_315 = tpu.memref_slice %arg9[%dma_wait3A_312, %dma_wait3A_313, %dma_wait3A_314] : memref<2x640x64xf32, #tpu.memory_space<vmem>> -> memref<1x128x64xf32, #tpu.memory_space<vmem>>
      %dma_wait3A_316 = tpu.memref_squeeze %dma_wait3A_315 : memref<1x128x64xf32, #tpu.memory_space<vmem>> -> memref<128x64xf32, #tpu.memory_space<vmem>>
      %dma_wait3A_317 = arith.constant 512 : i32
      %dma_wait3A_318 = tpu.memref_slice %arg8[%rem3A_267, %dma_wait3A_317] : memref<3x640xi32, #tpu.memory_space<vmem>> -> memref<1x128xi32, #tpu.memory_space<vmem>>
      %dma_wait3A_319 = tpu.memref_squeeze %dma_wait3A_318 : memref<1x128xi32, #tpu.memory_space<vmem>> -> memref<128xi32, #tpu.memory_space<vmem>>
      %dma_wait3A_320 = arith.constant 0 : i32
      %dma_wait3A_321 = arith.constant 0 : i32
      %dma_wait3A_322 = tpu.memref_slice %arg4[%dma_wait3A_320, %dma_wait3A_321] : memref<100001x64xf32, #tpu.memory_space<hbm>> -> memref<100001x64xf32, #tpu.memory_space<hbm>>
      tpu.wait_indirect_dma semaphore(%arg16 : memref<!tpu.dma_semaphore, #tpu.memory_space<semaphore_mem>>) src(%dma_wait3A_322 : memref<100001x64xf32, #tpu.memory_space<hbm>>) dst(%dma_wait3A_316 : memref<128x64xf32, #tpu.memory_space<vmem>>)
      %dma_wait3A_323 = arith.constant 0 : i32
      %dma_wait3A_324 = arith.constant 0 : i32
      %dma_wait3A_325 = arith.constant 0 : i32
      %dma_wait3A_326 = tpu.memref_slice %arg11[%dma_wait3A_323, %dma_wait3A_324, %dma_wait3A_325] : memref<2x32x64xf32, #tpu.memory_space<vmem>> -> memref<1x32x64xf32, #tpu.memory_space<vmem>>
      %dma_wait3A_327 = tpu.memref_squeeze %dma_wait3A_326 : memref<1x32x64xf32, #tpu.memory_space<vmem>> -> memref<32x64xf32, #tpu.memory_space<vmem>>
      %dma_wait3A_328 = arith.constant 0 : i32
      %dma_wait3A_329 = tpu.memref_slice %arg10[%rem3A_267, %dma_wait3A_328] : memref<3x48xi32, #tpu.memory_space<vmem>> -> memref<1x32xi32, #tpu.memory_space<vmem>>
      %dma_wait3A_330 = tpu.memref_squeeze %dma_wait3A_329 : memref<1x32xi32, #tpu.memory_space<vmem>> -> memref<32xi32, #tpu.memory_space<vmem>>
      %dma_wait3A_331 = arith.constant 0 : i32
      %dma_wait3A_332 = arith.constant 0 : i32
      %dma_wait3A_333 = tpu.memref_slice %arg5[%dma_wait3A_331, %dma_wait3A_332] : memref<100001x64xf32, #tpu.memory_space<hbm>> -> memref<100001x64xf32, #tpu.memory_space<hbm>>
      tpu.wait_indirect_dma semaphore(%arg16 : memref<!tpu.dma_semaphore, #tpu.memory_space<semaphore_mem>>) src(%dma_wait3A_333 : memref<100001x64xf32, #tpu.memory_space<hbm>>) dst(%dma_wait3A_327 : memref<32x64xf32, #tpu.memory_space<vmem>>)
      %add3A_334 = arith.constant 2 : i32
      %add3A_335 = arith.addi %mul3A_261, %add3A_334 : i32
      %lt3A_336 = arith.constant 50 : i32
      %lt3A_337 = arith.cmpi slt, %add3A_335, %lt3A_336 : i32
      %convert_element_type3A_338 = arith.extui %lt3A_337 : i1 to i32
      %cond3A_339 = arith.constant 0 : i32
      %cond3A_340 = arith.cmpi ne, %convert_element_type3A_338, %cond3A_339 : i32
      scf.if %cond3A_340 {
        %add3A_558 = arith.constant 2 : i32
        %add3A_559 = arith.addi %mul3A_261, %add3A_558 : i32
        %mul3A_560 = arith.constant 32 : i32
        %mul3A_561 = arith.muli %add3A_559, %mul3A_560 : i32
        %add3A_562 = arith.addi %mul3A_2, %mul3A_561 : i32
        %rem3A_563 = arith.constant 3 : i32
        %rem3A_564 = arith.remsi %add3A_559, %rem3A_563 : i32
        %mul3A_565 = arith.constant 20 : i32
        %mul3A_566 = arith.muli %add3A_562, %mul3A_565 : i32
        %dma_start3A_567 = arith.constant 0 : i32
        %dma_start3A_568 = tpu.memref_slice %arg8[%rem3A_564, %dma_start3A_567] : memref<3x640xi32, #tpu.memory_space<vmem>> -> memref<1x640xi32, #tpu.memory_space<vmem>>
        %dma_start3A_569 = tpu.memref_squeeze %dma_start3A_568 : memref<1x640xi32, #tpu.memory_space<vmem>> -> memref<640xi32, #tpu.memory_space<vmem>>
        %dma_start3A_570 = tpu.memref_slice %arg2[%mul3A_566] : memref<1024000xi32, #tpu.memory_space<hbm>> -> memref<640xi32, #tpu.memory_space<hbm>>
        %dma_start3A_571 = arith.constant 0 : i32
        %dma_start3A_572 = tpu.memref_slice %arg8[%rem3A_564, %dma_start3A_571] : memref<3x640xi32, #tpu.memory_space<vmem>> -> memref<1x640xi32, #tpu.memory_space<vmem>>
        %dma_start3A_573 = tpu.memref_squeeze %dma_start3A_572 : memref<1x640xi32, #tpu.memory_space<vmem>> -> memref<640xi32, #tpu.memory_space<vmem>>
        %dma_start3A_574 = tpu.memref_slice %arg2[%mul3A_566] : memref<1024000xi32, #tpu.memory_space<hbm>> -> memref<640xi32, #tpu.memory_space<hbm>>
        tpu.enqueue_dma source(%dma_start3A_574 : memref<640xi32, #tpu.memory_space<hbm>>) target(%dma_start3A_573 : memref<640xi32, #tpu.memory_space<vmem>>) target_semaphore(%arg15 : memref<!tpu.dma_semaphore, #tpu.memory_space<semaphore_mem>>)
        %dma_start3A_575 = arith.constant 0 : i32
        %dma_start3A_576 = tpu.memref_slice %arg10[%rem3A_564, %dma_start3A_575] : memref<3x48xi32, #tpu.memory_space<vmem>> -> memref<1x32xi32, #tpu.memory_space<vmem>>
        %dma_start3A_577 = tpu.memref_squeeze %dma_start3A_576 : memref<1x32xi32, #tpu.memory_space<vmem>> -> memref<32xi32, #tpu.memory_space<vmem>>
        %dma_start3A_578 = tpu.memref_slice %arg3[%add3A_562] : memref<51200xi32, #tpu.memory_space<hbm>> -> memref<32xi32, #tpu.memory_space<hbm>>
        %dma_start3A_579 = arith.constant 0 : i32
        %dma_start3A_580 = tpu.memref_slice %arg10[%rem3A_564, %dma_start3A_579] : memref<3x48xi32, #tpu.memory_space<vmem>> -> memref<1x32xi32, #tpu.memory_space<vmem>>
        %dma_start3A_581 = tpu.memref_squeeze %dma_start3A_580 : memref<1x32xi32, #tpu.memory_space<vmem>> -> memref<32xi32, #tpu.memory_space<vmem>>
        %dma_start3A_582 = tpu.memref_slice %arg3[%add3A_562] : memref<51200xi32, #tpu.memory_space<hbm>> -> memref<32xi32, #tpu.memory_space<hbm>>
        tpu.enqueue_dma source(%dma_start3A_582 : memref<32xi32, #tpu.memory_space<hbm>>) target(%dma_start3A_581 : memref<32xi32, #tpu.memory_space<vmem>>) target_semaphore(%arg15 : memref<!tpu.dma_semaphore, #tpu.memory_space<semaphore_mem>>)
      } else {
      }
      %ge3A = arith.constant 2 : i32
      %ge3A_341 = arith.cmpi sge, %mul3A_261, %ge3A : i32
      %convert_element_type3A_342 = arith.extui %ge3A_341 : i1 to i32
      %cond3A_343 = arith.constant 0 : i32
      %cond3A_344 = arith.cmpi ne, %convert_element_type3A_342, %cond3A_343 : i32
      scf.if %cond3A_344 {
        %sub3A_558 = arith.constant 2 : i32
        %sub3A_559 = arith.subi %mul3A_261, %sub3A_558 : i32
        %mul3A_560 = arith.constant 32 : i32
        %mul3A_561 = arith.muli %sub3A_559, %mul3A_560 : i32
        %add3A_562 = arith.addi %mul3A_2, %mul3A_561 : i32
        %jit3A_563 = arith.constant 2 : i32
        %div3A_564 = arith.divsi %add3A_562, %jit3A_563 : i32
        %sign3A_565 = arith.constant 0 : i32
        %sign3A_566 = arith.cmpi sgt, %add3A_562, %sign3A_565 : i32
        %sign3A_567 = arith.extui %sign3A_566 : i1 to i32
        %sign3A_568 = arith.constant 0 : i32
        %sign3A_569 = arith.cmpi slt, %add3A_562, %sign3A_568 : i32
        %sign3A_570 = arith.extui %sign3A_569 : i1 to i32
        %sign3A_571 = arith.subi %sign3A_567, %sign3A_570 : i32
        %sign3A_572 = arith.constant 0 : i32
        %sign3A_573 = arith.cmpi sgt, %jit3A_563, %sign3A_572 : i32
        %sign3A_574 = arith.extui %sign3A_573 : i1 to i32
        %sign3A_575 = arith.constant 0 : i32
        %sign3A_576 = arith.cmpi slt, %jit3A_563, %sign3A_575 : i32
        %sign3A_577 = arith.extui %sign3A_576 : i1 to i32
        %sign3A_578 = arith.subi %sign3A_574, %sign3A_577 : i32
        %ne3A_579 = arith.cmpi ne, %sign3A_571, %sign3A_578 : i32
        %rem3A_580 = arith.remsi %add3A_562, %jit3A_563 : i32
        %ne3A_581 = arith.constant 0 : i32
        %ne3A_582 = arith.cmpi ne, %rem3A_580, %ne3A_581 : i32
        %and3A_583 = arith.andi %ne3A_579, %ne3A_582 : i1
        %sub3A_584 = arith.constant 1 : i32
        %sub3A_585 = arith.subi %div3A_564, %sub3A_584 : i32
        %select_n3A_586 = arith.select %and3A_583, %sub3A_585, %div3A_564 : i32
        %dma_wait3A_587 = arith.constant 0 : i32
        %dma_wait3A_588 = arith.constant 0 : i32
        %dma_wait3A_589 = arith.constant 0 : i32
        %dma_wait3A_590 = tpu.memref_slice %arg12[%dma_wait3A_587, %dma_wait3A_588, %dma_wait3A_589] : memref<2x32x128xf32, #tpu.memory_space<vmem>> -> memref<1x32x128xf32, #tpu.memory_space<vmem>>
        %dma_wait3A_591 = tpu.memref_squeeze %dma_wait3A_590 : memref<1x32x128xf32, #tpu.memory_space<vmem>> -> memref<32x128xf32, #tpu.memory_space<vmem>>
        %dma_wait3A_592 = arith.constant 0 : i32
        %dma_wait3A_593 = tpu.memref_slice %arg6[%add3A_562, %dma_wait3A_592] : memref<51200x128xf32, #tpu.memory_space<hbm>> -> memref<32x128xf32, #tpu.memory_space<hbm>>
        %dma_wait3A_594 = arith.constant 0 : i32
        %dma_wait3A_595 = tpu.memref_slice %arg6[%add3A_562, %dma_wait3A_594] : memref<51200x128xf32, #tpu.memory_space<hbm>> -> memref<32x128xf32, #tpu.memory_space<hbm>>
        %dma_wait3A_596 = arith.constant 0 : i32
        %dma_wait3A_597 = arith.constant 0 : i32
        %dma_wait3A_598 = tpu.memref_slice %arg12[%dma_wait3A_587, %dma_wait3A_596, %dma_wait3A_597] : memref<2x32x128xf32, #tpu.memory_space<vmem>> -> memref<1x32x128xf32, #tpu.memory_space<vmem>>
        %dma_wait3A_599 = tpu.memref_squeeze %dma_wait3A_598 : memref<1x32x128xf32, #tpu.memory_space<vmem>> -> memref<32x128xf32, #tpu.memory_space<vmem>>
        tpu.wait_dma2 semaphore(%arg18 : memref<!tpu.dma_semaphore, #tpu.memory_space<semaphore_mem>>) src(%dma_wait3A_599 : memref<32x128xf32, #tpu.memory_space<vmem>>) dst(%dma_wait3A_595 : memref<32x128xf32, #tpu.memory_space<hbm>>)
        %dma_wait3A_600 = arith.constant 0 : i32
        %dma_wait3A_601 = arith.constant 0 : i32
        %dma_wait3A_602 = arith.constant 0 : i32
        %dma_wait3A_603 = tpu.memref_slice %arg13[%dma_wait3A_600, %dma_wait3A_601, %dma_wait3A_602] : memref<2x16x128xf32, #tpu.memory_space<vmem>> -> memref<1x16x128xf32, #tpu.memory_space<vmem>>
        %dma_wait3A_604 = tpu.memref_squeeze %dma_wait3A_603 : memref<1x16x128xf32, #tpu.memory_space<vmem>> -> memref<16x128xf32, #tpu.memory_space<vmem>>
        %dma_wait3A_605 = arith.constant 0 : i32
        %dma_wait3A_606 = tpu.memref_slice %arg7[%select_n3A_586, %dma_wait3A_605] : memref<25600x128xf32, #tpu.memory_space<hbm>> -> memref<16x128xf32, #tpu.memory_space<hbm>>
        %dma_wait3A_607 = arith.constant 0 : i32
        %dma_wait3A_608 = tpu.memref_slice %arg7[%select_n3A_586, %dma_wait3A_607] : memref<25600x128xf32, #tpu.memory_space<hbm>> -> memref<16x128xf32, #tpu.memory_space<hbm>>
        %dma_wait3A_609 = arith.constant 0 : i32
        %dma_wait3A_610 = arith.constant 0 : i32
        %dma_wait3A_611 = tpu.memref_slice %arg13[%dma_wait3A_600, %dma_wait3A_609, %dma_wait3A_610] : memref<2x16x128xf32, #tpu.memory_space<vmem>> -> memref<1x16x128xf32, #tpu.memory_space<vmem>>
        %dma_wait3A_612 = tpu.memref_squeeze %dma_wait3A_611 : memref<1x16x128xf32, #tpu.memory_space<vmem>> -> memref<16x128xf32, #tpu.memory_space<vmem>>
        tpu.wait_dma2 semaphore(%arg18 : memref<!tpu.dma_semaphore, #tpu.memory_space<semaphore_mem>>) src(%dma_wait3A_612 : memref<16x128xf32, #tpu.memory_space<vmem>>) dst(%dma_wait3A_608 : memref<16x128xf32, #tpu.memory_space<hbm>>)
      } else {
      }
      %rem3A_345 = arith.constant 3 : i32
      %rem3A_346 = arith.remsi %mul3A_261, %rem3A_345 : i32
      %scan3A_347 = arith.constant 0 : i32
      %scan3A_348 = arith.constant 0 : i32
      %scan3A_349 = arith.constant 32 : i32
      %scan3A_350 = arith.addi %scan3A_348, %scan3A_349 : i32
      %scan3A_351 = arith.constant 1 : i32
      scf.for %scan3A_558 = %scan3A_348 to %scan3A_350 step %scan3A_351  : i32 {
        %mul3A_559 = arith.constant 20 : i32
        %mul3A_560 = arith.muli %scan3A_558, %mul3A_559 : i32
        %get3A_561 = arith.index_cast %rem3A_346 : i32 to index
        %get3A_562 = arith.index_cast %mul3A_560 : i32 to index
        %get3A_563 = tpu.vector_load %arg8[%get3A_561, %get3A_562] {strides = array<i32>} : memref<3x640xi32, #tpu.memory_space<vmem>>, vector<1x16xi32>,
        %get3A_564 = vector.shape_cast %get3A_563 : vector<1x16xi32> to vector<16xi32>
        %add3A_565 = arith.constant 4 : i32
        %add3A_566 = arith.addi %mul3A_560, %add3A_565 : i32
        %get3A_567 = arith.index_cast %rem3A_346 : i32 to index
        %get3A_568 = arith.index_cast %add3A_566 : i32 to index
        %get3A_569 = tpu.vector_load %arg8[%get3A_567, %get3A_568] {strides = array<i32>} : memref<3x640xi32, #tpu.memory_space<vmem>>, vector<1x16xi32>,
        %get3A_570 = vector.shape_cast %get3A_569 : vector<1x16xi32> to vector<16xi32>
        %slice3A = vector.extract_strided_slice %get3A_564 {offsets = [0], sizes = [1], strides = [1]} : vector<16xi32> to vector<1xi32>
        %squeeze3A = vector.extract %slice3A[0] : i32 from vector<1xi32>
        %eq3A = arith.constant 0 : i32
        %eq3A_571 = arith.cmpi eq, %squeeze3A, %eq3A : i32
        %convert_element_type3A_572 = arith.extui %eq3A_571 : i1 to i32
        %slice3A_573 = vector.extract_strided_slice %get3A_564 {offsets = [1], sizes = [1], strides = [1]} : vector<16xi32> to vector<1xi32>
        %squeeze3A_574 = vector.extract %slice3A_573[0] : i32 from vector<1xi32>
        %eq3A_575 = arith.constant 0 : i32
        %eq3A_576 = arith.cmpi eq, %squeeze3A_574, %eq3A_575 : i32
        %convert_element_type3A_577 = arith.extui %eq3A_576 : i1 to i32
        %add3A_578 = arith.addi %convert_element_type3A_572, %convert_element_type3A_577 : i32
        %slice3A_579 = vector.extract_strided_slice %get3A_564 {offsets = [2], sizes = [1], strides = [1]} : vector<16xi32> to vector<1xi32>
        %squeeze3A_580 = vector.extract %slice3A_579[0] : i32 from vector<1xi32>
        %eq3A_581 = arith.constant 0 : i32
        %eq3A_582 = arith.cmpi eq, %squeeze3A_580, %eq3A_581 : i32
        %convert_element_type3A_583 = arith.extui %eq3A_582 : i1 to i32
        %add3A_584 = arith.addi %add3A_578, %convert_element_type3A_583 : i32
        %slice3A_585 = vector.extract_strided_slice %get3A_564 {offsets = [3], sizes = [1], strides = [1]} : vector<16xi32> to vector<1xi32>
        %squeeze3A_586 = vector.extract %slice3A_585[0] : i32 from vector<1xi32>
        %eq3A_587 = arith.constant 0 : i32
        %eq3A_588 = arith.cmpi eq, %squeeze3A_586, %eq3A_587 : i32
        %convert_element_type3A_589 = arith.extui %eq3A_588 : i1 to i32
        %add3A_590 = arith.addi %add3A_584, %convert_element_type3A_589 : i32
        %slice3A_591 = vector.extract_strided_slice %get3A_564 {offsets = [4], sizes = [1], strides = [1]} : vector<16xi32> to vector<1xi32>
        %squeeze3A_592 = vector.extract %slice3A_591[0] : i32 from vector<1xi32>
        %eq3A_593 = arith.constant 0 : i32
        %eq3A_594 = arith.cmpi eq, %squeeze3A_592, %eq3A_593 : i32
        %convert_element_type3A_595 = arith.extui %eq3A_594 : i1 to i32
        %add3A_596 = arith.addi %add3A_590, %convert_element_type3A_595 : i32
        %slice3A_597 = vector.extract_strided_slice %get3A_564 {offsets = [5], sizes = [1], strides = [1]} : vector<16xi32> to vector<1xi32>
        %squeeze3A_598 = vector.extract %slice3A_597[0] : i32 from vector<1xi32>
        %eq3A_599 = arith.constant 0 : i32
        %eq3A_600 = arith.cmpi eq, %squeeze3A_598, %eq3A_599 : i32
        %convert_element_type3A_601 = arith.extui %eq3A_600 : i1 to i32
        %add3A_602 = arith.addi %add3A_596, %convert_element_type3A_601 : i32
        %slice3A_603 = vector.extract_strided_slice %get3A_564 {offsets = [6], sizes = [1], strides = [1]} : vector<16xi32> to vector<1xi32>
        %squeeze3A_604 = vector.extract %slice3A_603[0] : i32 from vector<1xi32>
        %eq3A_605 = arith.constant 0 : i32
        %eq3A_606 = arith.cmpi eq, %squeeze3A_604, %eq3A_605 : i32
        %convert_element_type3A_607 = arith.extui %eq3A_606 : i1 to i32
        %add3A_608 = arith.addi %add3A_602, %convert_element_type3A_607 : i32
        %slice3A_609 = vector.extract_strided_slice %get3A_564 {offsets = [7], sizes = [1], strides = [1]} : vector<16xi32> to vector<1xi32>
        %squeeze3A_610 = vector.extract %slice3A_609[0] : i32 from vector<1xi32>
        %eq3A_611 = arith.constant 0 : i32
        %eq3A_612 = arith.cmpi eq, %squeeze3A_610, %eq3A_611 : i32
        %convert_element_type3A_613 = arith.extui %eq3A_612 : i1 to i32
        %add3A_614 = arith.addi %add3A_608, %convert_element_type3A_613 : i32
        %slice3A_615 = vector.extract_strided_slice %get3A_564 {offsets = [8], sizes = [1], strides = [1]} : vector<16xi32> to vector<1xi32>
        %squeeze3A_616 = vector.extract %slice3A_615[0] : i32 from vector<1xi32>
        %eq3A_617 = arith.constant 0 : i32
        %eq3A_618 = arith.cmpi eq, %squeeze3A_616, %eq3A_617 : i32
        %convert_element_type3A_619 = arith.extui %eq3A_618 : i1 to i32
        %add3A_620 = arith.addi %add3A_614, %convert_element_type3A_619 : i32
        %slice3A_621 = vector.extract_strided_slice %get3A_564 {offsets = [9], sizes = [1], strides = [1]} : vector<16xi32> to vector<1xi32>
        %squeeze3A_622 = vector.extract %slice3A_621[0] : i32 from vector<1xi32>
        %eq3A_623 = arith.constant 0 : i32
        %eq3A_624 = arith.cmpi eq, %squeeze3A_622, %eq3A_623 : i32
        %convert_element_type3A_625 = arith.extui %eq3A_624 : i1 to i32
        %add3A_626 = arith.addi %add3A_620, %convert_element_type3A_625 : i32
        %slice3A_627 = vector.extract_strided_slice %get3A_564 {offsets = [10], sizes = [1], strides = [1]} : vector<16xi32> to vector<1xi32>
        %squeeze3A_628 = vector.extract %slice3A_627[0] : i32 from vector<1xi32>
        %eq3A_629 = arith.constant 0 : i32
        %eq3A_630 = arith.cmpi eq, %squeeze3A_628, %eq3A_629 : i32
        %convert_element_type3A_631 = arith.extui %eq3A_630 : i1 to i32
        %add3A_632 = arith.addi %add3A_626, %convert_element_type3A_631 : i32
        %slice3A_633 = vector.extract_strided_slice %get3A_564 {offsets = [11], sizes = [1], strides = [1]} : vector<16xi32> to vector<1xi32>
        %squeeze3A_634 = vector.extract %slice3A_633[0] : i32 from vector<1xi32>
        %eq3A_635 = arith.constant 0 : i32
        %eq3A_636 = arith.cmpi eq, %squeeze3A_634, %eq3A_635 : i32
        %convert_element_type3A_637 = arith.extui %eq3A_636 : i1 to i32
        %add3A_638 = arith.addi %add3A_632, %convert_element_type3A_637 : i32
        %slice3A_639 = vector.extract_strided_slice %get3A_564 {offsets = [12], sizes = [1], strides = [1]} : vector<16xi32> to vector<1xi32>
        %squeeze3A_640 = vector.extract %slice3A_639[0] : i32 from vector<1xi32>
        %eq3A_641 = arith.constant 0 : i32
        %eq3A_642 = arith.cmpi eq, %squeeze3A_640, %eq3A_641 : i32
        %convert_element_type3A_643 = arith.extui %eq3A_642 : i1 to i32
        %add3A_644 = arith.addi %add3A_638, %convert_element_type3A_643 : i32
        %slice3A_645 = vector.extract_strided_slice %get3A_564 {offsets = [13], sizes = [1], strides = [1]} : vector<16xi32> to vector<1xi32>
        %squeeze3A_646 = vector.extract %slice3A_645[0] : i32 from vector<1xi32>
        %eq3A_647 = arith.constant 0 : i32
        %eq3A_648 = arith.cmpi eq, %squeeze3A_646, %eq3A_647 : i32
        %convert_element_type3A_649 = arith.extui %eq3A_648 : i1 to i32
        %add3A_650 = arith.addi %add3A_644, %convert_element_type3A_649 : i32
        %slice3A_651 = vector.extract_strided_slice %get3A_564 {offsets = [14], sizes = [1], strides = [1]} : vector<16xi32> to vector<1xi32>
        %squeeze3A_652 = vector.extract %slice3A_651[0] : i32 from vector<1xi32>
        %eq3A_653 = arith.constant 0 : i32
        %eq3A_654 = arith.cmpi eq, %squeeze3A_652, %eq3A_653 : i32
        %convert_element_type3A_655 = arith.extui %eq3A_654 : i1 to i32
        %add3A_656 = arith.addi %add3A_650, %convert_element_type3A_655 : i32
        %slice3A_657 = vector.extract_strided_slice %get3A_564 {offsets = [15], sizes = [1], strides = [1]} : vector<16xi32> to vector<1xi32>
        %squeeze3A_658 = vector.extract %slice3A_657[0] : i32 from vector<1xi32>
        %eq3A_659 = arith.constant 0 : i32
        %eq3A_660 = arith.cmpi eq, %squeeze3A_658, %eq3A_659 : i32
        %convert_element_type3A_661 = arith.extui %eq3A_660 : i1 to i32
        %add3A_662 = arith.addi %add3A_656, %convert_element_type3A_661 : i32
        %slice3A_663 = vector.extract_strided_slice %get3A_570 {offsets = [12], sizes = [1], strides = [1]} : vector<16xi32> to vector<1xi32>
        %squeeze3A_664 = vector.extract %slice3A_663[0] : i32 from vector<1xi32>
        %eq3A_665 = arith.constant 0 : i32
        %eq3A_666 = arith.cmpi eq, %squeeze3A_664, %eq3A_665 : i32
        %convert_element_type3A_667 = arith.extui %eq3A_666 : i1 to i32
        %add3A_668 = arith.addi %add3A_662, %convert_element_type3A_667 : i32
        %slice3A_669 = vector.extract_strided_slice %get3A_570 {offsets = [13], sizes = [1], strides = [1]} : vector<16xi32> to vector<1xi32>
        %squeeze3A_670 = vector.extract %slice3A_669[0] : i32 from vector<1xi32>
        %eq3A_671 = arith.constant 0 : i32
        %eq3A_672 = arith.cmpi eq, %squeeze3A_670, %eq3A_671 : i32
        %convert_element_type3A_673 = arith.extui %eq3A_672 : i1 to i32
        %add3A_674 = arith.addi %add3A_668, %convert_element_type3A_673 : i32
        %slice3A_675 = vector.extract_strided_slice %get3A_570 {offsets = [14], sizes = [1], strides = [1]} : vector<16xi32> to vector<1xi32>
        %squeeze3A_676 = vector.extract %slice3A_675[0] : i32 from vector<1xi32>
        %eq3A_677 = arith.constant 0 : i32
        %eq3A_678 = arith.cmpi eq, %squeeze3A_676, %eq3A_677 : i32
        %convert_element_type3A_679 = arith.extui %eq3A_678 : i1 to i32
        %add3A_680 = arith.addi %add3A_674, %convert_element_type3A_679 : i32
        %slice3A_681 = vector.extract_strided_slice %get3A_570 {offsets = [15], sizes = [1], strides = [1]} : vector<16xi32> to vector<1xi32>
        %squeeze3A_682 = vector.extract %slice3A_681[0] : i32 from vector<1xi32>
        %eq3A_683 = arith.constant 0 : i32
        %eq3A_684 = arith.cmpi eq, %squeeze3A_682, %eq3A_683 : i32
        %convert_element_type3A_685 = arith.extui %eq3A_684 : i1 to i32
        %add3A_686 = arith.addi %add3A_680, %convert_element_type3A_685 : i32
        %convert_element_type3A_687 = arith.sitofp %add3A_686 : i32 to f32
        %slice3A_688 = vector.extract_strided_slice %get3A_564 {offsets = [0], sizes = [1], strides = [1]} : vector<16xi32> to vector<1xi32>
        %squeeze3A_689 = vector.extract %slice3A_688[0] : i32 from vector<1xi32>
        %ne3A_690 = arith.constant 0 : i32
        %ne3A_691 = arith.cmpi ne, %squeeze3A_689, %ne3A_690 : i32
        %convert_element_type3A_692 = arith.extui %ne3A_691 : i1 to i32
        %convert_element_type3A_693 = arith.sitofp %convert_element_type3A_692 : i32 to f32
        %get3A_694 = arith.index_cast %rem3A_346 : i32 to index
        %get3A_695 = arith.index_cast %scan3A_558 : i32 to index
        %get3A_696 = tpu.vector_load %arg10[%get3A_694, %get3A_695] {strides = array<i32>} : memref<3x48xi32, #tpu.memory_space<vmem>>, vector<1x16xi32>,
        %get3A_697 = vector.shape_cast %get3A_696 : vector<1x16xi32> to vector<16xi32>
        %slice3A_698 = vector.extract_strided_slice %get3A_697 {offsets = [0], sizes = [1], strides = [1]} : vector<16xi32> to vector<1xi32>
        %squeeze3A_699 = vector.extract %slice3A_698[0] : i32 from vector<1xi32>
        %ne3A_700 = arith.constant 0 : i32
        %ne3A_701 = arith.cmpi ne, %squeeze3A_699, %ne3A_700 : i32
        %convert_element_type3A_702 = arith.extui %ne3A_701 : i1 to i32
        %convert_element_type3A_703 = arith.sitofp %convert_element_type3A_702 : i32 to f32
        %get3A_704 = arith.constant 0 : i32
        %get3A_705 = arith.index_cast %get3A_704 : i32 to index
        %get3A_706 = arith.index_cast %mul3A_560 : i32 to index
        %get3A_707 = arith.constant 0 : index
        %get3A_708 = tpu.vector_load %arg9[%get3A_705, %get3A_706, %get3A_707] {strides = array<i32>} : memref<2x640x64xf32, #tpu.memory_space<vmem>>, vector<1x1x16xf32>,
        %get3A_709 = vector.shape_cast %get3A_708 : vector<1x1x16xf32> to vector<16xf32>
        %add3A_710 = arith.constant 1 : i32
        %add3A_711 = arith.addi %mul3A_560, %add3A_710 : i32
        %get3A_712 = arith.constant 0 : i32
        %get3A_713 = arith.index_cast %get3A_712 : i32 to index
        %get3A_714 = arith.index_cast %add3A_711 : i32 to index
        %get3A_715 = arith.constant 0 : index
        %get3A_716 = tpu.vector_load %arg9[%get3A_713, %get3A_714, %get3A_715] {strides = array<i32>} : memref<2x640x64xf32, #tpu.memory_space<vmem>>, vector<1x1x16xf32>,
        %get3A_717 = vector.shape_cast %get3A_716 : vector<1x1x16xf32> to vector<16xf32>
        %add3A_718 = arith.addf %get3A_709, %get3A_717 : vector<16xf32>
        %add3A_719 = arith.constant 2 : i32
        %add3A_720 = arith.addi %mul3A_560, %add3A_719 : i32
        %get3A_721 = arith.constant 0 : i32
        %get3A_722 = arith.index_cast %get3A_721 : i32 to index
        %get3A_723 = arith.index_cast %add3A_720 : i32 to index
        %get3A_724 = arith.constant 0 : index
        %get3A_725 = tpu.vector_load %arg9[%get3A_722, %get3A_723, %get3A_724] {strides = array<i32>} : memref<2x640x64xf32, #tpu.memory_space<vmem>>, vector<1x1x16xf32>,
        %get3A_726 = vector.shape_cast %get3A_725 : vector<1x1x16xf32> to vector<16xf32>
        %add3A_727 = arith.addf %add3A_718, %get3A_726 : vector<16xf32>
        %add3A_728 = arith.constant 3 : i32
        %add3A_729 = arith.addi %mul3A_560, %add3A_728 : i32
        %get3A_730 = arith.constant 0 : i32
        %get3A_731 = arith.index_cast %get3A_730 : i32 to index
        %get3A_732 = arith.index_cast %add3A_729 : i32 to index
        %get3A_733 = arith.constant 0 : index
        %get3A_734 = tpu.vector_load %arg9[%get3A_731, %get3A_732, %get3A_733] {strides = array<i32>} : memref<2x640x64xf32, #tpu.memory_space<vmem>>, vector<1x1x16xf32>,
        %get3A_735 = vector.shape_cast %get3A_734 : vector<1x1x16xf32> to vector<16xf32>
        %add3A_736 = arith.addf %add3A_727, %get3A_735 : vector<16xf32>
        %add3A_737 = arith.constant 4 : i32
        %add3A_738 = arith.addi %mul3A_560, %add3A_737 : i32
        %get3A_739 = arith.constant 0 : i32
        %get3A_740 = arith.index_cast %get3A_739 : i32 to index
        %get3A_741 = arith.index_cast %add3A_738 : i32 to index
        %get3A_742 = arith.constant 0 : index
        %get3A_743 = tpu.vector_load %arg9[%get3A_740, %get3A_741, %get3A_742] {strides = array<i32>} : memref<2x640x64xf32, #tpu.memory_space<vmem>>, vector<1x1x16xf32>,
        %get3A_744 = vector.shape_cast %get3A_743 : vector<1x1x16xf32> to vector<16xf32>
        %add3A_745 = arith.addf %add3A_736, %get3A_744 : vector<16xf32>
        %add3A_746 = arith.constant 5 : i32
        %add3A_747 = arith.addi %mul3A_560, %add3A_746 : i32
        %get3A_748 = arith.constant 0 : i32
        %get3A_749 = arith.index_cast %get3A_748 : i32 to index
        %get3A_750 = arith.index_cast %add3A_747 : i32 to index
        %get3A_751 = arith.constant 0 : index
        %get3A_752 = tpu.vector_load %arg9[%get3A_749, %get3A_750, %get3A_751] {strides = array<i32>} : memref<2x640x64xf32, #tpu.memory_space<vmem>>, vector<1x1x16xf32>,
        %get3A_753 = vector.shape_cast %get3A_752 : vector<1x1x16xf32> to vector<16xf32>
        %add3A_754 = arith.addf %add3A_745, %get3A_753 : vector<16xf32>
        %add3A_755 = arith.constant 6 : i32
        %add3A_756 = arith.addi %mul3A_560, %add3A_755 : i32
        %get3A_757 = arith.constant 0 : i32
        %get3A_758 = arith.index_cast %get3A_757 : i32 to index
        %get3A_759 = arith.index_cast %add3A_756 : i32 to index
        %get3A_760 = arith.constant 0 : index
        %get3A_761 = tpu.vector_load %arg9[%get3A_758, %get3A_759, %get3A_760] {strides = array<i32>} : memref<2x640x64xf32, #tpu.memory_space<vmem>>, vector<1x1x16xf32>,
        %get3A_762 = vector.shape_cast %get3A_761 : vector<1x1x16xf32> to vector<16xf32>
        %add3A_763 = arith.addf %add3A_754, %get3A_762 : vector<16xf32>
        %add3A_764 = arith.constant 7 : i32
        %add3A_765 = arith.addi %mul3A_560, %add3A_764 : i32
        %get3A_766 = arith.constant 0 : i32
        %get3A_767 = arith.index_cast %get3A_766 : i32 to index
        %get3A_768 = arith.index_cast %add3A_765 : i32 to index
        %get3A_769 = arith.constant 0 : index
        %get3A_770 = tpu.vector_load %arg9[%get3A_767, %get3A_768, %get3A_769] {strides = array<i32>} : memref<2x640x64xf32, #tpu.memory_space<vmem>>, vector<1x1x16xf32>,
        %get3A_771 = vector.shape_cast %get3A_770 : vector<1x1x16xf32> to vector<16xf32>
        %add3A_772 = arith.addf %add3A_763, %get3A_771 : vector<16xf32>
        %add3A_773 = arith.constant 8 : i32
        %add3A_774 = arith.addi %mul3A_560, %add3A_773 : i32
        %get3A_775 = arith.constant 0 : i32
        %get3A_776 = arith.index_cast %get3A_775 : i32 to index
        %get3A_777 = arith.index_cast %add3A_774 : i32 to index
        %get3A_778 = arith.constant 0 : index
        %get3A_779 = tpu.vector_load %arg9[%get3A_776, %get3A_777, %get3A_778] {strides = array<i32>} : memref<2x640x64xf32, #tpu.memory_space<vmem>>, vector<1x1x16xf32>,
        %get3A_780 = vector.shape_cast %get3A_779 : vector<1x1x16xf32> to vector<16xf32>
        %add3A_781 = arith.addf %add3A_772, %get3A_780 : vector<16xf32>
        %add3A_782 = arith.constant 9 : i32
        %add3A_783 = arith.addi %mul3A_560, %add3A_782 : i32
        %get3A_784 = arith.constant 0 : i32
        %get3A_785 = arith.index_cast %get3A_784 : i32 to index
        %get3A_786 = arith.index_cast %add3A_783 : i32 to index
        %get3A_787 = arith.constant 0 : index
        %get3A_788 = tpu.vector_load %arg9[%get3A_785, %get3A_786, %get3A_787] {strides = array<i32>} : memref<2x640x64xf32, #tpu.memory_space<vmem>>, vector<1x1x16xf32>,
        %get3A_789 = vector.shape_cast %get3A_788 : vector<1x1x16xf32> to vector<16xf32>
        %add3A_790 = arith.addf %add3A_781, %get3A_789 : vector<16xf32>
        %add3A_791 = arith.constant 10 : i32
        %add3A_792 = arith.addi %mul3A_560, %add3A_791 : i32
        %get3A_793 = arith.constant 0 : i32
        %get3A_794 = arith.index_cast %get3A_793 : i32 to index
        %get3A_795 = arith.index_cast %add3A_792 : i32 to index
        %get3A_796 = arith.constant 0 : index
        %get3A_797 = tpu.vector_load %arg9[%get3A_794, %get3A_795, %get3A_796] {strides = array<i32>} : memref<2x640x64xf32, #tpu.memory_space<vmem>>, vector<1x1x16xf32>,
        %get3A_798 = vector.shape_cast %get3A_797 : vector<1x1x16xf32> to vector<16xf32>
        %add3A_799 = arith.addf %add3A_790, %get3A_798 : vector<16xf32>
        %add3A_800 = arith.constant 11 : i32
        %add3A_801 = arith.addi %mul3A_560, %add3A_800 : i32
        %get3A_802 = arith.constant 0 : i32
        %get3A_803 = arith.index_cast %get3A_802 : i32 to index
        %get3A_804 = arith.index_cast %add3A_801 : i32 to index
        %get3A_805 = arith.constant 0 : index
        %get3A_806 = tpu.vector_load %arg9[%get3A_803, %get3A_804, %get3A_805] {strides = array<i32>} : memref<2x640x64xf32, #tpu.memory_space<vmem>>, vector<1x1x16xf32>,
        %get3A_807 = vector.shape_cast %get3A_806 : vector<1x1x16xf32> to vector<16xf32>
        %add3A_808 = arith.addf %add3A_799, %get3A_807 : vector<16xf32>
        %add3A_809 = arith.constant 12 : i32
        %add3A_810 = arith.addi %mul3A_560, %add3A_809 : i32
        %get3A_811 = arith.constant 0 : i32
        %get3A_812 = arith.index_cast %get3A_811 : i32 to index
        %get3A_813 = arith.index_cast %add3A_810 : i32 to index
        %get3A_814 = arith.constant 0 : index
        %get3A_815 = tpu.vector_load %arg9[%get3A_812, %get3A_813, %get3A_814] {strides = array<i32>} : memref<2x640x64xf32, #tpu.memory_space<vmem>>, vector<1x1x16xf32>,
        %get3A_816 = vector.shape_cast %get3A_815 : vector<1x1x16xf32> to vector<16xf32>
        %add3A_817 = arith.addf %add3A_808, %get3A_816 : vector<16xf32>
        %add3A_818 = arith.constant 13 : i32
        %add3A_819 = arith.addi %mul3A_560, %add3A_818 : i32
        %get3A_820 = arith.constant 0 : i32
        %get3A_821 = arith.index_cast %get3A_820 : i32 to index
        %get3A_822 = arith.index_cast %add3A_819 : i32 to index
        %get3A_823 = arith.constant 0 : index
        %get3A_824 = tpu.vector_load %arg9[%get3A_821, %get3A_822, %get3A_823] {strides = array<i32>} : memref<2x640x64xf32, #tpu.memory_space<vmem>>, vector<1x1x16xf32>,
        %get3A_825 = vector.shape_cast %get3A_824 : vector<1x1x16xf32> to vector<16xf32>
        %add3A_826 = arith.addf %add3A_817, %get3A_825 : vector<16xf32>
        %add3A_827 = arith.constant 14 : i32
        %add3A_828 = arith.addi %mul3A_560, %add3A_827 : i32
        %get3A_829 = arith.constant 0 : i32
        %get3A_830 = arith.index_cast %get3A_829 : i32 to index
        %get3A_831 = arith.index_cast %add3A_828 : i32 to index
        %get3A_832 = arith.constant 0 : index
        %get3A_833 = tpu.vector_load %arg9[%get3A_830, %get3A_831, %get3A_832] {strides = array<i32>} : memref<2x640x64xf32, #tpu.memory_space<vmem>>, vector<1x1x16xf32>,
        %get3A_834 = vector.shape_cast %get3A_833 : vector<1x1x16xf32> to vector<16xf32>
        %add3A_835 = arith.addf %add3A_826, %get3A_834 : vector<16xf32>
        %add3A_836 = arith.constant 15 : i32
        %add3A_837 = arith.addi %mul3A_560, %add3A_836 : i32
        %get3A_838 = arith.constant 0 : i32
        %get3A_839 = arith.index_cast %get3A_838 : i32 to index
        %get3A_840 = arith.index_cast %add3A_837 : i32 to index
        %get3A_841 = arith.constant 0 : index
        %get3A_842 = tpu.vector_load %arg9[%get3A_839, %get3A_840, %get3A_841] {strides = array<i32>} : memref<2x640x64xf32, #tpu.memory_space<vmem>>, vector<1x1x16xf32>,
        %get3A_843 = vector.shape_cast %get3A_842 : vector<1x1x16xf32> to vector<16xf32>
        %add3A_844 = arith.addf %add3A_835, %get3A_843 : vector<16xf32>
        %add3A_845 = arith.constant 16 : i32
        %add3A_846 = arith.addi %mul3A_560, %add3A_845 : i32
        %get3A_847 = arith.constant 0 : i32
        %get3A_848 = arith.index_cast %get3A_847 : i32 to index
        %get3A_849 = arith.index_cast %add3A_846 : i32 to index
        %get3A_850 = arith.constant 0 : index
        %get3A_851 = tpu.vector_load %arg9[%get3A_848, %get3A_849, %get3A_850] {strides = array<i32>} : memref<2x640x64xf32, #tpu.memory_space<vmem>>, vector<1x1x16xf32>,
        %get3A_852 = vector.shape_cast %get3A_851 : vector<1x1x16xf32> to vector<16xf32>
        %add3A_853 = arith.addf %add3A_844, %get3A_852 : vector<16xf32>
        %add3A_854 = arith.constant 17 : i32
        %add3A_855 = arith.addi %mul3A_560, %add3A_854 : i32
        %get3A_856 = arith.constant 0 : i32
        %get3A_857 = arith.index_cast %get3A_856 : i32 to index
        %get3A_858 = arith.index_cast %add3A_855 : i32 to index
        %get3A_859 = arith.constant 0 : index
        %get3A_860 = tpu.vector_load %arg9[%get3A_857, %get3A_858, %get3A_859] {strides = array<i32>} : memref<2x640x64xf32, #tpu.memory_space<vmem>>, vector<1x1x16xf32>,
        %get3A_861 = vector.shape_cast %get3A_860 : vector<1x1x16xf32> to vector<16xf32>
        %add3A_862 = arith.addf %add3A_853, %get3A_861 : vector<16xf32>
        %add3A_863 = arith.constant 18 : i32
        %add3A_864 = arith.addi %mul3A_560, %add3A_863 : i32
        %get3A_865 = arith.constant 0 : i32
        %get3A_866 = arith.index_cast %get3A_865 : i32 to index
        %get3A_867 = arith.index_cast %add3A_864 : i32 to index
        %get3A_868 = arith.constant 0 : index
        %get3A_869 = tpu.vector_load %arg9[%get3A_866, %get3A_867, %get3A_868] {strides = array<i32>} : memref<2x640x64xf32, #tpu.memory_space<vmem>>, vector<1x1x16xf32>,
        %get3A_870 = vector.shape_cast %get3A_869 : vector<1x1x16xf32> to vector<16xf32>
        %add3A_871 = arith.addf %add3A_862, %get3A_870 : vector<16xf32>
        %add3A_872 = arith.constant 19 : i32
        %add3A_873 = arith.addi %mul3A_560, %add3A_872 : i32
        %get3A_874 = arith.constant 0 : i32
        %get3A_875 = arith.index_cast %get3A_874 : i32 to index
        %get3A_876 = arith.index_cast %add3A_873 : i32 to index
        %get3A_877 = arith.constant 0 : index
        %get3A_878 = tpu.vector_load %arg9[%get3A_875, %get3A_876, %get3A_877] {strides = array<i32>} : memref<2x640x64xf32, #tpu.memory_space<vmem>>, vector<1x1x16xf32>,
        %get3A_879 = vector.shape_cast %get3A_878 : vector<1x1x16xf32> to vector<16xf32>
        %add3A_880 = arith.addf %add3A_871, %get3A_879 : vector<16xf32>
        %mul3A_881 = vector.broadcast %convert_element_type3A_693 : f32 to vector<16xf32>
        %mul3A_882 = arith.mulf %get3A_709, %mul3A_881 : vector<16xf32>
        %swap3A = arith.constant 0 : i32
        %swap3A_883 = arith.index_cast %swap3A : i32 to index
        %swap3A_884 = arith.index_cast %scan3A_558 : i32 to index
        %swap3A_885 = arith.constant 0 : index
        %swap3A_886 = tpu.vector_load %arg12[%swap3A_883, %swap3A_884, %swap3A_885] {strides = array<i32>} : memref<2x32x128xf32, #tpu.memory_space<vmem>>, vector<1x1x16xf32>,
        %swap3A_887 = vector.shape_cast %swap3A_886 : vector<1x1x16xf32> to vector<16xf32>
        %swap3A_888 = vector.shape_cast %mul3A_882 : vector<16xf32> to vector<1x1x16xf32>
        tpu.vector_store %arg12[%swap3A_883, %swap3A_884, %swap3A_885], %swap3A_888 {strides = array<i32>} : memref<2x32x128xf32, #tpu.memory_space<vmem>>, vector<1x1x16xf32>,
        %mul3A_889 = vector.broadcast %convert_element_type3A_687 : f32 to vector<16xf32>
        %mul3A_890 = arith.mulf %mul3A_889, %get3A_6 : vector<16xf32>
        %sub3A_891 = arith.subf %add3A_880, %mul3A_890 : vector<16xf32>
        %swap3A_892 = arith.constant 0 : i32
        %swap3A_893 = arith.index_cast %swap3A_892 : i32 to index
        %swap3A_894 = arith.index_cast %scan3A_558 : i32 to index
        %swap3A_895 = arith.constant 64 : index
        %swap3A_896 = tpu.vector_load %arg12[%swap3A_893, %swap3A_894, %swap3A_895] {strides = array<i32>} : memref<2x32x128xf32, #tpu.memory_space<vmem>>, vector<1x1x16xf32>,
        %swap3A_897 = vector.shape_cast %swap3A_896 : vector<1x1x16xf32> to vector<16xf32>
        %swap3A_898 = vector.shape_cast %sub3A_891 : vector<16xf32> to vector<1x1x16xf32>
        tpu.vector_store %arg12[%swap3A_893, %swap3A_894, %swap3A_895], %swap3A_898 {strides = array<i32>} : memref<2x32x128xf32, #tpu.memory_space<vmem>>, vector<1x1x16xf32>,
        %get3A_899 = arith.constant 0 : i32
        %get3A_900 = arith.index_cast %get3A_899 : i32 to index
        %get3A_901 = arith.index_cast %scan3A_558 : i32 to index
        %get3A_902 = arith.constant 0 : index
        %get3A_903 = tpu.vector_load %arg11[%get3A_900, %get3A_901, %get3A_902] {strides = array<i32>} : memref<2x32x64xf32, #tpu.memory_space<vmem>>, vector<1x1x16xf32>,
        %get3A_904 = vector.shape_cast %get3A_903 : vector<1x1x16xf32> to vector<16xf32>
        %mul3A_905 = vector.broadcast %convert_element_type3A_703 : f32 to vector<16xf32>
        %mul3A_906 = arith.mulf %get3A_904, %mul3A_905 : vector<16xf32>
        %jit3A_907 = arith.constant 2 : i32
        %div3A_908 = arith.divsi %scan3A_558, %jit3A_907 : i32
        %sign3A_909 = arith.constant 0 : i32
        %sign3A_910 = arith.cmpi sgt, %scan3A_558, %sign3A_909 : i32
        %sign3A_911 = arith.extui %sign3A_910 : i1 to i32
        %sign3A_912 = arith.constant 0 : i32
        %sign3A_913 = arith.cmpi slt, %scan3A_558, %sign3A_912 : i32
        %sign3A_914 = arith.extui %sign3A_913 : i1 to i32
        %sign3A_915 = arith.subi %sign3A_911, %sign3A_914 : i32
        %sign3A_916 = arith.constant 0 : i32
        %sign3A_917 = arith.cmpi sgt, %jit3A_907, %sign3A_916 : i32
        %sign3A_918 = arith.extui %sign3A_917 : i1 to i32
        %sign3A_919 = arith.constant 0 : i32
        %sign3A_920 = arith.cmpi slt, %jit3A_907, %sign3A_919 : i32
        %sign3A_921 = arith.extui %sign3A_920 : i1 to i32
        %sign3A_922 = arith.subi %sign3A_918, %sign3A_921 : i32
        %ne3A_923 = arith.cmpi ne, %sign3A_915, %sign3A_922 : i32
        %rem3A_924 = arith.remsi %scan3A_558, %jit3A_907 : i32
        %ne3A_925 = arith.constant 0 : i32
        %ne3A_926 = arith.cmpi ne, %rem3A_924, %ne3A_925 : i32
        %and3A_927 = arith.andi %ne3A_923, %ne3A_926 : i1
        %sub3A_928 = arith.constant 1 : i32
        %sub3A_929 = arith.subi %div3A_908, %sub3A_928 : i32
        %select_n3A_930 = arith.select %and3A_927, %sub3A_929, %div3A_908 : i32
        %jit3A_931 = arith.constant 2 : i32
        %eq3A_932 = arith.constant 0 : i32
        %eq3A_933 = arith.cmpi eq, %jit3A_931, %eq3A_932 : i32
        %jit3A_934 = arith.constant 1 : i32
        %select_n3A_935 = arith.select %eq3A_933, %jit3A_934, %jit3A_931 : i32
        %rem3A_936 = arith.remsi %scan3A_558, %select_n3A_935 : i32
        %ne3A_937 = arith.constant 0 : i32
        %ne3A_938 = arith.cmpi ne, %rem3A_936, %ne3A_937 : i32
        %lt3A_939 = arith.constant 0 : i32
        %lt3A_940 = arith.cmpi slt, %rem3A_936, %lt3A_939 : i32
        %lt3A_941 = arith.constant 0 : i32
        %lt3A_942 = arith.cmpi slt, %select_n3A_935, %lt3A_941 : i32
        %ne3A_943 = arith.xori %lt3A_940, %lt3A_942 : i1
        %and3A_944 = arith.andi %ne3A_943, %ne3A_938 : i1
        %add3A_945 = arith.addi %rem3A_936, %select_n3A_935 : i32
        %select_n3A_946 = arith.select %and3A_944, %add3A_945, %rem3A_936 : i32
        %mul3A_947 = arith.constant 64 : i32
        %mul3A_948 = arith.muli %select_n3A_946, %mul3A_947 : i32
        %add3A_949 = arith.constant 0 : i32
        %add3A_950 = arith.addi %mul3A_948, %add3A_949 : i32
        %swap3A_951 = arith.constant 0 : i32
        %swap3A_952 = arith.index_cast %swap3A_951 : i32 to index
        %swap3A_953 = arith.index_cast %select_n3A_930 : i32 to index
        %swap3A_954 = arith.index_cast %add3A_950 : i32 to index
        %swap3A_955 = tpu.vector_load %arg13[%swap3A_952, %swap3A_953, %swap3A_954] {strides = array<i32>} : memref<2x16x128xf32, #tpu.memory_space<vmem>>, vector<1x1x16xf32>,
        %swap3A_956 = vector.shape_cast %swap3A_955 : vector<1x1x16xf32> to vector<16xf32>
        %swap3A_957 = vector.shape_cast %mul3A_906 : vector<16xf32> to vector<1x1x16xf32>
        tpu.vector_store %arg13[%swap3A_952, %swap3A_953, %swap3A_954], %swap3A_957 {strides = array<i32>} : memref<2x16x128xf32, #tpu.memory_space<vmem>>, vector<1x1x16xf32>,
        %get3A_958 = arith.constant 0 : i32
        %get3A_959 = arith.index_cast %get3A_958 : i32 to index
        %get3A_960 = arith.index_cast %mul3A_560 : i32 to index
        %get3A_961 = arith.constant 16 : index
        %get3A_962 = tpu.vector_load %arg9[%get3A_959, %get3A_960, %get3A_961] {strides = array<i32>} : memref<2x640x64xf32, #tpu.memory_space<vmem>>, vector<1x1x16xf32>,
        %get3A_963 = vector.shape_cast %get3A_962 : vector<1x1x16xf32> to vector<16xf32>
        %add3A_964 = arith.constant 1 : i32
        %add3A_965 = arith.addi %mul3A_560, %add3A_964 : i32
        %get3A_966 = arith.constant 0 : i32
        %get3A_967 = arith.index_cast %get3A_966 : i32 to index
        %get3A_968 = arith.index_cast %add3A_965 : i32 to index
        %get3A_969 = arith.constant 16 : index
        %get3A_970 = tpu.vector_load %arg9[%get3A_967, %get3A_968, %get3A_969] {strides = array<i32>} : memref<2x640x64xf32, #tpu.memory_space<vmem>>, vector<1x1x16xf32>,
        %get3A_971 = vector.shape_cast %get3A_970 : vector<1x1x16xf32> to vector<16xf32>
        %add3A_972 = arith.addf %get3A_963, %get3A_971 : vector<16xf32>
        %add3A_973 = arith.constant 2 : i32
        %add3A_974 = arith.addi %mul3A_560, %add3A_973 : i32
        %get3A_975 = arith.constant 0 : i32
        %get3A_976 = arith.index_cast %get3A_975 : i32 to index
        %get3A_977 = arith.index_cast %add3A_974 : i32 to index
        %get3A_978 = arith.constant 16 : index
        %get3A_979 = tpu.vector_load %arg9[%get3A_976, %get3A_977, %get3A_978] {strides = array<i32>} : memref<2x640x64xf32, #tpu.memory_space<vmem>>, vector<1x1x16xf32>,
        %get3A_980 = vector.shape_cast %get3A_979 : vector<1x1x16xf32> to vector<16xf32>
        %add3A_981 = arith.addf %add3A_972, %get3A_980 : vector<16xf32>
        %add3A_982 = arith.constant 3 : i32
        %add3A_983 = arith.addi %mul3A_560, %add3A_982 : i32
        %get3A_984 = arith.constant 0 : i32
        %get3A_985 = arith.index_cast %get3A_984 : i32 to index
        %get3A_986 = arith.index_cast %add3A_983 : i32 to index
        %get3A_987 = arith.constant 16 : index
        %get3A_988 = tpu.vector_load %arg9[%get3A_985, %get3A_986, %get3A_987] {strides = array<i32>} : memref<2x640x64xf32, #tpu.memory_space<vmem>>, vector<1x1x16xf32>,
        %get3A_989 = vector.shape_cast %get3A_988 : vector<1x1x16xf32> to vector<16xf32>
        %add3A_990 = arith.addf %add3A_981, %get3A_989 : vector<16xf32>
        %add3A_991 = arith.constant 4 : i32
        %add3A_992 = arith.addi %mul3A_560, %add3A_991 : i32
        %get3A_993 = arith.constant 0 : i32
        %get3A_994 = arith.index_cast %get3A_993 : i32 to index
        %get3A_995 = arith.index_cast %add3A_992 : i32 to index
        %get3A_996 = arith.constant 16 : index
        %get3A_997 = tpu.vector_load %arg9[%get3A_994, %get3A_995, %get3A_996] {strides = array<i32>} : memref<2x640x64xf32, #tpu.memory_space<vmem>>, vector<1x1x16xf32>,
        %get3A_998 = vector.shape_cast %get3A_997 : vector<1x1x16xf32> to vector<16xf32>
        %add3A_999 = arith.addf %add3A_990, %get3A_998 : vector<16xf32>
        %add3A_1000 = arith.constant 5 : i32
        %add3A_1001 = arith.addi %mul3A_560, %add3A_1000 : i32
        %get3A_1002 = arith.constant 0 : i32
        %get3A_1003 = arith.index_cast %get3A_1002 : i32 to index
        %get3A_1004 = arith.index_cast %add3A_1001 : i32 to index
        %get3A_1005 = arith.constant 16 : index
        %get3A_1006 = tpu.vector_load %arg9[%get3A_1003, %get3A_1004, %get3A_1005] {strides = array<i32>} : memref<2x640x64xf32, #tpu.memory_space<vmem>>, vector<1x1x16xf32>,
        %get3A_1007 = vector.shape_cast %get3A_1006 : vector<1x1x16xf32> to vector<16xf32>
        %add3A_1008 = arith.addf %add3A_999, %get3A_1007 : vector<16xf32>
        %add3A_1009 = arith.constant 6 : i32
        %add3A_1010 = arith.addi %mul3A_560, %add3A_1009 : i32
        %get3A_1011 = arith.constant 0 : i32
        %get3A_1012 = arith.index_cast %get3A_1011 : i32 to index
        %get3A_1013 = arith.index_cast %add3A_1010 : i32 to index
        %get3A_1014 = arith.constant 16 : index
        %get3A_1015 = tpu.vector_load %arg9[%get3A_1012, %get3A_1013, %get3A_1014] {strides = array<i32>} : memref<2x640x64xf32, #tpu.memory_space<vmem>>, vector<1x1x16xf32>,
        %get3A_1016 = vector.shape_cast %get3A_1015 : vector<1x1x16xf32> to vector<16xf32>
        %add3A_1017 = arith.addf %add3A_1008, %get3A_1016 : vector<16xf32>
        %add3A_1018 = arith.constant 7 : i32
        %add3A_1019 = arith.addi %mul3A_560, %add3A_1018 : i32
        %get3A_1020 = arith.constant 0 : i32
        %get3A_1021 = arith.index_cast %get3A_1020 : i32 to index
        %get3A_1022 = arith.index_cast %add3A_1019 : i32 to index
        %get3A_1023 = arith.constant 16 : index
        %get3A_1024 = tpu.vector_load %arg9[%get3A_1021, %get3A_1022, %get3A_1023] {strides = array<i32>} : memref<2x640x64xf32, #tpu.memory_space<vmem>>, vector<1x1x16xf32>,
        %get3A_1025 = vector.shape_cast %get3A_1024 : vector<1x1x16xf32> to vector<16xf32>
        %add3A_1026 = arith.addf %add3A_1017, %get3A_1025 : vector<16xf32>
        %add3A_1027 = arith.constant 8 : i32
        %add3A_1028 = arith.addi %mul3A_560, %add3A_1027 : i32
        %get3A_1029 = arith.constant 0 : i32
        %get3A_1030 = arith.index_cast %get3A_1029 : i32 to index
        %get3A_1031 = arith.index_cast %add3A_1028 : i32 to index
        %get3A_1032 = arith.constant 16 : index
        %get3A_1033 = tpu.vector_load %arg9[%get3A_1030, %get3A_1031, %get3A_1032] {strides = array<i32>} : memref<2x640x64xf32, #tpu.memory_space<vmem>>, vector<1x1x16xf32>,
        %get3A_1034 = vector.shape_cast %get3A_1033 : vector<1x1x16xf32> to vector<16xf32>
        %add3A_1035 = arith.addf %add3A_1026, %get3A_1034 : vector<16xf32>
        %add3A_1036 = arith.constant 9 : i32
        %add3A_1037 = arith.addi %mul3A_560, %add3A_1036 : i32
        %get3A_1038 = arith.constant 0 : i32
        %get3A_1039 = arith.index_cast %get3A_1038 : i32 to index
        %get3A_1040 = arith.index_cast %add3A_1037 : i32 to index
        %get3A_1041 = arith.constant 16 : index
        %get3A_1042 = tpu.vector_load %arg9[%get3A_1039, %get3A_1040, %get3A_1041] {strides = array<i32>} : memref<2x640x64xf32, #tpu.memory_space<vmem>>, vector<1x1x16xf32>,
        %get3A_1043 = vector.shape_cast %get3A_1042 : vector<1x1x16xf32> to vector<16xf32>
        %add3A_1044 = arith.addf %add3A_1035, %get3A_1043 : vector<16xf32>
        %add3A_1045 = arith.constant 10 : i32
        %add3A_1046 = arith.addi %mul3A_560, %add3A_1045 : i32
        %get3A_1047 = arith.constant 0 : i32
        %get3A_1048 = arith.index_cast %get3A_1047 : i32 to index
        %get3A_1049 = arith.index_cast %add3A_1046 : i32 to index
        %get3A_1050 = arith.constant 16 : index
        %get3A_1051 = tpu.vector_load %arg9[%get3A_1048, %get3A_1049, %get3A_1050] {strides = array<i32>} : memref<2x640x64xf32, #tpu.memory_space<vmem>>, vector<1x1x16xf32>,
        %get3A_1052 = vector.shape_cast %get3A_1051 : vector<1x1x16xf32> to vector<16xf32>
        %add3A_1053 = arith.addf %add3A_1044, %get3A_1052 : vector<16xf32>
        %add3A_1054 = arith.constant 11 : i32
        %add3A_1055 = arith.addi %mul3A_560, %add3A_1054 : i32
        %get3A_1056 = arith.constant 0 : i32
        %get3A_1057 = arith.index_cast %get3A_1056 : i32 to index
        %get3A_1058 = arith.index_cast %add3A_1055 : i32 to index
        %get3A_1059 = arith.constant 16 : index
        %get3A_1060 = tpu.vector_load %arg9[%get3A_1057, %get3A_1058, %get3A_1059] {strides = array<i32>} : memref<2x640x64xf32, #tpu.memory_space<vmem>>, vector<1x1x16xf32>,
        %get3A_1061 = vector.shape_cast %get3A_1060 : vector<1x1x16xf32> to vector<16xf32>
        %add3A_1062 = arith.addf %add3A_1053, %get3A_1061 : vector<16xf32>
        %add3A_1063 = arith.constant 12 : i32
        %add3A_1064 = arith.addi %mul3A_560, %add3A_1063 : i32
        %get3A_1065 = arith.constant 0 : i32
        %get3A_1066 = arith.index_cast %get3A_1065 : i32 to index
        %get3A_1067 = arith.index_cast %add3A_1064 : i32 to index
        %get3A_1068 = arith.constant 16 : index
        %get3A_1069 = tpu.vector_load %arg9[%get3A_1066, %get3A_1067, %get3A_1068] {strides = array<i32>} : memref<2x640x64xf32, #tpu.memory_space<vmem>>, vector<1x1x16xf32>,
        %get3A_1070 = vector.shape_cast %get3A_1069 : vector<1x1x16xf32> to vector<16xf32>
        %add3A_1071 = arith.addf %add3A_1062, %get3A_1070 : vector<16xf32>
        %add3A_1072 = arith.constant 13 : i32
        %add3A_1073 = arith.addi %mul3A_560, %add3A_1072 : i32
        %get3A_1074 = arith.constant 0 : i32
        %get3A_1075 = arith.index_cast %get3A_1074 : i32 to index
        %get3A_1076 = arith.index_cast %add3A_1073 : i32 to index
        %get3A_1077 = arith.constant 16 : index
        %get3A_1078 = tpu.vector_load %arg9[%get3A_1075, %get3A_1076, %get3A_1077] {strides = array<i32>} : memref<2x640x64xf32, #tpu.memory_space<vmem>>, vector<1x1x16xf32>,
        %get3A_1079 = vector.shape_cast %get3A_1078 : vector<1x1x16xf32> to vector<16xf32>
        %add3A_1080 = arith.addf %add3A_1071, %get3A_1079 : vector<16xf32>
        %add3A_1081 = arith.constant 14 : i32
        %add3A_1082 = arith.addi %mul3A_560, %add3A_1081 : i32
        %get3A_1083 = arith.constant 0 : i32
        %get3A_1084 = arith.index_cast %get3A_1083 : i32 to index
        %get3A_1085 = arith.index_cast %add3A_1082 : i32 to index
        %get3A_1086 = arith.constant 16 : index
        %get3A_1087 = tpu.vector_load %arg9[%get3A_1084, %get3A_1085, %get3A_1086] {strides = array<i32>} : memref<2x640x64xf32, #tpu.memory_space<vmem>>, vector<1x1x16xf32>,
        %get3A_1088 = vector.shape_cast %get3A_1087 : vector<1x1x16xf32> to vector<16xf32>
        %add3A_1089 = arith.addf %add3A_1080, %get3A_1088 : vector<16xf32>
        %add3A_1090 = arith.constant 15 : i32
        %add3A_1091 = arith.addi %mul3A_560, %add3A_1090 : i32
        %get3A_1092 = arith.constant 0 : i32
        %get3A_1093 = arith.index_cast %get3A_1092 : i32 to index
        %get3A_1094 = arith.index_cast %add3A_1091 : i32 to index
        %get3A_1095 = arith.constant 16 : index
        %get3A_1096 = tpu.vector_load %arg9[%get3A_1093, %get3A_1094, %get3A_1095] {strides = array<i32>} : memref<2x640x64xf32, #tpu.memory_space<vmem>>, vector<1x1x16xf32>,
        %get3A_1097 = vector.shape_cast %get3A_1096 : vector<1x1x16xf32> to vector<16xf32>
        %add3A_1098 = arith.addf %add3A_1089, %get3A_1097 : vector<16xf32>
        %add3A_1099 = arith.constant 16 : i32
        %add3A_1100 = arith.addi %mul3A_560, %add3A_1099 : i32
        %get3A_1101 = arith.constant 0 : i32
        %get3A_1102 = arith.index_cast %get3A_1101 : i32 to index
        %get3A_1103 = arith.index_cast %add3A_1100 : i32 to index
        %get3A_1104 = arith.constant 16 : index
        %get3A_1105 = tpu.vector_load %arg9[%get3A_1102, %get3A_1103, %get3A_1104] {strides = array<i32>} : memref<2x640x64xf32, #tpu.memory_space<vmem>>, vector<1x1x16xf32>,
        %get3A_1106 = vector.shape_cast %get3A_1105 : vector<1x1x16xf32> to vector<16xf32>
        %add3A_1107 = arith.addf %add3A_1098, %get3A_1106 : vector<16xf32>
        %add3A_1108 = arith.constant 17 : i32
        %add3A_1109 = arith.addi %mul3A_560, %add3A_1108 : i32
        %get3A_1110 = arith.constant 0 : i32
        %get3A_1111 = arith.index_cast %get3A_1110 : i32 to index
        %get3A_1112 = arith.index_cast %add3A_1109 : i32 to index
        %get3A_1113 = arith.constant 16 : index
        %get3A_1114 = tpu.vector_load %arg9[%get3A_1111, %get3A_1112, %get3A_1113] {strides = array<i32>} : memref<2x640x64xf32, #tpu.memory_space<vmem>>, vector<1x1x16xf32>,
        %get3A_1115 = vector.shape_cast %get3A_1114 : vector<1x1x16xf32> to vector<16xf32>
        %add3A_1116 = arith.addf %add3A_1107, %get3A_1115 : vector<16xf32>
        %add3A_1117 = arith.constant 18 : i32
        %add3A_1118 = arith.addi %mul3A_560, %add3A_1117 : i32
        %get3A_1119 = arith.constant 0 : i32
        %get3A_1120 = arith.index_cast %get3A_1119 : i32 to index
        %get3A_1121 = arith.index_cast %add3A_1118 : i32 to index
        %get3A_1122 = arith.constant 16 : index
        %get3A_1123 = tpu.vector_load %arg9[%get3A_1120, %get3A_1121, %get3A_1122] {strides = array<i32>} : memref<2x640x64xf32, #tpu.memory_space<vmem>>, vector<1x1x16xf32>,
        %get3A_1124 = vector.shape_cast %get3A_1123 : vector<1x1x16xf32> to vector<16xf32>
        %add3A_1125 = arith.addf %add3A_1116, %get3A_1124 : vector<16xf32>
        %add3A_1126 = arith.constant 19 : i32
        %add3A_1127 = arith.addi %mul3A_560, %add3A_1126 : i32
        %get3A_1128 = arith.constant 0 : i32
        %get3A_1129 = arith.index_cast %get3A_1128 : i32 to index
        %get3A_1130 = arith.index_cast %add3A_1127 : i32 to index
        %get3A_1131 = arith.constant 16 : index
        %get3A_1132 = tpu.vector_load %arg9[%get3A_1129, %get3A_1130, %get3A_1131] {strides = array<i32>} : memref<2x640x64xf32, #tpu.memory_space<vmem>>, vector<1x1x16xf32>,
        %get3A_1133 = vector.shape_cast %get3A_1132 : vector<1x1x16xf32> to vector<16xf32>
        %add3A_1134 = arith.addf %add3A_1125, %get3A_1133 : vector<16xf32>
        %mul3A_1135 = vector.broadcast %convert_element_type3A_693 : f32 to vector<16xf32>
        %mul3A_1136 = arith.mulf %get3A_963, %mul3A_1135 : vector<16xf32>
        %swap3A_1137 = arith.constant 0 : i32
        %swap3A_1138 = arith.index_cast %swap3A_1137 : i32 to index
        %swap3A_1139 = arith.index_cast %scan3A_558 : i32 to index
        %swap3A_1140 = arith.constant 16 : index
        %swap3A_1141 = tpu.vector_load %arg12[%swap3A_1138, %swap3A_1139, %swap3A_1140] {strides = array<i32>} : memref<2x32x128xf32, #tpu.memory_space<vmem>>, vector<1x1x16xf32>,
        %swap3A_1142 = vector.shape_cast %swap3A_1141 : vector<1x1x16xf32> to vector<16xf32>
        %swap3A_1143 = vector.shape_cast %mul3A_1136 : vector<16xf32> to vector<1x1x16xf32>
        tpu.vector_store %arg12[%swap3A_1138, %swap3A_1139, %swap3A_1140], %swap3A_1143 {strides = array<i32>} : memref<2x32x128xf32, #tpu.memory_space<vmem>>, vector<1x1x16xf32>,
        %mul3A_1144 = vector.broadcast %convert_element_type3A_687 : f32 to vector<16xf32>
        %mul3A_1145 = arith.mulf %mul3A_1144, %get3A_11 : vector<16xf32>
        %sub3A_1146 = arith.subf %add3A_1134, %mul3A_1145 : vector<16xf32>
        %swap3A_1147 = arith.constant 0 : i32
        %swap3A_1148 = arith.index_cast %swap3A_1147 : i32 to index
        %swap3A_1149 = arith.index_cast %scan3A_558 : i32 to index
        %swap3A_1150 = arith.constant 80 : index
        %swap3A_1151 = tpu.vector_load %arg12[%swap3A_1148, %swap3A_1149, %swap3A_1150] {strides = array<i32>} : memref<2x32x128xf32, #tpu.memory_space<vmem>>, vector<1x1x16xf32>,
        %swap3A_1152 = vector.shape_cast %swap3A_1151 : vector<1x1x16xf32> to vector<16xf32>
        %swap3A_1153 = vector.shape_cast %sub3A_1146 : vector<16xf32> to vector<1x1x16xf32>
        tpu.vector_store %arg12[%swap3A_1148, %swap3A_1149, %swap3A_1150], %swap3A_1153 {strides = array<i32>} : memref<2x32x128xf32, #tpu.memory_space<vmem>>, vector<1x1x16xf32>,
        %get3A_1154 = arith.constant 0 : i32
        %get3A_1155 = arith.index_cast %get3A_1154 : i32 to index
        %get3A_1156 = arith.index_cast %scan3A_558 : i32 to index
        %get3A_1157 = arith.constant 16 : index
        %get3A_1158 = tpu.vector_load %arg11[%get3A_1155, %get3A_1156, %get3A_1157] {strides = array<i32>} : memref<2x32x64xf32, #tpu.memory_space<vmem>>, vector<1x1x16xf32>,
        %get3A_1159 = vector.shape_cast %get3A_1158 : vector<1x1x16xf32> to vector<16xf32>
        %mul3A_1160 = vector.broadcast %convert_element_type3A_703 : f32 to vector<16xf32>
        %mul3A_1161 = arith.mulf %get3A_1159, %mul3A_1160 : vector<16xf32>
        %jit3A_1162 = arith.constant 2 : i32
        %div3A_1163 = arith.divsi %scan3A_558, %jit3A_1162 : i32
        %sign3A_1164 = arith.constant 0 : i32
        %sign3A_1165 = arith.cmpi sgt, %scan3A_558, %sign3A_1164 : i32
        %sign3A_1166 = arith.extui %sign3A_1165 : i1 to i32
        %sign3A_1167 = arith.constant 0 : i32
        %sign3A_1168 = arith.cmpi slt, %scan3A_558, %sign3A_1167 : i32
        %sign3A_1169 = arith.extui %sign3A_1168 : i1 to i32
        %sign3A_1170 = arith.subi %sign3A_1166, %sign3A_1169 : i32
        %sign3A_1171 = arith.constant 0 : i32
        %sign3A_1172 = arith.cmpi sgt, %jit3A_1162, %sign3A_1171 : i32
        %sign3A_1173 = arith.extui %sign3A_1172 : i1 to i32
        %sign3A_1174 = arith.constant 0 : i32
        %sign3A_1175 = arith.cmpi slt, %jit3A_1162, %sign3A_1174 : i32
        %sign3A_1176 = arith.extui %sign3A_1175 : i1 to i32
        %sign3A_1177 = arith.subi %sign3A_1173, %sign3A_1176 : i32
        %ne3A_1178 = arith.cmpi ne, %sign3A_1170, %sign3A_1177 : i32
        %rem3A_1179 = arith.remsi %scan3A_558, %jit3A_1162 : i32
        %ne3A_1180 = arith.constant 0 : i32
        %ne3A_1181 = arith.cmpi ne, %rem3A_1179, %ne3A_1180 : i32
        %and3A_1182 = arith.andi %ne3A_1178, %ne3A_1181 : i1
        %sub3A_1183 = arith.constant 1 : i32
        %sub3A_1184 = arith.subi %div3A_1163, %sub3A_1183 : i32
        %select_n3A_1185 = arith.select %and3A_1182, %sub3A_1184, %div3A_1163 : i32
        %jit3A_1186 = arith.constant 2 : i32
        %eq3A_1187 = arith.constant 0 : i32
        %eq3A_1188 = arith.cmpi eq, %jit3A_1186, %eq3A_1187 : i32
        %jit3A_1189 = arith.constant 1 : i32
        %select_n3A_1190 = arith.select %eq3A_1188, %jit3A_1189, %jit3A_1186 : i32
        %rem3A_1191 = arith.remsi %scan3A_558, %select_n3A_1190 : i32
        %ne3A_1192 = arith.constant 0 : i32
        %ne3A_1193 = arith.cmpi ne, %rem3A_1191, %ne3A_1192 : i32
        %lt3A_1194 = arith.constant 0 : i32
        %lt3A_1195 = arith.cmpi slt, %rem3A_1191, %lt3A_1194 : i32
        %lt3A_1196 = arith.constant 0 : i32
        %lt3A_1197 = arith.cmpi slt, %select_n3A_1190, %lt3A_1196 : i32
        %ne3A_1198 = arith.xori %lt3A_1195, %lt3A_1197 : i1
        %and3A_1199 = arith.andi %ne3A_1198, %ne3A_1193 : i1
        %add3A_1200 = arith.addi %rem3A_1191, %select_n3A_1190 : i32
        %select_n3A_1201 = arith.select %and3A_1199, %add3A_1200, %rem3A_1191 : i32
        %mul3A_1202 = arith.constant 64 : i32
        %mul3A_1203 = arith.muli %select_n3A_1201, %mul3A_1202 : i32
        %add3A_1204 = arith.constant 16 : i32
        %add3A_1205 = arith.addi %mul3A_1203, %add3A_1204 : i32
        %swap3A_1206 = arith.constant 0 : i32
        %swap3A_1207 = arith.index_cast %swap3A_1206 : i32 to index
        %swap3A_1208 = arith.index_cast %select_n3A_1185 : i32 to index
        %swap3A_1209 = arith.index_cast %add3A_1205 : i32 to index
        %swap3A_1210 = tpu.vector_load %arg13[%swap3A_1207, %swap3A_1208, %swap3A_1209] {strides = array<i32>} : memref<2x16x128xf32, #tpu.memory_space<vmem>>, vector<1x1x16xf32>,
        %swap3A_1211 = vector.shape_cast %swap3A_1210 : vector<1x1x16xf32> to vector<16xf32>
        %swap3A_1212 = vector.shape_cast %mul3A_1161 : vector<16xf32> to vector<1x1x16xf32>
        tpu.vector_store %arg13[%swap3A_1207, %swap3A_1208, %swap3A_1209], %swap3A_1212 {strides = array<i32>} : memref<2x16x128xf32, #tpu.memory_space<vmem>>, vector<1x1x16xf32>,
        %get3A_1213 = arith.constant 0 : i32
        %get3A_1214 = arith.index_cast %get3A_1213 : i32 to index
        %get3A_1215 = arith.index_cast %mul3A_560 : i32 to index
        %get3A_1216 = arith.constant 32 : index
        %get3A_1217 = tpu.vector_load %arg9[%get3A_1214, %get3A_1215, %get3A_1216] {strides = array<i32>} : memref<2x640x64xf32, #tpu.memory_space<vmem>>, vector<1x1x16xf32>,
        %get3A_1218 = vector.shape_cast %get3A_1217 : vector<1x1x16xf32> to vector<16xf32>
        %add3A_1219 = arith.constant 1 : i32
        %add3A_1220 = arith.addi %mul3A_560, %add3A_1219 : i32
        %get3A_1221 = arith.constant 0 : i32
        %get3A_1222 = arith.index_cast %get3A_1221 : i32 to index
        %get3A_1223 = arith.index_cast %add3A_1220 : i32 to index
        %get3A_1224 = arith.constant 32 : index
        %get3A_1225 = tpu.vector_load %arg9[%get3A_1222, %get3A_1223, %get3A_1224] {strides = array<i32>} : memref<2x640x64xf32, #tpu.memory_space<vmem>>, vector<1x1x16xf32>,
        %get3A_1226 = vector.shape_cast %get3A_1225 : vector<1x1x16xf32> to vector<16xf32>
        %add3A_1227 = arith.addf %get3A_1218, %get3A_1226 : vector<16xf32>
        %add3A_1228 = arith.constant 2 : i32
        %add3A_1229 = arith.addi %mul3A_560, %add3A_1228 : i32
        %get3A_1230 = arith.constant 0 : i32
        %get3A_1231 = arith.index_cast %get3A_1230 : i32 to index
        %get3A_1232 = arith.index_cast %add3A_1229 : i32 to index
        %get3A_1233 = arith.constant 32 : index
        %get3A_1234 = tpu.vector_load %arg9[%get3A_1231, %get3A_1232, %get3A_1233] {strides = array<i32>} : memref<2x640x64xf32, #tpu.memory_space<vmem>>, vector<1x1x16xf32>,
        %get3A_1235 = vector.shape_cast %get3A_1234 : vector<1x1x16xf32> to vector<16xf32>
        %add3A_1236 = arith.addf %add3A_1227, %get3A_1235 : vector<16xf32>
        %add3A_1237 = arith.constant 3 : i32
        %add3A_1238 = arith.addi %mul3A_560, %add3A_1237 : i32
        %get3A_1239 = arith.constant 0 : i32
        %get3A_1240 = arith.index_cast %get3A_1239 : i32 to index
        %get3A_1241 = arith.index_cast %add3A_1238 : i32 to index
        %get3A_1242 = arith.constant 32 : index
        %get3A_1243 = tpu.vector_load %arg9[%get3A_1240, %get3A_1241, %get3A_1242] {strides = array<i32>} : memref<2x640x64xf32, #tpu.memory_space<vmem>>, vector<1x1x16xf32>,
        %get3A_1244 = vector.shape_cast %get3A_1243 : vector<1x1x16xf32> to vector<16xf32>
        %add3A_1245 = arith.addf %add3A_1236, %get3A_1244 : vector<16xf32>
        %add3A_1246 = arith.constant 4 : i32
        %add3A_1247 = arith.addi %mul3A_560, %add3A_1246 : i32
        %get3A_1248 = arith.constant 0 : i32
        %get3A_1249 = arith.index_cast %get3A_1248 : i32 to index
        %get3A_1250 = arith.index_cast %add3A_1247 : i32 to index
        %get3A_1251 = arith.constant 32 : index
        %get3A_1252 = tpu.vector_load %arg9[%get3A_1249, %get3A_1250, %get3A_1251] {strides = array<i32>} : memref<2x640x64xf32, #tpu.memory_space<vmem>>, vector<1x1x16xf32>,
        %get3A_1253 = vector.shape_cast %get3A_1252 : vector<1x1x16xf32> to vector<16xf32>
        %add3A_1254 = arith.addf %add3A_1245, %get3A_1253 : vector<16xf32>
        %add3A_1255 = arith.constant 5 : i32
        %add3A_1256 = arith.addi %mul3A_560, %add3A_1255 : i32
        %get3A_1257 = arith.constant 0 : i32
        %get3A_1258 = arith.index_cast %get3A_1257 : i32 to index
        %get3A_1259 = arith.index_cast %add3A_1256 : i32 to index
        %get3A_1260 = arith.constant 32 : index
        %get3A_1261 = tpu.vector_load %arg9[%get3A_1258, %get3A_1259, %get3A_1260] {strides = array<i32>} : memref<2x640x64xf32, #tpu.memory_space<vmem>>, vector<1x1x16xf32>,
        %get3A_1262 = vector.shape_cast %get3A_1261 : vector<1x1x16xf32> to vector<16xf32>
        %add3A_1263 = arith.addf %add3A_1254, %get3A_1262 : vector<16xf32>
        %add3A_1264 = arith.constant 6 : i32
        %add3A_1265 = arith.addi %mul3A_560, %add3A_1264 : i32
        %get3A_1266 = arith.constant 0 : i32
        %get3A_1267 = arith.index_cast %get3A_1266 : i32 to index
        %get3A_1268 = arith.index_cast %add3A_1265 : i32 to index
        %get3A_1269 = arith.constant 32 : index
        %get3A_1270 = tpu.vector_load %arg9[%get3A_1267, %get3A_1268, %get3A_1269] {strides = array<i32>} : memref<2x640x64xf32, #tpu.memory_space<vmem>>, vector<1x1x16xf32>,
        %get3A_1271 = vector.shape_cast %get3A_1270 : vector<1x1x16xf32> to vector<16xf32>
        %add3A_1272 = arith.addf %add3A_1263, %get3A_1271 : vector<16xf32>
        %add3A_1273 = arith.constant 7 : i32
        %add3A_1274 = arith.addi %mul3A_560, %add3A_1273 : i32
        %get3A_1275 = arith.constant 0 : i32
        %get3A_1276 = arith.index_cast %get3A_1275 : i32 to index
        %get3A_1277 = arith.index_cast %add3A_1274 : i32 to index
        %get3A_1278 = arith.constant 32 : index
        %get3A_1279 = tpu.vector_load %arg9[%get3A_1276, %get3A_1277, %get3A_1278] {strides = array<i32>} : memref<2x640x64xf32, #tpu.memory_space<vmem>>, vector<1x1x16xf32>,
        %get3A_1280 = vector.shape_cast %get3A_1279 : vector<1x1x16xf32> to vector<16xf32>
        %add3A_1281 = arith.addf %add3A_1272, %get3A_1280 : vector<16xf32>
        %add3A_1282 = arith.constant 8 : i32
        %add3A_1283 = arith.addi %mul3A_560, %add3A_1282 : i32
        %get3A_1284 = arith.constant 0 : i32
        %get3A_1285 = arith.index_cast %get3A_1284 : i32 to index
        %get3A_1286 = arith.index_cast %add3A_1283 : i32 to index
        %get3A_1287 = arith.constant 32 : index
        %get3A_1288 = tpu.vector_load %arg9[%get3A_1285, %get3A_1286, %get3A_1287] {strides = array<i32>} : memref<2x640x64xf32, #tpu.memory_space<vmem>>, vector<1x1x16xf32>,
        %get3A_1289 = vector.shape_cast %get3A_1288 : vector<1x1x16xf32> to vector<16xf32>
        %add3A_1290 = arith.addf %add3A_1281, %get3A_1289 : vector<16xf32>
        %add3A_1291 = arith.constant 9 : i32
        %add3A_1292 = arith.addi %mul3A_560, %add3A_1291 : i32
        %get3A_1293 = arith.constant 0 : i32
        %get3A_1294 = arith.index_cast %get3A_1293 : i32 to index
        %get3A_1295 = arith.index_cast %add3A_1292 : i32 to index
        %get3A_1296 = arith.constant 32 : index
        %get3A_1297 = tpu.vector_load %arg9[%get3A_1294, %get3A_1295, %get3A_1296] {strides = array<i32>} : memref<2x640x64xf32, #tpu.memory_space<vmem>>, vector<1x1x16xf32>,
        %get3A_1298 = vector.shape_cast %get3A_1297 : vector<1x1x16xf32> to vector<16xf32>
        %add3A_1299 = arith.addf %add3A_1290, %get3A_1298 : vector<16xf32>
        %add3A_1300 = arith.constant 10 : i32
        %add3A_1301 = arith.addi %mul3A_560, %add3A_1300 : i32
        %get3A_1302 = arith.constant 0 : i32
        %get3A_1303 = arith.index_cast %get3A_1302 : i32 to index
        %get3A_1304 = arith.index_cast %add3A_1301 : i32 to index
        %get3A_1305 = arith.constant 32 : index
        %get3A_1306 = tpu.vector_load %arg9[%get3A_1303, %get3A_1304, %get3A_1305] {strides = array<i32>} : memref<2x640x64xf32, #tpu.memory_space<vmem>>, vector<1x1x16xf32>,
        %get3A_1307 = vector.shape_cast %get3A_1306 : vector<1x1x16xf32> to vector<16xf32>
        %add3A_1308 = arith.addf %add3A_1299, %get3A_1307 : vector<16xf32>
        %add3A_1309 = arith.constant 11 : i32
        %add3A_1310 = arith.addi %mul3A_560, %add3A_1309 : i32
        %get3A_1311 = arith.constant 0 : i32
        %get3A_1312 = arith.index_cast %get3A_1311 : i32 to index
        %get3A_1313 = arith.index_cast %add3A_1310 : i32 to index
        %get3A_1314 = arith.constant 32 : index
        %get3A_1315 = tpu.vector_load %arg9[%get3A_1312, %get3A_1313, %get3A_1314] {strides = array<i32>} : memref<2x640x64xf32, #tpu.memory_space<vmem>>, vector<1x1x16xf32>,
        %get3A_1316 = vector.shape_cast %get3A_1315 : vector<1x1x16xf32> to vector<16xf32>
        %add3A_1317 = arith.addf %add3A_1308, %get3A_1316 : vector<16xf32>
        %add3A_1318 = arith.constant 12 : i32
        %add3A_1319 = arith.addi %mul3A_560, %add3A_1318 : i32
        %get3A_1320 = arith.constant 0 : i32
        %get3A_1321 = arith.index_cast %get3A_1320 : i32 to index
        %get3A_1322 = arith.index_cast %add3A_1319 : i32 to index
        %get3A_1323 = arith.constant 32 : index
        %get3A_1324 = tpu.vector_load %arg9[%get3A_1321, %get3A_1322, %get3A_1323] {strides = array<i32>} : memref<2x640x64xf32, #tpu.memory_space<vmem>>, vector<1x1x16xf32>,
        %get3A_1325 = vector.shape_cast %get3A_1324 : vector<1x1x16xf32> to vector<16xf32>
        %add3A_1326 = arith.addf %add3A_1317, %get3A_1325 : vector<16xf32>
        %add3A_1327 = arith.constant 13 : i32
        %add3A_1328 = arith.addi %mul3A_560, %add3A_1327 : i32
        %get3A_1329 = arith.constant 0 : i32
        %get3A_1330 = arith.index_cast %get3A_1329 : i32 to index
        %get3A_1331 = arith.index_cast %add3A_1328 : i32 to index
        %get3A_1332 = arith.constant 32 : index
        %get3A_1333 = tpu.vector_load %arg9[%get3A_1330, %get3A_1331, %get3A_1332] {strides = array<i32>} : memref<2x640x64xf32, #tpu.memory_space<vmem>>, vector<1x1x16xf32>,
        %get3A_1334 = vector.shape_cast %get3A_1333 : vector<1x1x16xf32> to vector<16xf32>
        %add3A_1335 = arith.addf %add3A_1326, %get3A_1334 : vector<16xf32>
        %add3A_1336 = arith.constant 14 : i32
        %add3A_1337 = arith.addi %mul3A_560, %add3A_1336 : i32
        %get3A_1338 = arith.constant 0 : i32
        %get3A_1339 = arith.index_cast %get3A_1338 : i32 to index
        %get3A_1340 = arith.index_cast %add3A_1337 : i32 to index
        %get3A_1341 = arith.constant 32 : index
        %get3A_1342 = tpu.vector_load %arg9[%get3A_1339, %get3A_1340, %get3A_1341] {strides = array<i32>} : memref<2x640x64xf32, #tpu.memory_space<vmem>>, vector<1x1x16xf32>,
        %get3A_1343 = vector.shape_cast %get3A_1342 : vector<1x1x16xf32> to vector<16xf32>
        %add3A_1344 = arith.addf %add3A_1335, %get3A_1343 : vector<16xf32>
        %add3A_1345 = arith.constant 15 : i32
        %add3A_1346 = arith.addi %mul3A_560, %add3A_1345 : i32
        %get3A_1347 = arith.constant 0 : i32
        %get3A_1348 = arith.index_cast %get3A_1347 : i32 to index
        %get3A_1349 = arith.index_cast %add3A_1346 : i32 to index
        %get3A_1350 = arith.constant 32 : index
        %get3A_1351 = tpu.vector_load %arg9[%get3A_1348, %get3A_1349, %get3A_1350] {strides = array<i32>} : memref<2x640x64xf32, #tpu.memory_space<vmem>>, vector<1x1x16xf32>,
        %get3A_1352 = vector.shape_cast %get3A_1351 : vector<1x1x16xf32> to vector<16xf32>
        %add3A_1353 = arith.addf %add3A_1344, %get3A_1352 : vector<16xf32>
        %add3A_1354 = arith.constant 16 : i32
        %add3A_1355 = arith.addi %mul3A_560, %add3A_1354 : i32
        %get3A_1356 = arith.constant 0 : i32
        %get3A_1357 = arith.index_cast %get3A_1356 : i32 to index
        %get3A_1358 = arith.index_cast %add3A_1355 : i32 to index
        %get3A_1359 = arith.constant 32 : index
        %get3A_1360 = tpu.vector_load %arg9[%get3A_1357, %get3A_1358, %get3A_1359] {strides = array<i32>} : memref<2x640x64xf32, #tpu.memory_space<vmem>>, vector<1x1x16xf32>,
        %get3A_1361 = vector.shape_cast %get3A_1360 : vector<1x1x16xf32> to vector<16xf32>
        %add3A_1362 = arith.addf %add3A_1353, %get3A_1361 : vector<16xf32>
        %add3A_1363 = arith.constant 17 : i32
        %add3A_1364 = arith.addi %mul3A_560, %add3A_1363 : i32
        %get3A_1365 = arith.constant 0 : i32
        %get3A_1366 = arith.index_cast %get3A_1365 : i32 to index
        %get3A_1367 = arith.index_cast %add3A_1364 : i32 to index
        %get3A_1368 = arith.constant 32 : index
        %get3A_1369 = tpu.vector_load %arg9[%get3A_1366, %get3A_1367, %get3A_1368] {strides = array<i32>} : memref<2x640x64xf32, #tpu.memory_space<vmem>>, vector<1x1x16xf32>,
        %get3A_1370 = vector.shape_cast %get3A_1369 : vector<1x1x16xf32> to vector<16xf32>
        %add3A_1371 = arith.addf %add3A_1362, %get3A_1370 : vector<16xf32>
        %add3A_1372 = arith.constant 18 : i32
        %add3A_1373 = arith.addi %mul3A_560, %add3A_1372 : i32
        %get3A_1374 = arith.constant 0 : i32
        %get3A_1375 = arith.index_cast %get3A_1374 : i32 to index
        %get3A_1376 = arith.index_cast %add3A_1373 : i32 to index
        %get3A_1377 = arith.constant 32 : index
        %get3A_1378 = tpu.vector_load %arg9[%get3A_1375, %get3A_1376, %get3A_1377] {strides = array<i32>} : memref<2x640x64xf32, #tpu.memory_space<vmem>>, vector<1x1x16xf32>,
        %get3A_1379 = vector.shape_cast %get3A_1378 : vector<1x1x16xf32> to vector<16xf32>
        %add3A_1380 = arith.addf %add3A_1371, %get3A_1379 : vector<16xf32>
        %add3A_1381 = arith.constant 19 : i32
        %add3A_1382 = arith.addi %mul3A_560, %add3A_1381 : i32
        %get3A_1383 = arith.constant 0 : i32
        %get3A_1384 = arith.index_cast %get3A_1383 : i32 to index
        %get3A_1385 = arith.index_cast %add3A_1382 : i32 to index
        %get3A_1386 = arith.constant 32 : index
        %get3A_1387 = tpu.vector_load %arg9[%get3A_1384, %get3A_1385, %get3A_1386] {strides = array<i32>} : memref<2x640x64xf32, #tpu.memory_space<vmem>>, vector<1x1x16xf32>,
        %get3A_1388 = vector.shape_cast %get3A_1387 : vector<1x1x16xf32> to vector<16xf32>
        %add3A_1389 = arith.addf %add3A_1380, %get3A_1388 : vector<16xf32>
        %mul3A_1390 = vector.broadcast %convert_element_type3A_693 : f32 to vector<16xf32>
        %mul3A_1391 = arith.mulf %get3A_1218, %mul3A_1390 : vector<16xf32>
        %swap3A_1392 = arith.constant 0 : i32
        %swap3A_1393 = arith.index_cast %swap3A_1392 : i32 to index
        %swap3A_1394 = arith.index_cast %scan3A_558 : i32 to index
        %swap3A_1395 = arith.constant 32 : index
        %swap3A_1396 = tpu.vector_load %arg12[%swap3A_1393, %swap3A_1394, %swap3A_1395] {strides = array<i32>} : memref<2x32x128xf32, #tpu.memory_space<vmem>>, vector<1x1x16xf32>,
        %swap3A_1397 = vector.shape_cast %swap3A_1396 : vector<1x1x16xf32> to vector<16xf32>
        %swap3A_1398 = vector.shape_cast %mul3A_1391 : vector<16xf32> to vector<1x1x16xf32>
        tpu.vector_store %arg12[%swap3A_1393, %swap3A_1394, %swap3A_1395], %swap3A_1398 {strides = array<i32>} : memref<2x32x128xf32, #tpu.memory_space<vmem>>, vector<1x1x16xf32>,
        %mul3A_1399 = vector.broadcast %convert_element_type3A_687 : f32 to vector<16xf32>
        %mul3A_1400 = arith.mulf %mul3A_1399, %get3A_16 : vector<16xf32>
        %sub3A_1401 = arith.subf %add3A_1389, %mul3A_1400 : vector<16xf32>
        %swap3A_1402 = arith.constant 0 : i32
        %swap3A_1403 = arith.index_cast %swap3A_1402 : i32 to index
        %swap3A_1404 = arith.index_cast %scan3A_558 : i32 to index
        %swap3A_1405 = arith.constant 96 : index
        %swap3A_1406 = tpu.vector_load %arg12[%swap3A_1403, %swap3A_1404, %swap3A_1405] {strides = array<i32>} : memref<2x32x128xf32, #tpu.memory_space<vmem>>, vector<1x1x16xf32>,
        %swap3A_1407 = vector.shape_cast %swap3A_1406 : vector<1x1x16xf32> to vector<16xf32>
        %swap3A_1408 = vector.shape_cast %sub3A_1401 : vector<16xf32> to vector<1x1x16xf32>
        tpu.vector_store %arg12[%swap3A_1403, %swap3A_1404, %swap3A_1405], %swap3A_1408 {strides = array<i32>} : memref<2x32x128xf32, #tpu.memory_space<vmem>>, vector<1x1x16xf32>,
        %get3A_1409 = arith.constant 0 : i32
        %get3A_1410 = arith.index_cast %get3A_1409 : i32 to index
        %get3A_1411 = arith.index_cast %scan3A_558 : i32 to index
        %get3A_1412 = arith.constant 32 : index
        %get3A_1413 = tpu.vector_load %arg11[%get3A_1410, %get3A_1411, %get3A_1412] {strides = array<i32>} : memref<2x32x64xf32, #tpu.memory_space<vmem>>, vector<1x1x16xf32>,
        %get3A_1414 = vector.shape_cast %get3A_1413 : vector<1x1x16xf32> to vector<16xf32>
        %mul3A_1415 = vector.broadcast %convert_element_type3A_703 : f32 to vector<16xf32>
        %mul3A_1416 = arith.mulf %get3A_1414, %mul3A_1415 : vector<16xf32>
        %jit3A_1417 = arith.constant 2 : i32
        %div3A_1418 = arith.divsi %scan3A_558, %jit3A_1417 : i32
        %sign3A_1419 = arith.constant 0 : i32
        %sign3A_1420 = arith.cmpi sgt, %scan3A_558, %sign3A_1419 : i32
        %sign3A_1421 = arith.extui %sign3A_1420 : i1 to i32
        %sign3A_1422 = arith.constant 0 : i32
        %sign3A_1423 = arith.cmpi slt, %scan3A_558, %sign3A_1422 : i32
        %sign3A_1424 = arith.extui %sign3A_1423 : i1 to i32
        %sign3A_1425 = arith.subi %sign3A_1421, %sign3A_1424 : i32
        %sign3A_1426 = arith.constant 0 : i32
        %sign3A_1427 = arith.cmpi sgt, %jit3A_1417, %sign3A_1426 : i32
        %sign3A_1428 = arith.extui %sign3A_1427 : i1 to i32
        %sign3A_1429 = arith.constant 0 : i32
        %sign3A_1430 = arith.cmpi slt, %jit3A_1417, %sign3A_1429 : i32
        %sign3A_1431 = arith.extui %sign3A_1430 : i1 to i32
        %sign3A_1432 = arith.subi %sign3A_1428, %sign3A_1431 : i32
        %ne3A_1433 = arith.cmpi ne, %sign3A_1425, %sign3A_1432 : i32
        %rem3A_1434 = arith.remsi %scan3A_558, %jit3A_1417 : i32
        %ne3A_1435 = arith.constant 0 : i32
        %ne3A_1436 = arith.cmpi ne, %rem3A_1434, %ne3A_1435 : i32
        %and3A_1437 = arith.andi %ne3A_1433, %ne3A_1436 : i1
        %sub3A_1438 = arith.constant 1 : i32
        %sub3A_1439 = arith.subi %div3A_1418, %sub3A_1438 : i32
        %select_n3A_1440 = arith.select %and3A_1437, %sub3A_1439, %div3A_1418 : i32
        %jit3A_1441 = arith.constant 2 : i32
        %eq3A_1442 = arith.constant 0 : i32
        %eq3A_1443 = arith.cmpi eq, %jit3A_1441, %eq3A_1442 : i32
        %jit3A_1444 = arith.constant 1 : i32
        %select_n3A_1445 = arith.select %eq3A_1443, %jit3A_1444, %jit3A_1441 : i32
        %rem3A_1446 = arith.remsi %scan3A_558, %select_n3A_1445 : i32
        %ne3A_1447 = arith.constant 0 : i32
        %ne3A_1448 = arith.cmpi ne, %rem3A_1446, %ne3A_1447 : i32
        %lt3A_1449 = arith.constant 0 : i32
        %lt3A_1450 = arith.cmpi slt, %rem3A_1446, %lt3A_1449 : i32
        %lt3A_1451 = arith.constant 0 : i32
        %lt3A_1452 = arith.cmpi slt, %select_n3A_1445, %lt3A_1451 : i32
        %ne3A_1453 = arith.xori %lt3A_1450, %lt3A_1452 : i1
        %and3A_1454 = arith.andi %ne3A_1453, %ne3A_1448 : i1
        %add3A_1455 = arith.addi %rem3A_1446, %select_n3A_1445 : i32
        %select_n3A_1456 = arith.select %and3A_1454, %add3A_1455, %rem3A_1446 : i32
        %mul3A_1457 = arith.constant 64 : i32
        %mul3A_1458 = arith.muli %select_n3A_1456, %mul3A_1457 : i32
        %add3A_1459 = arith.constant 32 : i32
        %add3A_1460 = arith.addi %mul3A_1458, %add3A_1459 : i32
        %swap3A_1461 = arith.constant 0 : i32
        %swap3A_1462 = arith.index_cast %swap3A_1461 : i32 to index
        %swap3A_1463 = arith.index_cast %select_n3A_1440 : i32 to index
        %swap3A_1464 = arith.index_cast %add3A_1460 : i32 to index
        %swap3A_1465 = tpu.vector_load %arg13[%swap3A_1462, %swap3A_1463, %swap3A_1464] {strides = array<i32>} : memref<2x16x128xf32, #tpu.memory_space<vmem>>, vector<1x1x16xf32>,
        %swap3A_1466 = vector.shape_cast %swap3A_1465 : vector<1x1x16xf32> to vector<16xf32>
        %swap3A_1467 = vector.shape_cast %mul3A_1416 : vector<16xf32> to vector<1x1x16xf32>
        tpu.vector_store %arg13[%swap3A_1462, %swap3A_1463, %swap3A_1464], %swap3A_1467 {strides = array<i32>} : memref<2x16x128xf32, #tpu.memory_space<vmem>>, vector<1x1x16xf32>,
        %get3A_1468 = arith.constant 0 : i32
        %get3A_1469 = arith.index_cast %get3A_1468 : i32 to index
        %get3A_1470 = arith.index_cast %mul3A_560 : i32 to index
        %get3A_1471 = arith.constant 48 : index
        %get3A_1472 = tpu.vector_load %arg9[%get3A_1469, %get3A_1470, %get3A_1471] {strides = array<i32>} : memref<2x640x64xf32, #tpu.memory_space<vmem>>, vector<1x1x16xf32>,
        %get3A_1473 = vector.shape_cast %get3A_1472 : vector<1x1x16xf32> to vector<16xf32>
        %add3A_1474 = arith.constant 1 : i32
        %add3A_1475 = arith.addi %mul3A_560, %add3A_1474 : i32
        %get3A_1476 = arith.constant 0 : i32
        %get3A_1477 = arith.index_cast %get3A_1476 : i32 to index
        %get3A_1478 = arith.index_cast %add3A_1475 : i32 to index
        %get3A_1479 = arith.constant 48 : index
        %get3A_1480 = tpu.vector_load %arg9[%get3A_1477, %get3A_1478, %get3A_1479] {strides = array<i32>} : memref<2x640x64xf32, #tpu.memory_space<vmem>>, vector<1x1x16xf32>,
        %get3A_1481 = vector.shape_cast %get3A_1480 : vector<1x1x16xf32> to vector<16xf32>
        %add3A_1482 = arith.addf %get3A_1473, %get3A_1481 : vector<16xf32>
        %add3A_1483 = arith.constant 2 : i32
        %add3A_1484 = arith.addi %mul3A_560, %add3A_1483 : i32
        %get3A_1485 = arith.constant 0 : i32
        %get3A_1486 = arith.index_cast %get3A_1485 : i32 to index
        %get3A_1487 = arith.index_cast %add3A_1484 : i32 to index
        %get3A_1488 = arith.constant 48 : index
        %get3A_1489 = tpu.vector_load %arg9[%get3A_1486, %get3A_1487, %get3A_1488] {strides = array<i32>} : memref<2x640x64xf32, #tpu.memory_space<vmem>>, vector<1x1x16xf32>,
        %get3A_1490 = vector.shape_cast %get3A_1489 : vector<1x1x16xf32> to vector<16xf32>
        %add3A_1491 = arith.addf %add3A_1482, %get3A_1490 : vector<16xf32>
        %add3A_1492 = arith.constant 3 : i32
        %add3A_1493 = arith.addi %mul3A_560, %add3A_1492 : i32
        %get3A_1494 = arith.constant 0 : i32
        %get3A_1495 = arith.index_cast %get3A_1494 : i32 to index
        %get3A_1496 = arith.index_cast %add3A_1493 : i32 to index
        %get3A_1497 = arith.constant 48 : index
        %get3A_1498 = tpu.vector_load %arg9[%get3A_1495, %get3A_1496, %get3A_1497] {strides = array<i32>} : memref<2x640x64xf32, #tpu.memory_space<vmem>>, vector<1x1x16xf32>,
        %get3A_1499 = vector.shape_cast %get3A_1498 : vector<1x1x16xf32> to vector<16xf32>
        %add3A_1500 = arith.addf %add3A_1491, %get3A_1499 : vector<16xf32>
        %add3A_1501 = arith.constant 4 : i32
        %add3A_1502 = arith.addi %mul3A_560, %add3A_1501 : i32
        %get3A_1503 = arith.constant 0 : i32
        %get3A_1504 = arith.index_cast %get3A_1503 : i32 to index
        %get3A_1505 = arith.index_cast %add3A_1502 : i32 to index
        %get3A_1506 = arith.constant 48 : index
        %get3A_1507 = tpu.vector_load %arg9[%get3A_1504, %get3A_1505, %get3A_1506] {strides = array<i32>} : memref<2x640x64xf32, #tpu.memory_space<vmem>>, vector<1x1x16xf32>,
        %get3A_1508 = vector.shape_cast %get3A_1507 : vector<1x1x16xf32> to vector<16xf32>
        %add3A_1509 = arith.addf %add3A_1500, %get3A_1508 : vector<16xf32>
        %add3A_1510 = arith.constant 5 : i32
        %add3A_1511 = arith.addi %mul3A_560, %add3A_1510 : i32
        %get3A_1512 = arith.constant 0 : i32
        %get3A_1513 = arith.index_cast %get3A_1512 : i32 to index
        %get3A_1514 = arith.index_cast %add3A_1511 : i32 to index
        %get3A_1515 = arith.constant 48 : index
        %get3A_1516 = tpu.vector_load %arg9[%get3A_1513, %get3A_1514, %get3A_1515] {strides = array<i32>} : memref<2x640x64xf32, #tpu.memory_space<vmem>>, vector<1x1x16xf32>,
        %get3A_1517 = vector.shape_cast %get3A_1516 : vector<1x1x16xf32> to vector<16xf32>
        %add3A_1518 = arith.addf %add3A_1509, %get3A_1517 : vector<16xf32>
        %add3A_1519 = arith.constant 6 : i32
        %add3A_1520 = arith.addi %mul3A_560, %add3A_1519 : i32
        %get3A_1521 = arith.constant 0 : i32
        %get3A_1522 = arith.index_cast %get3A_1521 : i32 to index
        %get3A_1523 = arith.index_cast %add3A_1520 : i32 to index
        %get3A_1524 = arith.constant 48 : index
        %get3A_1525 = tpu.vector_load %arg9[%get3A_1522, %get3A_1523, %get3A_1524] {strides = array<i32>} : memref<2x640x64xf32, #tpu.memory_space<vmem>>, vector<1x1x16xf32>,
        %get3A_1526 = vector.shape_cast %get3A_1525 : vector<1x1x16xf32> to vector<16xf32>
        %add3A_1527 = arith.addf %add3A_1518, %get3A_1526 : vector<16xf32>
        %add3A_1528 = arith.constant 7 : i32
        %add3A_1529 = arith.addi %mul3A_560, %add3A_1528 : i32
        %get3A_1530 = arith.constant 0 : i32
        %get3A_1531 = arith.index_cast %get3A_1530 : i32 to index
        %get3A_1532 = arith.index_cast %add3A_1529 : i32 to index
        %get3A_1533 = arith.constant 48 : index
        %get3A_1534 = tpu.vector_load %arg9[%get3A_1531, %get3A_1532, %get3A_1533] {strides = array<i32>} : memref<2x640x64xf32, #tpu.memory_space<vmem>>, vector<1x1x16xf32>,
        %get3A_1535 = vector.shape_cast %get3A_1534 : vector<1x1x16xf32> to vector<16xf32>
        %add3A_1536 = arith.addf %add3A_1527, %get3A_1535 : vector<16xf32>
        %add3A_1537 = arith.constant 8 : i32
        %add3A_1538 = arith.addi %mul3A_560, %add3A_1537 : i32
        %get3A_1539 = arith.constant 0 : i32
        %get3A_1540 = arith.index_cast %get3A_1539 : i32 to index
        %get3A_1541 = arith.index_cast %add3A_1538 : i32 to index
        %get3A_1542 = arith.constant 48 : index
        %get3A_1543 = tpu.vector_load %arg9[%get3A_1540, %get3A_1541, %get3A_1542] {strides = array<i32>} : memref<2x640x64xf32, #tpu.memory_space<vmem>>, vector<1x1x16xf32>,
        %get3A_1544 = vector.shape_cast %get3A_1543 : vector<1x1x16xf32> to vector<16xf32>
        %add3A_1545 = arith.addf %add3A_1536, %get3A_1544 : vector<16xf32>
        %add3A_1546 = arith.constant 9 : i32
        %add3A_1547 = arith.addi %mul3A_560, %add3A_1546 : i32
        %get3A_1548 = arith.constant 0 : i32
        %get3A_1549 = arith.index_cast %get3A_1548 : i32 to index
        %get3A_1550 = arith.index_cast %add3A_1547 : i32 to index
        %get3A_1551 = arith.constant 48 : index
        %get3A_1552 = tpu.vector_load %arg9[%get3A_1549, %get3A_1550, %get3A_1551] {strides = array<i32>} : memref<2x640x64xf32, #tpu.memory_space<vmem>>, vector<1x1x16xf32>,
        %get3A_1553 = vector.shape_cast %get3A_1552 : vector<1x1x16xf32> to vector<16xf32>
        %add3A_1554 = arith.addf %add3A_1545, %get3A_1553 : vector<16xf32>
        %add3A_1555 = arith.constant 10 : i32
        %add3A_1556 = arith.addi %mul3A_560, %add3A_1555 : i32
        %get3A_1557 = arith.constant 0 : i32
        %get3A_1558 = arith.index_cast %get3A_1557 : i32 to index
        %get3A_1559 = arith.index_cast %add3A_1556 : i32 to index
        %get3A_1560 = arith.constant 48 : index
        %get3A_1561 = tpu.vector_load %arg9[%get3A_1558, %get3A_1559, %get3A_1560] {strides = array<i32>} : memref<2x640x64xf32, #tpu.memory_space<vmem>>, vector<1x1x16xf32>,
        %get3A_1562 = vector.shape_cast %get3A_1561 : vector<1x1x16xf32> to vector<16xf32>
        %add3A_1563 = arith.addf %add3A_1554, %get3A_1562 : vector<16xf32>
        %add3A_1564 = arith.constant 11 : i32
        %add3A_1565 = arith.addi %mul3A_560, %add3A_1564 : i32
        %get3A_1566 = arith.constant 0 : i32
        %get3A_1567 = arith.index_cast %get3A_1566 : i32 to index
        %get3A_1568 = arith.index_cast %add3A_1565 : i32 to index
        %get3A_1569 = arith.constant 48 : index
        %get3A_1570 = tpu.vector_load %arg9[%get3A_1567, %get3A_1568, %get3A_1569] {strides = array<i32>} : memref<2x640x64xf32, #tpu.memory_space<vmem>>, vector<1x1x16xf32>,
        %get3A_1571 = vector.shape_cast %get3A_1570 : vector<1x1x16xf32> to vector<16xf32>
        %add3A_1572 = arith.addf %add3A_1563, %get3A_1571 : vector<16xf32>
        %add3A_1573 = arith.constant 12 : i32
        %add3A_1574 = arith.addi %mul3A_560, %add3A_1573 : i32
        %get3A_1575 = arith.constant 0 : i32
        %get3A_1576 = arith.index_cast %get3A_1575 : i32 to index
        %get3A_1577 = arith.index_cast %add3A_1574 : i32 to index
        %get3A_1578 = arith.constant 48 : index
        %get3A_1579 = tpu.vector_load %arg9[%get3A_1576, %get3A_1577, %get3A_1578] {strides = array<i32>} : memref<2x640x64xf32, #tpu.memory_space<vmem>>, vector<1x1x16xf32>,
        %get3A_1580 = vector.shape_cast %get3A_1579 : vector<1x1x16xf32> to vector<16xf32>
        %add3A_1581 = arith.addf %add3A_1572, %get3A_1580 : vector<16xf32>
        %add3A_1582 = arith.constant 13 : i32
        %add3A_1583 = arith.addi %mul3A_560, %add3A_1582 : i32
        %get3A_1584 = arith.constant 0 : i32
        %get3A_1585 = arith.index_cast %get3A_1584 : i32 to index
        %get3A_1586 = arith.index_cast %add3A_1583 : i32 to index
        %get3A_1587 = arith.constant 48 : index
        %get3A_1588 = tpu.vector_load %arg9[%get3A_1585, %get3A_1586, %get3A_1587] {strides = array<i32>} : memref<2x640x64xf32, #tpu.memory_space<vmem>>, vector<1x1x16xf32>,
        %get3A_1589 = vector.shape_cast %get3A_1588 : vector<1x1x16xf32> to vector<16xf32>
        %add3A_1590 = arith.addf %add3A_1581, %get3A_1589 : vector<16xf32>
        %add3A_1591 = arith.constant 14 : i32
        %add3A_1592 = arith.addi %mul3A_560, %add3A_1591 : i32
        %get3A_1593 = arith.constant 0 : i32
        %get3A_1594 = arith.index_cast %get3A_1593 : i32 to index
        %get3A_1595 = arith.index_cast %add3A_1592 : i32 to index
        %get3A_1596 = arith.constant 48 : index
        %get3A_1597 = tpu.vector_load %arg9[%get3A_1594, %get3A_1595, %get3A_1596] {strides = array<i32>} : memref<2x640x64xf32, #tpu.memory_space<vmem>>, vector<1x1x16xf32>,
        %get3A_1598 = vector.shape_cast %get3A_1597 : vector<1x1x16xf32> to vector<16xf32>
        %add3A_1599 = arith.addf %add3A_1590, %get3A_1598 : vector<16xf32>
        %add3A_1600 = arith.constant 15 : i32
        %add3A_1601 = arith.addi %mul3A_560, %add3A_1600 : i32
        %get3A_1602 = arith.constant 0 : i32
        %get3A_1603 = arith.index_cast %get3A_1602 : i32 to index
        %get3A_1604 = arith.index_cast %add3A_1601 : i32 to index
        %get3A_1605 = arith.constant 48 : index
        %get3A_1606 = tpu.vector_load %arg9[%get3A_1603, %get3A_1604, %get3A_1605] {strides = array<i32>} : memref<2x640x64xf32, #tpu.memory_space<vmem>>, vector<1x1x16xf32>,
        %get3A_1607 = vector.shape_cast %get3A_1606 : vector<1x1x16xf32> to vector<16xf32>
        %add3A_1608 = arith.addf %add3A_1599, %get3A_1607 : vector<16xf32>
        %add3A_1609 = arith.constant 16 : i32
        %add3A_1610 = arith.addi %mul3A_560, %add3A_1609 : i32
        %get3A_1611 = arith.constant 0 : i32
        %get3A_1612 = arith.index_cast %get3A_1611 : i32 to index
        %get3A_1613 = arith.index_cast %add3A_1610 : i32 to index
        %get3A_1614 = arith.constant 48 : index
        %get3A_1615 = tpu.vector_load %arg9[%get3A_1612, %get3A_1613, %get3A_1614] {strides = array<i32>} : memref<2x640x64xf32, #tpu.memory_space<vmem>>, vector<1x1x16xf32>,
        %get3A_1616 = vector.shape_cast %get3A_1615 : vector<1x1x16xf32> to vector<16xf32>
        %add3A_1617 = arith.addf %add3A_1608, %get3A_1616 : vector<16xf32>
        %add3A_1618 = arith.constant 17 : i32
        %add3A_1619 = arith.addi %mul3A_560, %add3A_1618 : i32
        %get3A_1620 = arith.constant 0 : i32
        %get3A_1621 = arith.index_cast %get3A_1620 : i32 to index
        %get3A_1622 = arith.index_cast %add3A_1619 : i32 to index
        %get3A_1623 = arith.constant 48 : index
        %get3A_1624 = tpu.vector_load %arg9[%get3A_1621, %get3A_1622, %get3A_1623] {strides = array<i32>} : memref<2x640x64xf32, #tpu.memory_space<vmem>>, vector<1x1x16xf32>,
        %get3A_1625 = vector.shape_cast %get3A_1624 : vector<1x1x16xf32> to vector<16xf32>
        %add3A_1626 = arith.addf %add3A_1617, %get3A_1625 : vector<16xf32>
        %add3A_1627 = arith.constant 18 : i32
        %add3A_1628 = arith.addi %mul3A_560, %add3A_1627 : i32
        %get3A_1629 = arith.constant 0 : i32
        %get3A_1630 = arith.index_cast %get3A_1629 : i32 to index
        %get3A_1631 = arith.index_cast %add3A_1628 : i32 to index
        %get3A_1632 = arith.constant 48 : index
        %get3A_1633 = tpu.vector_load %arg9[%get3A_1630, %get3A_1631, %get3A_1632] {strides = array<i32>} : memref<2x640x64xf32, #tpu.memory_space<vmem>>, vector<1x1x16xf32>,
        %get3A_1634 = vector.shape_cast %get3A_1633 : vector<1x1x16xf32> to vector<16xf32>
        %add3A_1635 = arith.addf %add3A_1626, %get3A_1634 : vector<16xf32>
        %add3A_1636 = arith.constant 19 : i32
        %add3A_1637 = arith.addi %mul3A_560, %add3A_1636 : i32
        %get3A_1638 = arith.constant 0 : i32
        %get3A_1639 = arith.index_cast %get3A_1638 : i32 to index
        %get3A_1640 = arith.index_cast %add3A_1637 : i32 to index
        %get3A_1641 = arith.constant 48 : index
        %get3A_1642 = tpu.vector_load %arg9[%get3A_1639, %get3A_1640, %get3A_1641] {strides = array<i32>} : memref<2x640x64xf32, #tpu.memory_space<vmem>>, vector<1x1x16xf32>,
        %get3A_1643 = vector.shape_cast %get3A_1642 : vector<1x1x16xf32> to vector<16xf32>
        %add3A_1644 = arith.addf %add3A_1635, %get3A_1643 : vector<16xf32>
        %mul3A_1645 = vector.broadcast %convert_element_type3A_693 : f32 to vector<16xf32>
        %mul3A_1646 = arith.mulf %get3A_1473, %mul3A_1645 : vector<16xf32>
        %swap3A_1647 = arith.constant 0 : i32
        %swap3A_1648 = arith.index_cast %swap3A_1647 : i32 to index
        %swap3A_1649 = arith.index_cast %scan3A_558 : i32 to index
        %swap3A_1650 = arith.constant 48 : index
        %swap3A_1651 = tpu.vector_load %arg12[%swap3A_1648, %swap3A_1649, %swap3A_1650] {strides = array<i32>} : memref<2x32x128xf32, #tpu.memory_space<vmem>>, vector<1x1x16xf32>,
        %swap3A_1652 = vector.shape_cast %swap3A_1651 : vector<1x1x16xf32> to vector<16xf32>
        %swap3A_1653 = vector.shape_cast %mul3A_1646 : vector<16xf32> to vector<1x1x16xf32>
        tpu.vector_store %arg12[%swap3A_1648, %swap3A_1649, %swap3A_1650], %swap3A_1653 {strides = array<i32>} : memref<2x32x128xf32, #tpu.memory_space<vmem>>, vector<1x1x16xf32>,
        %mul3A_1654 = vector.broadcast %convert_element_type3A_687 : f32 to vector<16xf32>
        %mul3A_1655 = arith.mulf %mul3A_1654, %get3A_21 : vector<16xf32>
        %sub3A_1656 = arith.subf %add3A_1644, %mul3A_1655 : vector<16xf32>
        %swap3A_1657 = arith.constant 0 : i32
        %swap3A_1658 = arith.index_cast %swap3A_1657 : i32 to index
        %swap3A_1659 = arith.index_cast %scan3A_558 : i32 to index
        %swap3A_1660 = arith.constant 112 : index
        %swap3A_1661 = tpu.vector_load %arg12[%swap3A_1658, %swap3A_1659, %swap3A_1660] {strides = array<i32>} : memref<2x32x128xf32, #tpu.memory_space<vmem>>, vector<1x1x16xf32>,
        %swap3A_1662 = vector.shape_cast %swap3A_1661 : vector<1x1x16xf32> to vector<16xf32>
        %swap3A_1663 = vector.shape_cast %sub3A_1656 : vector<16xf32> to vector<1x1x16xf32>
        tpu.vector_store %arg12[%swap3A_1658, %swap3A_1659, %swap3A_1660], %swap3A_1663 {strides = array<i32>} : memref<2x32x128xf32, #tpu.memory_space<vmem>>, vector<1x1x16xf32>,
        %get3A_1664 = arith.constant 0 : i32
        %get3A_1665 = arith.index_cast %get3A_1664 : i32 to index
        %get3A_1666 = arith.index_cast %scan3A_558 : i32 to index
        %get3A_1667 = arith.constant 48 : index
        %get3A_1668 = tpu.vector_load %arg11[%get3A_1665, %get3A_1666, %get3A_1667] {strides = array<i32>} : memref<2x32x64xf32, #tpu.memory_space<vmem>>, vector<1x1x16xf32>,
        %get3A_1669 = vector.shape_cast %get3A_1668 : vector<1x1x16xf32> to vector<16xf32>
        %mul3A_1670 = vector.broadcast %convert_element_type3A_703 : f32 to vector<16xf32>
        %mul3A_1671 = arith.mulf %get3A_1669, %mul3A_1670 : vector<16xf32>
        %jit3A_1672 = arith.constant 2 : i32
        %div3A_1673 = arith.divsi %scan3A_558, %jit3A_1672 : i32
        %sign3A_1674 = arith.constant 0 : i32
        %sign3A_1675 = arith.cmpi sgt, %scan3A_558, %sign3A_1674 : i32
        %sign3A_1676 = arith.extui %sign3A_1675 : i1 to i32
        %sign3A_1677 = arith.constant 0 : i32
        %sign3A_1678 = arith.cmpi slt, %scan3A_558, %sign3A_1677 : i32
        %sign3A_1679 = arith.extui %sign3A_1678 : i1 to i32
        %sign3A_1680 = arith.subi %sign3A_1676, %sign3A_1679 : i32
        %sign3A_1681 = arith.constant 0 : i32
        %sign3A_1682 = arith.cmpi sgt, %jit3A_1672, %sign3A_1681 : i32
        %sign3A_1683 = arith.extui %sign3A_1682 : i1 to i32
        %sign3A_1684 = arith.constant 0 : i32
        %sign3A_1685 = arith.cmpi slt, %jit3A_1672, %sign3A_1684 : i32
        %sign3A_1686 = arith.extui %sign3A_1685 : i1 to i32
        %sign3A_1687 = arith.subi %sign3A_1683, %sign3A_1686 : i32
        %ne3A_1688 = arith.cmpi ne, %sign3A_1680, %sign3A_1687 : i32
        %rem3A_1689 = arith.remsi %scan3A_558, %jit3A_1672 : i32
        %ne3A_1690 = arith.constant 0 : i32
        %ne3A_1691 = arith.cmpi ne, %rem3A_1689, %ne3A_1690 : i32
        %and3A_1692 = arith.andi %ne3A_1688, %ne3A_1691 : i1
        %sub3A_1693 = arith.constant 1 : i32
        %sub3A_1694 = arith.subi %div3A_1673, %sub3A_1693 : i32
        %select_n3A_1695 = arith.select %and3A_1692, %sub3A_1694, %div3A_1673 : i32
        %jit3A_1696 = arith.constant 2 : i32
        %eq3A_1697 = arith.constant 0 : i32
        %eq3A_1698 = arith.cmpi eq, %jit3A_1696, %eq3A_1697 : i32
        %jit3A_1699 = arith.constant 1 : i32
        %select_n3A_1700 = arith.select %eq3A_1698, %jit3A_1699, %jit3A_1696 : i32
        %rem3A_1701 = arith.remsi %scan3A_558, %select_n3A_1700 : i32
        %ne3A_1702 = arith.constant 0 : i32
        %ne3A_1703 = arith.cmpi ne, %rem3A_1701, %ne3A_1702 : i32
        %lt3A_1704 = arith.constant 0 : i32
        %lt3A_1705 = arith.cmpi slt, %rem3A_1701, %lt3A_1704 : i32
        %lt3A_1706 = arith.constant 0 : i32
        %lt3A_1707 = arith.cmpi slt, %select_n3A_1700, %lt3A_1706 : i32
        %ne3A_1708 = arith.xori %lt3A_1705, %lt3A_1707 : i1
        %and3A_1709 = arith.andi %ne3A_1708, %ne3A_1703 : i1
        %add3A_1710 = arith.addi %rem3A_1701, %select_n3A_1700 : i32
        %select_n3A_1711 = arith.select %and3A_1709, %add3A_1710, %rem3A_1701 : i32
        %mul3A_1712 = arith.constant 64 : i32
        %mul3A_1713 = arith.muli %select_n3A_1711, %mul3A_1712 : i32
        %add3A_1714 = arith.constant 48 : i32
        %add3A_1715 = arith.addi %mul3A_1713, %add3A_1714 : i32
        %swap3A_1716 = arith.constant 0 : i32
        %swap3A_1717 = arith.index_cast %swap3A_1716 : i32 to index
        %swap3A_1718 = arith.index_cast %select_n3A_1695 : i32 to index
        %swap3A_1719 = arith.index_cast %add3A_1715 : i32 to index
        %swap3A_1720 = tpu.vector_load %arg13[%swap3A_1717, %swap3A_1718, %swap3A_1719] {strides = array<i32>} : memref<2x16x128xf32, #tpu.memory_space<vmem>>, vector<1x1x16xf32>,
        %swap3A_1721 = vector.shape_cast %swap3A_1720 : vector<1x1x16xf32> to vector<16xf32>
        %swap3A_1722 = vector.shape_cast %mul3A_1671 : vector<16xf32> to vector<1x1x16xf32>
        tpu.vector_store %arg13[%swap3A_1717, %swap3A_1718, %swap3A_1719], %swap3A_1722 {strides = array<i32>} : memref<2x16x128xf32, #tpu.memory_space<vmem>>, vector<1x1x16xf32>,
      }
      %scan3A_352 = arith.constant 32 : i32
      %mul3A_353 = arith.constant 32 : i32
      %mul3A_354 = arith.muli %mul3A_261, %mul3A_353 : i32
      %add3A_355 = arith.addi %mul3A_2, %mul3A_354 : i32
      %jit3A_356 = arith.constant 2 : i32
      %div3A_357 = arith.divsi %add3A_355, %jit3A_356 : i32
      %sign3A_358 = arith.constant 0 : i32
      %sign3A_359 = arith.cmpi sgt, %add3A_355, %sign3A_358 : i32
      %sign3A_360 = arith.extui %sign3A_359 : i1 to i32
      %sign3A_361 = arith.constant 0 : i32
      %sign3A_362 = arith.cmpi slt, %add3A_355, %sign3A_361 : i32
      %sign3A_363 = arith.extui %sign3A_362 : i1 to i32
      %sign3A_364 = arith.subi %sign3A_360, %sign3A_363 : i32
      %sign3A_365 = arith.constant 0 : i32
      %sign3A_366 = arith.cmpi sgt, %jit3A_356, %sign3A_365 : i32
      %sign3A_367 = arith.extui %sign3A_366 : i1 to i32
      %sign3A_368 = arith.constant 0 : i32
      %sign3A_369 = arith.cmpi slt, %jit3A_356, %sign3A_368 : i32
      %sign3A_370 = arith.extui %sign3A_369 : i1 to i32
      %sign3A_371 = arith.subi %sign3A_367, %sign3A_370 : i32
      %ne3A_372 = arith.cmpi ne, %sign3A_364, %sign3A_371 : i32
      %rem3A_373 = arith.remsi %add3A_355, %jit3A_356 : i32
      %ne3A_374 = arith.constant 0 : i32
      %ne3A_375 = arith.cmpi ne, %rem3A_373, %ne3A_374 : i32
      %and3A_376 = arith.andi %ne3A_372, %ne3A_375 : i1
      %sub3A_377 = arith.constant 1 : i32
      %sub3A_378 = arith.subi %div3A_357, %sub3A_377 : i32
      %select_n3A_379 = arith.select %and3A_376, %sub3A_378, %div3A_357 : i32
      %dma_start3A_380 = arith.constant 0 : i32
      %dma_start3A_381 = arith.constant 0 : i32
      %dma_start3A_382 = arith.constant 0 : i32
      %dma_start3A_383 = tpu.memref_slice %arg12[%dma_start3A_380, %dma_start3A_381, %dma_start3A_382] : memref<2x32x128xf32, #tpu.memory_space<vmem>> -> memref<1x32x128xf32, #tpu.memory_space<vmem>>
      %dma_start3A_384 = tpu.memref_squeeze %dma_start3A_383 : memref<1x32x128xf32, #tpu.memory_space<vmem>> -> memref<32x128xf32, #tpu.memory_space<vmem>>
      %dma_start3A_385 = arith.constant 0 : i32
      %dma_start3A_386 = tpu.memref_slice %arg6[%add3A_355, %dma_start3A_385] : memref<51200x128xf32, #tpu.memory_space<hbm>> -> memref<32x128xf32, #tpu.memory_space<hbm>>
      %dma_start3A_387 = arith.constant 0 : i32
      %dma_start3A_388 = tpu.memref_slice %arg6[%add3A_355, %dma_start3A_387] : memref<51200x128xf32, #tpu.memory_space<hbm>> -> memref<32x128xf32, #tpu.memory_space<hbm>>
      %dma_start3A_389 = arith.constant 0 : i32
      %dma_start3A_390 = arith.constant 0 : i32
      %dma_start3A_391 = tpu.memref_slice %arg12[%dma_start3A_380, %dma_start3A_389, %dma_start3A_390] : memref<2x32x128xf32, #tpu.memory_space<vmem>> -> memref<1x32x128xf32, #tpu.memory_space<vmem>>
      %dma_start3A_392 = tpu.memref_squeeze %dma_start3A_391 : memref<1x32x128xf32, #tpu.memory_space<vmem>> -> memref<32x128xf32, #tpu.memory_space<vmem>>
      tpu.enqueue_dma source(%dma_start3A_392 : memref<32x128xf32, #tpu.memory_space<vmem>>) target(%dma_start3A_388 : memref<32x128xf32, #tpu.memory_space<hbm>>) target_semaphore(%arg18 : memref<!tpu.dma_semaphore, #tpu.memory_space<semaphore_mem>>)
      %dma_start3A_393 = arith.constant 0 : i32
      %dma_start3A_394 = arith.constant 0 : i32
      %dma_start3A_395 = arith.constant 0 : i32
      %dma_start3A_396 = tpu.memref_slice %arg13[%dma_start3A_393, %dma_start3A_394, %dma_start3A_395] : memref<2x16x128xf32, #tpu.memory_space<vmem>> -> memref<1x16x128xf32, #tpu.memory_space<vmem>>
      %dma_start3A_397 = tpu.memref_squeeze %dma_start3A_396 : memref<1x16x128xf32, #tpu.memory_space<vmem>> -> memref<16x128xf32, #tpu.memory_space<vmem>>
      %dma_start3A_398 = arith.constant 0 : i32
      %dma_start3A_399 = tpu.memref_slice %arg7[%select_n3A_379, %dma_start3A_398] : memref<25600x128xf32, #tpu.memory_space<hbm>> -> memref<16x128xf32, #tpu.memory_space<hbm>>
      %dma_start3A_400 = arith.constant 0 : i32
      %dma_start3A_401 = tpu.memref_slice %arg7[%select_n3A_379, %dma_start3A_400] : memref<25600x128xf32, #tpu.memory_space<hbm>> -> memref<16x128xf32, #tpu.memory_space<hbm>>
      %dma_start3A_402 = arith.constant 0 : i32
      %dma_start3A_403 = arith.constant 0 : i32
      %dma_start3A_404 = tpu.memref_slice %arg13[%dma_start3A_393, %dma_start3A_402, %dma_start3A_403] : memref<2x16x128xf32, #tpu.memory_space<vmem>> -> memref<1x16x128xf32, #tpu.memory_space<vmem>>
      %dma_start3A_405 = tpu.memref_squeeze %dma_start3A_404 : memref<1x16x128xf32, #tpu.memory_space<vmem>> -> memref<16x128xf32, #tpu.memory_space<vmem>>
      tpu.enqueue_dma source(%dma_start3A_405 : memref<16x128xf32, #tpu.memory_space<vmem>>) target(%dma_start3A_401 : memref<16x128xf32, #tpu.memory_space<hbm>>) target_semaphore(%arg18 : memref<!tpu.dma_semaphore, #tpu.memory_space<semaphore_mem>>)
      %mul3A_406 = arith.constant 2 : i32
      %mul3A_407 = arith.muli %mul3A_406, %scan3A_259 : i32
      %add3A_408 = arith.constant 1 : i32
      %add3A_409 = arith.addi %mul3A_407, %add3A_408 : i32
      %add3A_410 = arith.constant 1 : i32
      %add3A_411 = arith.addi %add3A_409, %add3A_410 : i32
      %lt3A_412 = arith.constant 50 : i32
      %lt3A_413 = arith.cmpi slt, %add3A_411, %lt3A_412 : i32
      %convert_element_type3A_414 = arith.extui %lt3A_413 : i1 to i32
      %cond3A_415 = arith.constant 0 : i32
      %cond3A_416 = arith.cmpi ne, %convert_element_type3A_414, %cond3A_415 : i32
      scf.if %cond3A_416 {
        %add3A_558 = arith.constant 1 : i32
        %add3A_559 = arith.addi %add3A_409, %add3A_558 : i32
        %mul3A_560 = arith.constant 32 : i32
        %mul3A_561 = arith.muli %add3A_559, %mul3A_560 : i32
        %add3A_562 = arith.addi %mul3A_2, %mul3A_561 : i32
        %rem3A_563 = arith.constant 3 : i32
        %rem3A_564 = arith.remsi %add3A_559, %rem3A_563 : i32
        %mul3A_565 = arith.constant 20 : i32
        %mul3A_566 = arith.muli %add3A_562, %mul3A_565 : i32
        %dma_wait3A_567 = arith.constant 0 : i32
        %dma_wait3A_568 = tpu.memref_slice %arg8[%rem3A_564, %dma_wait3A_567] : memref<3x640xi32, #tpu.memory_space<vmem>> -> memref<1x640xi32, #tpu.memory_space<vmem>>
        %dma_wait3A_569 = tpu.memref_squeeze %dma_wait3A_568 : memref<1x640xi32, #tpu.memory_space<vmem>> -> memref<640xi32, #tpu.memory_space<vmem>>
        %dma_wait3A_570 = tpu.memref_slice %arg2[%mul3A_566] : memref<1024000xi32, #tpu.memory_space<hbm>> -> memref<640xi32, #tpu.memory_space<hbm>>
        %dma_wait3A_571 = arith.constant 0 : i32
        %dma_wait3A_572 = tpu.memref_slice %arg8[%rem3A_564, %dma_wait3A_571] : memref<3x640xi32, #tpu.memory_space<vmem>> -> memref<1x640xi32, #tpu.memory_space<vmem>>
        %dma_wait3A_573 = tpu.memref_squeeze %dma_wait3A_572 : memref<1x640xi32, #tpu.memory_space<vmem>> -> memref<640xi32, #tpu.memory_space<vmem>>
        %dma_wait3A_574 = tpu.memref_slice %arg2[%mul3A_566] : memref<1024000xi32, #tpu.memory_space<hbm>> -> memref<640xi32, #tpu.memory_space<hbm>>
        tpu.wait_dma2 semaphore(%arg15 : memref<!tpu.dma_semaphore, #tpu.memory_space<semaphore_mem>>) src(%dma_wait3A_574 : memref<640xi32, #tpu.memory_space<hbm>>) dst(%dma_wait3A_573 : memref<640xi32, #tpu.memory_space<vmem>>)
        %dma_wait3A_575 = arith.constant 0 : i32
        %dma_wait3A_576 = tpu.memref_slice %arg10[%rem3A_564, %dma_wait3A_575] : memref<3x48xi32, #tpu.memory_space<vmem>> -> memref<1x32xi32, #tpu.memory_space<vmem>>
        %dma_wait3A_577 = tpu.memref_squeeze %dma_wait3A_576 : memref<1x32xi32, #tpu.memory_space<vmem>> -> memref<32xi32, #tpu.memory_space<vmem>>
        %dma_wait3A_578 = tpu.memref_slice %arg3[%add3A_562] : memref<51200xi32, #tpu.memory_space<hbm>> -> memref<32xi32, #tpu.memory_space<hbm>>
        %dma_wait3A_579 = arith.constant 0 : i32
        %dma_wait3A_580 = tpu.memref_slice %arg10[%rem3A_564, %dma_wait3A_579] : memref<3x48xi32, #tpu.memory_space<vmem>> -> memref<1x32xi32, #tpu.memory_space<vmem>>
        %dma_wait3A_581 = tpu.memref_squeeze %dma_wait3A_580 : memref<1x32xi32, #tpu.memory_space<vmem>> -> memref<32xi32, #tpu.memory_space<vmem>>
        %dma_wait3A_582 = tpu.memref_slice %arg3[%add3A_562] : memref<51200xi32, #tpu.memory_space<hbm>> -> memref<32xi32, #tpu.memory_space<hbm>>
        tpu.wait_dma2 semaphore(%arg15 : memref<!tpu.dma_semaphore, #tpu.memory_space<semaphore_mem>>) src(%dma_wait3A_582 : memref<32xi32, #tpu.memory_space<hbm>>) dst(%dma_wait3A_581 : memref<32xi32, #tpu.memory_space<vmem>>)
        %add3A_583 = arith.constant 1 : i32
        %add3A_584 = arith.addi %add3A_409, %add3A_583 : i32
        %rem3A_585 = arith.constant 3 : i32
        %rem3A_586 = arith.remsi %add3A_584, %rem3A_585 : i32
        %dma_start3A_587 = arith.constant 0 : i32
        %dma_start3A_588 = arith.constant 0 : i32
        %dma_start3A_589 = arith.constant 0 : i32
        %dma_start3A_590 = tpu.memref_slice %arg9[%dma_start3A_587, %dma_start3A_588, %dma_start3A_589] : memref<2x640x64xf32, #tpu.memory_space<vmem>> -> memref<1x128x64xf32, #tpu.memory_space<vmem>>
        %dma_start3A_591 = tpu.memref_squeeze %dma_start3A_590 : memref<1x128x64xf32, #tpu.memory_space<vmem>> -> memref<128x64xf32, #tpu.memory_space<vmem>>
        %dma_start3A_592 = arith.constant 0 : i32
        %dma_start3A_593 = tpu.memref_slice %arg8[%rem3A_586, %dma_start3A_592] : memref<3x640xi32, #tpu.memory_space<vmem>> -> memref<1x128xi32, #tpu.memory_space<vmem>>
        %dma_start3A_594 = tpu.memref_squeeze %dma_start3A_593 : memref<1x128xi32, #tpu.memory_space<vmem>> -> memref<128xi32, #tpu.memory_space<vmem>>
        %dma_start3A_595 = arith.constant 0 : i32
        %dma_start3A_596 = arith.constant 0 : i32
        %dma_start3A_597 = tpu.memref_slice %arg4[%dma_start3A_595, %dma_start3A_596] : memref<100001x64xf32, #tpu.memory_space<hbm>> -> memref<100001x64xf32, #tpu.memory_space<hbm>>
        tpu.enqueue_indirect_dma source(%dma_start3A_597 : memref<100001x64xf32, #tpu.memory_space<hbm>>) target(%dma_start3A_591 : memref<128x64xf32, #tpu.memory_space<vmem>>) offsets(%dma_start3A_594 : memref<128xi32, #tpu.memory_space<vmem>>) semaphore(%arg16 : memref<!tpu.dma_semaphore, #tpu.memory_space<semaphore_mem>>)
        %dma_start3A_598 = arith.constant 0 : i32
        %dma_start3A_599 = arith.constant 128 : i32
        %dma_start3A_600 = arith.constant 0 : i32
        %dma_start3A_601 = tpu.memref_slice %arg9[%dma_start3A_598, %dma_start3A_599, %dma_start3A_600] : memref<2x640x64xf32, #tpu.memory_space<vmem>> -> memref<1x128x64xf32, #tpu.memory_space<vmem>>
        %dma_start3A_602 = tpu.memref_squeeze %dma_start3A_601 : memref<1x128x64xf32, #tpu.memory_space<vmem>> -> memref<128x64xf32, #tpu.memory_space<vmem>>
        %dma_start3A_603 = arith.constant 128 : i32
        %dma_start3A_604 = tpu.memref_slice %arg8[%rem3A_586, %dma_start3A_603] : memref<3x640xi32, #tpu.memory_space<vmem>> -> memref<1x128xi32, #tpu.memory_space<vmem>>
        %dma_start3A_605 = tpu.memref_squeeze %dma_start3A_604 : memref<1x128xi32, #tpu.memory_space<vmem>> -> memref<128xi32, #tpu.memory_space<vmem>>
        %dma_start3A_606 = arith.constant 0 : i32
        %dma_start3A_607 = arith.constant 0 : i32
        %dma_start3A_608 = tpu.memref_slice %arg4[%dma_start3A_606, %dma_start3A_607] : memref<100001x64xf32, #tpu.memory_space<hbm>> -> memref<100001x64xf32, #tpu.memory_space<hbm>>
        tpu.enqueue_indirect_dma source(%dma_start3A_608 : memref<100001x64xf32, #tpu.memory_space<hbm>>) target(%dma_start3A_602 : memref<128x64xf32, #tpu.memory_space<vmem>>) offsets(%dma_start3A_605 : memref<128xi32, #tpu.memory_space<vmem>>) semaphore(%arg16 : memref<!tpu.dma_semaphore, #tpu.memory_space<semaphore_mem>>)
        %dma_start3A_609 = arith.constant 0 : i32
        %dma_start3A_610 = arith.constant 256 : i32
        %dma_start3A_611 = arith.constant 0 : i32
        %dma_start3A_612 = tpu.memref_slice %arg9[%dma_start3A_609, %dma_start3A_610, %dma_start3A_611] : memref<2x640x64xf32, #tpu.memory_space<vmem>> -> memref<1x128x64xf32, #tpu.memory_space<vmem>>
        %dma_start3A_613 = tpu.memref_squeeze %dma_start3A_612 : memref<1x128x64xf32, #tpu.memory_space<vmem>> -> memref<128x64xf32, #tpu.memory_space<vmem>>
        %dma_start3A_614 = arith.constant 256 : i32
        %dma_start3A_615 = tpu.memref_slice %arg8[%rem3A_586, %dma_start3A_614] : memref<3x640xi32, #tpu.memory_space<vmem>> -> memref<1x128xi32, #tpu.memory_space<vmem>>
        %dma_start3A_616 = tpu.memref_squeeze %dma_start3A_615 : memref<1x128xi32, #tpu.memory_space<vmem>> -> memref<128xi32, #tpu.memory_space<vmem>>
        %dma_start3A_617 = arith.constant 0 : i32
        %dma_start3A_618 = arith.constant 0 : i32
        %dma_start3A_619 = tpu.memref_slice %arg4[%dma_start3A_617, %dma_start3A_618] : memref<100001x64xf32, #tpu.memory_space<hbm>> -> memref<100001x64xf32, #tpu.memory_space<hbm>>
        tpu.enqueue_indirect_dma source(%dma_start3A_619 : memref<100001x64xf32, #tpu.memory_space<hbm>>) target(%dma_start3A_613 : memref<128x64xf32, #tpu.memory_space<vmem>>) offsets(%dma_start3A_616 : memref<128xi32, #tpu.memory_space<vmem>>) semaphore(%arg16 : memref<!tpu.dma_semaphore, #tpu.memory_space<semaphore_mem>>)
        %dma_start3A_620 = arith.constant 0 : i32
        %dma_start3A_621 = arith.constant 384 : i32
        %dma_start3A_622 = arith.constant 0 : i32
        %dma_start3A_623 = tpu.memref_slice %arg9[%dma_start3A_620, %dma_start3A_621, %dma_start3A_622] : memref<2x640x64xf32, #tpu.memory_space<vmem>> -> memref<1x128x64xf32, #tpu.memory_space<vmem>>
        %dma_start3A_624 = tpu.memref_squeeze %dma_start3A_623 : memref<1x128x64xf32, #tpu.memory_space<vmem>> -> memref<128x64xf32, #tpu.memory_space<vmem>>
        %dma_start3A_625 = arith.constant 384 : i32
        %dma_start3A_626 = tpu.memref_slice %arg8[%rem3A_586, %dma_start3A_625] : memref<3x640xi32, #tpu.memory_space<vmem>> -> memref<1x128xi32, #tpu.memory_space<vmem>>
        %dma_start3A_627 = tpu.memref_squeeze %dma_start3A_626 : memref<1x128xi32, #tpu.memory_space<vmem>> -> memref<128xi32, #tpu.memory_space<vmem>>
        %dma_start3A_628 = arith.constant 0 : i32
        %dma_start3A_629 = arith.constant 0 : i32
        %dma_start3A_630 = tpu.memref_slice %arg4[%dma_start3A_628, %dma_start3A_629] : memref<100001x64xf32, #tpu.memory_space<hbm>> -> memref<100001x64xf32, #tpu.memory_space<hbm>>
        tpu.enqueue_indirect_dma source(%dma_start3A_630 : memref<100001x64xf32, #tpu.memory_space<hbm>>) target(%dma_start3A_624 : memref<128x64xf32, #tpu.memory_space<vmem>>) offsets(%dma_start3A_627 : memref<128xi32, #tpu.memory_space<vmem>>) semaphore(%arg16 : memref<!tpu.dma_semaphore, #tpu.memory_space<semaphore_mem>>)
        %dma_start3A_631 = arith.constant 0 : i32
        %dma_start3A_632 = arith.constant 512 : i32
        %dma_start3A_633 = arith.constant 0 : i32
        %dma_start3A_634 = tpu.memref_slice %arg9[%dma_start3A_631, %dma_start3A_632, %dma_start3A_633] : memref<2x640x64xf32, #tpu.memory_space<vmem>> -> memref<1x128x64xf32, #tpu.memory_space<vmem>>
        %dma_start3A_635 = tpu.memref_squeeze %dma_start3A_634 : memref<1x128x64xf32, #tpu.memory_space<vmem>> -> memref<128x64xf32, #tpu.memory_space<vmem>>
        %dma_start3A_636 = arith.constant 512 : i32
        %dma_start3A_637 = tpu.memref_slice %arg8[%rem3A_586, %dma_start3A_636] : memref<3x640xi32, #tpu.memory_space<vmem>> -> memref<1x128xi32, #tpu.memory_space<vmem>>
        %dma_start3A_638 = tpu.memref_squeeze %dma_start3A_637 : memref<1x128xi32, #tpu.memory_space<vmem>> -> memref<128xi32, #tpu.memory_space<vmem>>
        %dma_start3A_639 = arith.constant 0 : i32
        %dma_start3A_640 = arith.constant 0 : i32
        %dma_start3A_641 = tpu.memref_slice %arg4[%dma_start3A_639, %dma_start3A_640] : memref<100001x64xf32, #tpu.memory_space<hbm>> -> memref<100001x64xf32, #tpu.memory_space<hbm>>
        tpu.enqueue_indirect_dma source(%dma_start3A_641 : memref<100001x64xf32, #tpu.memory_space<hbm>>) target(%dma_start3A_635 : memref<128x64xf32, #tpu.memory_space<vmem>>) offsets(%dma_start3A_638 : memref<128xi32, #tpu.memory_space<vmem>>) semaphore(%arg16 : memref<!tpu.dma_semaphore, #tpu.memory_space<semaphore_mem>>)
        %dma_start3A_642 = arith.constant 0 : i32
        %dma_start3A_643 = arith.constant 0 : i32
        %dma_start3A_644 = arith.constant 0 : i32
        %dma_start3A_645 = tpu.memref_slice %arg11[%dma_start3A_642, %dma_start3A_643, %dma_start3A_644] : memref<2x32x64xf32, #tpu.memory_space<vmem>> -> memref<1x32x64xf32, #tpu.memory_space<vmem>>
        %dma_start3A_646 = tpu.memref_squeeze %dma_start3A_645 : memref<1x32x64xf32, #tpu.memory_space<vmem>> -> memref<32x64xf32, #tpu.memory_space<vmem>>
        %dma_start3A_647 = arith.constant 0 : i32
        %dma_start3A_648 = tpu.memref_slice %arg10[%rem3A_586, %dma_start3A_647] : memref<3x48xi32, #tpu.memory_space<vmem>> -> memref<1x32xi32, #tpu.memory_space<vmem>>
        %dma_start3A_649 = tpu.memref_squeeze %dma_start3A_648 : memref<1x32xi32, #tpu.memory_space<vmem>> -> memref<32xi32, #tpu.memory_space<vmem>>
        %dma_start3A_650 = arith.constant 0 : i32
        %dma_start3A_651 = arith.constant 0 : i32
        %dma_start3A_652 = tpu.memref_slice %arg5[%dma_start3A_650, %dma_start3A_651] : memref<100001x64xf32, #tpu.memory_space<hbm>> -> memref<100001x64xf32, #tpu.memory_space<hbm>>
        tpu.enqueue_indirect_dma source(%dma_start3A_652 : memref<100001x64xf32, #tpu.memory_space<hbm>>) target(%dma_start3A_646 : memref<32x64xf32, #tpu.memory_space<vmem>>) offsets(%dma_start3A_649 : memref<32xi32, #tpu.memory_space<vmem>>) semaphore(%arg16 : memref<!tpu.dma_semaphore, #tpu.memory_space<semaphore_mem>>)
      } else {
      }
      %rem3A_417 = arith.constant 3 : i32
      %rem3A_418 = arith.remsi %add3A_409, %rem3A_417 : i32
      %dma_wait3A_419 = arith.constant 1 : i32
      %dma_wait3A_420 = arith.constant 0 : i32
      %dma_wait3A_421 = arith.constant 0 : i32
      %dma_wait3A_422 = tpu.memref_slice %arg9[%dma_wait3A_419, %dma_wait3A_420, %dma_wait3A_421] : memref<2x640x64xf32, #tpu.memory_space<vmem>> -> memref<1x128x64xf32, #tpu.memory_space<vmem>>
      %dma_wait3A_423 = tpu.memref_squeeze %dma_wait3A_422 : memref<1x128x64xf32, #tpu.memory_space<vmem>> -> memref<128x64xf32, #tpu.memory_space<vmem>>
      %dma_wait3A_424 = arith.constant 0 : i32
      %dma_wait3A_425 = tpu.memref_slice %arg8[%rem3A_418, %dma_wait3A_424] : memref<3x640xi32, #tpu.memory_space<vmem>> -> memref<1x128xi32, #tpu.memory_space<vmem>>
      %dma_wait3A_426 = tpu.memref_squeeze %dma_wait3A_425 : memref<1x128xi32, #tpu.memory_space<vmem>> -> memref<128xi32, #tpu.memory_space<vmem>>
      %dma_wait3A_427 = arith.constant 0 : i32
      %dma_wait3A_428 = arith.constant 0 : i32
      %dma_wait3A_429 = tpu.memref_slice %arg4[%dma_wait3A_427, %dma_wait3A_428] : memref<100001x64xf32, #tpu.memory_space<hbm>> -> memref<100001x64xf32, #tpu.memory_space<hbm>>
      tpu.wait_indirect_dma semaphore(%arg17 : memref<!tpu.dma_semaphore, #tpu.memory_space<semaphore_mem>>) src(%dma_wait3A_429 : memref<100001x64xf32, #tpu.memory_space<hbm>>) dst(%dma_wait3A_423 : memref<128x64xf32, #tpu.memory_space<vmem>>)
      %dma_wait3A_430 = arith.constant 1 : i32
      %dma_wait3A_431 = arith.constant 128 : i32
      %dma_wait3A_432 = arith.constant 0 : i32
      %dma_wait3A_433 = tpu.memref_slice %arg9[%dma_wait3A_430, %dma_wait3A_431, %dma_wait3A_432] : memref<2x640x64xf32, #tpu.memory_space<vmem>> -> memref<1x128x64xf32, #tpu.memory_space<vmem>>
      %dma_wait3A_434 = tpu.memref_squeeze %dma_wait3A_433 : memref<1x128x64xf32, #tpu.memory_space<vmem>> -> memref<128x64xf32, #tpu.memory_space<vmem>>
      %dma_wait3A_435 = arith.constant 128 : i32
      %dma_wait3A_436 = tpu.memref_slice %arg8[%rem3A_418, %dma_wait3A_435] : memref<3x640xi32, #tpu.memory_space<vmem>> -> memref<1x128xi32, #tpu.memory_space<vmem>>
      %dma_wait3A_437 = tpu.memref_squeeze %dma_wait3A_436 : memref<1x128xi32, #tpu.memory_space<vmem>> -> memref<128xi32, #tpu.memory_space<vmem>>
      %dma_wait3A_438 = arith.constant 0 : i32
      %dma_wait3A_439 = arith.constant 0 : i32
      %dma_wait3A_440 = tpu.memref_slice %arg4[%dma_wait3A_438, %dma_wait3A_439] : memref<100001x64xf32, #tpu.memory_space<hbm>> -> memref<100001x64xf32, #tpu.memory_space<hbm>>
      tpu.wait_indirect_dma semaphore(%arg17 : memref<!tpu.dma_semaphore, #tpu.memory_space<semaphore_mem>>) src(%dma_wait3A_440 : memref<100001x64xf32, #tpu.memory_space<hbm>>) dst(%dma_wait3A_434 : memref<128x64xf32, #tpu.memory_space<vmem>>)
      %dma_wait3A_441 = arith.constant 1 : i32
      %dma_wait3A_442 = arith.constant 256 : i32
      %dma_wait3A_443 = arith.constant 0 : i32
      %dma_wait3A_444 = tpu.memref_slice %arg9[%dma_wait3A_441, %dma_wait3A_442, %dma_wait3A_443] : memref<2x640x64xf32, #tpu.memory_space<vmem>> -> memref<1x128x64xf32, #tpu.memory_space<vmem>>
      %dma_wait3A_445 = tpu.memref_squeeze %dma_wait3A_444 : memref<1x128x64xf32, #tpu.memory_space<vmem>> -> memref<128x64xf32, #tpu.memory_space<vmem>>
      %dma_wait3A_446 = arith.constant 256 : i32
      %dma_wait3A_447 = tpu.memref_slice %arg8[%rem3A_418, %dma_wait3A_446] : memref<3x640xi32, #tpu.memory_space<vmem>> -> memref<1x128xi32, #tpu.memory_space<vmem>>
      %dma_wait3A_448 = tpu.memref_squeeze %dma_wait3A_447 : memref<1x128xi32, #tpu.memory_space<vmem>> -> memref<128xi32, #tpu.memory_space<vmem>>
      %dma_wait3A_449 = arith.constant 0 : i32
      %dma_wait3A_450 = arith.constant 0 : i32
      %dma_wait3A_451 = tpu.memref_slice %arg4[%dma_wait3A_449, %dma_wait3A_450] : memref<100001x64xf32, #tpu.memory_space<hbm>> -> memref<100001x64xf32, #tpu.memory_space<hbm>>
      tpu.wait_indirect_dma semaphore(%arg17 : memref<!tpu.dma_semaphore, #tpu.memory_space<semaphore_mem>>) src(%dma_wait3A_451 : memref<100001x64xf32, #tpu.memory_space<hbm>>) dst(%dma_wait3A_445 : memref<128x64xf32, #tpu.memory_space<vmem>>)
      %dma_wait3A_452 = arith.constant 1 : i32
      %dma_wait3A_453 = arith.constant 384 : i32
      %dma_wait3A_454 = arith.constant 0 : i32
      %dma_wait3A_455 = tpu.memref_slice %arg9[%dma_wait3A_452, %dma_wait3A_453, %dma_wait3A_454] : memref<2x640x64xf32, #tpu.memory_space<vmem>> -> memref<1x128x64xf32, #tpu.memory_space<vmem>>
      %dma_wait3A_456 = tpu.memref_squeeze %dma_wait3A_455 : memref<1x128x64xf32, #tpu.memory_space<vmem>> -> memref<128x64xf32, #tpu.memory_space<vmem>>
      %dma_wait3A_457 = arith.constant 384 : i32
      %dma_wait3A_458 = tpu.memref_slice %arg8[%rem3A_418, %dma_wait3A_457] : memref<3x640xi32, #tpu.memory_space<vmem>> -> memref<1x128xi32, #tpu.memory_space<vmem>>
      %dma_wait3A_459 = tpu.memref_squeeze %dma_wait3A_458 : memref<1x128xi32, #tpu.memory_space<vmem>> -> memref<128xi32, #tpu.memory_space<vmem>>
      %dma_wait3A_460 = arith.constant 0 : i32
      %dma_wait3A_461 = arith.constant 0 : i32
      %dma_wait3A_462 = tpu.memref_slice %arg4[%dma_wait3A_460, %dma_wait3A_461] : memref<100001x64xf32, #tpu.memory_space<hbm>> -> memref<100001x64xf32, #tpu.memory_space<hbm>>
      tpu.wait_indirect_dma semaphore(%arg17 : memref<!tpu.dma_semaphore, #tpu.memory_space<semaphore_mem>>) src(%dma_wait3A_462 : memref<100001x64xf32, #tpu.memory_space<hbm>>) dst(%dma_wait3A_456 : memref<128x64xf32, #tpu.memory_space<vmem>>)
      %dma_wait3A_463 = arith.constant 1 : i32
      %dma_wait3A_464 = arith.constant 512 : i32
      %dma_wait3A_465 = arith.constant 0 : i32
      %dma_wait3A_466 = tpu.memref_slice %arg9[%dma_wait3A_463, %dma_wait3A_464, %dma_wait3A_465] : memref<2x640x64xf32, #tpu.memory_space<vmem>> -> memref<1x128x64xf32, #tpu.memory_space<vmem>>
      %dma_wait3A_467 = tpu.memref_squeeze %dma_wait3A_466 : memref<1x128x64xf32, #tpu.memory_space<vmem>> -> memref<128x64xf32, #tpu.memory_space<vmem>>
      %dma_wait3A_468 = arith.constant 512 : i32
      %dma_wait3A_469 = tpu.memref_slice %arg8[%rem3A_418, %dma_wait3A_468] : memref<3x640xi32, #tpu.memory_space<vmem>> -> memref<1x128xi32, #tpu.memory_space<vmem>>
      %dma_wait3A_470 = tpu.memref_squeeze %dma_wait3A_469 : memref<1x128xi32, #tpu.memory_space<vmem>> -> memref<128xi32, #tpu.memory_space<vmem>>
      %dma_wait3A_471 = arith.constant 0 : i32
      %dma_wait3A_472 = arith.constant 0 : i32
      %dma_wait3A_473 = tpu.memref_slice %arg4[%dma_wait3A_471, %dma_wait3A_472] : memref<100001x64xf32, #tpu.memory_space<hbm>> -> memref<100001x64xf32, #tpu.memory_space<hbm>>
      tpu.wait_indirect_dma semaphore(%arg17 : memref<!tpu.dma_semaphore, #tpu.memory_space<semaphore_mem>>) src(%dma_wait3A_473 : memref<100001x64xf32, #tpu.memory_space<hbm>>) dst(%dma_wait3A_467 : memref<128x64xf32, #tpu.memory_space<vmem>>)
      %dma_wait3A_474 = arith.constant 1 : i32
      %dma_wait3A_475 = arith.constant 0 : i32
      %dma_wait3A_476 = arith.constant 0 : i32
      %dma_wait3A_477 = tpu.memref_slice %arg11[%dma_wait3A_474, %dma_wait3A_475, %dma_wait3A_476] : memref<2x32x64xf32, #tpu.memory_space<vmem>> -> memref<1x32x64xf32, #tpu.memory_space<vmem>>
      %dma_wait3A_478 = tpu.memref_squeeze %dma_wait3A_477 : memref<1x32x64xf32, #tpu.memory_space<vmem>> -> memref<32x64xf32, #tpu.memory_space<vmem>>
      %dma_wait3A_479 = arith.constant 0 : i32
      %dma_wait3A_480 = tpu.memref_slice %arg10[%rem3A_418, %dma_wait3A_479] : memref<3x48xi32, #tpu.memory_space<vmem>> -> memref<1x32xi32, #tpu.memory_space<vmem>>
      %dma_wait3A_481 = tpu.memref_squeeze %dma_wait3A_480 : memref<1x32xi32, #tpu.memory_space<vmem>> -> memref<32xi32, #tpu.memory_space<vmem>>
      %dma_wait3A_482 = arith.constant 0 : i32
      %dma_wait3A_483 = arith.constant 0 : i32
      %dma_wait3A_484 = tpu.memref_slice %arg5[%dma_wait3A_482, %dma_wait3A_483] : memref<100001x64xf32, #tpu.memory_space<hbm>> -> memref<100001x64xf32, #tpu.memory_space<hbm>>
      tpu.wait_indirect_dma semaphore(%arg17 : memref<!tpu.dma_semaphore, #tpu.memory_space<semaphore_mem>>) src(%dma_wait3A_484 : memref<100001x64xf32, #tpu.memory_space<hbm>>) dst(%dma_wait3A_478 : memref<32x64xf32, #tpu.memory_space<vmem>>)
      %add3A_485 = arith.constant 2 : i32
      %add3A_486 = arith.addi %add3A_409, %add3A_485 : i32
      %lt3A_487 = arith.constant 50 : i32
      %lt3A_488 = arith.cmpi slt, %add3A_486, %lt3A_487 : i32
      %convert_element_type3A_489 = arith.extui %lt3A_488 : i1 to i32
      %cond3A_490 = arith.constant 0 : i32
      %cond3A_491 = arith.cmpi ne, %convert_element_type3A_489, %cond3A_490 : i32
      scf.if %cond3A_491 {
        %add3A_558 = arith.constant 2 : i32
        %add3A_559 = arith.addi %add3A_409, %add3A_558 : i32
        %mul3A_560 = arith.constant 32 : i32
        %mul3A_561 = arith.muli %add3A_559, %mul3A_560 : i32
        %add3A_562 = arith.addi %mul3A_2, %mul3A_561 : i32
        %rem3A_563 = arith.constant 3 : i32
        %rem3A_564 = arith.remsi %add3A_559, %rem3A_563 : i32
        %mul3A_565 = arith.constant 20 : i32
        %mul3A_566 = arith.muli %add3A_562, %mul3A_565 : i32
        %dma_start3A_567 = arith.constant 0 : i32
        %dma_start3A_568 = tpu.memref_slice %arg8[%rem3A_564, %dma_start3A_567] : memref<3x640xi32, #tpu.memory_space<vmem>> -> memref<1x640xi32, #tpu.memory_space<vmem>>
        %dma_start3A_569 = tpu.memref_squeeze %dma_start3A_568 : memref<1x640xi32, #tpu.memory_space<vmem>> -> memref<640xi32, #tpu.memory_space<vmem>>
        %dma_start3A_570 = tpu.memref_slice %arg2[%mul3A_566] : memref<1024000xi32, #tpu.memory_space<hbm>> -> memref<640xi32, #tpu.memory_space<hbm>>
        %dma_start3A_571 = arith.constant 0 : i32
        %dma_start3A_572 = tpu.memref_slice %arg8[%rem3A_564, %dma_start3A_571] : memref<3x640xi32, #tpu.memory_space<vmem>> -> memref<1x640xi32, #tpu.memory_space<vmem>>
        %dma_start3A_573 = tpu.memref_squeeze %dma_start3A_572 : memref<1x640xi32, #tpu.memory_space<vmem>> -> memref<640xi32, #tpu.memory_space<vmem>>
        %dma_start3A_574 = tpu.memref_slice %arg2[%mul3A_566] : memref<1024000xi32, #tpu.memory_space<hbm>> -> memref<640xi32, #tpu.memory_space<hbm>>
        tpu.enqueue_dma source(%dma_start3A_574 : memref<640xi32, #tpu.memory_space<hbm>>) target(%dma_start3A_573 : memref<640xi32, #tpu.memory_space<vmem>>) target_semaphore(%arg15 : memref<!tpu.dma_semaphore, #tpu.memory_space<semaphore_mem>>)
        %dma_start3A_575 = arith.constant 0 : i32
        %dma_start3A_576 = tpu.memref_slice %arg10[%rem3A_564, %dma_start3A_575] : memref<3x48xi32, #tpu.memory_space<vmem>> -> memref<1x32xi32, #tpu.memory_space<vmem>>
        %dma_start3A_577 = tpu.memref_squeeze %dma_start3A_576 : memref<1x32xi32, #tpu.memory_space<vmem>> -> memref<32xi32, #tpu.memory_space<vmem>>
        %dma_start3A_578 = tpu.memref_slice %arg3[%add3A_562] : memref<51200xi32, #tpu.memory_space<hbm>> -> memref<32xi32, #tpu.memory_space<hbm>>
        %dma_start3A_579 = arith.constant 0 : i32
        %dma_start3A_580 = tpu.memref_slice %arg10[%rem3A_564, %dma_start3A_579] : memref<3x48xi32, #tpu.memory_space<vmem>> -> memref<1x32xi32, #tpu.memory_space<vmem>>
        %dma_start3A_581 = tpu.memref_squeeze %dma_start3A_580 : memref<1x32xi32, #tpu.memory_space<vmem>> -> memref<32xi32, #tpu.memory_space<vmem>>
        %dma_start3A_582 = tpu.memref_slice %arg3[%add3A_562] : memref<51200xi32, #tpu.memory_space<hbm>> -> memref<32xi32, #tpu.memory_space<hbm>>
        tpu.enqueue_dma source(%dma_start3A_582 : memref<32xi32, #tpu.memory_space<hbm>>) target(%dma_start3A_581 : memref<32xi32, #tpu.memory_space<vmem>>) target_semaphore(%arg15 : memref<!tpu.dma_semaphore, #tpu.memory_space<semaphore_mem>>)
      } else {
      }
      %ge3A_492 = arith.constant 2 : i32
      %ge3A_493 = arith.cmpi sge, %add3A_409, %ge3A_492 : i32
      %convert_element_type3A_494 = arith.extui %ge3A_493 : i1 to i32
      %cond3A_495 = arith.constant 0 : i32
      %cond3A_496 = arith.cmpi ne, %convert_element_type3A_494, %cond3A_495 : i32
      scf.if %cond3A_496 {
        %sub3A_558 = arith.constant 2 : i32
        %sub3A_559 = arith.subi %add3A_409, %sub3A_558 : i32
        %mul3A_560 = arith.constant 32 : i32
        %mul3A_561 = arith.muli %sub3A_559, %mul3A_560 : i32
        %add3A_562 = arith.addi %mul3A_2, %mul3A_561 : i32
        %jit3A_563 = arith.constant 2 : i32
        %div3A_564 = arith.divsi %add3A_562, %jit3A_563 : i32
        %sign3A_565 = arith.constant 0 : i32
        %sign3A_566 = arith.cmpi sgt, %add3A_562, %sign3A_565 : i32
        %sign3A_567 = arith.extui %sign3A_566 : i1 to i32
        %sign3A_568 = arith.constant 0 : i32
        %sign3A_569 = arith.cmpi slt, %add3A_562, %sign3A_568 : i32
        %sign3A_570 = arith.extui %sign3A_569 : i1 to i32
        %sign3A_571 = arith.subi %sign3A_567, %sign3A_570 : i32
        %sign3A_572 = arith.constant 0 : i32
        %sign3A_573 = arith.cmpi sgt, %jit3A_563, %sign3A_572 : i32
        %sign3A_574 = arith.extui %sign3A_573 : i1 to i32
        %sign3A_575 = arith.constant 0 : i32
        %sign3A_576 = arith.cmpi slt, %jit3A_563, %sign3A_575 : i32
        %sign3A_577 = arith.extui %sign3A_576 : i1 to i32
        %sign3A_578 = arith.subi %sign3A_574, %sign3A_577 : i32
        %ne3A_579 = arith.cmpi ne, %sign3A_571, %sign3A_578 : i32
        %rem3A_580 = arith.remsi %add3A_562, %jit3A_563 : i32
        %ne3A_581 = arith.constant 0 : i32
        %ne3A_582 = arith.cmpi ne, %rem3A_580, %ne3A_581 : i32
        %and3A_583 = arith.andi %ne3A_579, %ne3A_582 : i1
        %sub3A_584 = arith.constant 1 : i32
        %sub3A_585 = arith.subi %div3A_564, %sub3A_584 : i32
        %select_n3A_586 = arith.select %and3A_583, %sub3A_585, %div3A_564 : i32
        %dma_wait3A_587 = arith.constant 1 : i32
        %dma_wait3A_588 = arith.constant 0 : i32
        %dma_wait3A_589 = arith.constant 0 : i32
        %dma_wait3A_590 = tpu.memref_slice %arg12[%dma_wait3A_587, %dma_wait3A_588, %dma_wait3A_589] : memref<2x32x128xf32, #tpu.memory_space<vmem>> -> memref<1x32x128xf32, #tpu.memory_space<vmem>>
        %dma_wait3A_591 = tpu.memref_squeeze %dma_wait3A_590 : memref<1x32x128xf32, #tpu.memory_space<vmem>> -> memref<32x128xf32, #tpu.memory_space<vmem>>
        %dma_wait3A_592 = arith.constant 0 : i32
        %dma_wait3A_593 = tpu.memref_slice %arg6[%add3A_562, %dma_wait3A_592] : memref<51200x128xf32, #tpu.memory_space<hbm>> -> memref<32x128xf32, #tpu.memory_space<hbm>>
        %dma_wait3A_594 = arith.constant 0 : i32
        %dma_wait3A_595 = tpu.memref_slice %arg6[%add3A_562, %dma_wait3A_594] : memref<51200x128xf32, #tpu.memory_space<hbm>> -> memref<32x128xf32, #tpu.memory_space<hbm>>
        %dma_wait3A_596 = arith.constant 0 : i32
        %dma_wait3A_597 = arith.constant 0 : i32
        %dma_wait3A_598 = tpu.memref_slice %arg12[%dma_wait3A_587, %dma_wait3A_596, %dma_wait3A_597] : memref<2x32x128xf32, #tpu.memory_space<vmem>> -> memref<1x32x128xf32, #tpu.memory_space<vmem>>
        %dma_wait3A_599 = tpu.memref_squeeze %dma_wait3A_598 : memref<1x32x128xf32, #tpu.memory_space<vmem>> -> memref<32x128xf32, #tpu.memory_space<vmem>>
        tpu.wait_dma2 semaphore(%arg19 : memref<!tpu.dma_semaphore, #tpu.memory_space<semaphore_mem>>) src(%dma_wait3A_599 : memref<32x128xf32, #tpu.memory_space<vmem>>) dst(%dma_wait3A_595 : memref<32x128xf32, #tpu.memory_space<hbm>>)
        %dma_wait3A_600 = arith.constant 1 : i32
        %dma_wait3A_601 = arith.constant 0 : i32
        %dma_wait3A_602 = arith.constant 0 : i32
        %dma_wait3A_603 = tpu.memref_slice %arg13[%dma_wait3A_600, %dma_wait3A_601, %dma_wait3A_602] : memref<2x16x128xf32, #tpu.memory_space<vmem>> -> memref<1x16x128xf32, #tpu.memory_space<vmem>>
        %dma_wait3A_604 = tpu.memref_squeeze %dma_wait3A_603 : memref<1x16x128xf32, #tpu.memory_space<vmem>> -> memref<16x128xf32, #tpu.memory_space<vmem>>
        %dma_wait3A_605 = arith.constant 0 : i32
        %dma_wait3A_606 = tpu.memref_slice %arg7[%select_n3A_586, %dma_wait3A_605] : memref<25600x128xf32, #tpu.memory_space<hbm>> -> memref<16x128xf32, #tpu.memory_space<hbm>>
        %dma_wait3A_607 = arith.constant 0 : i32
        %dma_wait3A_608 = tpu.memref_slice %arg7[%select_n3A_586, %dma_wait3A_607] : memref<25600x128xf32, #tpu.memory_space<hbm>> -> memref<16x128xf32, #tpu.memory_space<hbm>>
        %dma_wait3A_609 = arith.constant 0 : i32
        %dma_wait3A_610 = arith.constant 0 : i32
        %dma_wait3A_611 = tpu.memref_slice %arg13[%dma_wait3A_600, %dma_wait3A_609, %dma_wait3A_610] : memref<2x16x128xf32, #tpu.memory_space<vmem>> -> memref<1x16x128xf32, #tpu.memory_space<vmem>>
        %dma_wait3A_612 = tpu.memref_squeeze %dma_wait3A_611 : memref<1x16x128xf32, #tpu.memory_space<vmem>> -> memref<16x128xf32, #tpu.memory_space<vmem>>
        tpu.wait_dma2 semaphore(%arg19 : memref<!tpu.dma_semaphore, #tpu.memory_space<semaphore_mem>>) src(%dma_wait3A_612 : memref<16x128xf32, #tpu.memory_space<vmem>>) dst(%dma_wait3A_608 : memref<16x128xf32, #tpu.memory_space<hbm>>)
      } else {
      }
      %rem3A_497 = arith.constant 3 : i32
      %rem3A_498 = arith.remsi %add3A_409, %rem3A_497 : i32
      %scan3A_499 = arith.constant 0 : i32
      %scan3A_500 = arith.constant 0 : i32
      %scan3A_501 = arith.constant 32 : i32
      %scan3A_502 = arith.addi %scan3A_500, %scan3A_501 : i32
      %scan3A_503 = arith.constant 1 : i32
      scf.for %scan3A_558 = %scan3A_500 to %scan3A_502 step %scan3A_503  : i32 {
        %mul3A_559 = arith.constant 20 : i32
        %mul3A_560 = arith.muli %scan3A_558, %mul3A_559 : i32
        %get3A_561 = arith.index_cast %rem3A_498 : i32 to index
        %get3A_562 = arith.index_cast %mul3A_560 : i32 to index
        %get3A_563 = tpu.vector_load %arg8[%get3A_561, %get3A_562] {strides = array<i32>} : memref<3x640xi32, #tpu.memory_space<vmem>>, vector<1x16xi32>,
        %get3A_564 = vector.shape_cast %get3A_563 : vector<1x16xi32> to vector<16xi32>
        %add3A_565 = arith.constant 4 : i32
        %add3A_566 = arith.addi %mul3A_560, %add3A_565 : i32
        %get3A_567 = arith.index_cast %rem3A_498 : i32 to index
        %get3A_568 = arith.index_cast %add3A_566 : i32 to index
        %get3A_569 = tpu.vector_load %arg8[%get3A_567, %get3A_568] {strides = array<i32>} : memref<3x640xi32, #tpu.memory_space<vmem>>, vector<1x16xi32>,
        %get3A_570 = vector.shape_cast %get3A_569 : vector<1x16xi32> to vector<16xi32>
        %slice3A = vector.extract_strided_slice %get3A_564 {offsets = [0], sizes = [1], strides = [1]} : vector<16xi32> to vector<1xi32>
        %squeeze3A = vector.extract %slice3A[0] : i32 from vector<1xi32>
        %eq3A = arith.constant 0 : i32
        %eq3A_571 = arith.cmpi eq, %squeeze3A, %eq3A : i32
        %convert_element_type3A_572 = arith.extui %eq3A_571 : i1 to i32
        %slice3A_573 = vector.extract_strided_slice %get3A_564 {offsets = [1], sizes = [1], strides = [1]} : vector<16xi32> to vector<1xi32>
        %squeeze3A_574 = vector.extract %slice3A_573[0] : i32 from vector<1xi32>
        %eq3A_575 = arith.constant 0 : i32
        %eq3A_576 = arith.cmpi eq, %squeeze3A_574, %eq3A_575 : i32
        %convert_element_type3A_577 = arith.extui %eq3A_576 : i1 to i32
        %add3A_578 = arith.addi %convert_element_type3A_572, %convert_element_type3A_577 : i32
        %slice3A_579 = vector.extract_strided_slice %get3A_564 {offsets = [2], sizes = [1], strides = [1]} : vector<16xi32> to vector<1xi32>
        %squeeze3A_580 = vector.extract %slice3A_579[0] : i32 from vector<1xi32>
        %eq3A_581 = arith.constant 0 : i32
        %eq3A_582 = arith.cmpi eq, %squeeze3A_580, %eq3A_581 : i32
        %convert_element_type3A_583 = arith.extui %eq3A_582 : i1 to i32
        %add3A_584 = arith.addi %add3A_578, %convert_element_type3A_583 : i32
        %slice3A_585 = vector.extract_strided_slice %get3A_564 {offsets = [3], sizes = [1], strides = [1]} : vector<16xi32> to vector<1xi32>
        %squeeze3A_586 = vector.extract %slice3A_585[0] : i32 from vector<1xi32>
        %eq3A_587 = arith.constant 0 : i32
        %eq3A_588 = arith.cmpi eq, %squeeze3A_586, %eq3A_587 : i32
        %convert_element_type3A_589 = arith.extui %eq3A_588 : i1 to i32
        %add3A_590 = arith.addi %add3A_584, %convert_element_type3A_589 : i32
        %slice3A_591 = vector.extract_strided_slice %get3A_564 {offsets = [4], sizes = [1], strides = [1]} : vector<16xi32> to vector<1xi32>
        %squeeze3A_592 = vector.extract %slice3A_591[0] : i32 from vector<1xi32>
        %eq3A_593 = arith.constant 0 : i32
        %eq3A_594 = arith.cmpi eq, %squeeze3A_592, %eq3A_593 : i32
        %convert_element_type3A_595 = arith.extui %eq3A_594 : i1 to i32
        %add3A_596 = arith.addi %add3A_590, %convert_element_type3A_595 : i32
        %slice3A_597 = vector.extract_strided_slice %get3A_564 {offsets = [5], sizes = [1], strides = [1]} : vector<16xi32> to vector<1xi32>
        %squeeze3A_598 = vector.extract %slice3A_597[0] : i32 from vector<1xi32>
        %eq3A_599 = arith.constant 0 : i32
        %eq3A_600 = arith.cmpi eq, %squeeze3A_598, %eq3A_599 : i32
        %convert_element_type3A_601 = arith.extui %eq3A_600 : i1 to i32
        %add3A_602 = arith.addi %add3A_596, %convert_element_type3A_601 : i32
        %slice3A_603 = vector.extract_strided_slice %get3A_564 {offsets = [6], sizes = [1], strides = [1]} : vector<16xi32> to vector<1xi32>
        %squeeze3A_604 = vector.extract %slice3A_603[0] : i32 from vector<1xi32>
        %eq3A_605 = arith.constant 0 : i32
        %eq3A_606 = arith.cmpi eq, %squeeze3A_604, %eq3A_605 : i32
        %convert_element_type3A_607 = arith.extui %eq3A_606 : i1 to i32
        %add3A_608 = arith.addi %add3A_602, %convert_element_type3A_607 : i32
        %slice3A_609 = vector.extract_strided_slice %get3A_564 {offsets = [7], sizes = [1], strides = [1]} : vector<16xi32> to vector<1xi32>
        %squeeze3A_610 = vector.extract %slice3A_609[0] : i32 from vector<1xi32>
        %eq3A_611 = arith.constant 0 : i32
        %eq3A_612 = arith.cmpi eq, %squeeze3A_610, %eq3A_611 : i32
        %convert_element_type3A_613 = arith.extui %eq3A_612 : i1 to i32
        %add3A_614 = arith.addi %add3A_608, %convert_element_type3A_613 : i32
        %slice3A_615 = vector.extract_strided_slice %get3A_564 {offsets = [8], sizes = [1], strides = [1]} : vector<16xi32> to vector<1xi32>
        %squeeze3A_616 = vector.extract %slice3A_615[0] : i32 from vector<1xi32>
        %eq3A_617 = arith.constant 0 : i32
        %eq3A_618 = arith.cmpi eq, %squeeze3A_616, %eq3A_617 : i32
        %convert_element_type3A_619 = arith.extui %eq3A_618 : i1 to i32
        %add3A_620 = arith.addi %add3A_614, %convert_element_type3A_619 : i32
        %slice3A_621 = vector.extract_strided_slice %get3A_564 {offsets = [9], sizes = [1], strides = [1]} : vector<16xi32> to vector<1xi32>
        %squeeze3A_622 = vector.extract %slice3A_621[0] : i32 from vector<1xi32>
        %eq3A_623 = arith.constant 0 : i32
        %eq3A_624 = arith.cmpi eq, %squeeze3A_622, %eq3A_623 : i32
        %convert_element_type3A_625 = arith.extui %eq3A_624 : i1 to i32
        %add3A_626 = arith.addi %add3A_620, %convert_element_type3A_625 : i32
        %slice3A_627 = vector.extract_strided_slice %get3A_564 {offsets = [10], sizes = [1], strides = [1]} : vector<16xi32> to vector<1xi32>
        %squeeze3A_628 = vector.extract %slice3A_627[0] : i32 from vector<1xi32>
        %eq3A_629 = arith.constant 0 : i32
        %eq3A_630 = arith.cmpi eq, %squeeze3A_628, %eq3A_629 : i32
        %convert_element_type3A_631 = arith.extui %eq3A_630 : i1 to i32
        %add3A_632 = arith.addi %add3A_626, %convert_element_type3A_631 : i32
        %slice3A_633 = vector.extract_strided_slice %get3A_564 {offsets = [11], sizes = [1], strides = [1]} : vector<16xi32> to vector<1xi32>
        %squeeze3A_634 = vector.extract %slice3A_633[0] : i32 from vector<1xi32>
        %eq3A_635 = arith.constant 0 : i32
        %eq3A_636 = arith.cmpi eq, %squeeze3A_634, %eq3A_635 : i32
        %convert_element_type3A_637 = arith.extui %eq3A_636 : i1 to i32
        %add3A_638 = arith.addi %add3A_632, %convert_element_type3A_637 : i32
        %slice3A_639 = vector.extract_strided_slice %get3A_564 {offsets = [12], sizes = [1], strides = [1]} : vector<16xi32> to vector<1xi32>
        %squeeze3A_640 = vector.extract %slice3A_639[0] : i32 from vector<1xi32>
        %eq3A_641 = arith.constant 0 : i32
        %eq3A_642 = arith.cmpi eq, %squeeze3A_640, %eq3A_641 : i32
        %convert_element_type3A_643 = arith.extui %eq3A_642 : i1 to i32
        %add3A_644 = arith.addi %add3A_638, %convert_element_type3A_643 : i32
        %slice3A_645 = vector.extract_strided_slice %get3A_564 {offsets = [13], sizes = [1], strides = [1]} : vector<16xi32> to vector<1xi32>
        %squeeze3A_646 = vector.extract %slice3A_645[0] : i32 from vector<1xi32>
        %eq3A_647 = arith.constant 0 : i32
        %eq3A_648 = arith.cmpi eq, %squeeze3A_646, %eq3A_647 : i32
        %convert_element_type3A_649 = arith.extui %eq3A_648 : i1 to i32
        %add3A_650 = arith.addi %add3A_644, %convert_element_type3A_649 : i32
        %slice3A_651 = vector.extract_strided_slice %get3A_564 {offsets = [14], sizes = [1], strides = [1]} : vector<16xi32> to vector<1xi32>
        %squeeze3A_652 = vector.extract %slice3A_651[0] : i32 from vector<1xi32>
        %eq3A_653 = arith.constant 0 : i32
        %eq3A_654 = arith.cmpi eq, %squeeze3A_652, %eq3A_653 : i32
        %convert_element_type3A_655 = arith.extui %eq3A_654 : i1 to i32
        %add3A_656 = arith.addi %add3A_650, %convert_element_type3A_655 : i32
        %slice3A_657 = vector.extract_strided_slice %get3A_564 {offsets = [15], sizes = [1], strides = [1]} : vector<16xi32> to vector<1xi32>
        %squeeze3A_658 = vector.extract %slice3A_657[0] : i32 from vector<1xi32>
        %eq3A_659 = arith.constant 0 : i32
        %eq3A_660 = arith.cmpi eq, %squeeze3A_658, %eq3A_659 : i32
        %convert_element_type3A_661 = arith.extui %eq3A_660 : i1 to i32
        %add3A_662 = arith.addi %add3A_656, %convert_element_type3A_661 : i32
        %slice3A_663 = vector.extract_strided_slice %get3A_570 {offsets = [12], sizes = [1], strides = [1]} : vector<16xi32> to vector<1xi32>
        %squeeze3A_664 = vector.extract %slice3A_663[0] : i32 from vector<1xi32>
        %eq3A_665 = arith.constant 0 : i32
        %eq3A_666 = arith.cmpi eq, %squeeze3A_664, %eq3A_665 : i32
        %convert_element_type3A_667 = arith.extui %eq3A_666 : i1 to i32
        %add3A_668 = arith.addi %add3A_662, %convert_element_type3A_667 : i32
        %slice3A_669 = vector.extract_strided_slice %get3A_570 {offsets = [13], sizes = [1], strides = [1]} : vector<16xi32> to vector<1xi32>
        %squeeze3A_670 = vector.extract %slice3A_669[0] : i32 from vector<1xi32>
        %eq3A_671 = arith.constant 0 : i32
        %eq3A_672 = arith.cmpi eq, %squeeze3A_670, %eq3A_671 : i32
        %convert_element_type3A_673 = arith.extui %eq3A_672 : i1 to i32
        %add3A_674 = arith.addi %add3A_668, %convert_element_type3A_673 : i32
        %slice3A_675 = vector.extract_strided_slice %get3A_570 {offsets = [14], sizes = [1], strides = [1]} : vector<16xi32> to vector<1xi32>
        %squeeze3A_676 = vector.extract %slice3A_675[0] : i32 from vector<1xi32>
        %eq3A_677 = arith.constant 0 : i32
        %eq3A_678 = arith.cmpi eq, %squeeze3A_676, %eq3A_677 : i32
        %convert_element_type3A_679 = arith.extui %eq3A_678 : i1 to i32
        %add3A_680 = arith.addi %add3A_674, %convert_element_type3A_679 : i32
        %slice3A_681 = vector.extract_strided_slice %get3A_570 {offsets = [15], sizes = [1], strides = [1]} : vector<16xi32> to vector<1xi32>
        %squeeze3A_682 = vector.extract %slice3A_681[0] : i32 from vector<1xi32>
        %eq3A_683 = arith.constant 0 : i32
        %eq3A_684 = arith.cmpi eq, %squeeze3A_682, %eq3A_683 : i32
        %convert_element_type3A_685 = arith.extui %eq3A_684 : i1 to i32
        %add3A_686 = arith.addi %add3A_680, %convert_element_type3A_685 : i32
        %convert_element_type3A_687 = arith.sitofp %add3A_686 : i32 to f32
        %slice3A_688 = vector.extract_strided_slice %get3A_564 {offsets = [0], sizes = [1], strides = [1]} : vector<16xi32> to vector<1xi32>
        %squeeze3A_689 = vector.extract %slice3A_688[0] : i32 from vector<1xi32>
        %ne3A_690 = arith.constant 0 : i32
        %ne3A_691 = arith.cmpi ne, %squeeze3A_689, %ne3A_690 : i32
        %convert_element_type3A_692 = arith.extui %ne3A_691 : i1 to i32
        %convert_element_type3A_693 = arith.sitofp %convert_element_type3A_692 : i32 to f32
        %get3A_694 = arith.index_cast %rem3A_498 : i32 to index
        %get3A_695 = arith.index_cast %scan3A_558 : i32 to index
        %get3A_696 = tpu.vector_load %arg10[%get3A_694, %get3A_695] {strides = array<i32>} : memref<3x48xi32, #tpu.memory_space<vmem>>, vector<1x16xi32>,
        %get3A_697 = vector.shape_cast %get3A_696 : vector<1x16xi32> to vector<16xi32>
        %slice3A_698 = vector.extract_strided_slice %get3A_697 {offsets = [0], sizes = [1], strides = [1]} : vector<16xi32> to vector<1xi32>
        %squeeze3A_699 = vector.extract %slice3A_698[0] : i32 from vector<1xi32>
        %ne3A_700 = arith.constant 0 : i32
        %ne3A_701 = arith.cmpi ne, %squeeze3A_699, %ne3A_700 : i32
        %convert_element_type3A_702 = arith.extui %ne3A_701 : i1 to i32
        %convert_element_type3A_703 = arith.sitofp %convert_element_type3A_702 : i32 to f32
        %get3A_704 = arith.constant 1 : i32
        %get3A_705 = arith.index_cast %get3A_704 : i32 to index
        %get3A_706 = arith.index_cast %mul3A_560 : i32 to index
        %get3A_707 = arith.constant 0 : index
        %get3A_708 = tpu.vector_load %arg9[%get3A_705, %get3A_706, %get3A_707] {strides = array<i32>} : memref<2x640x64xf32, #tpu.memory_space<vmem>>, vector<1x1x16xf32>,
        %get3A_709 = vector.shape_cast %get3A_708 : vector<1x1x16xf32> to vector<16xf32>
        %add3A_710 = arith.constant 1 : i32
        %add3A_711 = arith.addi %mul3A_560, %add3A_710 : i32
        %get3A_712 = arith.constant 1 : i32
        %get3A_713 = arith.index_cast %get3A_712 : i32 to index
        %get3A_714 = arith.index_cast %add3A_711 : i32 to index
        %get3A_715 = arith.constant 0 : index
        %get3A_716 = tpu.vector_load %arg9[%get3A_713, %get3A_714, %get3A_715] {strides = array<i32>} : memref<2x640x64xf32, #tpu.memory_space<vmem>>, vector<1x1x16xf32>,
        %get3A_717 = vector.shape_cast %get3A_716 : vector<1x1x16xf32> to vector<16xf32>
        %add3A_718 = arith.addf %get3A_709, %get3A_717 : vector<16xf32>
        %add3A_719 = arith.constant 2 : i32
        %add3A_720 = arith.addi %mul3A_560, %add3A_719 : i32
        %get3A_721 = arith.constant 1 : i32
        %get3A_722 = arith.index_cast %get3A_721 : i32 to index
        %get3A_723 = arith.index_cast %add3A_720 : i32 to index
        %get3A_724 = arith.constant 0 : index
        %get3A_725 = tpu.vector_load %arg9[%get3A_722, %get3A_723, %get3A_724] {strides = array<i32>} : memref<2x640x64xf32, #tpu.memory_space<vmem>>, vector<1x1x16xf32>,
        %get3A_726 = vector.shape_cast %get3A_725 : vector<1x1x16xf32> to vector<16xf32>
        %add3A_727 = arith.addf %add3A_718, %get3A_726 : vector<16xf32>
        %add3A_728 = arith.constant 3 : i32
        %add3A_729 = arith.addi %mul3A_560, %add3A_728 : i32
        %get3A_730 = arith.constant 1 : i32
        %get3A_731 = arith.index_cast %get3A_730 : i32 to index
        %get3A_732 = arith.index_cast %add3A_729 : i32 to index
        %get3A_733 = arith.constant 0 : index
        %get3A_734 = tpu.vector_load %arg9[%get3A_731, %get3A_732, %get3A_733] {strides = array<i32>} : memref<2x640x64xf32, #tpu.memory_space<vmem>>, vector<1x1x16xf32>,
        %get3A_735 = vector.shape_cast %get3A_734 : vector<1x1x16xf32> to vector<16xf32>
        %add3A_736 = arith.addf %add3A_727, %get3A_735 : vector<16xf32>
        %add3A_737 = arith.constant 4 : i32
        %add3A_738 = arith.addi %mul3A_560, %add3A_737 : i32
        %get3A_739 = arith.constant 1 : i32
        %get3A_740 = arith.index_cast %get3A_739 : i32 to index
        %get3A_741 = arith.index_cast %add3A_738 : i32 to index
        %get3A_742 = arith.constant 0 : index
        %get3A_743 = tpu.vector_load %arg9[%get3A_740, %get3A_741, %get3A_742] {strides = array<i32>} : memref<2x640x64xf32, #tpu.memory_space<vmem>>, vector<1x1x16xf32>,
        %get3A_744 = vector.shape_cast %get3A_743 : vector<1x1x16xf32> to vector<16xf32>
        %add3A_745 = arith.addf %add3A_736, %get3A_744 : vector<16xf32>
        %add3A_746 = arith.constant 5 : i32
        %add3A_747 = arith.addi %mul3A_560, %add3A_746 : i32
        %get3A_748 = arith.constant 1 : i32
        %get3A_749 = arith.index_cast %get3A_748 : i32 to index
        %get3A_750 = arith.index_cast %add3A_747 : i32 to index
        %get3A_751 = arith.constant 0 : index
        %get3A_752 = tpu.vector_load %arg9[%get3A_749, %get3A_750, %get3A_751] {strides = array<i32>} : memref<2x640x64xf32, #tpu.memory_space<vmem>>, vector<1x1x16xf32>,
        %get3A_753 = vector.shape_cast %get3A_752 : vector<1x1x16xf32> to vector<16xf32>
        %add3A_754 = arith.addf %add3A_745, %get3A_753 : vector<16xf32>
        %add3A_755 = arith.constant 6 : i32
        %add3A_756 = arith.addi %mul3A_560, %add3A_755 : i32
        %get3A_757 = arith.constant 1 : i32
        %get3A_758 = arith.index_cast %get3A_757 : i32 to index
        %get3A_759 = arith.index_cast %add3A_756 : i32 to index
        %get3A_760 = arith.constant 0 : index
        %get3A_761 = tpu.vector_load %arg9[%get3A_758, %get3A_759, %get3A_760] {strides = array<i32>} : memref<2x640x64xf32, #tpu.memory_space<vmem>>, vector<1x1x16xf32>,
        %get3A_762 = vector.shape_cast %get3A_761 : vector<1x1x16xf32> to vector<16xf32>
        %add3A_763 = arith.addf %add3A_754, %get3A_762 : vector<16xf32>
        %add3A_764 = arith.constant 7 : i32
        %add3A_765 = arith.addi %mul3A_560, %add3A_764 : i32
        %get3A_766 = arith.constant 1 : i32
        %get3A_767 = arith.index_cast %get3A_766 : i32 to index
        %get3A_768 = arith.index_cast %add3A_765 : i32 to index
        %get3A_769 = arith.constant 0 : index
        %get3A_770 = tpu.vector_load %arg9[%get3A_767, %get3A_768, %get3A_769] {strides = array<i32>} : memref<2x640x64xf32, #tpu.memory_space<vmem>>, vector<1x1x16xf32>,
        %get3A_771 = vector.shape_cast %get3A_770 : vector<1x1x16xf32> to vector<16xf32>
        %add3A_772 = arith.addf %add3A_763, %get3A_771 : vector<16xf32>
        %add3A_773 = arith.constant 8 : i32
        %add3A_774 = arith.addi %mul3A_560, %add3A_773 : i32
        %get3A_775 = arith.constant 1 : i32
        %get3A_776 = arith.index_cast %get3A_775 : i32 to index
        %get3A_777 = arith.index_cast %add3A_774 : i32 to index
        %get3A_778 = arith.constant 0 : index
        %get3A_779 = tpu.vector_load %arg9[%get3A_776, %get3A_777, %get3A_778] {strides = array<i32>} : memref<2x640x64xf32, #tpu.memory_space<vmem>>, vector<1x1x16xf32>,
        %get3A_780 = vector.shape_cast %get3A_779 : vector<1x1x16xf32> to vector<16xf32>
        %add3A_781 = arith.addf %add3A_772, %get3A_780 : vector<16xf32>
        %add3A_782 = arith.constant 9 : i32
        %add3A_783 = arith.addi %mul3A_560, %add3A_782 : i32
        %get3A_784 = arith.constant 1 : i32
        %get3A_785 = arith.index_cast %get3A_784 : i32 to index
        %get3A_786 = arith.index_cast %add3A_783 : i32 to index
        %get3A_787 = arith.constant 0 : index
        %get3A_788 = tpu.vector_load %arg9[%get3A_785, %get3A_786, %get3A_787] {strides = array<i32>} : memref<2x640x64xf32, #tpu.memory_space<vmem>>, vector<1x1x16xf32>,
        %get3A_789 = vector.shape_cast %get3A_788 : vector<1x1x16xf32> to vector<16xf32>
        %add3A_790 = arith.addf %add3A_781, %get3A_789 : vector<16xf32>
        %add3A_791 = arith.constant 10 : i32
        %add3A_792 = arith.addi %mul3A_560, %add3A_791 : i32
        %get3A_793 = arith.constant 1 : i32
        %get3A_794 = arith.index_cast %get3A_793 : i32 to index
        %get3A_795 = arith.index_cast %add3A_792 : i32 to index
        %get3A_796 = arith.constant 0 : index
        %get3A_797 = tpu.vector_load %arg9[%get3A_794, %get3A_795, %get3A_796] {strides = array<i32>} : memref<2x640x64xf32, #tpu.memory_space<vmem>>, vector<1x1x16xf32>,
        %get3A_798 = vector.shape_cast %get3A_797 : vector<1x1x16xf32> to vector<16xf32>
        %add3A_799 = arith.addf %add3A_790, %get3A_798 : vector<16xf32>
        %add3A_800 = arith.constant 11 : i32
        %add3A_801 = arith.addi %mul3A_560, %add3A_800 : i32
        %get3A_802 = arith.constant 1 : i32
        %get3A_803 = arith.index_cast %get3A_802 : i32 to index
        %get3A_804 = arith.index_cast %add3A_801 : i32 to index
        %get3A_805 = arith.constant 0 : index
        %get3A_806 = tpu.vector_load %arg9[%get3A_803, %get3A_804, %get3A_805] {strides = array<i32>} : memref<2x640x64xf32, #tpu.memory_space<vmem>>, vector<1x1x16xf32>,
        %get3A_807 = vector.shape_cast %get3A_806 : vector<1x1x16xf32> to vector<16xf32>
        %add3A_808 = arith.addf %add3A_799, %get3A_807 : vector<16xf32>
        %add3A_809 = arith.constant 12 : i32
        %add3A_810 = arith.addi %mul3A_560, %add3A_809 : i32
        %get3A_811 = arith.constant 1 : i32
        %get3A_812 = arith.index_cast %get3A_811 : i32 to index
        %get3A_813 = arith.index_cast %add3A_810 : i32 to index
        %get3A_814 = arith.constant 0 : index
        %get3A_815 = tpu.vector_load %arg9[%get3A_812, %get3A_813, %get3A_814] {strides = array<i32>} : memref<2x640x64xf32, #tpu.memory_space<vmem>>, vector<1x1x16xf32>,
        %get3A_816 = vector.shape_cast %get3A_815 : vector<1x1x16xf32> to vector<16xf32>
        %add3A_817 = arith.addf %add3A_808, %get3A_816 : vector<16xf32>
        %add3A_818 = arith.constant 13 : i32
        %add3A_819 = arith.addi %mul3A_560, %add3A_818 : i32
        %get3A_820 = arith.constant 1 : i32
        %get3A_821 = arith.index_cast %get3A_820 : i32 to index
        %get3A_822 = arith.index_cast %add3A_819 : i32 to index
        %get3A_823 = arith.constant 0 : index
        %get3A_824 = tpu.vector_load %arg9[%get3A_821, %get3A_822, %get3A_823] {strides = array<i32>} : memref<2x640x64xf32, #tpu.memory_space<vmem>>, vector<1x1x16xf32>,
        %get3A_825 = vector.shape_cast %get3A_824 : vector<1x1x16xf32> to vector<16xf32>
        %add3A_826 = arith.addf %add3A_817, %get3A_825 : vector<16xf32>
        %add3A_827 = arith.constant 14 : i32
        %add3A_828 = arith.addi %mul3A_560, %add3A_827 : i32
        %get3A_829 = arith.constant 1 : i32
        %get3A_830 = arith.index_cast %get3A_829 : i32 to index
        %get3A_831 = arith.index_cast %add3A_828 : i32 to index
        %get3A_832 = arith.constant 0 : index
        %get3A_833 = tpu.vector_load %arg9[%get3A_830, %get3A_831, %get3A_832] {strides = array<i32>} : memref<2x640x64xf32, #tpu.memory_space<vmem>>, vector<1x1x16xf32>,
        %get3A_834 = vector.shape_cast %get3A_833 : vector<1x1x16xf32> to vector<16xf32>
        %add3A_835 = arith.addf %add3A_826, %get3A_834 : vector<16xf32>
        %add3A_836 = arith.constant 15 : i32
        %add3A_837 = arith.addi %mul3A_560, %add3A_836 : i32
        %get3A_838 = arith.constant 1 : i32
        %get3A_839 = arith.index_cast %get3A_838 : i32 to index
        %get3A_840 = arith.index_cast %add3A_837 : i32 to index
        %get3A_841 = arith.constant 0 : index
        %get3A_842 = tpu.vector_load %arg9[%get3A_839, %get3A_840, %get3A_841] {strides = array<i32>} : memref<2x640x64xf32, #tpu.memory_space<vmem>>, vector<1x1x16xf32>,
        %get3A_843 = vector.shape_cast %get3A_842 : vector<1x1x16xf32> to vector<16xf32>
        %add3A_844 = arith.addf %add3A_835, %get3A_843 : vector<16xf32>
        %add3A_845 = arith.constant 16 : i32
        %add3A_846 = arith.addi %mul3A_560, %add3A_845 : i32
        %get3A_847 = arith.constant 1 : i32
        %get3A_848 = arith.index_cast %get3A_847 : i32 to index
        %get3A_849 = arith.index_cast %add3A_846 : i32 to index
        %get3A_850 = arith.constant 0 : index
        %get3A_851 = tpu.vector_load %arg9[%get3A_848, %get3A_849, %get3A_850] {strides = array<i32>} : memref<2x640x64xf32, #tpu.memory_space<vmem>>, vector<1x1x16xf32>,
        %get3A_852 = vector.shape_cast %get3A_851 : vector<1x1x16xf32> to vector<16xf32>
        %add3A_853 = arith.addf %add3A_844, %get3A_852 : vector<16xf32>
        %add3A_854 = arith.constant 17 : i32
        %add3A_855 = arith.addi %mul3A_560, %add3A_854 : i32
        %get3A_856 = arith.constant 1 : i32
        %get3A_857 = arith.index_cast %get3A_856 : i32 to index
        %get3A_858 = arith.index_cast %add3A_855 : i32 to index
        %get3A_859 = arith.constant 0 : index
        %get3A_860 = tpu.vector_load %arg9[%get3A_857, %get3A_858, %get3A_859] {strides = array<i32>} : memref<2x640x64xf32, #tpu.memory_space<vmem>>, vector<1x1x16xf32>,
        %get3A_861 = vector.shape_cast %get3A_860 : vector<1x1x16xf32> to vector<16xf32>
        %add3A_862 = arith.addf %add3A_853, %get3A_861 : vector<16xf32>
        %add3A_863 = arith.constant 18 : i32
        %add3A_864 = arith.addi %mul3A_560, %add3A_863 : i32
        %get3A_865 = arith.constant 1 : i32
        %get3A_866 = arith.index_cast %get3A_865 : i32 to index
        %get3A_867 = arith.index_cast %add3A_864 : i32 to index
        %get3A_868 = arith.constant 0 : index
        %get3A_869 = tpu.vector_load %arg9[%get3A_866, %get3A_867, %get3A_868] {strides = array<i32>} : memref<2x640x64xf32, #tpu.memory_space<vmem>>, vector<1x1x16xf32>,
        %get3A_870 = vector.shape_cast %get3A_869 : vector<1x1x16xf32> to vector<16xf32>
        %add3A_871 = arith.addf %add3A_862, %get3A_870 : vector<16xf32>
        %add3A_872 = arith.constant 19 : i32
        %add3A_873 = arith.addi %mul3A_560, %add3A_872 : i32
        %get3A_874 = arith.constant 1 : i32
        %get3A_875 = arith.index_cast %get3A_874 : i32 to index
        %get3A_876 = arith.index_cast %add3A_873 : i32 to index
        %get3A_877 = arith.constant 0 : index
        %get3A_878 = tpu.vector_load %arg9[%get3A_875, %get3A_876, %get3A_877] {strides = array<i32>} : memref<2x640x64xf32, #tpu.memory_space<vmem>>, vector<1x1x16xf32>,
        %get3A_879 = vector.shape_cast %get3A_878 : vector<1x1x16xf32> to vector<16xf32>
        %add3A_880 = arith.addf %add3A_871, %get3A_879 : vector<16xf32>
        %mul3A_881 = vector.broadcast %convert_element_type3A_693 : f32 to vector<16xf32>
        %mul3A_882 = arith.mulf %get3A_709, %mul3A_881 : vector<16xf32>
        %swap3A = arith.constant 1 : i32
        %swap3A_883 = arith.index_cast %swap3A : i32 to index
        %swap3A_884 = arith.index_cast %scan3A_558 : i32 to index
        %swap3A_885 = arith.constant 0 : index
        %swap3A_886 = tpu.vector_load %arg12[%swap3A_883, %swap3A_884, %swap3A_885] {strides = array<i32>} : memref<2x32x128xf32, #tpu.memory_space<vmem>>, vector<1x1x16xf32>,
        %swap3A_887 = vector.shape_cast %swap3A_886 : vector<1x1x16xf32> to vector<16xf32>
        %swap3A_888 = vector.shape_cast %mul3A_882 : vector<16xf32> to vector<1x1x16xf32>
        tpu.vector_store %arg12[%swap3A_883, %swap3A_884, %swap3A_885], %swap3A_888 {strides = array<i32>} : memref<2x32x128xf32, #tpu.memory_space<vmem>>, vector<1x1x16xf32>,
        %mul3A_889 = vector.broadcast %convert_element_type3A_687 : f32 to vector<16xf32>
        %mul3A_890 = arith.mulf %mul3A_889, %get3A_6 : vector<16xf32>
        %sub3A_891 = arith.subf %add3A_880, %mul3A_890 : vector<16xf32>
        %swap3A_892 = arith.constant 1 : i32
        %swap3A_893 = arith.index_cast %swap3A_892 : i32 to index
        %swap3A_894 = arith.index_cast %scan3A_558 : i32 to index
        %swap3A_895 = arith.constant 64 : index
        %swap3A_896 = tpu.vector_load %arg12[%swap3A_893, %swap3A_894, %swap3A_895] {strides = array<i32>} : memref<2x32x128xf32, #tpu.memory_space<vmem>>, vector<1x1x16xf32>,
        %swap3A_897 = vector.shape_cast %swap3A_896 : vector<1x1x16xf32> to vector<16xf32>
        %swap3A_898 = vector.shape_cast %sub3A_891 : vector<16xf32> to vector<1x1x16xf32>
        tpu.vector_store %arg12[%swap3A_893, %swap3A_894, %swap3A_895], %swap3A_898 {strides = array<i32>} : memref<2x32x128xf32, #tpu.memory_space<vmem>>, vector<1x1x16xf32>,
        %get3A_899 = arith.constant 1 : i32
        %get3A_900 = arith.index_cast %get3A_899 : i32 to index
        %get3A_901 = arith.index_cast %scan3A_558 : i32 to index
        %get3A_902 = arith.constant 0 : index
        %get3A_903 = tpu.vector_load %arg11[%get3A_900, %get3A_901, %get3A_902] {strides = array<i32>} : memref<2x32x64xf32, #tpu.memory_space<vmem>>, vector<1x1x16xf32>,
        %get3A_904 = vector.shape_cast %get3A_903 : vector<1x1x16xf32> to vector<16xf32>
        %mul3A_905 = vector.broadcast %convert_element_type3A_703 : f32 to vector<16xf32>
        %mul3A_906 = arith.mulf %get3A_904, %mul3A_905 : vector<16xf32>
        %jit3A_907 = arith.constant 2 : i32
        %div3A_908 = arith.divsi %scan3A_558, %jit3A_907 : i32
        %sign3A_909 = arith.constant 0 : i32
        %sign3A_910 = arith.cmpi sgt, %scan3A_558, %sign3A_909 : i32
        %sign3A_911 = arith.extui %sign3A_910 : i1 to i32
        %sign3A_912 = arith.constant 0 : i32
        %sign3A_913 = arith.cmpi slt, %scan3A_558, %sign3A_912 : i32
        %sign3A_914 = arith.extui %sign3A_913 : i1 to i32
        %sign3A_915 = arith.subi %sign3A_911, %sign3A_914 : i32
        %sign3A_916 = arith.constant 0 : i32
        %sign3A_917 = arith.cmpi sgt, %jit3A_907, %sign3A_916 : i32
        %sign3A_918 = arith.extui %sign3A_917 : i1 to i32
        %sign3A_919 = arith.constant 0 : i32
        %sign3A_920 = arith.cmpi slt, %jit3A_907, %sign3A_919 : i32
        %sign3A_921 = arith.extui %sign3A_920 : i1 to i32
        %sign3A_922 = arith.subi %sign3A_918, %sign3A_921 : i32
        %ne3A_923 = arith.cmpi ne, %sign3A_915, %sign3A_922 : i32
        %rem3A_924 = arith.remsi %scan3A_558, %jit3A_907 : i32
        %ne3A_925 = arith.constant 0 : i32
        %ne3A_926 = arith.cmpi ne, %rem3A_924, %ne3A_925 : i32
        %and3A_927 = arith.andi %ne3A_923, %ne3A_926 : i1
        %sub3A_928 = arith.constant 1 : i32
        %sub3A_929 = arith.subi %div3A_908, %sub3A_928 : i32
        %select_n3A_930 = arith.select %and3A_927, %sub3A_929, %div3A_908 : i32
        %jit3A_931 = arith.constant 2 : i32
        %eq3A_932 = arith.constant 0 : i32
        %eq3A_933 = arith.cmpi eq, %jit3A_931, %eq3A_932 : i32
        %jit3A_934 = arith.constant 1 : i32
        %select_n3A_935 = arith.select %eq3A_933, %jit3A_934, %jit3A_931 : i32
        %rem3A_936 = arith.remsi %scan3A_558, %select_n3A_935 : i32
        %ne3A_937 = arith.constant 0 : i32
        %ne3A_938 = arith.cmpi ne, %rem3A_936, %ne3A_937 : i32
        %lt3A_939 = arith.constant 0 : i32
        %lt3A_940 = arith.cmpi slt, %rem3A_936, %lt3A_939 : i32
        %lt3A_941 = arith.constant 0 : i32
        %lt3A_942 = arith.cmpi slt, %select_n3A_935, %lt3A_941 : i32
        %ne3A_943 = arith.xori %lt3A_940, %lt3A_942 : i1
        %and3A_944 = arith.andi %ne3A_943, %ne3A_938 : i1
        %add3A_945 = arith.addi %rem3A_936, %select_n3A_935 : i32
        %select_n3A_946 = arith.select %and3A_944, %add3A_945, %rem3A_936 : i32
        %mul3A_947 = arith.constant 64 : i32
        %mul3A_948 = arith.muli %select_n3A_946, %mul3A_947 : i32
        %add3A_949 = arith.constant 0 : i32
        %add3A_950 = arith.addi %mul3A_948, %add3A_949 : i32
        %swap3A_951 = arith.constant 1 : i32
        %swap3A_952 = arith.index_cast %swap3A_951 : i32 to index
        %swap3A_953 = arith.index_cast %select_n3A_930 : i32 to index
        %swap3A_954 = arith.index_cast %add3A_950 : i32 to index
        %swap3A_955 = tpu.vector_load %arg13[%swap3A_952, %swap3A_953, %swap3A_954] {strides = array<i32>} : memref<2x16x128xf32, #tpu.memory_space<vmem>>, vector<1x1x16xf32>,
        %swap3A_956 = vector.shape_cast %swap3A_955 : vector<1x1x16xf32> to vector<16xf32>
        %swap3A_957 = vector.shape_cast %mul3A_906 : vector<16xf32> to vector<1x1x16xf32>
        tpu.vector_store %arg13[%swap3A_952, %swap3A_953, %swap3A_954], %swap3A_957 {strides = array<i32>} : memref<2x16x128xf32, #tpu.memory_space<vmem>>, vector<1x1x16xf32>,
        %get3A_958 = arith.constant 1 : i32
        %get3A_959 = arith.index_cast %get3A_958 : i32 to index
        %get3A_960 = arith.index_cast %mul3A_560 : i32 to index
        %get3A_961 = arith.constant 16 : index
        %get3A_962 = tpu.vector_load %arg9[%get3A_959, %get3A_960, %get3A_961] {strides = array<i32>} : memref<2x640x64xf32, #tpu.memory_space<vmem>>, vector<1x1x16xf32>,
        %get3A_963 = vector.shape_cast %get3A_962 : vector<1x1x16xf32> to vector<16xf32>
        %add3A_964 = arith.constant 1 : i32
        %add3A_965 = arith.addi %mul3A_560, %add3A_964 : i32
        %get3A_966 = arith.constant 1 : i32
        %get3A_967 = arith.index_cast %get3A_966 : i32 to index
        %get3A_968 = arith.index_cast %add3A_965 : i32 to index
        %get3A_969 = arith.constant 16 : index
        %get3A_970 = tpu.vector_load %arg9[%get3A_967, %get3A_968, %get3A_969] {strides = array<i32>} : memref<2x640x64xf32, #tpu.memory_space<vmem>>, vector<1x1x16xf32>,
        %get3A_971 = vector.shape_cast %get3A_970 : vector<1x1x16xf32> to vector<16xf32>
        %add3A_972 = arith.addf %get3A_963, %get3A_971 : vector<16xf32>
        %add3A_973 = arith.constant 2 : i32
        %add3A_974 = arith.addi %mul3A_560, %add3A_973 : i32
        %get3A_975 = arith.constant 1 : i32
        %get3A_976 = arith.index_cast %get3A_975 : i32 to index
        %get3A_977 = arith.index_cast %add3A_974 : i32 to index
        %get3A_978 = arith.constant 16 : index
        %get3A_979 = tpu.vector_load %arg9[%get3A_976, %get3A_977, %get3A_978] {strides = array<i32>} : memref<2x640x64xf32, #tpu.memory_space<vmem>>, vector<1x1x16xf32>,
        %get3A_980 = vector.shape_cast %get3A_979 : vector<1x1x16xf32> to vector<16xf32>
        %add3A_981 = arith.addf %add3A_972, %get3A_980 : vector<16xf32>
        %add3A_982 = arith.constant 3 : i32
        %add3A_983 = arith.addi %mul3A_560, %add3A_982 : i32
        %get3A_984 = arith.constant 1 : i32
        %get3A_985 = arith.index_cast %get3A_984 : i32 to index
        %get3A_986 = arith.index_cast %add3A_983 : i32 to index
        %get3A_987 = arith.constant 16 : index
        %get3A_988 = tpu.vector_load %arg9[%get3A_985, %get3A_986, %get3A_987] {strides = array<i32>} : memref<2x640x64xf32, #tpu.memory_space<vmem>>, vector<1x1x16xf32>,
        %get3A_989 = vector.shape_cast %get3A_988 : vector<1x1x16xf32> to vector<16xf32>
        %add3A_990 = arith.addf %add3A_981, %get3A_989 : vector<16xf32>
        %add3A_991 = arith.constant 4 : i32
        %add3A_992 = arith.addi %mul3A_560, %add3A_991 : i32
        %get3A_993 = arith.constant 1 : i32
        %get3A_994 = arith.index_cast %get3A_993 : i32 to index
        %get3A_995 = arith.index_cast %add3A_992 : i32 to index
        %get3A_996 = arith.constant 16 : index
        %get3A_997 = tpu.vector_load %arg9[%get3A_994, %get3A_995, %get3A_996] {strides = array<i32>} : memref<2x640x64xf32, #tpu.memory_space<vmem>>, vector<1x1x16xf32>,
        %get3A_998 = vector.shape_cast %get3A_997 : vector<1x1x16xf32> to vector<16xf32>
        %add3A_999 = arith.addf %add3A_990, %get3A_998 : vector<16xf32>
        %add3A_1000 = arith.constant 5 : i32
        %add3A_1001 = arith.addi %mul3A_560, %add3A_1000 : i32
        %get3A_1002 = arith.constant 1 : i32
        %get3A_1003 = arith.index_cast %get3A_1002 : i32 to index
        %get3A_1004 = arith.index_cast %add3A_1001 : i32 to index
        %get3A_1005 = arith.constant 16 : index
        %get3A_1006 = tpu.vector_load %arg9[%get3A_1003, %get3A_1004, %get3A_1005] {strides = array<i32>} : memref<2x640x64xf32, #tpu.memory_space<vmem>>, vector<1x1x16xf32>,
        %get3A_1007 = vector.shape_cast %get3A_1006 : vector<1x1x16xf32> to vector<16xf32>
        %add3A_1008 = arith.addf %add3A_999, %get3A_1007 : vector<16xf32>
        %add3A_1009 = arith.constant 6 : i32
        %add3A_1010 = arith.addi %mul3A_560, %add3A_1009 : i32
        %get3A_1011 = arith.constant 1 : i32
        %get3A_1012 = arith.index_cast %get3A_1011 : i32 to index
        %get3A_1013 = arith.index_cast %add3A_1010 : i32 to index
        %get3A_1014 = arith.constant 16 : index
        %get3A_1015 = tpu.vector_load %arg9[%get3A_1012, %get3A_1013, %get3A_1014] {strides = array<i32>} : memref<2x640x64xf32, #tpu.memory_space<vmem>>, vector<1x1x16xf32>,
        %get3A_1016 = vector.shape_cast %get3A_1015 : vector<1x1x16xf32> to vector<16xf32>
        %add3A_1017 = arith.addf %add3A_1008, %get3A_1016 : vector<16xf32>
        %add3A_1018 = arith.constant 7 : i32
        %add3A_1019 = arith.addi %mul3A_560, %add3A_1018 : i32
        %get3A_1020 = arith.constant 1 : i32
        %get3A_1021 = arith.index_cast %get3A_1020 : i32 to index
        %get3A_1022 = arith.index_cast %add3A_1019 : i32 to index
        %get3A_1023 = arith.constant 16 : index
        %get3A_1024 = tpu.vector_load %arg9[%get3A_1021, %get3A_1022, %get3A_1023] {strides = array<i32>} : memref<2x640x64xf32, #tpu.memory_space<vmem>>, vector<1x1x16xf32>,
        %get3A_1025 = vector.shape_cast %get3A_1024 : vector<1x1x16xf32> to vector<16xf32>
        %add3A_1026 = arith.addf %add3A_1017, %get3A_1025 : vector<16xf32>
        %add3A_1027 = arith.constant 8 : i32
        %add3A_1028 = arith.addi %mul3A_560, %add3A_1027 : i32
        %get3A_1029 = arith.constant 1 : i32
        %get3A_1030 = arith.index_cast %get3A_1029 : i32 to index
        %get3A_1031 = arith.index_cast %add3A_1028 : i32 to index
        %get3A_1032 = arith.constant 16 : index
        %get3A_1033 = tpu.vector_load %arg9[%get3A_1030, %get3A_1031, %get3A_1032] {strides = array<i32>} : memref<2x640x64xf32, #tpu.memory_space<vmem>>, vector<1x1x16xf32>,
        %get3A_1034 = vector.shape_cast %get3A_1033 : vector<1x1x16xf32> to vector<16xf32>
        %add3A_1035 = arith.addf %add3A_1026, %get3A_1034 : vector<16xf32>
        %add3A_1036 = arith.constant 9 : i32
        %add3A_1037 = arith.addi %mul3A_560, %add3A_1036 : i32
        %get3A_1038 = arith.constant 1 : i32
        %get3A_1039 = arith.index_cast %get3A_1038 : i32 to index
        %get3A_1040 = arith.index_cast %add3A_1037 : i32 to index
        %get3A_1041 = arith.constant 16 : index
        %get3A_1042 = tpu.vector_load %arg9[%get3A_1039, %get3A_1040, %get3A_1041] {strides = array<i32>} : memref<2x640x64xf32, #tpu.memory_space<vmem>>, vector<1x1x16xf32>,
        %get3A_1043 = vector.shape_cast %get3A_1042 : vector<1x1x16xf32> to vector<16xf32>
        %add3A_1044 = arith.addf %add3A_1035, %get3A_1043 : vector<16xf32>
        %add3A_1045 = arith.constant 10 : i32
        %add3A_1046 = arith.addi %mul3A_560, %add3A_1045 : i32
        %get3A_1047 = arith.constant 1 : i32
        %get3A_1048 = arith.index_cast %get3A_1047 : i32 to index
        %get3A_1049 = arith.index_cast %add3A_1046 : i32 to index
        %get3A_1050 = arith.constant 16 : index
        %get3A_1051 = tpu.vector_load %arg9[%get3A_1048, %get3A_1049, %get3A_1050] {strides = array<i32>} : memref<2x640x64xf32, #tpu.memory_space<vmem>>, vector<1x1x16xf32>,
        %get3A_1052 = vector.shape_cast %get3A_1051 : vector<1x1x16xf32> to vector<16xf32>
        %add3A_1053 = arith.addf %add3A_1044, %get3A_1052 : vector<16xf32>
        %add3A_1054 = arith.constant 11 : i32
        %add3A_1055 = arith.addi %mul3A_560, %add3A_1054 : i32
        %get3A_1056 = arith.constant 1 : i32
        %get3A_1057 = arith.index_cast %get3A_1056 : i32 to index
        %get3A_1058 = arith.index_cast %add3A_1055 : i32 to index
        %get3A_1059 = arith.constant 16 : index
        %get3A_1060 = tpu.vector_load %arg9[%get3A_1057, %get3A_1058, %get3A_1059] {strides = array<i32>} : memref<2x640x64xf32, #tpu.memory_space<vmem>>, vector<1x1x16xf32>,
        %get3A_1061 = vector.shape_cast %get3A_1060 : vector<1x1x16xf32> to vector<16xf32>
        %add3A_1062 = arith.addf %add3A_1053, %get3A_1061 : vector<16xf32>
        %add3A_1063 = arith.constant 12 : i32
        %add3A_1064 = arith.addi %mul3A_560, %add3A_1063 : i32
        %get3A_1065 = arith.constant 1 : i32
        %get3A_1066 = arith.index_cast %get3A_1065 : i32 to index
        %get3A_1067 = arith.index_cast %add3A_1064 : i32 to index
        %get3A_1068 = arith.constant 16 : index
        %get3A_1069 = tpu.vector_load %arg9[%get3A_1066, %get3A_1067, %get3A_1068] {strides = array<i32>} : memref<2x640x64xf32, #tpu.memory_space<vmem>>, vector<1x1x16xf32>,
        %get3A_1070 = vector.shape_cast %get3A_1069 : vector<1x1x16xf32> to vector<16xf32>
        %add3A_1071 = arith.addf %add3A_1062, %get3A_1070 : vector<16xf32>
        %add3A_1072 = arith.constant 13 : i32
        %add3A_1073 = arith.addi %mul3A_560, %add3A_1072 : i32
        %get3A_1074 = arith.constant 1 : i32
        %get3A_1075 = arith.index_cast %get3A_1074 : i32 to index
        %get3A_1076 = arith.index_cast %add3A_1073 : i32 to index
        %get3A_1077 = arith.constant 16 : index
        %get3A_1078 = tpu.vector_load %arg9[%get3A_1075, %get3A_1076, %get3A_1077] {strides = array<i32>} : memref<2x640x64xf32, #tpu.memory_space<vmem>>, vector<1x1x16xf32>,
        %get3A_1079 = vector.shape_cast %get3A_1078 : vector<1x1x16xf32> to vector<16xf32>
        %add3A_1080 = arith.addf %add3A_1071, %get3A_1079 : vector<16xf32>
        %add3A_1081 = arith.constant 14 : i32
        %add3A_1082 = arith.addi %mul3A_560, %add3A_1081 : i32
        %get3A_1083 = arith.constant 1 : i32
        %get3A_1084 = arith.index_cast %get3A_1083 : i32 to index
        %get3A_1085 = arith.index_cast %add3A_1082 : i32 to index
        %get3A_1086 = arith.constant 16 : index
        %get3A_1087 = tpu.vector_load %arg9[%get3A_1084, %get3A_1085, %get3A_1086] {strides = array<i32>} : memref<2x640x64xf32, #tpu.memory_space<vmem>>, vector<1x1x16xf32>,
        %get3A_1088 = vector.shape_cast %get3A_1087 : vector<1x1x16xf32> to vector<16xf32>
        %add3A_1089 = arith.addf %add3A_1080, %get3A_1088 : vector<16xf32>
        %add3A_1090 = arith.constant 15 : i32
        %add3A_1091 = arith.addi %mul3A_560, %add3A_1090 : i32
        %get3A_1092 = arith.constant 1 : i32
        %get3A_1093 = arith.index_cast %get3A_1092 : i32 to index
        %get3A_1094 = arith.index_cast %add3A_1091 : i32 to index
        %get3A_1095 = arith.constant 16 : index
        %get3A_1096 = tpu.vector_load %arg9[%get3A_1093, %get3A_1094, %get3A_1095] {strides = array<i32>} : memref<2x640x64xf32, #tpu.memory_space<vmem>>, vector<1x1x16xf32>,
        %get3A_1097 = vector.shape_cast %get3A_1096 : vector<1x1x16xf32> to vector<16xf32>
        %add3A_1098 = arith.addf %add3A_1089, %get3A_1097 : vector<16xf32>
        %add3A_1099 = arith.constant 16 : i32
        %add3A_1100 = arith.addi %mul3A_560, %add3A_1099 : i32
        %get3A_1101 = arith.constant 1 : i32
        %get3A_1102 = arith.index_cast %get3A_1101 : i32 to index
        %get3A_1103 = arith.index_cast %add3A_1100 : i32 to index
        %get3A_1104 = arith.constant 16 : index
        %get3A_1105 = tpu.vector_load %arg9[%get3A_1102, %get3A_1103, %get3A_1104] {strides = array<i32>} : memref<2x640x64xf32, #tpu.memory_space<vmem>>, vector<1x1x16xf32>,
        %get3A_1106 = vector.shape_cast %get3A_1105 : vector<1x1x16xf32> to vector<16xf32>
        %add3A_1107 = arith.addf %add3A_1098, %get3A_1106 : vector<16xf32>
        %add3A_1108 = arith.constant 17 : i32
        %add3A_1109 = arith.addi %mul3A_560, %add3A_1108 : i32
        %get3A_1110 = arith.constant 1 : i32
        %get3A_1111 = arith.index_cast %get3A_1110 : i32 to index
        %get3A_1112 = arith.index_cast %add3A_1109 : i32 to index
        %get3A_1113 = arith.constant 16 : index
        %get3A_1114 = tpu.vector_load %arg9[%get3A_1111, %get3A_1112, %get3A_1113] {strides = array<i32>} : memref<2x640x64xf32, #tpu.memory_space<vmem>>, vector<1x1x16xf32>,
        %get3A_1115 = vector.shape_cast %get3A_1114 : vector<1x1x16xf32> to vector<16xf32>
        %add3A_1116 = arith.addf %add3A_1107, %get3A_1115 : vector<16xf32>
        %add3A_1117 = arith.constant 18 : i32
        %add3A_1118 = arith.addi %mul3A_560, %add3A_1117 : i32
        %get3A_1119 = arith.constant 1 : i32
        %get3A_1120 = arith.index_cast %get3A_1119 : i32 to index
        %get3A_1121 = arith.index_cast %add3A_1118 : i32 to index
        %get3A_1122 = arith.constant 16 : index
        %get3A_1123 = tpu.vector_load %arg9[%get3A_1120, %get3A_1121, %get3A_1122] {strides = array<i32>} : memref<2x640x64xf32, #tpu.memory_space<vmem>>, vector<1x1x16xf32>,
        %get3A_1124 = vector.shape_cast %get3A_1123 : vector<1x1x16xf32> to vector<16xf32>
        %add3A_1125 = arith.addf %add3A_1116, %get3A_1124 : vector<16xf32>
        %add3A_1126 = arith.constant 19 : i32
        %add3A_1127 = arith.addi %mul3A_560, %add3A_1126 : i32
        %get3A_1128 = arith.constant 1 : i32
        %get3A_1129 = arith.index_cast %get3A_1128 : i32 to index
        %get3A_1130 = arith.index_cast %add3A_1127 : i32 to index
        %get3A_1131 = arith.constant 16 : index
        %get3A_1132 = tpu.vector_load %arg9[%get3A_1129, %get3A_1130, %get3A_1131] {strides = array<i32>} : memref<2x640x64xf32, #tpu.memory_space<vmem>>, vector<1x1x16xf32>,
        %get3A_1133 = vector.shape_cast %get3A_1132 : vector<1x1x16xf32> to vector<16xf32>
        %add3A_1134 = arith.addf %add3A_1125, %get3A_1133 : vector<16xf32>
        %mul3A_1135 = vector.broadcast %convert_element_type3A_693 : f32 to vector<16xf32>
        %mul3A_1136 = arith.mulf %get3A_963, %mul3A_1135 : vector<16xf32>
        %swap3A_1137 = arith.constant 1 : i32
        %swap3A_1138 = arith.index_cast %swap3A_1137 : i32 to index
        %swap3A_1139 = arith.index_cast %scan3A_558 : i32 to index
        %swap3A_1140 = arith.constant 16 : index
        %swap3A_1141 = tpu.vector_load %arg12[%swap3A_1138, %swap3A_1139, %swap3A_1140] {strides = array<i32>} : memref<2x32x128xf32, #tpu.memory_space<vmem>>, vector<1x1x16xf32>,
        %swap3A_1142 = vector.shape_cast %swap3A_1141 : vector<1x1x16xf32> to vector<16xf32>
        %swap3A_1143 = vector.shape_cast %mul3A_1136 : vector<16xf32> to vector<1x1x16xf32>
        tpu.vector_store %arg12[%swap3A_1138, %swap3A_1139, %swap3A_1140], %swap3A_1143 {strides = array<i32>} : memref<2x32x128xf32, #tpu.memory_space<vmem>>, vector<1x1x16xf32>,
        %mul3A_1144 = vector.broadcast %convert_element_type3A_687 : f32 to vector<16xf32>
        %mul3A_1145 = arith.mulf %mul3A_1144, %get3A_11 : vector<16xf32>
        %sub3A_1146 = arith.subf %add3A_1134, %mul3A_1145 : vector<16xf32>
        %swap3A_1147 = arith.constant 1 : i32
        %swap3A_1148 = arith.index_cast %swap3A_1147 : i32 to index
        %swap3A_1149 = arith.index_cast %scan3A_558 : i32 to index
        %swap3A_1150 = arith.constant 80 : index
        %swap3A_1151 = tpu.vector_load %arg12[%swap3A_1148, %swap3A_1149, %swap3A_1150] {strides = array<i32>} : memref<2x32x128xf32, #tpu.memory_space<vmem>>, vector<1x1x16xf32>,
        %swap3A_1152 = vector.shape_cast %swap3A_1151 : vector<1x1x16xf32> to vector<16xf32>
        %swap3A_1153 = vector.shape_cast %sub3A_1146 : vector<16xf32> to vector<1x1x16xf32>
        tpu.vector_store %arg12[%swap3A_1148, %swap3A_1149, %swap3A_1150], %swap3A_1153 {strides = array<i32>} : memref<2x32x128xf32, #tpu.memory_space<vmem>>, vector<1x1x16xf32>,
        %get3A_1154 = arith.constant 1 : i32
        %get3A_1155 = arith.index_cast %get3A_1154 : i32 to index
        %get3A_1156 = arith.index_cast %scan3A_558 : i32 to index
        %get3A_1157 = arith.constant 16 : index
        %get3A_1158 = tpu.vector_load %arg11[%get3A_1155, %get3A_1156, %get3A_1157] {strides = array<i32>} : memref<2x32x64xf32, #tpu.memory_space<vmem>>, vector<1x1x16xf32>,
        %get3A_1159 = vector.shape_cast %get3A_1158 : vector<1x1x16xf32> to vector<16xf32>
        %mul3A_1160 = vector.broadcast %convert_element_type3A_703 : f32 to vector<16xf32>
        %mul3A_1161 = arith.mulf %get3A_1159, %mul3A_1160 : vector<16xf32>
        %jit3A_1162 = arith.constant 2 : i32
        %div3A_1163 = arith.divsi %scan3A_558, %jit3A_1162 : i32
        %sign3A_1164 = arith.constant 0 : i32
        %sign3A_1165 = arith.cmpi sgt, %scan3A_558, %sign3A_1164 : i32
        %sign3A_1166 = arith.extui %sign3A_1165 : i1 to i32
        %sign3A_1167 = arith.constant 0 : i32
        %sign3A_1168 = arith.cmpi slt, %scan3A_558, %sign3A_1167 : i32
        %sign3A_1169 = arith.extui %sign3A_1168 : i1 to i32
        %sign3A_1170 = arith.subi %sign3A_1166, %sign3A_1169 : i32
        %sign3A_1171 = arith.constant 0 : i32
        %sign3A_1172 = arith.cmpi sgt, %jit3A_1162, %sign3A_1171 : i32
        %sign3A_1173 = arith.extui %sign3A_1172 : i1 to i32
        %sign3A_1174 = arith.constant 0 : i32
        %sign3A_1175 = arith.cmpi slt, %jit3A_1162, %sign3A_1174 : i32
        %sign3A_1176 = arith.extui %sign3A_1175 : i1 to i32
        %sign3A_1177 = arith.subi %sign3A_1173, %sign3A_1176 : i32
        %ne3A_1178 = arith.cmpi ne, %sign3A_1170, %sign3A_1177 : i32
        %rem3A_1179 = arith.remsi %scan3A_558, %jit3A_1162 : i32
        %ne3A_1180 = arith.constant 0 : i32
        %ne3A_1181 = arith.cmpi ne, %rem3A_1179, %ne3A_1180 : i32
        %and3A_1182 = arith.andi %ne3A_1178, %ne3A_1181 : i1
        %sub3A_1183 = arith.constant 1 : i32
        %sub3A_1184 = arith.subi %div3A_1163, %sub3A_1183 : i32
        %select_n3A_1185 = arith.select %and3A_1182, %sub3A_1184, %div3A_1163 : i32
        %jit3A_1186 = arith.constant 2 : i32
        %eq3A_1187 = arith.constant 0 : i32
        %eq3A_1188 = arith.cmpi eq, %jit3A_1186, %eq3A_1187 : i32
        %jit3A_1189 = arith.constant 1 : i32
        %select_n3A_1190 = arith.select %eq3A_1188, %jit3A_1189, %jit3A_1186 : i32
        %rem3A_1191 = arith.remsi %scan3A_558, %select_n3A_1190 : i32
        %ne3A_1192 = arith.constant 0 : i32
        %ne3A_1193 = arith.cmpi ne, %rem3A_1191, %ne3A_1192 : i32
        %lt3A_1194 = arith.constant 0 : i32
        %lt3A_1195 = arith.cmpi slt, %rem3A_1191, %lt3A_1194 : i32
        %lt3A_1196 = arith.constant 0 : i32
        %lt3A_1197 = arith.cmpi slt, %select_n3A_1190, %lt3A_1196 : i32
        %ne3A_1198 = arith.xori %lt3A_1195, %lt3A_1197 : i1
        %and3A_1199 = arith.andi %ne3A_1198, %ne3A_1193 : i1
        %add3A_1200 = arith.addi %rem3A_1191, %select_n3A_1190 : i32
        %select_n3A_1201 = arith.select %and3A_1199, %add3A_1200, %rem3A_1191 : i32
        %mul3A_1202 = arith.constant 64 : i32
        %mul3A_1203 = arith.muli %select_n3A_1201, %mul3A_1202 : i32
        %add3A_1204 = arith.constant 16 : i32
        %add3A_1205 = arith.addi %mul3A_1203, %add3A_1204 : i32
        %swap3A_1206 = arith.constant 1 : i32
        %swap3A_1207 = arith.index_cast %swap3A_1206 : i32 to index
        %swap3A_1208 = arith.index_cast %select_n3A_1185 : i32 to index
        %swap3A_1209 = arith.index_cast %add3A_1205 : i32 to index
        %swap3A_1210 = tpu.vector_load %arg13[%swap3A_1207, %swap3A_1208, %swap3A_1209] {strides = array<i32>} : memref<2x16x128xf32, #tpu.memory_space<vmem>>, vector<1x1x16xf32>,
        %swap3A_1211 = vector.shape_cast %swap3A_1210 : vector<1x1x16xf32> to vector<16xf32>
        %swap3A_1212 = vector.shape_cast %mul3A_1161 : vector<16xf32> to vector<1x1x16xf32>
        tpu.vector_store %arg13[%swap3A_1207, %swap3A_1208, %swap3A_1209], %swap3A_1212 {strides = array<i32>} : memref<2x16x128xf32, #tpu.memory_space<vmem>>, vector<1x1x16xf32>,
        %get3A_1213 = arith.constant 1 : i32
        %get3A_1214 = arith.index_cast %get3A_1213 : i32 to index
        %get3A_1215 = arith.index_cast %mul3A_560 : i32 to index
        %get3A_1216 = arith.constant 32 : index
        %get3A_1217 = tpu.vector_load %arg9[%get3A_1214, %get3A_1215, %get3A_1216] {strides = array<i32>} : memref<2x640x64xf32, #tpu.memory_space<vmem>>, vector<1x1x16xf32>,
        %get3A_1218 = vector.shape_cast %get3A_1217 : vector<1x1x16xf32> to vector<16xf32>
        %add3A_1219 = arith.constant 1 : i32
        %add3A_1220 = arith.addi %mul3A_560, %add3A_1219 : i32
        %get3A_1221 = arith.constant 1 : i32
        %get3A_1222 = arith.index_cast %get3A_1221 : i32 to index
        %get3A_1223 = arith.index_cast %add3A_1220 : i32 to index
        %get3A_1224 = arith.constant 32 : index
        %get3A_1225 = tpu.vector_load %arg9[%get3A_1222, %get3A_1223, %get3A_1224] {strides = array<i32>} : memref<2x640x64xf32, #tpu.memory_space<vmem>>, vector<1x1x16xf32>,
        %get3A_1226 = vector.shape_cast %get3A_1225 : vector<1x1x16xf32> to vector<16xf32>
        %add3A_1227 = arith.addf %get3A_1218, %get3A_1226 : vector<16xf32>
        %add3A_1228 = arith.constant 2 : i32
        %add3A_1229 = arith.addi %mul3A_560, %add3A_1228 : i32
        %get3A_1230 = arith.constant 1 : i32
        %get3A_1231 = arith.index_cast %get3A_1230 : i32 to index
        %get3A_1232 = arith.index_cast %add3A_1229 : i32 to index
        %get3A_1233 = arith.constant 32 : index
        %get3A_1234 = tpu.vector_load %arg9[%get3A_1231, %get3A_1232, %get3A_1233] {strides = array<i32>} : memref<2x640x64xf32, #tpu.memory_space<vmem>>, vector<1x1x16xf32>,
        %get3A_1235 = vector.shape_cast %get3A_1234 : vector<1x1x16xf32> to vector<16xf32>
        %add3A_1236 = arith.addf %add3A_1227, %get3A_1235 : vector<16xf32>
        %add3A_1237 = arith.constant 3 : i32
        %add3A_1238 = arith.addi %mul3A_560, %add3A_1237 : i32
        %get3A_1239 = arith.constant 1 : i32
        %get3A_1240 = arith.index_cast %get3A_1239 : i32 to index
        %get3A_1241 = arith.index_cast %add3A_1238 : i32 to index
        %get3A_1242 = arith.constant 32 : index
        %get3A_1243 = tpu.vector_load %arg9[%get3A_1240, %get3A_1241, %get3A_1242] {strides = array<i32>} : memref<2x640x64xf32, #tpu.memory_space<vmem>>, vector<1x1x16xf32>,
        %get3A_1244 = vector.shape_cast %get3A_1243 : vector<1x1x16xf32> to vector<16xf32>
        %add3A_1245 = arith.addf %add3A_1236, %get3A_1244 : vector<16xf32>
        %add3A_1246 = arith.constant 4 : i32
        %add3A_1247 = arith.addi %mul3A_560, %add3A_1246 : i32
        %get3A_1248 = arith.constant 1 : i32
        %get3A_1249 = arith.index_cast %get3A_1248 : i32 to index
        %get3A_1250 = arith.index_cast %add3A_1247 : i32 to index
        %get3A_1251 = arith.constant 32 : index
        %get3A_1252 = tpu.vector_load %arg9[%get3A_1249, %get3A_1250, %get3A_1251] {strides = array<i32>} : memref<2x640x64xf32, #tpu.memory_space<vmem>>, vector<1x1x16xf32>,
        %get3A_1253 = vector.shape_cast %get3A_1252 : vector<1x1x16xf32> to vector<16xf32>
        %add3A_1254 = arith.addf %add3A_1245, %get3A_1253 : vector<16xf32>
        %add3A_1255 = arith.constant 5 : i32
        %add3A_1256 = arith.addi %mul3A_560, %add3A_1255 : i32
        %get3A_1257 = arith.constant 1 : i32
        %get3A_1258 = arith.index_cast %get3A_1257 : i32 to index
        %get3A_1259 = arith.index_cast %add3A_1256 : i32 to index
        %get3A_1260 = arith.constant 32 : index
        %get3A_1261 = tpu.vector_load %arg9[%get3A_1258, %get3A_1259, %get3A_1260] {strides = array<i32>} : memref<2x640x64xf32, #tpu.memory_space<vmem>>, vector<1x1x16xf32>,
        %get3A_1262 = vector.shape_cast %get3A_1261 : vector<1x1x16xf32> to vector<16xf32>
        %add3A_1263 = arith.addf %add3A_1254, %get3A_1262 : vector<16xf32>
        %add3A_1264 = arith.constant 6 : i32
        %add3A_1265 = arith.addi %mul3A_560, %add3A_1264 : i32
        %get3A_1266 = arith.constant 1 : i32
        %get3A_1267 = arith.index_cast %get3A_1266 : i32 to index
        %get3A_1268 = arith.index_cast %add3A_1265 : i32 to index
        %get3A_1269 = arith.constant 32 : index
        %get3A_1270 = tpu.vector_load %arg9[%get3A_1267, %get3A_1268, %get3A_1269] {strides = array<i32>} : memref<2x640x64xf32, #tpu.memory_space<vmem>>, vector<1x1x16xf32>,
        %get3A_1271 = vector.shape_cast %get3A_1270 : vector<1x1x16xf32> to vector<16xf32>
        %add3A_1272 = arith.addf %add3A_1263, %get3A_1271 : vector<16xf32>
        %add3A_1273 = arith.constant 7 : i32
        %add3A_1274 = arith.addi %mul3A_560, %add3A_1273 : i32
        %get3A_1275 = arith.constant 1 : i32
        %get3A_1276 = arith.index_cast %get3A_1275 : i32 to index
        %get3A_1277 = arith.index_cast %add3A_1274 : i32 to index
        %get3A_1278 = arith.constant 32 : index
        %get3A_1279 = tpu.vector_load %arg9[%get3A_1276, %get3A_1277, %get3A_1278] {strides = array<i32>} : memref<2x640x64xf32, #tpu.memory_space<vmem>>, vector<1x1x16xf32>,
        %get3A_1280 = vector.shape_cast %get3A_1279 : vector<1x1x16xf32> to vector<16xf32>
        %add3A_1281 = arith.addf %add3A_1272, %get3A_1280 : vector<16xf32>
        %add3A_1282 = arith.constant 8 : i32
        %add3A_1283 = arith.addi %mul3A_560, %add3A_1282 : i32
        %get3A_1284 = arith.constant 1 : i32
        %get3A_1285 = arith.index_cast %get3A_1284 : i32 to index
        %get3A_1286 = arith.index_cast %add3A_1283 : i32 to index
        %get3A_1287 = arith.constant 32 : index
        %get3A_1288 = tpu.vector_load %arg9[%get3A_1285, %get3A_1286, %get3A_1287] {strides = array<i32>} : memref<2x640x64xf32, #tpu.memory_space<vmem>>, vector<1x1x16xf32>,
        %get3A_1289 = vector.shape_cast %get3A_1288 : vector<1x1x16xf32> to vector<16xf32>
        %add3A_1290 = arith.addf %add3A_1281, %get3A_1289 : vector<16xf32>
        %add3A_1291 = arith.constant 9 : i32
        %add3A_1292 = arith.addi %mul3A_560, %add3A_1291 : i32
        %get3A_1293 = arith.constant 1 : i32
        %get3A_1294 = arith.index_cast %get3A_1293 : i32 to index
        %get3A_1295 = arith.index_cast %add3A_1292 : i32 to index
        %get3A_1296 = arith.constant 32 : index
        %get3A_1297 = tpu.vector_load %arg9[%get3A_1294, %get3A_1295, %get3A_1296] {strides = array<i32>} : memref<2x640x64xf32, #tpu.memory_space<vmem>>, vector<1x1x16xf32>,
        %get3A_1298 = vector.shape_cast %get3A_1297 : vector<1x1x16xf32> to vector<16xf32>
        %add3A_1299 = arith.addf %add3A_1290, %get3A_1298 : vector<16xf32>
        %add3A_1300 = arith.constant 10 : i32
        %add3A_1301 = arith.addi %mul3A_560, %add3A_1300 : i32
        %get3A_1302 = arith.constant 1 : i32
        %get3A_1303 = arith.index_cast %get3A_1302 : i32 to index
        %get3A_1304 = arith.index_cast %add3A_1301 : i32 to index
        %get3A_1305 = arith.constant 32 : index
        %get3A_1306 = tpu.vector_load %arg9[%get3A_1303, %get3A_1304, %get3A_1305] {strides = array<i32>} : memref<2x640x64xf32, #tpu.memory_space<vmem>>, vector<1x1x16xf32>,
        %get3A_1307 = vector.shape_cast %get3A_1306 : vector<1x1x16xf32> to vector<16xf32>
        %add3A_1308 = arith.addf %add3A_1299, %get3A_1307 : vector<16xf32>
        %add3A_1309 = arith.constant 11 : i32
        %add3A_1310 = arith.addi %mul3A_560, %add3A_1309 : i32
        %get3A_1311 = arith.constant 1 : i32
        %get3A_1312 = arith.index_cast %get3A_1311 : i32 to index
        %get3A_1313 = arith.index_cast %add3A_1310 : i32 to index
        %get3A_1314 = arith.constant 32 : index
        %get3A_1315 = tpu.vector_load %arg9[%get3A_1312, %get3A_1313, %get3A_1314] {strides = array<i32>} : memref<2x640x64xf32, #tpu.memory_space<vmem>>, vector<1x1x16xf32>,
        %get3A_1316 = vector.shape_cast %get3A_1315 : vector<1x1x16xf32> to vector<16xf32>
        %add3A_1317 = arith.addf %add3A_1308, %get3A_1316 : vector<16xf32>
        %add3A_1318 = arith.constant 12 : i32
        %add3A_1319 = arith.addi %mul3A_560, %add3A_1318 : i32
        %get3A_1320 = arith.constant 1 : i32
        %get3A_1321 = arith.index_cast %get3A_1320 : i32 to index
        %get3A_1322 = arith.index_cast %add3A_1319 : i32 to index
        %get3A_1323 = arith.constant 32 : index
        %get3A_1324 = tpu.vector_load %arg9[%get3A_1321, %get3A_1322, %get3A_1323] {strides = array<i32>} : memref<2x640x64xf32, #tpu.memory_space<vmem>>, vector<1x1x16xf32>,
        %get3A_1325 = vector.shape_cast %get3A_1324 : vector<1x1x16xf32> to vector<16xf32>
        %add3A_1326 = arith.addf %add3A_1317, %get3A_1325 : vector<16xf32>
        %add3A_1327 = arith.constant 13 : i32
        %add3A_1328 = arith.addi %mul3A_560, %add3A_1327 : i32
        %get3A_1329 = arith.constant 1 : i32
        %get3A_1330 = arith.index_cast %get3A_1329 : i32 to index
        %get3A_1331 = arith.index_cast %add3A_1328 : i32 to index
        %get3A_1332 = arith.constant 32 : index
        %get3A_1333 = tpu.vector_load %arg9[%get3A_1330, %get3A_1331, %get3A_1332] {strides = array<i32>} : memref<2x640x64xf32, #tpu.memory_space<vmem>>, vector<1x1x16xf32>,
        %get3A_1334 = vector.shape_cast %get3A_1333 : vector<1x1x16xf32> to vector<16xf32>
        %add3A_1335 = arith.addf %add3A_1326, %get3A_1334 : vector<16xf32>
        %add3A_1336 = arith.constant 14 : i32
        %add3A_1337 = arith.addi %mul3A_560, %add3A_1336 : i32
        %get3A_1338 = arith.constant 1 : i32
        %get3A_1339 = arith.index_cast %get3A_1338 : i32 to index
        %get3A_1340 = arith.index_cast %add3A_1337 : i32 to index
        %get3A_1341 = arith.constant 32 : index
        %get3A_1342 = tpu.vector_load %arg9[%get3A_1339, %get3A_1340, %get3A_1341] {strides = array<i32>} : memref<2x640x64xf32, #tpu.memory_space<vmem>>, vector<1x1x16xf32>,
        %get3A_1343 = vector.shape_cast %get3A_1342 : vector<1x1x16xf32> to vector<16xf32>
        %add3A_1344 = arith.addf %add3A_1335, %get3A_1343 : vector<16xf32>
        %add3A_1345 = arith.constant 15 : i32
        %add3A_1346 = arith.addi %mul3A_560, %add3A_1345 : i32
        %get3A_1347 = arith.constant 1 : i32
        %get3A_1348 = arith.index_cast %get3A_1347 : i32 to index
        %get3A_1349 = arith.index_cast %add3A_1346 : i32 to index
        %get3A_1350 = arith.constant 32 : index
        %get3A_1351 = tpu.vector_load %arg9[%get3A_1348, %get3A_1349, %get3A_1350] {strides = array<i32>} : memref<2x640x64xf32, #tpu.memory_space<vmem>>, vector<1x1x16xf32>,
        %get3A_1352 = vector.shape_cast %get3A_1351 : vector<1x1x16xf32> to vector<16xf32>
        %add3A_1353 = arith.addf %add3A_1344, %get3A_1352 : vector<16xf32>
        %add3A_1354 = arith.constant 16 : i32
        %add3A_1355 = arith.addi %mul3A_560, %add3A_1354 : i32
        %get3A_1356 = arith.constant 1 : i32
        %get3A_1357 = arith.index_cast %get3A_1356 : i32 to index
        %get3A_1358 = arith.index_cast %add3A_1355 : i32 to index
        %get3A_1359 = arith.constant 32 : index
        %get3A_1360 = tpu.vector_load %arg9[%get3A_1357, %get3A_1358, %get3A_1359] {strides = array<i32>} : memref<2x640x64xf32, #tpu.memory_space<vmem>>, vector<1x1x16xf32>,
        %get3A_1361 = vector.shape_cast %get3A_1360 : vector<1x1x16xf32> to vector<16xf32>
        %add3A_1362 = arith.addf %add3A_1353, %get3A_1361 : vector<16xf32>
        %add3A_1363 = arith.constant 17 : i32
        %add3A_1364 = arith.addi %mul3A_560, %add3A_1363 : i32
        %get3A_1365 = arith.constant 1 : i32
        %get3A_1366 = arith.index_cast %get3A_1365 : i32 to index
        %get3A_1367 = arith.index_cast %add3A_1364 : i32 to index
        %get3A_1368 = arith.constant 32 : index
        %get3A_1369 = tpu.vector_load %arg9[%get3A_1366, %get3A_1367, %get3A_1368] {strides = array<i32>} : memref<2x640x64xf32, #tpu.memory_space<vmem>>, vector<1x1x16xf32>,
        %get3A_1370 = vector.shape_cast %get3A_1369 : vector<1x1x16xf32> to vector<16xf32>
        %add3A_1371 = arith.addf %add3A_1362, %get3A_1370 : vector<16xf32>
        %add3A_1372 = arith.constant 18 : i32
        %add3A_1373 = arith.addi %mul3A_560, %add3A_1372 : i32
        %get3A_1374 = arith.constant 1 : i32
        %get3A_1375 = arith.index_cast %get3A_1374 : i32 to index
        %get3A_1376 = arith.index_cast %add3A_1373 : i32 to index
        %get3A_1377 = arith.constant 32 : index
        %get3A_1378 = tpu.vector_load %arg9[%get3A_1375, %get3A_1376, %get3A_1377] {strides = array<i32>} : memref<2x640x64xf32, #tpu.memory_space<vmem>>, vector<1x1x16xf32>,
        %get3A_1379 = vector.shape_cast %get3A_1378 : vector<1x1x16xf32> to vector<16xf32>
        %add3A_1380 = arith.addf %add3A_1371, %get3A_1379 : vector<16xf32>
        %add3A_1381 = arith.constant 19 : i32
        %add3A_1382 = arith.addi %mul3A_560, %add3A_1381 : i32
        %get3A_1383 = arith.constant 1 : i32
        %get3A_1384 = arith.index_cast %get3A_1383 : i32 to index
        %get3A_1385 = arith.index_cast %add3A_1382 : i32 to index
        %get3A_1386 = arith.constant 32 : index
        %get3A_1387 = tpu.vector_load %arg9[%get3A_1384, %get3A_1385, %get3A_1386] {strides = array<i32>} : memref<2x640x64xf32, #tpu.memory_space<vmem>>, vector<1x1x16xf32>,
        %get3A_1388 = vector.shape_cast %get3A_1387 : vector<1x1x16xf32> to vector<16xf32>
        %add3A_1389 = arith.addf %add3A_1380, %get3A_1388 : vector<16xf32>
        %mul3A_1390 = vector.broadcast %convert_element_type3A_693 : f32 to vector<16xf32>
        %mul3A_1391 = arith.mulf %get3A_1218, %mul3A_1390 : vector<16xf32>
        %swap3A_1392 = arith.constant 1 : i32
        %swap3A_1393 = arith.index_cast %swap3A_1392 : i32 to index
        %swap3A_1394 = arith.index_cast %scan3A_558 : i32 to index
        %swap3A_1395 = arith.constant 32 : index
        %swap3A_1396 = tpu.vector_load %arg12[%swap3A_1393, %swap3A_1394, %swap3A_1395] {strides = array<i32>} : memref<2x32x128xf32, #tpu.memory_space<vmem>>, vector<1x1x16xf32>,
        %swap3A_1397 = vector.shape_cast %swap3A_1396 : vector<1x1x16xf32> to vector<16xf32>
        %swap3A_1398 = vector.shape_cast %mul3A_1391 : vector<16xf32> to vector<1x1x16xf32>
        tpu.vector_store %arg12[%swap3A_1393, %swap3A_1394, %swap3A_1395], %swap3A_1398 {strides = array<i32>} : memref<2x32x128xf32, #tpu.memory_space<vmem>>, vector<1x1x16xf32>,
        %mul3A_1399 = vector.broadcast %convert_element_type3A_687 : f32 to vector<16xf32>
        %mul3A_1400 = arith.mulf %mul3A_1399, %get3A_16 : vector<16xf32>
        %sub3A_1401 = arith.subf %add3A_1389, %mul3A_1400 : vector<16xf32>
        %swap3A_1402 = arith.constant 1 : i32
        %swap3A_1403 = arith.index_cast %swap3A_1402 : i32 to index
        %swap3A_1404 = arith.index_cast %scan3A_558 : i32 to index
        %swap3A_1405 = arith.constant 96 : index
        %swap3A_1406 = tpu.vector_load %arg12[%swap3A_1403, %swap3A_1404, %swap3A_1405] {strides = array<i32>} : memref<2x32x128xf32, #tpu.memory_space<vmem>>, vector<1x1x16xf32>,
        %swap3A_1407 = vector.shape_cast %swap3A_1406 : vector<1x1x16xf32> to vector<16xf32>
        %swap3A_1408 = vector.shape_cast %sub3A_1401 : vector<16xf32> to vector<1x1x16xf32>
        tpu.vector_store %arg12[%swap3A_1403, %swap3A_1404, %swap3A_1405], %swap3A_1408 {strides = array<i32>} : memref<2x32x128xf32, #tpu.memory_space<vmem>>, vector<1x1x16xf32>,
        %get3A_1409 = arith.constant 1 : i32
        %get3A_1410 = arith.index_cast %get3A_1409 : i32 to index
        %get3A_1411 = arith.index_cast %scan3A_558 : i32 to index
        %get3A_1412 = arith.constant 32 : index
        %get3A_1413 = tpu.vector_load %arg11[%get3A_1410, %get3A_1411, %get3A_1412] {strides = array<i32>} : memref<2x32x64xf32, #tpu.memory_space<vmem>>, vector<1x1x16xf32>,
        %get3A_1414 = vector.shape_cast %get3A_1413 : vector<1x1x16xf32> to vector<16xf32>
        %mul3A_1415 = vector.broadcast %convert_element_type3A_703 : f32 to vector<16xf32>
        %mul3A_1416 = arith.mulf %get3A_1414, %mul3A_1415 : vector<16xf32>
        %jit3A_1417 = arith.constant 2 : i32
        %div3A_1418 = arith.divsi %scan3A_558, %jit3A_1417 : i32
        %sign3A_1419 = arith.constant 0 : i32
        %sign3A_1420 = arith.cmpi sgt, %scan3A_558, %sign3A_1419 : i32
        %sign3A_1421 = arith.extui %sign3A_1420 : i1 to i32
        %sign3A_1422 = arith.constant 0 : i32
        %sign3A_1423 = arith.cmpi slt, %scan3A_558, %sign3A_1422 : i32
        %sign3A_1424 = arith.extui %sign3A_1423 : i1 to i32
        %sign3A_1425 = arith.subi %sign3A_1421, %sign3A_1424 : i32
        %sign3A_1426 = arith.constant 0 : i32
        %sign3A_1427 = arith.cmpi sgt, %jit3A_1417, %sign3A_1426 : i32
        %sign3A_1428 = arith.extui %sign3A_1427 : i1 to i32
        %sign3A_1429 = arith.constant 0 : i32
        %sign3A_1430 = arith.cmpi slt, %jit3A_1417, %sign3A_1429 : i32
        %sign3A_1431 = arith.extui %sign3A_1430 : i1 to i32
        %sign3A_1432 = arith.subi %sign3A_1428, %sign3A_1431 : i32
        %ne3A_1433 = arith.cmpi ne, %sign3A_1425, %sign3A_1432 : i32
        %rem3A_1434 = arith.remsi %scan3A_558, %jit3A_1417 : i32
        %ne3A_1435 = arith.constant 0 : i32
        %ne3A_1436 = arith.cmpi ne, %rem3A_1434, %ne3A_1435 : i32
        %and3A_1437 = arith.andi %ne3A_1433, %ne3A_1436 : i1
        %sub3A_1438 = arith.constant 1 : i32
        %sub3A_1439 = arith.subi %div3A_1418, %sub3A_1438 : i32
        %select_n3A_1440 = arith.select %and3A_1437, %sub3A_1439, %div3A_1418 : i32
        %jit3A_1441 = arith.constant 2 : i32
        %eq3A_1442 = arith.constant 0 : i32
        %eq3A_1443 = arith.cmpi eq, %jit3A_1441, %eq3A_1442 : i32
        %jit3A_1444 = arith.constant 1 : i32
        %select_n3A_1445 = arith.select %eq3A_1443, %jit3A_1444, %jit3A_1441 : i32
        %rem3A_1446 = arith.remsi %scan3A_558, %select_n3A_1445 : i32
        %ne3A_1447 = arith.constant 0 : i32
        %ne3A_1448 = arith.cmpi ne, %rem3A_1446, %ne3A_1447 : i32
        %lt3A_1449 = arith.constant 0 : i32
        %lt3A_1450 = arith.cmpi slt, %rem3A_1446, %lt3A_1449 : i32
        %lt3A_1451 = arith.constant 0 : i32
        %lt3A_1452 = arith.cmpi slt, %select_n3A_1445, %lt3A_1451 : i32
        %ne3A_1453 = arith.xori %lt3A_1450, %lt3A_1452 : i1
        %and3A_1454 = arith.andi %ne3A_1453, %ne3A_1448 : i1
        %add3A_1455 = arith.addi %rem3A_1446, %select_n3A_1445 : i32
        %select_n3A_1456 = arith.select %and3A_1454, %add3A_1455, %rem3A_1446 : i32
        %mul3A_1457 = arith.constant 64 : i32
        %mul3A_1458 = arith.muli %select_n3A_1456, %mul3A_1457 : i32
        %add3A_1459 = arith.constant 32 : i32
        %add3A_1460 = arith.addi %mul3A_1458, %add3A_1459 : i32
        %swap3A_1461 = arith.constant 1 : i32
        %swap3A_1462 = arith.index_cast %swap3A_1461 : i32 to index
        %swap3A_1463 = arith.index_cast %select_n3A_1440 : i32 to index
        %swap3A_1464 = arith.index_cast %add3A_1460 : i32 to index
        %swap3A_1465 = tpu.vector_load %arg13[%swap3A_1462, %swap3A_1463, %swap3A_1464] {strides = array<i32>} : memref<2x16x128xf32, #tpu.memory_space<vmem>>, vector<1x1x16xf32>,
        %swap3A_1466 = vector.shape_cast %swap3A_1465 : vector<1x1x16xf32> to vector<16xf32>
        %swap3A_1467 = vector.shape_cast %mul3A_1416 : vector<16xf32> to vector<1x1x16xf32>
        tpu.vector_store %arg13[%swap3A_1462, %swap3A_1463, %swap3A_1464], %swap3A_1467 {strides = array<i32>} : memref<2x16x128xf32, #tpu.memory_space<vmem>>, vector<1x1x16xf32>,
        %get3A_1468 = arith.constant 1 : i32
        %get3A_1469 = arith.index_cast %get3A_1468 : i32 to index
        %get3A_1470 = arith.index_cast %mul3A_560 : i32 to index
        %get3A_1471 = arith.constant 48 : index
        %get3A_1472 = tpu.vector_load %arg9[%get3A_1469, %get3A_1470, %get3A_1471] {strides = array<i32>} : memref<2x640x64xf32, #tpu.memory_space<vmem>>, vector<1x1x16xf32>,
        %get3A_1473 = vector.shape_cast %get3A_1472 : vector<1x1x16xf32> to vector<16xf32>
        %add3A_1474 = arith.constant 1 : i32
        %add3A_1475 = arith.addi %mul3A_560, %add3A_1474 : i32
        %get3A_1476 = arith.constant 1 : i32
        %get3A_1477 = arith.index_cast %get3A_1476 : i32 to index
        %get3A_1478 = arith.index_cast %add3A_1475 : i32 to index
        %get3A_1479 = arith.constant 48 : index
        %get3A_1480 = tpu.vector_load %arg9[%get3A_1477, %get3A_1478, %get3A_1479] {strides = array<i32>} : memref<2x640x64xf32, #tpu.memory_space<vmem>>, vector<1x1x16xf32>,
        %get3A_1481 = vector.shape_cast %get3A_1480 : vector<1x1x16xf32> to vector<16xf32>
        %add3A_1482 = arith.addf %get3A_1473, %get3A_1481 : vector<16xf32>
        %add3A_1483 = arith.constant 2 : i32
        %add3A_1484 = arith.addi %mul3A_560, %add3A_1483 : i32
        %get3A_1485 = arith.constant 1 : i32
        %get3A_1486 = arith.index_cast %get3A_1485 : i32 to index
        %get3A_1487 = arith.index_cast %add3A_1484 : i32 to index
        %get3A_1488 = arith.constant 48 : index
        %get3A_1489 = tpu.vector_load %arg9[%get3A_1486, %get3A_1487, %get3A_1488] {strides = array<i32>} : memref<2x640x64xf32, #tpu.memory_space<vmem>>, vector<1x1x16xf32>,
        %get3A_1490 = vector.shape_cast %get3A_1489 : vector<1x1x16xf32> to vector<16xf32>
        %add3A_1491 = arith.addf %add3A_1482, %get3A_1490 : vector<16xf32>
        %add3A_1492 = arith.constant 3 : i32
        %add3A_1493 = arith.addi %mul3A_560, %add3A_1492 : i32
        %get3A_1494 = arith.constant 1 : i32
        %get3A_1495 = arith.index_cast %get3A_1494 : i32 to index
        %get3A_1496 = arith.index_cast %add3A_1493 : i32 to index
        %get3A_1497 = arith.constant 48 : index
        %get3A_1498 = tpu.vector_load %arg9[%get3A_1495, %get3A_1496, %get3A_1497] {strides = array<i32>} : memref<2x640x64xf32, #tpu.memory_space<vmem>>, vector<1x1x16xf32>,
        %get3A_1499 = vector.shape_cast %get3A_1498 : vector<1x1x16xf32> to vector<16xf32>
        %add3A_1500 = arith.addf %add3A_1491, %get3A_1499 : vector<16xf32>
        %add3A_1501 = arith.constant 4 : i32
        %add3A_1502 = arith.addi %mul3A_560, %add3A_1501 : i32
        %get3A_1503 = arith.constant 1 : i32
        %get3A_1504 = arith.index_cast %get3A_1503 : i32 to index
        %get3A_1505 = arith.index_cast %add3A_1502 : i32 to index
        %get3A_1506 = arith.constant 48 : index
        %get3A_1507 = tpu.vector_load %arg9[%get3A_1504, %get3A_1505, %get3A_1506] {strides = array<i32>} : memref<2x640x64xf32, #tpu.memory_space<vmem>>, vector<1x1x16xf32>,
        %get3A_1508 = vector.shape_cast %get3A_1507 : vector<1x1x16xf32> to vector<16xf32>
        %add3A_1509 = arith.addf %add3A_1500, %get3A_1508 : vector<16xf32>
        %add3A_1510 = arith.constant 5 : i32
        %add3A_1511 = arith.addi %mul3A_560, %add3A_1510 : i32
        %get3A_1512 = arith.constant 1 : i32
        %get3A_1513 = arith.index_cast %get3A_1512 : i32 to index
        %get3A_1514 = arith.index_cast %add3A_1511 : i32 to index
        %get3A_1515 = arith.constant 48 : index
        %get3A_1516 = tpu.vector_load %arg9[%get3A_1513, %get3A_1514, %get3A_1515] {strides = array<i32>} : memref<2x640x64xf32, #tpu.memory_space<vmem>>, vector<1x1x16xf32>,
        %get3A_1517 = vector.shape_cast %get3A_1516 : vector<1x1x16xf32> to vector<16xf32>
        %add3A_1518 = arith.addf %add3A_1509, %get3A_1517 : vector<16xf32>
        %add3A_1519 = arith.constant 6 : i32
        %add3A_1520 = arith.addi %mul3A_560, %add3A_1519 : i32
        %get3A_1521 = arith.constant 1 : i32
        %get3A_1522 = arith.index_cast %get3A_1521 : i32 to index
        %get3A_1523 = arith.index_cast %add3A_1520 : i32 to index
        %get3A_1524 = arith.constant 48 : index
        %get3A_1525 = tpu.vector_load %arg9[%get3A_1522, %get3A_1523, %get3A_1524] {strides = array<i32>} : memref<2x640x64xf32, #tpu.memory_space<vmem>>, vector<1x1x16xf32>,
        %get3A_1526 = vector.shape_cast %get3A_1525 : vector<1x1x16xf32> to vector<16xf32>
        %add3A_1527 = arith.addf %add3A_1518, %get3A_1526 : vector<16xf32>
        %add3A_1528 = arith.constant 7 : i32
        %add3A_1529 = arith.addi %mul3A_560, %add3A_1528 : i32
        %get3A_1530 = arith.constant 1 : i32
        %get3A_1531 = arith.index_cast %get3A_1530 : i32 to index
        %get3A_1532 = arith.index_cast %add3A_1529 : i32 to index
        %get3A_1533 = arith.constant 48 : index
        %get3A_1534 = tpu.vector_load %arg9[%get3A_1531, %get3A_1532, %get3A_1533] {strides = array<i32>} : memref<2x640x64xf32, #tpu.memory_space<vmem>>, vector<1x1x16xf32>,
        %get3A_1535 = vector.shape_cast %get3A_1534 : vector<1x1x16xf32> to vector<16xf32>
        %add3A_1536 = arith.addf %add3A_1527, %get3A_1535 : vector<16xf32>
        %add3A_1537 = arith.constant 8 : i32
        %add3A_1538 = arith.addi %mul3A_560, %add3A_1537 : i32
        %get3A_1539 = arith.constant 1 : i32
        %get3A_1540 = arith.index_cast %get3A_1539 : i32 to index
        %get3A_1541 = arith.index_cast %add3A_1538 : i32 to index
        %get3A_1542 = arith.constant 48 : index
        %get3A_1543 = tpu.vector_load %arg9[%get3A_1540, %get3A_1541, %get3A_1542] {strides = array<i32>} : memref<2x640x64xf32, #tpu.memory_space<vmem>>, vector<1x1x16xf32>,
        %get3A_1544 = vector.shape_cast %get3A_1543 : vector<1x1x16xf32> to vector<16xf32>
        %add3A_1545 = arith.addf %add3A_1536, %get3A_1544 : vector<16xf32>
        %add3A_1546 = arith.constant 9 : i32
        %add3A_1547 = arith.addi %mul3A_560, %add3A_1546 : i32
        %get3A_1548 = arith.constant 1 : i32
        %get3A_1549 = arith.index_cast %get3A_1548 : i32 to index
        %get3A_1550 = arith.index_cast %add3A_1547 : i32 to index
        %get3A_1551 = arith.constant 48 : index
        %get3A_1552 = tpu.vector_load %arg9[%get3A_1549, %get3A_1550, %get3A_1551] {strides = array<i32>} : memref<2x640x64xf32, #tpu.memory_space<vmem>>, vector<1x1x16xf32>,
        %get3A_1553 = vector.shape_cast %get3A_1552 : vector<1x1x16xf32> to vector<16xf32>
        %add3A_1554 = arith.addf %add3A_1545, %get3A_1553 : vector<16xf32>
        %add3A_1555 = arith.constant 10 : i32
        %add3A_1556 = arith.addi %mul3A_560, %add3A_1555 : i32
        %get3A_1557 = arith.constant 1 : i32
        %get3A_1558 = arith.index_cast %get3A_1557 : i32 to index
        %get3A_1559 = arith.index_cast %add3A_1556 : i32 to index
        %get3A_1560 = arith.constant 48 : index
        %get3A_1561 = tpu.vector_load %arg9[%get3A_1558, %get3A_1559, %get3A_1560] {strides = array<i32>} : memref<2x640x64xf32, #tpu.memory_space<vmem>>, vector<1x1x16xf32>,
        %get3A_1562 = vector.shape_cast %get3A_1561 : vector<1x1x16xf32> to vector<16xf32>
        %add3A_1563 = arith.addf %add3A_1554, %get3A_1562 : vector<16xf32>
        %add3A_1564 = arith.constant 11 : i32
        %add3A_1565 = arith.addi %mul3A_560, %add3A_1564 : i32
        %get3A_1566 = arith.constant 1 : i32
        %get3A_1567 = arith.index_cast %get3A_1566 : i32 to index
        %get3A_1568 = arith.index_cast %add3A_1565 : i32 to index
        %get3A_1569 = arith.constant 48 : index
        %get3A_1570 = tpu.vector_load %arg9[%get3A_1567, %get3A_1568, %get3A_1569] {strides = array<i32>} : memref<2x640x64xf32, #tpu.memory_space<vmem>>, vector<1x1x16xf32>,
        %get3A_1571 = vector.shape_cast %get3A_1570 : vector<1x1x16xf32> to vector<16xf32>
        %add3A_1572 = arith.addf %add3A_1563, %get3A_1571 : vector<16xf32>
        %add3A_1573 = arith.constant 12 : i32
        %add3A_1574 = arith.addi %mul3A_560, %add3A_1573 : i32
        %get3A_1575 = arith.constant 1 : i32
        %get3A_1576 = arith.index_cast %get3A_1575 : i32 to index
        %get3A_1577 = arith.index_cast %add3A_1574 : i32 to index
        %get3A_1578 = arith.constant 48 : index
        %get3A_1579 = tpu.vector_load %arg9[%get3A_1576, %get3A_1577, %get3A_1578] {strides = array<i32>} : memref<2x640x64xf32, #tpu.memory_space<vmem>>, vector<1x1x16xf32>,
        %get3A_1580 = vector.shape_cast %get3A_1579 : vector<1x1x16xf32> to vector<16xf32>
        %add3A_1581 = arith.addf %add3A_1572, %get3A_1580 : vector<16xf32>
        %add3A_1582 = arith.constant 13 : i32
        %add3A_1583 = arith.addi %mul3A_560, %add3A_1582 : i32
        %get3A_1584 = arith.constant 1 : i32
        %get3A_1585 = arith.index_cast %get3A_1584 : i32 to index
        %get3A_1586 = arith.index_cast %add3A_1583 : i32 to index
        %get3A_1587 = arith.constant 48 : index
        %get3A_1588 = tpu.vector_load %arg9[%get3A_1585, %get3A_1586, %get3A_1587] {strides = array<i32>} : memref<2x640x64xf32, #tpu.memory_space<vmem>>, vector<1x1x16xf32>,
        %get3A_1589 = vector.shape_cast %get3A_1588 : vector<1x1x16xf32> to vector<16xf32>
        %add3A_1590 = arith.addf %add3A_1581, %get3A_1589 : vector<16xf32>
        %add3A_1591 = arith.constant 14 : i32
        %add3A_1592 = arith.addi %mul3A_560, %add3A_1591 : i32
        %get3A_1593 = arith.constant 1 : i32
        %get3A_1594 = arith.index_cast %get3A_1593 : i32 to index
        %get3A_1595 = arith.index_cast %add3A_1592 : i32 to index
        %get3A_1596 = arith.constant 48 : index
        %get3A_1597 = tpu.vector_load %arg9[%get3A_1594, %get3A_1595, %get3A_1596] {strides = array<i32>} : memref<2x640x64xf32, #tpu.memory_space<vmem>>, vector<1x1x16xf32>,
        %get3A_1598 = vector.shape_cast %get3A_1597 : vector<1x1x16xf32> to vector<16xf32>
        %add3A_1599 = arith.addf %add3A_1590, %get3A_1598 : vector<16xf32>
        %add3A_1600 = arith.constant 15 : i32
        %add3A_1601 = arith.addi %mul3A_560, %add3A_1600 : i32
        %get3A_1602 = arith.constant 1 : i32
        %get3A_1603 = arith.index_cast %get3A_1602 : i32 to index
        %get3A_1604 = arith.index_cast %add3A_1601 : i32 to index
        %get3A_1605 = arith.constant 48 : index
        %get3A_1606 = tpu.vector_load %arg9[%get3A_1603, %get3A_1604, %get3A_1605] {strides = array<i32>} : memref<2x640x64xf32, #tpu.memory_space<vmem>>, vector<1x1x16xf32>,
        %get3A_1607 = vector.shape_cast %get3A_1606 : vector<1x1x16xf32> to vector<16xf32>
        %add3A_1608 = arith.addf %add3A_1599, %get3A_1607 : vector<16xf32>
        %add3A_1609 = arith.constant 16 : i32
        %add3A_1610 = arith.addi %mul3A_560, %add3A_1609 : i32
        %get3A_1611 = arith.constant 1 : i32
        %get3A_1612 = arith.index_cast %get3A_1611 : i32 to index
        %get3A_1613 = arith.index_cast %add3A_1610 : i32 to index
        %get3A_1614 = arith.constant 48 : index
        %get3A_1615 = tpu.vector_load %arg9[%get3A_1612, %get3A_1613, %get3A_1614] {strides = array<i32>} : memref<2x640x64xf32, #tpu.memory_space<vmem>>, vector<1x1x16xf32>,
        %get3A_1616 = vector.shape_cast %get3A_1615 : vector<1x1x16xf32> to vector<16xf32>
        %add3A_1617 = arith.addf %add3A_1608, %get3A_1616 : vector<16xf32>
        %add3A_1618 = arith.constant 17 : i32
        %add3A_1619 = arith.addi %mul3A_560, %add3A_1618 : i32
        %get3A_1620 = arith.constant 1 : i32
        %get3A_1621 = arith.index_cast %get3A_1620 : i32 to index
        %get3A_1622 = arith.index_cast %add3A_1619 : i32 to index
        %get3A_1623 = arith.constant 48 : index
        %get3A_1624 = tpu.vector_load %arg9[%get3A_1621, %get3A_1622, %get3A_1623] {strides = array<i32>} : memref<2x640x64xf32, #tpu.memory_space<vmem>>, vector<1x1x16xf32>,
        %get3A_1625 = vector.shape_cast %get3A_1624 : vector<1x1x16xf32> to vector<16xf32>
        %add3A_1626 = arith.addf %add3A_1617, %get3A_1625 : vector<16xf32>
        %add3A_1627 = arith.constant 18 : i32
        %add3A_1628 = arith.addi %mul3A_560, %add3A_1627 : i32
        %get3A_1629 = arith.constant 1 : i32
        %get3A_1630 = arith.index_cast %get3A_1629 : i32 to index
        %get3A_1631 = arith.index_cast %add3A_1628 : i32 to index
        %get3A_1632 = arith.constant 48 : index
        %get3A_1633 = tpu.vector_load %arg9[%get3A_1630, %get3A_1631, %get3A_1632] {strides = array<i32>} : memref<2x640x64xf32, #tpu.memory_space<vmem>>, vector<1x1x16xf32>,
        %get3A_1634 = vector.shape_cast %get3A_1633 : vector<1x1x16xf32> to vector<16xf32>
        %add3A_1635 = arith.addf %add3A_1626, %get3A_1634 : vector<16xf32>
        %add3A_1636 = arith.constant 19 : i32
        %add3A_1637 = arith.addi %mul3A_560, %add3A_1636 : i32
        %get3A_1638 = arith.constant 1 : i32
        %get3A_1639 = arith.index_cast %get3A_1638 : i32 to index
        %get3A_1640 = arith.index_cast %add3A_1637 : i32 to index
        %get3A_1641 = arith.constant 48 : index
        %get3A_1642 = tpu.vector_load %arg9[%get3A_1639, %get3A_1640, %get3A_1641] {strides = array<i32>} : memref<2x640x64xf32, #tpu.memory_space<vmem>>, vector<1x1x16xf32>,
        %get3A_1643 = vector.shape_cast %get3A_1642 : vector<1x1x16xf32> to vector<16xf32>
        %add3A_1644 = arith.addf %add3A_1635, %get3A_1643 : vector<16xf32>
        %mul3A_1645 = vector.broadcast %convert_element_type3A_693 : f32 to vector<16xf32>
        %mul3A_1646 = arith.mulf %get3A_1473, %mul3A_1645 : vector<16xf32>
        %swap3A_1647 = arith.constant 1 : i32
        %swap3A_1648 = arith.index_cast %swap3A_1647 : i32 to index
        %swap3A_1649 = arith.index_cast %scan3A_558 : i32 to index
        %swap3A_1650 = arith.constant 48 : index
        %swap3A_1651 = tpu.vector_load %arg12[%swap3A_1648, %swap3A_1649, %swap3A_1650] {strides = array<i32>} : memref<2x32x128xf32, #tpu.memory_space<vmem>>, vector<1x1x16xf32>,
        %swap3A_1652 = vector.shape_cast %swap3A_1651 : vector<1x1x16xf32> to vector<16xf32>
        %swap3A_1653 = vector.shape_cast %mul3A_1646 : vector<16xf32> to vector<1x1x16xf32>
        tpu.vector_store %arg12[%swap3A_1648, %swap3A_1649, %swap3A_1650], %swap3A_1653 {strides = array<i32>} : memref<2x32x128xf32, #tpu.memory_space<vmem>>, vector<1x1x16xf32>,
        %mul3A_1654 = vector.broadcast %convert_element_type3A_687 : f32 to vector<16xf32>
        %mul3A_1655 = arith.mulf %mul3A_1654, %get3A_21 : vector<16xf32>
        %sub3A_1656 = arith.subf %add3A_1644, %mul3A_1655 : vector<16xf32>
        %swap3A_1657 = arith.constant 1 : i32
        %swap3A_1658 = arith.index_cast %swap3A_1657 : i32 to index
        %swap3A_1659 = arith.index_cast %scan3A_558 : i32 to index
        %swap3A_1660 = arith.constant 112 : index
        %swap3A_1661 = tpu.vector_load %arg12[%swap3A_1658, %swap3A_1659, %swap3A_1660] {strides = array<i32>} : memref<2x32x128xf32, #tpu.memory_space<vmem>>, vector<1x1x16xf32>,
        %swap3A_1662 = vector.shape_cast %swap3A_1661 : vector<1x1x16xf32> to vector<16xf32>
        %swap3A_1663 = vector.shape_cast %sub3A_1656 : vector<16xf32> to vector<1x1x16xf32>
        tpu.vector_store %arg12[%swap3A_1658, %swap3A_1659, %swap3A_1660], %swap3A_1663 {strides = array<i32>} : memref<2x32x128xf32, #tpu.memory_space<vmem>>, vector<1x1x16xf32>,
        %get3A_1664 = arith.constant 1 : i32
        %get3A_1665 = arith.index_cast %get3A_1664 : i32 to index
        %get3A_1666 = arith.index_cast %scan3A_558 : i32 to index
        %get3A_1667 = arith.constant 48 : index
        %get3A_1668 = tpu.vector_load %arg11[%get3A_1665, %get3A_1666, %get3A_1667] {strides = array<i32>} : memref<2x32x64xf32, #tpu.memory_space<vmem>>, vector<1x1x16xf32>,
        %get3A_1669 = vector.shape_cast %get3A_1668 : vector<1x1x16xf32> to vector<16xf32>
        %mul3A_1670 = vector.broadcast %convert_element_type3A_703 : f32 to vector<16xf32>
        %mul3A_1671 = arith.mulf %get3A_1669, %mul3A_1670 : vector<16xf32>
        %jit3A_1672 = arith.constant 2 : i32
        %div3A_1673 = arith.divsi %scan3A_558, %jit3A_1672 : i32
        %sign3A_1674 = arith.constant 0 : i32
        %sign3A_1675 = arith.cmpi sgt, %scan3A_558, %sign3A_1674 : i32
        %sign3A_1676 = arith.extui %sign3A_1675 : i1 to i32
        %sign3A_1677 = arith.constant 0 : i32
        %sign3A_1678 = arith.cmpi slt, %scan3A_558, %sign3A_1677 : i32
        %sign3A_1679 = arith.extui %sign3A_1678 : i1 to i32
        %sign3A_1680 = arith.subi %sign3A_1676, %sign3A_1679 : i32
        %sign3A_1681 = arith.constant 0 : i32
        %sign3A_1682 = arith.cmpi sgt, %jit3A_1672, %sign3A_1681 : i32
        %sign3A_1683 = arith.extui %sign3A_1682 : i1 to i32
        %sign3A_1684 = arith.constant 0 : i32
        %sign3A_1685 = arith.cmpi slt, %jit3A_1672, %sign3A_1684 : i32
        %sign3A_1686 = arith.extui %sign3A_1685 : i1 to i32
        %sign3A_1687 = arith.subi %sign3A_1683, %sign3A_1686 : i32
        %ne3A_1688 = arith.cmpi ne, %sign3A_1680, %sign3A_1687 : i32
        %rem3A_1689 = arith.remsi %scan3A_558, %jit3A_1672 : i32
        %ne3A_1690 = arith.constant 0 : i32
        %ne3A_1691 = arith.cmpi ne, %rem3A_1689, %ne3A_1690 : i32
        %and3A_1692 = arith.andi %ne3A_1688, %ne3A_1691 : i1
        %sub3A_1693 = arith.constant 1 : i32
        %sub3A_1694 = arith.subi %div3A_1673, %sub3A_1693 : i32
        %select_n3A_1695 = arith.select %and3A_1692, %sub3A_1694, %div3A_1673 : i32
        %jit3A_1696 = arith.constant 2 : i32
        %eq3A_1697 = arith.constant 0 : i32
        %eq3A_1698 = arith.cmpi eq, %jit3A_1696, %eq3A_1697 : i32
        %jit3A_1699 = arith.constant 1 : i32
        %select_n3A_1700 = arith.select %eq3A_1698, %jit3A_1699, %jit3A_1696 : i32
        %rem3A_1701 = arith.remsi %scan3A_558, %select_n3A_1700 : i32
        %ne3A_1702 = arith.constant 0 : i32
        %ne3A_1703 = arith.cmpi ne, %rem3A_1701, %ne3A_1702 : i32
        %lt3A_1704 = arith.constant 0 : i32
        %lt3A_1705 = arith.cmpi slt, %rem3A_1701, %lt3A_1704 : i32
        %lt3A_1706 = arith.constant 0 : i32
        %lt3A_1707 = arith.cmpi slt, %select_n3A_1700, %lt3A_1706 : i32
        %ne3A_1708 = arith.xori %lt3A_1705, %lt3A_1707 : i1
        %and3A_1709 = arith.andi %ne3A_1708, %ne3A_1703 : i1
        %add3A_1710 = arith.addi %rem3A_1701, %select_n3A_1700 : i32
        %select_n3A_1711 = arith.select %and3A_1709, %add3A_1710, %rem3A_1701 : i32
        %mul3A_1712 = arith.constant 64 : i32
        %mul3A_1713 = arith.muli %select_n3A_1711, %mul3A_1712 : i32
        %add3A_1714 = arith.constant 48 : i32
        %add3A_1715 = arith.addi %mul3A_1713, %add3A_1714 : i32
        %swap3A_1716 = arith.constant 1 : i32
        %swap3A_1717 = arith.index_cast %swap3A_1716 : i32 to index
        %swap3A_1718 = arith.index_cast %select_n3A_1695 : i32 to index
        %swap3A_1719 = arith.index_cast %add3A_1715 : i32 to index
        %swap3A_1720 = tpu.vector_load %arg13[%swap3A_1717, %swap3A_1718, %swap3A_1719] {strides = array<i32>} : memref<2x16x128xf32, #tpu.memory_space<vmem>>, vector<1x1x16xf32>,
        %swap3A_1721 = vector.shape_cast %swap3A_1720 : vector<1x1x16xf32> to vector<16xf32>
        %swap3A_1722 = vector.shape_cast %mul3A_1671 : vector<16xf32> to vector<1x1x16xf32>
        tpu.vector_store %arg13[%swap3A_1717, %swap3A_1718, %swap3A_1719], %swap3A_1722 {strides = array<i32>} : memref<2x16x128xf32, #tpu.memory_space<vmem>>, vector<1x1x16xf32>,
      }
      %scan3A_504 = arith.constant 32 : i32
      %mul3A_505 = arith.constant 32 : i32
      %mul3A_506 = arith.muli %add3A_409, %mul3A_505 : i32
      %add3A_507 = arith.addi %mul3A_2, %mul3A_506 : i32
      %jit3A_508 = arith.constant 2 : i32
      %div3A_509 = arith.divsi %add3A_507, %jit3A_508 : i32
      %sign3A_510 = arith.constant 0 : i32
      %sign3A_511 = arith.cmpi sgt, %add3A_507, %sign3A_510 : i32
      %sign3A_512 = arith.extui %sign3A_511 : i1 to i32
      %sign3A_513 = arith.constant 0 : i32
      %sign3A_514 = arith.cmpi slt, %add3A_507, %sign3A_513 : i32
      %sign3A_515 = arith.extui %sign3A_514 : i1 to i32
      %sign3A_516 = arith.subi %sign3A_512, %sign3A_515 : i32
      %sign3A_517 = arith.constant 0 : i32
      %sign3A_518 = arith.cmpi sgt, %jit3A_508, %sign3A_517 : i32
      %sign3A_519 = arith.extui %sign3A_518 : i1 to i32
      %sign3A_520 = arith.constant 0 : i32
      %sign3A_521 = arith.cmpi slt, %jit3A_508, %sign3A_520 : i32
      %sign3A_522 = arith.extui %sign3A_521 : i1 to i32
      %sign3A_523 = arith.subi %sign3A_519, %sign3A_522 : i32
      %ne3A_524 = arith.cmpi ne, %sign3A_516, %sign3A_523 : i32
      %rem3A_525 = arith.remsi %add3A_507, %jit3A_508 : i32
      %ne3A_526 = arith.constant 0 : i32
      %ne3A_527 = arith.cmpi ne, %rem3A_525, %ne3A_526 : i32
      %and3A_528 = arith.andi %ne3A_524, %ne3A_527 : i1
      %sub3A_529 = arith.constant 1 : i32
      %sub3A_530 = arith.subi %div3A_509, %sub3A_529 : i32
      %select_n3A_531 = arith.select %and3A_528, %sub3A_530, %div3A_509 : i32
      %dma_start3A_532 = arith.constant 1 : i32
      %dma_start3A_533 = arith.constant 0 : i32
      %dma_start3A_534 = arith.constant 0 : i32
      %dma_start3A_535 = tpu.memref_slice %arg12[%dma_start3A_532, %dma_start3A_533, %dma_start3A_534] : memref<2x32x128xf32, #tpu.memory_space<vmem>> -> memref<1x32x128xf32, #tpu.memory_space<vmem>>
      %dma_start3A_536 = tpu.memref_squeeze %dma_start3A_535 : memref<1x32x128xf32, #tpu.memory_space<vmem>> -> memref<32x128xf32, #tpu.memory_space<vmem>>
      %dma_start3A_537 = arith.constant 0 : i32
      %dma_start3A_538 = tpu.memref_slice %arg6[%add3A_507, %dma_start3A_537] : memref<51200x128xf32, #tpu.memory_space<hbm>> -> memref<32x128xf32, #tpu.memory_space<hbm>>
      %dma_start3A_539 = arith.constant 0 : i32
      %dma_start3A_540 = tpu.memref_slice %arg6[%add3A_507, %dma_start3A_539] : memref<51200x128xf32, #tpu.memory_space<hbm>> -> memref<32x128xf32, #tpu.memory_space<hbm>>
      %dma_start3A_541 = arith.constant 0 : i32
      %dma_start3A_542 = arith.constant 0 : i32
      %dma_start3A_543 = tpu.memref_slice %arg12[%dma_start3A_532, %dma_start3A_541, %dma_start3A_542] : memref<2x32x128xf32, #tpu.memory_space<vmem>> -> memref<1x32x128xf32, #tpu.memory_space<vmem>>
      %dma_start3A_544 = tpu.memref_squeeze %dma_start3A_543 : memref<1x32x128xf32, #tpu.memory_space<vmem>> -> memref<32x128xf32, #tpu.memory_space<vmem>>
      tpu.enqueue_dma source(%dma_start3A_544 : memref<32x128xf32, #tpu.memory_space<vmem>>) target(%dma_start3A_540 : memref<32x128xf32, #tpu.memory_space<hbm>>) target_semaphore(%arg19 : memref<!tpu.dma_semaphore, #tpu.memory_space<semaphore_mem>>)
      %dma_start3A_545 = arith.constant 1 : i32
      %dma_start3A_546 = arith.constant 0 : i32
      %dma_start3A_547 = arith.constant 0 : i32
      %dma_start3A_548 = tpu.memref_slice %arg13[%dma_start3A_545, %dma_start3A_546, %dma_start3A_547] : memref<2x16x128xf32, #tpu.memory_space<vmem>> -> memref<1x16x128xf32, #tpu.memory_space<vmem>>
      %dma_start3A_549 = tpu.memref_squeeze %dma_start3A_548 : memref<1x16x128xf32, #tpu.memory_space<vmem>> -> memref<16x128xf32, #tpu.memory_space<vmem>>
      %dma_start3A_550 = arith.constant 0 : i32
      %dma_start3A_551 = tpu.memref_slice %arg7[%select_n3A_531, %dma_start3A_550] : memref<25600x128xf32, #tpu.memory_space<hbm>> -> memref<16x128xf32, #tpu.memory_space<hbm>>
      %dma_start3A_552 = arith.constant 0 : i32
      %dma_start3A_553 = tpu.memref_slice %arg7[%select_n3A_531, %dma_start3A_552] : memref<25600x128xf32, #tpu.memory_space<hbm>> -> memref<16x128xf32, #tpu.memory_space<hbm>>
      %dma_start3A_554 = arith.constant 0 : i32
      %dma_start3A_555 = arith.constant 0 : i32
      %dma_start3A_556 = tpu.memref_slice %arg13[%dma_start3A_545, %dma_start3A_554, %dma_start3A_555] : memref<2x16x128xf32, #tpu.memory_space<vmem>> -> memref<1x16x128xf32, #tpu.memory_space<vmem>>
      %dma_start3A_557 = tpu.memref_squeeze %dma_start3A_556 : memref<1x16x128xf32, #tpu.memory_space<vmem>> -> memref<16x128xf32, #tpu.memory_space<vmem>>
      tpu.enqueue_dma source(%dma_start3A_557 : memref<16x128xf32, #tpu.memory_space<vmem>>) target(%dma_start3A_553 : memref<16x128xf32, #tpu.memory_space<hbm>>) target_semaphore(%arg19 : memref<!tpu.dma_semaphore, #tpu.memory_space<semaphore_mem>>)
    }
    %scan3A_161 = arith.constant 25 : i32
    %add3A_162 = arith.constant 1536 : i32
    %add3A_163 = arith.addi %mul3A_2, %add3A_162 : i32
    %jit3A = arith.constant 2 : i32
    %div3A = arith.divsi %add3A_163, %jit3A : i32
    %sign3A = arith.constant 0 : i32
    %sign3A_164 = arith.cmpi sgt, %add3A_163, %sign3A : i32
    %sign3A_165 = arith.extui %sign3A_164 : i1 to i32
    %sign3A_166 = arith.constant 0 : i32
    %sign3A_167 = arith.cmpi slt, %add3A_163, %sign3A_166 : i32
    %sign3A_168 = arith.extui %sign3A_167 : i1 to i32
    %sign3A_169 = arith.subi %sign3A_165, %sign3A_168 : i32
    %sign3A_170 = arith.constant 0 : i32
    %sign3A_171 = arith.cmpi sgt, %jit3A, %sign3A_170 : i32
    %sign3A_172 = arith.extui %sign3A_171 : i1 to i32
    %sign3A_173 = arith.constant 0 : i32
    %sign3A_174 = arith.cmpi slt, %jit3A, %sign3A_173 : i32
    %sign3A_175 = arith.extui %sign3A_174 : i1 to i32
    %sign3A_176 = arith.subi %sign3A_172, %sign3A_175 : i32
    %ne3A = arith.cmpi ne, %sign3A_169, %sign3A_176 : i32
    %rem3A_177 = arith.remsi %add3A_163, %jit3A : i32
    %ne3A_178 = arith.constant 0 : i32
    %ne3A_179 = arith.cmpi ne, %rem3A_177, %ne3A_178 : i32
    %and3A = arith.andi %ne3A, %ne3A_179 : i1
    %sub3A = arith.constant 1 : i32
    %sub3A_180 = arith.subi %div3A, %sub3A : i32
    %select_n3A = arith.select %and3A, %sub3A_180, %div3A : i32
    %dma_wait3A_181 = arith.constant 0 : i32
    %dma_wait3A_182 = arith.constant 0 : i32
    %dma_wait3A_183 = arith.constant 0 : i32
    %dma_wait3A_184 = tpu.memref_slice %arg12[%dma_wait3A_181, %dma_wait3A_182, %dma_wait3A_183] : memref<2x32x128xf32, #tpu.memory_space<vmem>> -> memref<1x32x128xf32, #tpu.memory_space<vmem>>
    %dma_wait3A_185 = tpu.memref_squeeze %dma_wait3A_184 : memref<1x32x128xf32, #tpu.memory_space<vmem>> -> memref<32x128xf32, #tpu.memory_space<vmem>>
    %dma_wait3A_186 = arith.constant 0 : i32
    %dma_wait3A_187 = tpu.memref_slice %arg6[%add3A_163, %dma_wait3A_186] : memref<51200x128xf32, #tpu.memory_space<hbm>> -> memref<32x128xf32, #tpu.memory_space<hbm>>
    %dma_wait3A_188 = arith.constant 0 : i32
    %dma_wait3A_189 = tpu.memref_slice %arg6[%add3A_163, %dma_wait3A_188] : memref<51200x128xf32, #tpu.memory_space<hbm>> -> memref<32x128xf32, #tpu.memory_space<hbm>>
    %dma_wait3A_190 = arith.constant 0 : i32
    %dma_wait3A_191 = arith.constant 0 : i32
    %dma_wait3A_192 = tpu.memref_slice %arg12[%dma_wait3A_181, %dma_wait3A_190, %dma_wait3A_191] : memref<2x32x128xf32, #tpu.memory_space<vmem>> -> memref<1x32x128xf32, #tpu.memory_space<vmem>>
    %dma_wait3A_193 = tpu.memref_squeeze %dma_wait3A_192 : memref<1x32x128xf32, #tpu.memory_space<vmem>> -> memref<32x128xf32, #tpu.memory_space<vmem>>
    tpu.wait_dma2 semaphore(%arg18 : memref<!tpu.dma_semaphore, #tpu.memory_space<semaphore_mem>>) src(%dma_wait3A_193 : memref<32x128xf32, #tpu.memory_space<vmem>>) dst(%dma_wait3A_189 : memref<32x128xf32, #tpu.memory_space<hbm>>)
    %dma_wait3A_194 = arith.constant 0 : i32
    %dma_wait3A_195 = arith.constant 0 : i32
    %dma_wait3A_196 = arith.constant 0 : i32
    %dma_wait3A_197 = tpu.memref_slice %arg13[%dma_wait3A_194, %dma_wait3A_195, %dma_wait3A_196] : memref<2x16x128xf32, #tpu.memory_space<vmem>> -> memref<1x16x128xf32, #tpu.memory_space<vmem>>
    %dma_wait3A_198 = tpu.memref_squeeze %dma_wait3A_197 : memref<1x16x128xf32, #tpu.memory_space<vmem>> -> memref<16x128xf32, #tpu.memory_space<vmem>>
    %dma_wait3A_199 = arith.constant 0 : i32
    %dma_wait3A_200 = tpu.memref_slice %arg7[%select_n3A, %dma_wait3A_199] : memref<25600x128xf32, #tpu.memory_space<hbm>> -> memref<16x128xf32, #tpu.memory_space<hbm>>
    %dma_wait3A_201 = arith.constant 0 : i32
    %dma_wait3A_202 = tpu.memref_slice %arg7[%select_n3A, %dma_wait3A_201] : memref<25600x128xf32, #tpu.memory_space<hbm>> -> memref<16x128xf32, #tpu.memory_space<hbm>>
    %dma_wait3A_203 = arith.constant 0 : i32
    %dma_wait3A_204 = arith.constant 0 : i32
    %dma_wait3A_205 = tpu.memref_slice %arg13[%dma_wait3A_194, %dma_wait3A_203, %dma_wait3A_204] : memref<2x16x128xf32, #tpu.memory_space<vmem>> -> memref<1x16x128xf32, #tpu.memory_space<vmem>>
    %dma_wait3A_206 = tpu.memref_squeeze %dma_wait3A_205 : memref<1x16x128xf32, #tpu.memory_space<vmem>> -> memref<16x128xf32, #tpu.memory_space<vmem>>
    tpu.wait_dma2 semaphore(%arg18 : memref<!tpu.dma_semaphore, #tpu.memory_space<semaphore_mem>>) src(%dma_wait3A_206 : memref<16x128xf32, #tpu.memory_space<vmem>>) dst(%dma_wait3A_202 : memref<16x128xf32, #tpu.memory_space<hbm>>)
    %add3A_207 = arith.constant 1568 : i32
    %add3A_208 = arith.addi %mul3A_2, %add3A_207 : i32
    %jit3A_209 = arith.constant 2 : i32
    %div3A_210 = arith.divsi %add3A_208, %jit3A_209 : i32
    %sign3A_211 = arith.constant 0 : i32
    %sign3A_212 = arith.cmpi sgt, %add3A_208, %sign3A_211 : i32
    %sign3A_213 = arith.extui %sign3A_212 : i1 to i32
    %sign3A_214 = arith.constant 0 : i32
    %sign3A_215 = arith.cmpi slt, %add3A_208, %sign3A_214 : i32
    %sign3A_216 = arith.extui %sign3A_215 : i1 to i32
    %sign3A_217 = arith.subi %sign3A_213, %sign3A_216 : i32
    %sign3A_218 = arith.constant 0 : i32
    %sign3A_219 = arith.cmpi sgt, %jit3A_209, %sign3A_218 : i32
    %sign3A_220 = arith.extui %sign3A_219 : i1 to i32
    %sign3A_221 = arith.constant 0 : i32
    %sign3A_222 = arith.cmpi slt, %jit3A_209, %sign3A_221 : i32
    %sign3A_223 = arith.extui %sign3A_222 : i1 to i32
    %sign3A_224 = arith.subi %sign3A_220, %sign3A_223 : i32
    %ne3A_225 = arith.cmpi ne, %sign3A_217, %sign3A_224 : i32
    %rem3A_226 = arith.remsi %add3A_208, %jit3A_209 : i32
    %ne3A_227 = arith.constant 0 : i32
    %ne3A_228 = arith.cmpi ne, %rem3A_226, %ne3A_227 : i32
    %and3A_229 = arith.andi %ne3A_225, %ne3A_228 : i1
    %sub3A_230 = arith.constant 1 : i32
    %sub3A_231 = arith.subi %div3A_210, %sub3A_230 : i32
    %select_n3A_232 = arith.select %and3A_229, %sub3A_231, %div3A_210 : i32
    %dma_wait3A_233 = arith.constant 1 : i32
    %dma_wait3A_234 = arith.constant 0 : i32
    %dma_wait3A_235 = arith.constant 0 : i32
    %dma_wait3A_236 = tpu.memref_slice %arg12[%dma_wait3A_233, %dma_wait3A_234, %dma_wait3A_235] : memref<2x32x128xf32, #tpu.memory_space<vmem>> -> memref<1x32x128xf32, #tpu.memory_space<vmem>>
    %dma_wait3A_237 = tpu.memref_squeeze %dma_wait3A_236 : memref<1x32x128xf32, #tpu.memory_space<vmem>> -> memref<32x128xf32, #tpu.memory_space<vmem>>
    %dma_wait3A_238 = arith.constant 0 : i32
    %dma_wait3A_239 = tpu.memref_slice %arg6[%add3A_208, %dma_wait3A_238] : memref<51200x128xf32, #tpu.memory_space<hbm>> -> memref<32x128xf32, #tpu.memory_space<hbm>>
    %dma_wait3A_240 = arith.constant 0 : i32
    %dma_wait3A_241 = tpu.memref_slice %arg6[%add3A_208, %dma_wait3A_240] : memref<51200x128xf32, #tpu.memory_space<hbm>> -> memref<32x128xf32, #tpu.memory_space<hbm>>
    %dma_wait3A_242 = arith.constant 0 : i32
    %dma_wait3A_243 = arith.constant 0 : i32
    %dma_wait3A_244 = tpu.memref_slice %arg12[%dma_wait3A_233, %dma_wait3A_242, %dma_wait3A_243] : memref<2x32x128xf32, #tpu.memory_space<vmem>> -> memref<1x32x128xf32, #tpu.memory_space<vmem>>
    %dma_wait3A_245 = tpu.memref_squeeze %dma_wait3A_244 : memref<1x32x128xf32, #tpu.memory_space<vmem>> -> memref<32x128xf32, #tpu.memory_space<vmem>>
    tpu.wait_dma2 semaphore(%arg19 : memref<!tpu.dma_semaphore, #tpu.memory_space<semaphore_mem>>) src(%dma_wait3A_245 : memref<32x128xf32, #tpu.memory_space<vmem>>) dst(%dma_wait3A_241 : memref<32x128xf32, #tpu.memory_space<hbm>>)
    %dma_wait3A_246 = arith.constant 1 : i32
    %dma_wait3A_247 = arith.constant 0 : i32
    %dma_wait3A_248 = arith.constant 0 : i32
    %dma_wait3A_249 = tpu.memref_slice %arg13[%dma_wait3A_246, %dma_wait3A_247, %dma_wait3A_248] : memref<2x16x128xf32, #tpu.memory_space<vmem>> -> memref<1x16x128xf32, #tpu.memory_space<vmem>>
    %dma_wait3A_250 = tpu.memref_squeeze %dma_wait3A_249 : memref<1x16x128xf32, #tpu.memory_space<vmem>> -> memref<16x128xf32, #tpu.memory_space<vmem>>
    %dma_wait3A_251 = arith.constant 0 : i32
    %dma_wait3A_252 = tpu.memref_slice %arg7[%select_n3A_232, %dma_wait3A_251] : memref<25600x128xf32, #tpu.memory_space<hbm>> -> memref<16x128xf32, #tpu.memory_space<hbm>>
    %dma_wait3A_253 = arith.constant 0 : i32
    %dma_wait3A_254 = tpu.memref_slice %arg7[%select_n3A_232, %dma_wait3A_253] : memref<25600x128xf32, #tpu.memory_space<hbm>> -> memref<16x128xf32, #tpu.memory_space<hbm>>
    %dma_wait3A_255 = arith.constant 0 : i32
    %dma_wait3A_256 = arith.constant 0 : i32
    %dma_wait3A_257 = tpu.memref_slice %arg13[%dma_wait3A_246, %dma_wait3A_255, %dma_wait3A_256] : memref<2x16x128xf32, #tpu.memory_space<vmem>> -> memref<1x16x128xf32, #tpu.memory_space<vmem>>
    %dma_wait3A_258 = tpu.memref_squeeze %dma_wait3A_257 : memref<1x16x128xf32, #tpu.memory_space<vmem>> -> memref<16x128xf32, #tpu.memory_space<vmem>>
    tpu.wait_dma2 semaphore(%arg19 : memref<!tpu.dma_semaphore, #tpu.memory_space<semaphore_mem>>) src(%dma_wait3A_258 : memref<16x128xf32, #tpu.memory_space<vmem>>) dst(%dma_wait3A_254 : memref<16x128xf32, #tpu.memory_space<hbm>>)
    return
  }
}

module attributes {stable_mosaic.version = 14 : i64} {
  func.func @body(%arg0: i32, %arg1: memref<1600x128xf32, #tpu.memory_space<vmem>>, %arg2: memref<800x128xf32, #tpu.memory_space<vmem>>, %arg3: memref<192x64xf32, #tpu.memory_space<vmem>>, %arg4: memref<1x64xf32, #tpu.memory_space<vmem>>, %arg5: memref<50x64xf32, #tpu.memory_space<vmem>>, %arg6: memref<32x50x64xf32, #tpu.memory_space<vmem>>) attributes {dimension_semantics = [#tpu.dimension_semantics<arbitrary>], iteration_bounds = array<i64: 32>, scalar_prefetch = 0 : i64, scratch_operands = 0 : i64, tpu.core_type = #tpu.core_type<tc>, window_params = [{transform_indices = @transform_0, window_bounds = array<i64: 1600, 128>}, {transform_indices = @transform_1, window_bounds = array<i64: 800, 128>}, {pipeline_mode = #tpu.pipeline_mode<synchronous>, transform_indices = @transform_2, window_bounds = array<i64: 192, 64>}, {pipeline_mode = #tpu.pipeline_mode<synchronous>, transform_indices = @transform_3, window_bounds = array<i64: 1, 64>}, {pipeline_mode = #tpu.pipeline_mode<synchronous>, transform_indices = @transform_4, window_bounds = array<i64: 50, 64>}, {transform_indices = @transform_5, window_bounds = array<i64: 32, 50, 64>}]} {
    %get3A = arith.constant 0 : index
    %get3A_0 = arith.constant 0 : index
    %get3A_1 = vector.load %arg1[%get3A, %get3A_0] : memref<1600x128xf32, #tpu.memory_space<vmem>>, vector<1600x128xf32>
    %max3A = arith.constant 0.000000e+00 : f32
    %max3A_2 = vector.broadcast %max3A : f32 to vector<1600x128xf32>
    %max3A_3 = arith.maximumf %get3A_1, %max3A_2 : vector<1600x128xf32>
    %get3A_4 = arith.constant 0 : index
    %get3A_5 = arith.constant 0 : index
    %get3A_6 = vector.load %arg3[%get3A_4, %get3A_5] : memref<192x64xf32, #tpu.memory_space<vmem>>, vector<192x64xf32>
    %slice3A = vector.extract_strided_slice %max3A_3 {offsets = [0, 0], sizes = [1600, 64], strides = [1, 1]} : vector<1600x128xf32> to vector<1600x64xf32>
    %slice3A_7 = vector.extract_strided_slice %get3A_6 {offsets = [0, 0], sizes = [64, 64], strides = [1, 1]} : vector<192x64xf32> to vector<64x64xf32>
    %dot_general3A = arith.constant dense<0.000000e+00> : vector<1600x64xf32>
    %dot_general3A_8 = tpu.matmul %slice3A, %slice3A_7, %dot_general3A {dimension_numbers = #tpu.dot_dimension_numbers<[1], [0], [0], [1], [0, 0, 1, 1], [], []>, transpose_lhs_hint = false} : vector<1600x64xf32>, vector<64x64xf32>, vector<1600x64xf32> -> vector<1600x64xf32>
    %slice3A_9 = vector.extract_strided_slice %max3A_3 {offsets = [0, 64], sizes = [1600, 64], strides = [1, 1]} : vector<1600x128xf32> to vector<1600x64xf32>
    %slice3A_10 = vector.extract_strided_slice %get3A_6 {offsets = [64, 0], sizes = [64, 64], strides = [1, 1]} : vector<192x64xf32> to vector<64x64xf32>
    %dot_general3A_11 = arith.constant dense<0.000000e+00> : vector<1600x64xf32>
    %dot_general3A_12 = tpu.matmul %slice3A_9, %slice3A_10, %dot_general3A_11 {dimension_numbers = #tpu.dot_dimension_numbers<[1], [0], [0], [1], [0, 0, 1, 1], [], []>, transpose_lhs_hint = false} : vector<1600x64xf32>, vector<64x64xf32>, vector<1600x64xf32> -> vector<1600x64xf32>
    %add3A = arith.addf %dot_general3A_8, %dot_general3A_12 : vector<1600x64xf32>
    %get3A_13 = arith.constant 0 : index
    %get3A_14 = arith.constant 0 : index
    %get3A_15 = vector.load %arg2[%get3A_13, %get3A_14] : memref<800x128xf32, #tpu.memory_space<vmem>>, vector<800x128xf32>
    %max3A_16 = arith.constant 0.000000e+00 : f32
    %max3A_17 = vector.broadcast %max3A_16 : f32 to vector<800x128xf32>
    %max3A_18 = arith.maximumf %get3A_15, %max3A_17 : vector<800x128xf32>
    %slice3A_19 = vector.extract_strided_slice %get3A_6 {offsets = [128, 0], sizes = [64, 64], strides = [1, 1]} : vector<192x64xf32> to vector<64x64xf32>
    %slice3A_20 = vector.extract_strided_slice %max3A_18 {offsets = [0, 0], sizes = [800, 64], strides = [1, 1]} : vector<800x128xf32> to vector<800x64xf32>
    %dot_general3A_21 = arith.constant dense<0.000000e+00> : vector<800x64xf32>
    %dot_general3A_22 = tpu.matmul %slice3A_20, %slice3A_19, %dot_general3A_21 {dimension_numbers = #tpu.dot_dimension_numbers<[1], [0], [0], [1], [0, 0, 1, 1], [], []>, transpose_lhs_hint = false} : vector<800x64xf32>, vector<64x64xf32>, vector<800x64xf32> -> vector<800x64xf32>
    %broadcast_in_dim3A = vector.shape_cast %dot_general3A_22 : vector<800x64xf32> to vector<800x1x64xf32>
    %slice3A_23 = vector.extract_strided_slice %max3A_18 {offsets = [0, 64], sizes = [800, 64], strides = [1, 1]} : vector<800x128xf32> to vector<800x64xf32>
    %dot_general3A_24 = arith.constant dense<0.000000e+00> : vector<800x64xf32>
    %dot_general3A_25 = tpu.matmul %slice3A_23, %slice3A_19, %dot_general3A_24 {dimension_numbers = #tpu.dot_dimension_numbers<[1], [0], [0], [1], [0, 0, 1, 1], [], []>, transpose_lhs_hint = false} : vector<800x64xf32>, vector<64x64xf32>, vector<800x64xf32> -> vector<800x64xf32>
    %broadcast_in_dim3A_26 = vector.shape_cast %dot_general3A_25 : vector<800x64xf32> to vector<800x1x64xf32>
    %concatenate3A = tpu.concatenate %broadcast_in_dim3A, %broadcast_in_dim3A_26 in 1 : vector<800x1x64xf32>, vector<800x1x64xf32> -> vector<800x2x64xf32>
    %reshape3A = vector.shape_cast %concatenate3A : vector<800x2x64xf32> to vector<1600x64xf32>
    %add3A_27 = arith.addf %add3A, %reshape3A : vector<1600x64xf32>
    %get3A_28 = arith.constant 0 : index
    %get3A_29 = arith.constant 0 : index
    %get3A_30 = vector.load %arg4[%get3A_28, %get3A_29] : memref<1x64xf32, #tpu.memory_space<vmem>>, vector<1x64xf32>
    %add3A_31 = vector.broadcast %get3A_30 : vector<1x64xf32> to vector<1600x64xf32>
    %add3A_32 = arith.addf %add3A_27, %add3A_31 : vector<1600x64xf32>
    %mul3A = arith.constant 8.000000e+00 : f32
    %mul3A_33 = vector.broadcast %mul3A : f32 to vector<1600x64xf32>
    %mul3A_34 = arith.mulf %add3A_32, %mul3A_33 : vector<1600x64xf32>
    %reshape3A_35 = vector.shape_cast %mul3A_34 : vector<1600x64xf32> to vector<32x50x64xf32>
    %get3A_36 = arith.constant 0 : index
    %get3A_37 = arith.constant 0 : index
    %get3A_38 = vector.load %arg5[%get3A_36, %get3A_37] : memref<50x64xf32, #tpu.memory_space<vmem>>, vector<50x64xf32>
    %broadcast_in_dim3A_39 = vector.shape_cast %get3A_38 : vector<50x64xf32> to vector<1x50x64xf32>
    %add3A_40 = vector.broadcast %broadcast_in_dim3A_39 : vector<1x50x64xf32> to vector<32x50x64xf32>
    %add3A_41 = arith.addf %reshape3A_35, %add3A_40 : vector<32x50x64xf32>
    %swap3A = arith.constant 0 : index
    %swap3A_42 = arith.constant 0 : index
    %swap3A_43 = arith.constant 0 : index
    %swap3A_44 = vector.load %arg6[%swap3A, %swap3A_42, %swap3A_43] : memref<32x50x64xf32, #tpu.memory_space<vmem>>, vector<32x50x64xf32>
    tpu.vector_store %arg6[%swap3A, %swap3A_42, %swap3A_43], %add3A_41 {strides = array<i32>} : memref<32x50x64xf32, #tpu.memory_space<vmem>>, vector<32x50x64xf32>,
    return
  }
  func.func @transform_0(%arg0: i32) -> (i32, i32) {
    %c0_i32 = arith.constant 0 : i32
    %c0_i32_0 = arith.constant 0 : i32
    return %arg0, %c0_i32 : i32, i32
  }
  func.func @transform_1(%arg0: i32) -> (i32, i32) {
    %c0_i32 = arith.constant 0 : i32
    %c0_i32_0 = arith.constant 0 : i32
    return %arg0, %c0_i32 : i32, i32
  }
  func.func @transform_2(%arg0: i32) -> (i32, i32) {
    %c0_i32 = arith.constant 0 : i32
    %c0_i32_0 = arith.constant 0 : i32
    %c0_i32_1 = arith.constant 0 : i32
    return %c0_i32, %c0_i32_0 : i32, i32
  }
  func.func @transform_3(%arg0: i32) -> (i32, i32) {
    %c0_i32 = arith.constant 0 : i32
    %c0_i32_0 = arith.constant 0 : i32
    %c0_i32_1 = arith.constant 0 : i32
    return %c0_i32, %c0_i32_0 : i32, i32
  }
  func.func @transform_4(%arg0: i32) -> (i32, i32) {
    %c0_i32 = arith.constant 0 : i32
    %c0_i32_0 = arith.constant 0 : i32
    %c0_i32_1 = arith.constant 0 : i32
    return %c0_i32, %c0_i32_0 : i32, i32
  }
  func.func @transform_5(%arg0: i32) -> (i32, i32, i32) {
    %c0_i32 = arith.constant 0 : i32
    %c0_i32_0 = arith.constant 0 : i32
    %c0_i32_1 = arith.constant 0 : i32
    return %arg0, %c0_i32, %c0_i32_0 : i32, i32, i32
  }
}

</mosaic_0001>

<sc_bundles>
// kernel: kernel.4.cloned.1.call-start
scs
__scs_entry_jumppad:
0x0: {  	(pc) =	sbr.rel $0x88, $3  }
0x1: {  	(tag) =	ssettag $0x0;
	lr =	simm.s32 $0x1  }
0x2: {  	[smem:$0x3F9A] =	sst lr;
	_ =	strace $0xD0000000  }
0x3: {  	_ = 	snop  }
0x4: {  	_ = 	snop  }
0x5: {  	_ = 	snop  }
0x6: {  	_ = 	snop  }
0x7: {  	_ = 	snop  }
__scs_overlays_trampoline_lowered:
0x8: {  	[smem:$0x3FA9] =	sst s0  }
0x9: {  	[smem:$0x3FAA] =	sst s1  }
0xa: {  	[smem:$0x3FAB] =	sst s2  }
0xb: {  	[smem:$0x3FAC] =	sst s3  }
0xc: {  	[smem:$0x3FAD] =	sst s4  }
0xd: {  	[smem:$0x3FAE] =	sst s5  }
0xe: {  	[smem:$0x3FAF] =	sst s6  }
0xf: {  	[smem:$0x3FB0] =	sst s7  }
0x10: {  	[smem:$0x3FB1] =	sst s8  }
0x11: {  	[smem:$0x3FB2] =	sst s9;
	s0 =	simm.s32 @!p0 $0x0  }
0x12: {  	s1 =	sld [smem:$0x3F98];
	s0 =	simm.s32 @p0 $0x1  }
0x13: {  	[smem:$0x3FB3] =	sst s0;
	s0 =	simm.s32 @!p1 $0x0  }
0x14: {  	s2 =	sld [smem:$0x3F97];
	s0 =	simm.s32 @p1 $0x1  }
0x15: {  	[smem:$0x3FB4] =	sst s0;
	s0 =	simm.s32 @!p2 $0x0  }
0x16: {  	s3 =	sld [smem:$0x3FDB];
	s0 =	simm.s32 @p2 $0x1  }
0x17: {  	s4 =	simm.s32 $0x1BF5;
	[smem:$0x3FB6] =	sst s0  }
0x18: {  	s0 =	sld [smem:$0x3F99];
	_ =	swait.ge [sflag:s4], $0x0  }
0x19: {  	s7 =	sld [smem:$0x3F9A]  }
0x1a: {  	s8 =	sadd.s32 $0xFFFFE003, lr  }
0x1b: {  	s9 =	sadd.s32 $0xFFFFFEF7, lr;
	s5 =	simm.s32 $0xFFFFFFFF;
	p2 =	slt.u32 s8, $0xFFFFF086  }
0x1c: {  	p1 =	slt.u32 s9, $0xF7A;
	s5 =	simm.s32 @!p2 $0x0  }
0x1d: {  	s5 =	simm.s32 @p1 $0x1;
	p0 =	seq.s32 s7, s2  }
0x1e: {  	s7 =	smul.u32 @!p0 $0xF7A, s2;
	p2 =	seq.s32 @!p0 s5, $0x0  }
0x1f: {  	s9 =	smul.u32 $0xF7A, s1;
	s8 =	simm.s32 @!p0 $0x1BF5;
	p2 =	por !p2, p0  }
0x20: {  	[sflag:s8] =	ssyncset.s32 @!p0 $0xFFFFF086;
	s6 =	sadd.s32 @!p0 s3, s7;
	s7 =	simm.s32 @!p0 $0x108  }
0x21: {  	s3 =	sadd.s32 s3, s9;
	s6 =	sadd.s32 @!p0 $0x88, s6;
	s7 =	simm.s32 @p2 $0x1082  }
0x22: {  	[simem:s7], [sflag:s8] =	dma.local @!p0 [hbm:s6], $0xF7A  }
0x23: {  	s9 =	sor.u32 $0xD0000000, s2;
	s6 =	simm.s32 $0x108;
	_ =	swait.ge @!p0 [sflag:s8], $0x0  }
0x24: {  	s3 =	sadd.s32 $0x88, s3;
	s6 =	simm.s32 @!p1 $0x1082;
	[sflag:s4] =	ssyncset.s32 $0xFFFFF086  }
0x25: {  	[simem:s6], [sflag:s4] =	dma.local [hbm:s3], $0xF7A  }
0x26: {  	[smem:$0x3F9A] =	sst s1;
	(tag) =	ssettag s2;
	_ =	strace s9  }
0x27: {  	s1 =	sld [smem:$0x3FAA]  }
0x28: {  	s2 =	sld [smem:$0x3FAB]  }
0x29: {  	s4 =	sld [smem:$0x3FAD]  }
0x2a: {  	p0 =	seq.s32 s5, $0x0;
	s5 =	sld [smem:$0x3FAE]  }
0x2b: {  	s6 =	sld [smem:$0x3FAF]  }
0x2c: {  	s7 =	sld [smem:$0x3FB0]  }
0x2d: {  	s3 =	simm.s32 $0x108;
	s8 =	sld [smem:$0x3FB1]  }
0x2e: {  	s3 =	simm.s32 @!p0 $0x1082;
	s9 =	sld [smem:$0x3FB2]  }
0x2f: {  	lr =	sadd.s32 s0, s3;
	s0 =	sld [smem:$0x3FA9]  }
0x30: {  	s3 =	sld [smem:$0x3FAC]  }
0x31: {  	[smem:$0x3FB5] =	sst s10  }
0x32: {  	s10 =	sld [smem:$0x3FB3];
	_ =	sdelay $0x3  }
0x33: {  	p0 =	seq.s32 s10, $0x1;
	s10 =	sld [smem:$0x3FB5];
	_ =	sdelay $0x3  }
0x34: {  	[smem:$0x3FB5] =	sst s10  }
0x35: {  	s10 =	sld [smem:$0x3FB4];
	_ =	sdelay $0x3  }
0x36: {  	p1 =	seq.s32 s10, $0x1;
	s10 =	sld [smem:$0x3FB5];
	_ =	sdelay $0x3  }
0x37: {  	[smem:$0x3FB5] =	sst s10  }
0x38: {  	s10 =	sld [smem:$0x3FB6]  }
0x39: {  	_ = 	snop;
	(pc) =	sbr.ind lr, $3  }
0x3a: {  	_ = 	snop  }
0x3b: {  	_ = 	snop  }
0x3c: {  	p2 =	seq.s32 s10, $0x1;
	s10 =	sld [smem:$0x3FB5]  }
0x3d: {  	_ =	shalt  }
0x3e: {  	_ =	shalt  }
0x3f: {  	_ =	shalt  }
0x40: {  	_ =	shalt  }
0x41: {  	_ =	shalt  }
0x42: {  	_ =	shalt  }
0x43: {  	_ =	shalt  }
0x44: {  	_ =	shalt  }
0x45: {  	_ =	shalt  }
0x46: {  	_ =	shalt  }
0x47: {  	_ =	shalt  }
0x48: {  	_ =	shalt  }
0x49: {  	_ =	shalt  }
0x4a: {  	_ =	shalt  }
0x4b: {  	_ =	shalt  }
0x4c: {  	_ =	shalt  }
0x4d: {  	_ =	shalt  }
0x4e: {  	_ =	shalt  }
0x4f: {  	_ =	shalt  }
0x50: {  	_ =	shalt  }
0x51: {  	_ =	shalt  }
0x52: {  	_ =	shalt  }
0x53: {  	_ =	shalt  }
0x54: {  	_ =	shalt  }
0x55: {  	_ =	shalt  }
0x56: {  	_ =	shalt  }
0x57: {  	_ =	shalt  }
0x58: {  	_ =	shalt  }
0x59: {  	_ =	shalt  }
0x5a: {  	_ =	shalt  }
0x5b: {  	_ =	shalt  }
0x5c: {  	_ =	shalt  }
0x5d: {  	_ =	shalt  }
0x5e: {  	_ =	shalt  }
0x5f: {  	_ =	shalt  }
0x60: {  	_ =	shalt  }
0x61: {  	_ =	shalt  }
0x62: {  	_ =	shalt  }
0x63: {  	_ =	shalt  }
0x64: {  	_ =	shalt  }
0x65: {  	_ =	shalt  }
0x66: {  	_ =	shalt  }
0x67: {  	_ =	shalt  }
0x68: {  	_ =	shalt  }
0x69: {  	_ =	shalt  }
0x6a: {  	_ =	shalt  }
0x6b: {  	_ =	shalt  }
0x6c: {  	_ =	shalt  }
0x6d: {  	_ =	shalt  }
0x6e: {  	_ =	shalt  }
0x6f: {  	_ =	shalt  }
0x70: {  	_ =	shalt  }
0x71: {  	_ =	shalt  }
0x72: {  	_ =	shalt  }
0x73: {  	_ =	shalt  }
0x74: {  	_ =	shalt  }
0x75: {  	_ =	shalt  }
0x76: {  	_ =	shalt  }
0x77: {  	_ =	shalt  }
0x78: {  	_ =	shalt  }
0x79: {  	_ =	shalt  }
0x7a: {  	_ =	shalt  }
0x7b: {  	_ =	shalt  }
0x7c: {  	_ =	shalt  }
0x7d: {  	_ =	shalt  }
0x7e: {  	_ =	shalt  }
0x7f: {  	_ =	shalt  }
0x80: {  	_ =	shalt  }
0x81: {  	_ =	shalt  }
0x82: {  	_ =	shalt  }
0x83: {  	_ =	shalt  }
0x84: {  	_ =	shalt  }
0x85: {  	_ =	shalt  }
0x86: {  	_ =	shalt  }
0x87: {  	_ =	shalt  }
.Lfunc_end0:
.L_simem_size_0:
called_computation_lowered:
.L_overlay_start_0:
0x88: {  	s2 =	sld [smem:$0x3FD9]  }
0x89: {  	s3 =	sld [smem:$0x3FFE];
	_ =	sdelay $0x1  }
0x8a: {  	s1 =	srdreg.scid  }
0x8b: {  	s0 =	sand.u32 $0x1, s1  }
0x8c: {  	s17 =	sshll.u32 s0, $0xA;
	s2 =	sadd.s32 s3, s2  }
0x8d: {  	s2 =	sadd.s32 s2, s17  }
0x8e: {  	[smem:$0x3FC1] =	sst s2  }
0x8f: {  	_ = 	snop  }
0x90: {  	s2 =	sld [smem:$0x3FD0];
	(tm) =	ssettm $0x1  }
0x91: {  	s18 =	sld [smem:$0x3FFB];
	_ =	sdelay $0x3  }
0x92: {  	_ =	strace s18  }
0x93: {  	s3 =	sld [smem:$0x3FFC];
	_ =	sdelay $0x3  }
0x94: {  	_ =	strace s3  }
0x95: {  	s3 =	sld [smem:$0x3FFD];
	_ =	sdelay $0x3  }
0x96: {  	_ =	strace s3  }
0x97: {  	_ =	strace $0x8FFFFFFF  }
0x98: {  	s19 =	sld [smem:$0x3FDB];
	_ =	sdelay $0x1  }
0x99: {  	s4 =	simm.s32 $_scs_section_size  }
0x9a: {  	s5 =	simm.s32 $_size__tile_overlayer_lowered;
	s6 =	simm.s32 $_tile_overlayer_lowered  }
0x9b: {  	s22 =	simm.s32 $0x1BFF;
	s21 =	sshll.u32 s6, $0x1;
	s3 =	sadd.s32 s4, s19  }
0x9c: {  	s7 =	simm.s32 $0x0;
	s20 =	sshll.u32 s5, $0x1;
	s5 =	sadd.s32 s21, s3  }
0x9d: {  	[timem:s7], [sflag:s22] =	dma.local [hbm:s5], s20  }
0x9e: {  	_ =	swait.ge [sflag:s22], s20  }
0x9f: {  	s4 =	ssub.s32 $0x0, s20;
	[sflag:s22] =	ssyncset.done $0x0  }
0xa0: {  	[sflag:s22] =	ssyncadd.s32 s4;
	_ =	sdelay $0x1  }
0xa1: {  	s23 =	simm.s32 $0x1B8B  }
0xa2: {  	_ =	swait.ge [sflag:s23], $0x1  }
0xa3: {  	[sflag:s23] =	ssyncset.done $0x0  }
0xa4: {  	s25 =	simm.s32 $0x1B8E;
	s24 =	sld [smem:$0x3FFE];
	[sflag:s23] =	ssyncadd.s32 $0xFFFFFFFF  }
0xa5: {  	s26 =	simm.s32 $execute0_lowered;
	[smem:$0x3FD2] =	sst s25  }
0xa6: {  	s5 =	sshll.u32 s26, $0x1;
	_ =	strace $0x80000046;
	[dreg:$0x1] =	wrdreg $0xFFFFFFFF  }
0xa7: {  	s28 =	simm.s32 $_size_execute0_lowered;
	s3 =	sadd.s32 s3, s5;
	[dreg:$0x0] =	wrdreg $0x0  }
0xa8: {  	s5 =	sshll.u32 s28, $0x1;
	[dreg:$0x2] =	wrdreg s3  }
0xa9: {  	[dreg:$0x3] =	wrdreg s5  }
0xaa: {  	[dreg:$0x4] =	wrdreg $0xC0  }
0xab: {  	_ =	task [dreg:s7], $0x5FFFF  }
0xac: {  	[dreg:$0x1] =	wrdreg $0xFFFFFFFF  }
0xad: {  	[dreg:$0x0] =	wrdreg $0x60  }
0xae: {  	[dreg:$0x2] =	wrdreg s24  }
0xaf: {  	[dreg:$0x3] =	wrdreg s2  }
0xb0: {  	[dreg:$0x4] =	wrdreg $0x9  }
0xb1: {  	_ =	task.clear_ibuf [dreg:s7], $0x5FFFF;
	_ =	strace $0x90000046  }
0xb2: {  	s29 =	simm.s32 $0x9;
	_ =	strace $0x80000048  }
0xb3: {  	_ =	swait.ge [sflag:s29], $0x1  }
0xb4: {  	[sflag:s29] =	ssyncadd.s32 $0xFFFFFFFF  }
0xb5: {  	_ =	strace $0x90000048  }
0xb6: {  	_ =	sfence  }
0xb7: {  	s30 =	sld [smem:$0x0];
	_ =	sdelay $0x2  }
0xb8: {  	s31 =	sshll.u32 s1, $0xD;
	s1 =	sshrl.u32 s1, $0x2  }
0xb9: {  	s3 =	sand.u32 $0x4000, s31;
	s1 =	sadd.s32 s1, s30  }
0xba: {  	s0 =	sor.u32 s3, s0;
	s1 =	sshll.u32 s1, $0x11  }
0xbb: {  	s0 =	sor.u32 s1, s0  }
0xbc: {  	s0 =	sadd.s32 $0x8F2B, s0  }
0xbd: {  	[sflag:s0] =	ssyncadd.remote.s32 $0x1  }
0xbe: {  	_ =	sfence.sel $0xFFFF  }
0xbf: {  	[dreg:$0x0] =	wrdreg $0xFFFFFFFF;
	(pc) =	sbr.abs _section_cstart, $3  }
0xc0: {  	[dreg:$0x1] =	wrdreg $0xFFFFFFFF  }
0xc1: {  	_ =	task.clear_ibuf [dreg:s7], $0x2FFFF;
	_ =	strace $0x9FFFFFFF  }
0xc2: {  	(tm) =	ssettm $0x7FFFFFFF  }
0xc3: {  	_ =	shalt  }
tec
execute0_lowered:
.L_overlay_start_1:
0x0: {  	(tag) =	ssettag $0x1  }
0x1: {  	s0 =	rddreg [dreg:$0x0]  }
0x2: {  	s1 =	srdreg.scid;
	s2 =	stileid.u32;
	s25 =	simm.s32 $0x0  }
0x3: {  	s18 =	simm.s32 $0x1;
	s1 =	sand.u32 $0x1, s1;
	s2 =	sshll.u32 s2, $0x1  }
0x4: {  	[smem:$0x7FF] =	sst s25;
	s26 =	sadd.s32 $0x3000, s0;
	s7 =	sadd.s32 $0x24D200, s0  }
0x5: {  	s29 =	sadd.s32 $0x22400, s0;
	s30 =	sadd.s32 $0x189C00, s0;
	s0 =	sadd.s32 $0x23E00, s0  }
0x6: {  	s2 =	sor.u32 s1, s2;
	_ =	strace $0x80000047;
	[dreg:$0x7] =	wrdreg s0  }
0x7: {  	s1 =	ssub.s32 $0x2, s1;
	[dreg:$0x4] =	wrdreg s26;
	s4 =	smul.u32 $0x640, s2  }
0x8: {  	[dreg:$0x5] =	wrdreg s29;
	s2 =	smul.u32 $0xFA0, s2;
	s10 =	sshrl.u32 s1, $0x1  }
0x9: {  	s28 =	simm.s32 $0x3;
	[dreg:$0x6] =	wrdreg s30;
	s20 =	ssub.s32 s1, s10  }
0xa: {  	s5 =	sor.u32 $0x20, s4;
	s21 =	sadd.s32 s26, s2;
	s22 =	sshrl.u32 s4, $0x3  }
0xb: {  	s0 =	smax.u32 s20, $0x1;
	s11 =	smul.u32 $0x14, s5;
	[dreg:$0x8] =	wrdreg s21  }
0xc: {  	s5 =	sshrl.u32 s5, $0x3;
	s1 =	sadd.s32 s29, s22;
	[dreg:$0xc] =	wrdreg s0  }
0xd: {  	[dreg:$0x9] =	wrdreg s1;
	s31 =	sadd.s32 s29, s5;
	s23 =	sshrl.u32 s11, $0x3  }
0xe: {  	s2 =	simm.s32 $0x0;
	[dreg:$0xb] =	wrdreg s31;
	s24 =	sadd.s32 s26, s23  }
0xf: {  	s21 =	simm.s32 $0x80;
	[dreg:$0xa] =	wrdreg s24;
	s24 =	simm.s32 $0x2  }
.LBB2_1:
0x10: {  	[dreg:$0xd] =	wrdreg s2;
	s0 =	simm.s32 $0x18810;
	s6 =	simm.s32 $0x6  }
0x11: {  	[tilespmem:s0], [sflag:$0x6] =	stream.linear.gather [hbm4b:s7+s25], $0x40, $0x38;
	[tilespmem:$0x18850] =	vst v63  }
0x12: {  	_ =	swait.ge [sflag:s6], $0x40  }
0x13: {  	[sflag:s6] =	ssyncset.done $0x0  }
0x14: {  	[sflag:s6] =	ssyncadd.s32 $0xFFFFFFC0  }
0x15: {  	v0 =	vld [tilespmem:$0x18810]  }
0x16: {  	v1 =	vld [tilespmem:$0x18820]  }
0x17: {  	s8 =	rddreg [dreg:$0x8];
	v2 =	vld [tilespmem:$0x18830]  }
0x18: {  	v3 =	vld [tilespmem:$0x18840];
	[tilespmem:s25], [sflag:$0x1] =	stream.linear.gather [hbm4b:s8+s25], $0x280, $0x38  }
0x19: {  	s1 =	simm.s32 $0x14780;
	s9 =	rddreg [dreg:$0x9]  }
0x1a: {  	[tilespmem:s1], [sflag:$0x1] =	stream.linear.gather [hbm4b:s9+s25], $0x20, $0x38;
	[tilespmem:$0x18850] =	vst v63  }
0x1b: {  	_ =	swait.ge [sflag:s18], $0x280  }
0x1c: {  	[sflag:s18] =	ssyncset.done $0x0  }
0x1d: {  	[sflag:s18] =	ssyncadd.s32 $0xFFFFFD80  }
0x1e: {  	_ =	swait.ge [sflag:s18], $0x20  }
0x1f: {  	[sflag:s18] =	ssyncset.done $0x0  }
0x20: {  	s11 =	simm.s32 $0x280;
	s10 =	rddreg [dreg:$0xa];
	[sflag:s18] =	ssyncadd.s32 $0xFFFFFFE0  }
0x21: {  	[tilespmem:s11], [sflag:$0x1] =	stream.linear.gather [hbm4b:s10+s25], $0x280, $0x38;
	[tilespmem:$0x18850] =	vst v63  }
0x22: {  	s13 =	simm.s32 $0x147B0;
	s12 =	rddreg [dreg:$0xb]  }
0x23: {  	[tilespmem:s13], [sflag:$0x1] =	stream.linear.gather [hbm4b:s12+s25], $0x20, $0x38;
	[tilespmem:$0x18850] =	vst v63  }
0x24: {  	s14 =	simm.s32 $0x780  }
0x25: {  	[tilespmem:s14], [sflag:$0x2] =	stream.indirect.gather [hbm4b:s7+s21], $0x40, s25, s21, $0xb8;
	[tilespmem:$0x18850] =	vst v63  }
0x26: {  	s15 =	simm.s32 $0x2780  }
0x27: {  	[tilespmem:s15], [sflag:$0x2] =	stream.indirect.gather [hbm4b:s7+s21], $0x40, s21, s21, $0xb8;
	[tilespmem:$0x18850] =	vst v63  }
0x28: {  	s16 =	simm.s32 $0x100;
	s17 =	simm.s32 $0x4780  }
0x29: {  	[tilespmem:s17], [sflag:$0x2] =	stream.indirect.gather [hbm4b:s7+s21], $0x40, s16, s21, $0xb8;
	[tilespmem:$0x18850] =	vst v63  }
0x2a: {  	s19 =	simm.s32 $0x180;
	s20 =	simm.s32 $0x6780  }
0x2b: {  	[tilespmem:s20], [sflag:$0x2] =	stream.indirect.gather [hbm4b:s7+s21], $0x40, s19, s21, $0xb8;
	[tilespmem:$0x18850] =	vst v63  }
0x2c: {  	s22 =	simm.s32 $0x200;
	s23 =	simm.s32 $0x8780  }
0x2d: {  	[tilespmem:s23], [sflag:$0x2] =	stream.indirect.gather [hbm4b:s7+s21], $0x40, s22, s21, $0xb8;
	[tilespmem:$0x18850] =	vst v63  }
0x2e: {  	s31 =	simm.s32 $0x14810;
	s11 =	simm.s32 $0x0;
	s25 =	simm.s32 $0x20  }
0x2f: {  	[tilespmem:s31], [sflag:$0x2] =	stream.indirect.gather [hbm4b:s30+s25], $0x40, s1, s25, $0xb8;
	[tilespmem:$0x18850] =	vst v63  }
.LBB2_2:
0x30: {  	s12 =	sshllo.u32 s11, $0x1  }
0x31: {  	s1 =	smul.u32 $0xAB, s12;
	_ =	sdelay $0x1  }
0x32: {  	s1 =	sshrl.u32 s1, $0x9  }
0x33: {  	s1 =	sand.u32 $0x7F, s1  }
0x34: {  	s1 =	smul.u32 $0x3, s1  }
0x35: {  	_ =	swait.ge [sflag:s18], $0x280  }
0x36: {  	[sflag:s18] =	ssyncset.done $0x0;
	s1 =	ssub.s32 s12, s1  }
0x37: {  	[sflag:s18] =	ssyncadd.s32 $0xFFFFFD80;
	s1 =	sand.u32 $0xFF, s1  }
0x38: {  	_ =	swait.ge [sflag:s18], $0x20;
	s2 =	smul.u32 $0xA00, s1  }
0x39: {  	[sflag:s18] =	ssyncset.done $0x0  }
0x3a: {  	s0 =	simm.s32 $0xA780;
	[sflag:s18] =	ssyncadd.s32 $0xFFFFFFE0;
	s13 =	sshrl.u32 s2, $0x2  }
0x3b: {  	[tilespmem:s0], [sflag:$0x3] =	stream.indirect.gather [hbm4b:s7+s21], $0x40, s13, s21, $0xb8;
	[tilespmem:$0x18850] =	vst v63  }
0x3c: {  	s15 =	simm.s32 $0xC780;
	s2 =	sadd.s32 $0x80, s13  }
0x3d: {  	[tilespmem:s15], [sflag:$0x3] =	stream.indirect.gather [hbm4b:s7+s21], $0x40, s2, s21, $0xb8;
	[tilespmem:$0x18850] =	vst v63  }
0x3e: {  	s17 =	simm.s32 $0xE780;
	s16 =	sadd.s32 $0x100, s13  }
0x3f: {  	[tilespmem:s17], [sflag:$0x3] =	stream.indirect.gather [hbm4b:s7+s21], $0x40, s16, s21, $0xb8;
	[tilespmem:$0x18850] =	vst v63  }
0x40: {  	s20 =	simm.s32 $0x10780;
	s1 =	smul.u32 $0xC0, s1;
	s19 =	sadd.s32 $0x180, s13  }
0x41: {  	[tilespmem:s20], [sflag:$0x3] =	stream.indirect.gather [hbm4b:s7+s21], $0x40, s19, s21, $0xb8;
	[tilespmem:$0x18850] =	vst v63  }
0x42: {  	s23 =	simm.s32 $0x12780;
	s1 =	sshrl.u32 s1, $0x2;
	s22 =	sadd.s32 $0x200, s13  }
0x43: {  	[tilespmem:s23], [sflag:$0x3] =	stream.indirect.gather [hbm4b:s7+s21], $0x40, s22, s21, $0xb8;
	[tilespmem:$0x18850] =	vst v63  }
0x44: {  	s25 =	simm.s32 $0x20;
	s31 =	simm.s32 $0x15010;
	s14 =	sadd.s32 $0x14780, s1  }
0x45: {  	[tilespmem:s31], [sflag:$0x3] =	stream.indirect.gather [hbm4b:s30+s25], $0x40, s14, s25, $0xb8;
	[tilespmem:$0x18850] =	vst v63  }
0x46: {  	_ =	swait.ge [sflag:s24], $0x2000  }
0x47: {  	[sflag:s24] =	ssyncset.done $0x0  }
0x48: {  	[sflag:s24] =	ssyncadd.s32 $0xFFFFE000  }
0x49: {  	_ =	swait.ge [sflag:s24], $0x2000  }
0x4a: {  	s16 =	sshll.u32 s11, $0x1;
	[sflag:s24] =	ssyncset.done $0x0  }
0x4b: {  	p1 =	seq.s32 s11, $0x18;
	s10 =	sadd.s32 $0x2, s16;
	[sflag:s24] =	ssyncadd.s32 $0xFFFFE000  }
0x4c: {  	s1 =	smul.u32 @!p1 $0xAB, s10;
	_ =	swait.ge [sflag:s24], $0x2000  }
0x4d: {  	p0 =	seq.s32 @!p1 s11, $0x0;
	[sflag:s24] =	ssyncset.done $0x0  }
0x4e: {  	p0 =	por p1, !p0;
	s1 =	sshrl.u32 @!p1 s1, $0x9;
	[sflag:s24] =	ssyncadd.s32 $0xFFFFE000  }
0x4f: {  	s0 =	simm.s32 @!p1 $0x0;
	s1 =	sand.u32 @!p1 $0x7F, s1;
	_ =	swait.ge [sflag:s24], $0x2000  }
0x50: {  	s0 =	simm.s32 @p1 $0x1;
	s1 =	smul.u32 @!p1 $0x3, s1;
	[sflag:s24] =	ssyncset.done $0x0  }
0x51: {  	s17 =	simm.s32 @!p1 $0x0;
	s2 =	sshll.u32 @!p1 s10, $0x5;
	[sflag:s24] =	ssyncadd.s32 $0xFFFFE000  }
0x52: {  	s2 =	sadd.s32 @!p1 s4, s2;
	s1 =	ssub.s32 @!p1 s10, s1;
	_ =	swait.ge [sflag:s24], $0x2000  }
0x53: {  	s15 =	smul.u32 @!p1 $0x14, s2;
	s1 =	sand.u32 @!p1 $0xFF, s1;
	[sflag:s24] =	ssyncset.done $0x0  }
0x54: {  	s2 =	sshrl.u32 @!p1 s2, $0x3;
	s5 =	smul.u32 @!p1 $0xA00, s1;
	[sflag:s24] =	ssyncadd.s32 $0xFFFFE000  }
0x55: {  	s15 =	sshrl.u32 @!p1 s15, $0x3;
	s1 =	smul.u32 @!p1 $0xC0, s1;
	_ =	swait.ge [sflag:s24], $0x800  }
.Ltmp0:
0x56: {  	s15 =	sadd.s32 @!p1 s26, s15;
	[sflag:s24] =	ssyncset.done $0x0;
	(pc) =	sbr.rel @!p0 .LBB2_3-.Ltmp0, $4  }
0x57: {  	s5 =	sshrl.u32 @!p1 s5, $0x2;
	s1 =	sshrl.u32 @!p1 s1, $0x2;
	[sflag:s24] =	ssyncadd.s32 $0xFFFFF800  }
0x58: {  	[tilespmem:s5], [sflag:$0x1] =	stream.linear.gather @!p1 [hbm4b:s15+s17], $0x280, $0x38;
	[tilespmem:$0x18850] =	vst v63  }
0x59: {  	s2 =	sadd.s32 @!p1 s29, s2;
	s1 =	sadd.s32 @!p1 $0x14780, s1;
	[smem:$0x7FD] =	sst s0  }
0x5a: {  	[tilespmem:s1], [sflag:$0x1] =	stream.linear.gather @!p1 [hbm4b:s2+s17], $0x20, $0x38;
	[tilespmem:$0x18850] =	vst v63  }
0x5b: {  	s0 =	simm.s32 $0x4  }
0x5c: {  	_ =	swait.ge [sflag:s0], $0x1000  }
0x5d: {  	[sflag:s0] =	ssyncset.done $0x0  }
0x5e: {  	[sflag:s0] =	ssyncadd.s32 $0xFFFFF000  }
.Ltmp1:
0x5f: {  	_ =	swait.ge [sflag:s0], $0x800;
	(pc) =	sbr.rel .LBB2_5-.Ltmp1, $4  }
0x60: {  	p0 =	por $0x0, $0x0;
	[sflag:s0] =	ssyncset.done $0x0  }
0x61: {  	[sflag:s0] =	ssyncadd.s32 $0xFFFFF800;
	s0 =	simm.s32 @!p0 $0x0  }
0x62: {  	s0 =	simm.s32 @p0 $0x1  }
0x63: {  	[smem:$0x7FC] =	sst s0  }
.LBB2_3:
0x64: {  	p0 =	por @!p1 $0x1, $0x1  }
0x65: {  	s0 =	simm.s32 @!p0 $0x0  }
0x66: {  	s0 =	simm.s32 @p0 $0x1  }
0x67: {  	[smem:$0x7FC] =	sst s0  }
.LBB2_5:
0x68: {  	s1 =	smul.u32 $0xAB, s16;
	_ =	sdelay $0x1  }
0x69: {  	s1 =	sshrl.u32 s1, $0x9  }
0x6a: {  	s1 =	sand.u32 $0x7F, s1  }
0x6b: {  	s1 =	smul.u32 $0x3, s1;
	_ =	sdelay $0x1  }
0x6c: {  	s1 =	ssub.s32 s16, s1  }
0x6d: {  	s5 =	sand.u32 $0xFF, s1  }
0x6e: {  	s1 =	smul.u32 $0xA00, s5  }
0x6f: {  	s2 =	simm.s32 $0x4  }
0x70: {  	s15 =	simm.s32 $0x0;
	s17 =	sand.u32 $0x7F8, s2;
	s1 =	sshrl.u32 s1, $0x2  }
0x71: {  	s19 =	sand.u32 $0x3F8, s15;
	s2 =	sand.u32 $0x4, s2;
	s17 =	sadd.s32 s17, s1  }
0x72: {  	s20 =	sand.u32 $0x4, s15;
	s19 =	sadd.s32 s19, s1;
	s2 =	sadd.s32 s2, s17  }
0x73: {  	s25 =	sadd.s32 s20, s19;
	v5 =	vld [tilespmem:s2+$0x0]  }
0x74: {  	v6 =	vld [tilespmem:s25+$0x0];
	_ =	sdelay $0x3  }
0x75: {  	(v2sf) =	vpush v5, $0xD  }
0x76: {  	(v2sf) =	vpush v6, $0x6  }
0x77: {  	(v2sf) =	vpush v6, $0xF  }
0x78: {  	(v2sf) =	vpush v6, $0xC  }
0x79: {  	(v2sf) =	vpush v6, $0x4  }
0x7a: {  	(v2sf) =	vpush v6, $0x7  }
0x7b: {  	(v2sf) =	vpush v6, $0x3  }
0x7c: {  	(v2sf) =	vpush v6, $0x5  }
0x7d: {  	(v2sf) =	vpush v6, $0x2  }
0x7e: {  	(v2sf) =	vpush v6, $0x1  }
0x7f: {  	s19 =	simm.s32 $0xA00;
	(v2sf) =	vpush v6, $0x0  }
0x80: {  	v7 =	vld [tilespmem:s19+$0xFFFFFDC0]  }
0x81: {  	v4 =	vld [tilespmem:s19+$0xFFFFFD80];
	(v2sf) =	vpush v6, $0x8  }
0x82: {  	(v2sf) =	vpush v6, $0x9  }
0x83: {  	v8 =	vld [tilespmem:s19+$0xFFFFFE00];
	(v2sf) =	vpush v6, $0xA  }
0x84: {  	s2 =	spop (v2sf)  }
0x85: {  	s5 =	smul.u32 $0xC0, s5;
	v9 =	vld [tilespmem:s19+$0xFFFFFE40];
	s26 =	spop (v2sf)  }
0x86: {  	s29 =	simm.s32 $0x1;
	s30 =	simm.s32 $0x1;
	v7 =	vadd.f32 v7, v4;
	s17 =	spop (v2sf)  }
0x87: {  	s31 =	simm.s32 $0x1;
	s5 =	sshrl.u32 s5, $0x2;
	v10 =	vld [tilespmem:s19+$0xFFFFFE80];
	s22 =	spop (v2sf)  }
0x88: {  	s9 =	simm.s32 $0x1;
	s5 =	sadd.s32 $0x14780, s5;
	v7 =	vadd.f32 v8, v7;
	s23 =	spop (v2sf)  }
0x89: {  	s20 =	simm.s32 $0x1;
	v8 =	vld [tilespmem:s19+$0xFFFFFEC0];
	p0 =	seq.s32 s26, $0x0;
	s25 =	spop (v2sf)  }
0x8a: {  	[dreg:$0x3] =	wrdreg s5;
	v7 =	vadd.f32 v9, v7;
	(v2sf) =	vpush v6, $0xB;
	s20 =	simm.s32 @!p0 $0x0;
	s0 =	spop (v2sf)  }
0x8b: {  	v9 =	vld [tilespmem:s19+$0xFFFFFF00];
	(v2sf) =	vpush v6, $0xD;
	p0 =	seq.s32 s23, $0x0;
	s23 =	simm.s32 $0x1;
	s26 =	spop (v2sf)  }
0x8c: {  	v7 =	vadd.f32 v10, v7;
	s9 =	simm.s32 @!p0 $0x0;
	p1 =	seq.s32 s0, $0x0;
	s3 =	spop (v2sf)  }
0x8d: {  	(v2sf) =	vpush v6, $0xE;
	v6 =	vld [tilespmem:s19+$0xFFFFFF40];
	s0 =	simm.s32 $0x1;
	s29 =	simm.s32 @!p1 $0x0;
	s6 =	spop (v2sf)  }
0x8e: {  	v7 =	vadd.f32 v8, v7;
	p0 =	seq.s32 s26, $0x0;
	p1 =	seq.s32 s3, $0x0;
	s5 =	spop (v2sf)  }
0x8f: {  	v8 =	vld [tilespmem:s19+$0xFFFFFF80];
	s26 =	simm.s32 $0x1;
	s30 =	simm.s32 @!p1 $0x0;
	p1 =	seq.s32 s5, $0x0  }
0x90: {  	v7 =	vadd.f32 v9, v7;
	s31 =	simm.s32 @!p1 $0x0;
	p1 =	seq.s32 s6, $0x0;
	s6 =	spop (v2sf)  }
0x91: {  	v9 =	vld [tilespmem:s19+$0xFFFFFFC0];
	(v2sf) =	vpush v5, $0xC;
	s23 =	simm.s32 @!p1 $0x0;
	p1 =	seq.s32 s25, $0x0;
	s25 =	spop (v2sf)  }
0x92: {  	v6 =	vadd.f32 v6, v7;
	s0 =	simm.s32 @!p0 $0x0;
	s3 =	simm.s32 $0x1;
	s8 =	spop (v2sf)  }
0x93: {  	v7 =	vld [tilespmem:s19+$0x0];
	s23 =	sadd.s32 s23, s31;
	s3 =	simm.s32 @!p1 $0x0;
	p1 =	seq.s32 s6, $0x0  }
0x94: {  	(v2sf) =	vpush v5, $0xE;
	v6 =	vadd.f32 v8, v6;
	p0 =	seq.s32 s8, $0x0;
	s8 =	rddreg [dreg:$0x3];
	s6 =	sadd.s32 s30, s23  }
0x95: {  	v8 =	vld [tilespmem:s19+$0x40];
	s23 =	sand.u32 $0x18, s15;
	s26 =	simm.s32 @!p0 $0x0;
	p0 =	seq.s32 s22, $0x0  }
0x96: {  	(v2sf) =	vpush v5, $0xF;
	v5 =	vadd.f32 v9, v6;
	s8 =	sadd.s32 s23, s8;
	s6 =	sadd.s32 s29, s6;
	s22 =	simm.s32 $0x1  }
0x97: {  	v6 =	vld [tilespmem:s19+$0x80];
	s23 =	simm.s32 $0x1;
	s6 =	sadd.s32 s9, s6;
	s9 =	sand.u32 $0x7, s15  }
0x98: {  	v5 =	vadd.f32 v7, v5;
	s22 =	simm.s32 @!p1 $0x0;
	p1 =	seq.s32 s25, $0x0;
	s0 =	sadd.s32 s0, s6  }
0x99: {  	s6 =	spop (v2sf);
	s23 =	simm.s32 @!p1 $0x0;
	s8 =	sadd.s32 s9, s8  }
0x9a: {  	v5 =	vadd.f32 v8, v5;
	s9 =	simm.s32 $0x1;
	s0 =	sadd.s32 s20, s0;
	s25 =	spop (v2sf)  }
0x9b: {  	v7 =	vld [tilespmem:s19+$0xC0];
	s20 =	simm.s32 $0x1;
	s9 =	simm.s32 @!p0 $0x0;
	p0 =	seq.s32 s17, $0x0  }
0x9c: {  	v5 =	vadd.f32 v6, v5;
	v6 =	vld [tilespmem:s8+$0x0];
	s8 =	simm.s32 $0x1;
	p1 =	seq.s32 s25, $0x0;
	s0 =	sadd.s32 s3, s0  }
0x9d: {  	v8 =	vld [tilespmem:s19+$0x100];
	s3 =	simm.s32 $0x1;
	s25 =	spop (v2sf);
	s0 =	sadd.s32 s22, s0  }
0x9e: {  	s20 =	simm.s32 @!p1 $0x0;
	p1 =	seq.s32 s6, $0x0;
	s0 =	sadd.s32 s23, s0  }
0x9f: {  	v9 =	vld [tilespmem:s19+$0x140];
	s6 =	simm.s32 $0x1;
	s3 =	simm.s32 @!p1 $0x0;
	s0 =	sadd.s32 s26, s0  }
0xa0: {  	v5 =	vadd.f32 v7, v5;
	s22 =	spop (v2sf);
	p1 =	seq.s32 s25, $0x0;
	s0 =	sadd.s32 s3, s0  }
0xa1: {  	v7 =	vld [tilespmem:s19+$0x180];
	s6 =	simm.s32 @!p1 $0x0;
	s3 =	simm.s32 $0x1;
	s0 =	sadd.s32 s9, s0  }
0xa2: {  	v5 =	vadd.f32 v8, v5;
	s3 =	simm.s32 @!p0 $0x0;
	p0 =	seq.s32 s22, $0x0;
	s0 =	sadd.s32 s20, s0  }
0xa3: {  	v8 =	vld [tilespmem:s19+$0x1C0];
	s23 =	spop (v2sf);
	s8 =	simm.s32 @!p0 $0x0;
	s0 =	sadd.s32 s6, s0  }
0xa4: {  	v5 =	vadd.f32 v9, v5;
	(v2sf) =	vpush v6, $0x0;
	p0 =	seq.s32 s2, $0x0;
	s0 =	sadd.s32 s3, s0;
	s3 =	simm.s32 $0x1  }
0xa5: {  	s25 =	spop (v2sf);
	v6 =	vld [tilespmem:s19+$0x200];
	s3 =	simm.s32 @!p0 $0x0;
	s0 =	sadd.s32 s8, s0  }
0xa6: {  	v5 =	vadd.f32 v7, v5;
	p0 =	seq.s32 s23, $0x0;
	s0 =	sadd.s32 s3, s0;
	s3 =	simm.s32 $0x1  }
0xa7: {  	v7 =	vld [tilespmem:s19+$0x240];
	s2 =	simm.s32 $0x1;
	s3 =	simm.s32 @!p0 $0x0;
	p0 =	seq.s32 s25, $0x0  }
0xa8: {  	v5 =	vadd.f32 v8, v5;
	s0 =	sadd.s32 s3, s0;
	s2 =	simm.s32 @!p0 $0x0  }
0xa9: {  	s0 =	sadd.s32 s2, s0  }
0xaa: {  	v5 =	vadd.f32 v6, v5;
	s31 =	scvt.s32.f32 s0  }
0xab: {  	p0 =	sne.s32 s5, $0x0;
	s5 =	simm.f32 $1.000000000e+00  }
0xac: {  	v5 =	vadd.f32 v7, v5;
	s5 =	simm.s32 @!p0 $0x0;
	v6 =	vmul.f32 s31, v0  }
0xad: {  	v4 =	vmul.f32 s5, v4  }
0xae: {  	s22 =	simm.s32 $0x15850;
	v5 =	vsub.f32 v5, v6  }
0xaf: {  	[tilespmem:s22+$0xFFFFFFC0] =	vst v4  }
0xb0: {  	s20 =	simm.s32 $0x14830;
	[tilespmem:s22+$0x0] =	vst v5  }
0xb1: {  	v4 =	vld [tilespmem:s20+$0xFFFFFFE0];
	_ =	sdelay $0x1  }
0xb2: {  	s26 =	spop (v2sf)  }
0xb3: {  	s2 =	simm.f32 $1.000000000e+00;
	p0 =	sne.s32 s26, $0x0  }
0xb4: {  	s2 =	simm.s32 @!p0 $0x0  }
0xb5: {  	v4 =	vmul.f32 s2, v4  }
0xb6: {  	s17 =	sand.u32 $0x7C0, s15  }
0xb7: {  	[tilespmem:s17+$0x17810] =	vst v4  }
0xb8: {  	v4 =	vld [tilespmem:s19+$0xFFFFFD90]  }
0xb9: {  	v5 =	vld [tilespmem:s19+$0xFFFFFDD0];
	_ =	sdelay $0x1  }
0xba: {  	v6 =	vld [tilespmem:s19+$0xFFFFFE10];
	_ =	sdelay $0x1  }
0xbb: {  	v7 =	vld [tilespmem:s19+$0xFFFFFE50]  }
0xbc: {  	v5 =	vadd.f32 v5, v4  }
0xbd: {  	v8 =	vld [tilespmem:s19+$0xFFFFFE90]  }
0xbe: {  	v5 =	vadd.f32 v6, v5  }
0xbf: {  	v6 =	vld [tilespmem:s19+$0xFFFFFED0]  }
0xc0: {  	v5 =	vadd.f32 v7, v5  }
0xc1: {  	v7 =	vld [tilespmem:s19+$0xFFFFFF10]  }
0xc2: {  	v5 =	vadd.f32 v8, v5  }
0xc3: {  	v8 =	vld [tilespmem:s19+$0xFFFFFF50]  }
0xc4: {  	v5 =	vadd.f32 v6, v5  }
0xc5: {  	v6 =	vld [tilespmem:s19+$0xFFFFFF90]  }
0xc6: {  	v5 =	vadd.f32 v7, v5  }
0xc7: {  	v7 =	vld [tilespmem:s19+$0xFFFFFFD0]  }
0xc8: {  	v5 =	vadd.f32 v8, v5  }
0xc9: {  	v8 =	vld [tilespmem:s19+$0x10]  }
0xca: {  	v5 =	vadd.f32 v6, v5  }
0xcb: {  	v6 =	vld [tilespmem:s19+$0x50]  }
0xcc: {  	v5 =	vadd.f32 v7, v5  }
0xcd: {  	v7 =	vld [tilespmem:s19+$0x90]  }
0xce: {  	v5 =	vadd.f32 v8, v5  }
0xcf: {  	v8 =	vld [tilespmem:s19+$0xD0]  }
0xd0: {  	v5 =	vadd.f32 v6, v5  }
0xd1: {  	v6 =	vld [tilespmem:s19+$0x110]  }
0xd2: {  	v5 =	vadd.f32 v7, v5  }
0xd3: {  	v7 =	vld [tilespmem:s19+$0x150]  }
0xd4: {  	v5 =	vadd.f32 v8, v5  }
0xd5: {  	v8 =	vld [tilespmem:s19+$0x190]  }
0xd6: {  	v5 =	vadd.f32 v6, v5  }
0xd7: {  	v6 =	vld [tilespmem:s19+$0x1D0]  }
0xd8: {  	v5 =	vadd.f32 v7, v5  }
0xd9: {  	v7 =	vld [tilespmem:s19+$0x210]  }
0xda: {  	v5 =	vadd.f32 v8, v5  }
0xdb: {  	v8 =	vld [tilespmem:s19+$0x250]  }
0xdc: {  	v5 =	vadd.f32 v6, v5;
	_ =	sdelay $0x1  }
0xdd: {  	v5 =	vadd.f32 v7, v5;
	_ =	sdelay $0x1  }
0xde: {  	v6 =	vmul.f32 s31, v1;
	v5 =	vadd.f32 v8, v5  }
0xdf: {  	v4 =	vmul.f32 s5, v4  }
0xe0: {  	v5 =	vsub.f32 v5, v6  }
0xe1: {  	[tilespmem:s22+$0xFFFFFFD0] =	vst v4  }
0xe2: {  	[tilespmem:s22+$0x10] =	vst v5  }
0xe3: {  	v4 =	vld [tilespmem:s20+$0xFFFFFFF0];
	_ =	sdelay $0x4  }
0xe4: {  	v4 =	vmul.f32 s2, v4;
	_ =	sdelay $0x1  }
0xe5: {  	[tilespmem:s17+$0x17820] =	vst v4  }
0xe6: {  	v4 =	vld [tilespmem:s19+$0xFFFFFDA0]  }
0xe7: {  	v5 =	vld [tilespmem:s19+$0xFFFFFDE0];
	_ =	sdelay $0x1  }
0xe8: {  	v6 =	vld [tilespmem:s19+$0xFFFFFE20];
	_ =	sdelay $0x1  }
0xe9: {  	v7 =	vld [tilespmem:s19+$0xFFFFFE60]  }
0xea: {  	v5 =	vadd.f32 v5, v4  }
0xeb: {  	v8 =	vld [tilespmem:s19+$0xFFFFFEA0]  }
0xec: {  	v5 =	vadd.f32 v6, v5  }
0xed: {  	v6 =	vld [tilespmem:s19+$0xFFFFFEE0]  }
0xee: {  	v5 =	vadd.f32 v7, v5  }
0xef: {  	v7 =	vld [tilespmem:s19+$0xFFFFFF20]  }
0xf0: {  	v5 =	vadd.f32 v8, v5  }
0xf1: {  	v8 =	vld [tilespmem:s19+$0xFFFFFF60]  }
0xf2: {  	v5 =	vadd.f32 v6, v5  }
0xf3: {  	v6 =	vld [tilespmem:s19+$0xFFFFFFA0]  }
0xf4: {  	v5 =	vadd.f32 v7, v5  }
0xf5: {  	v7 =	vld [tilespmem:s19+$0xFFFFFFE0]  }
0xf6: {  	v5 =	vadd.f32 v8, v5  }
0xf7: {  	v8 =	vld [tilespmem:s19+$0x20]  }
0xf8: {  	v5 =	vadd.f32 v6, v5  }
0xf9: {  	v6 =	vld [tilespmem:s19+$0x60]  }
0xfa: {  	v5 =	vadd.f32 v7, v5  }
0xfb: {  	v7 =	vld [tilespmem:s19+$0xA0]  }
0xfc: {  	v5 =	vadd.f32 v8, v5  }
0xfd: {  	v8 =	vld [tilespmem:s19+$0xE0]  }
0xfe: {  	v5 =	vadd.f32 v6, v5  }
0xff: {  	v6 =	vld [tilespmem:s19+$0x120]  }
0x100: {  	v5 =	vadd.f32 v7, v5  }
0x101: {  	v7 =	vld [tilespmem:s19+$0x160]  }
0x102: {  	v5 =	vadd.f32 v8, v5  }
0x103: {  	v8 =	vld [tilespmem:s19+$0x1A0]  }
0x104: {  	v5 =	vadd.f32 v6, v5  }
0x105: {  	v6 =	vld [tilespmem:s19+$0x1E0]  }
0x106: {  	v5 =	vadd.f32 v7, v5  }
0x107: {  	v7 =	vld [tilespmem:s19+$0x220]  }
0x108: {  	v5 =	vadd.f32 v8, v5  }
0x109: {  	v8 =	vld [tilespmem:s19+$0x260]  }
0x10a: {  	v5 =	vadd.f32 v6, v5;
	_ =	sdelay $0x1  }
0x10b: {  	v5 =	vadd.f32 v7, v5;
	_ =	sdelay $0x1  }
0x10c: {  	v6 =	vmul.f32 s31, v2;
	v5 =	vadd.f32 v8, v5  }
0x10d: {  	v4 =	vmul.f32 s5, v4  }
0x10e: {  	v5 =	vsub.f32 v5, v6  }
0x10f: {  	[tilespmem:s22+$0xFFFFFFE0] =	vst v4  }
0x110: {  	[tilespmem:s22+$0x20] =	vst v5  }
0x111: {  	v4 =	vld [tilespmem:s20+$0x0];
	_ =	sdelay $0x4  }
0x112: {  	v4 =	vmul.f32 s2, v4;
	_ =	sdelay $0x1  }
0x113: {  	[tilespmem:s17+$0x17830] =	vst v4  }
0x114: {  	v4 =	vld [tilespmem:s19+$0xFFFFFDB0]  }
0x115: {  	v5 =	vld [tilespmem:s19+$0xFFFFFDF0]  }
0x116: {  	v6 =	vld [tilespmem:s19+$0xFFFFFE30]  }
0x117: {  	v7 =	vld [tilespmem:s19+$0xFFFFFE70]  }
0x118: {  	v8 =	vld [tilespmem:s19+$0xFFFFFEB0]  }
0x119: {  	v15 =	vld [tilespmem:s19+$0xFFFFFEF0]  }
0x11a: {  	v16 =	vld [tilespmem:s19+$0xFFFFFF30];
	v5 =	vadd.f32 v5, v4  }
0x11b: {  	v14 =	vld [tilespmem:s19+$0xFFFFFF70]  }
0x11c: {  	v11 =	vld [tilespmem:s19+$0xFFFFFFB0];
	v5 =	vadd.f32 v6, v5  }
0x11d: {  	v9 =	vld [tilespmem:s19+$0xFFFFFFF0]  }
0x11e: {  	v12 =	vld [tilespmem:s19+$0x30];
	v5 =	vadd.f32 v7, v5  }
0x11f: {  	v10 =	vld [tilespmem:s19+$0x70]  }
0x120: {  	v13 =	vld [tilespmem:s19+$0xB0];
	v5 =	vadd.f32 v8, v5  }
0x121: {  	v6 =	vld [tilespmem:s19+$0xF0]  }
0x122: {  	v7 =	vld [tilespmem:s19+$0x130];
	v8 =	vadd.f32 v15, v5  }
0x123: {  	s30 =	simm.s32 $0xA00;
	s29 =	simm.s32 $0x14870;
	v5 =	vld [tilespmem:s19+$0x170]  }
0x124: {  	s23 =	simm.s32 $0x15850;
	s25 =	simm.s32 $0x1;
	s26 =	simm.s32 $0x14;
	v4 =	vmul.f32 s5, v4;
	v15 =	vadd.f32 v16, v8;
	v8 =	vld [tilespmem:s19+$0x1B0]  }
.LBB2_6:
0x125: {  	_ = 	snop  }
0x126: {  	v14 =	vadd.f32 v14, v15;
	_ =	sdelay $0x1  }
0x127: {  	v11 =	vadd.f32 v11, v14;
	_ =	sdelay $0x1  }
0x128: {  	v9 =	vadd.f32 v9, v11;
	_ =	sdelay $0x1  }
0x129: {  	v9 =	vadd.f32 v12, v9;
	_ =	sdelay $0x1  }
0x12a: {  	v9 =	vadd.f32 v10, v9;
	_ =	sdelay $0x1  }
0x12b: {  	v9 =	vadd.f32 v13, v9;
	_ =	sdelay $0x1  }
0x12c: {  	v6 =	vadd.f32 v6, v9;
	_ =	sdelay $0x1  }
0x12d: {  	v6 =	vadd.f32 v7, v6  }
0x12e: {  	v16 =	vld [tilespmem:s19+$0x1F0]  }
0x12f: {  	v5 =	vadd.f32 v5, v6  }
0x130: {  	v15 =	vld [tilespmem:s19+$0x230]  }
0x131: {  	v5 =	vadd.f32 v8, v5  }
0x132: {  	v17 =	vld [tilespmem:s19+$0x270]  }
0x133: {  	v5 =	vadd.f32 v16, v5;
	_ =	sdelay $0x1  }
0x134: {  	v5 =	vadd.f32 v15, v5;
	_ =	sdelay $0x1  }
0x135: {  	v6 =	vmul.f32 s31, v3;
	v5 =	vadd.f32 v17, v5;
	_ =	sdelay $0x1  }
0x136: {  	v5 =	vsub.f32 v5, v6  }
0x137: {  	[tilespmem:s23+$0xFFFFFFF0] =	vst v4  }
0x138: {  	[tilespmem:s23+$0x30] =	vst v5  }
0x139: {  	v4 =	vld [tilespmem:s20+$0x10];
	_ =	sdelay $0x1  }
0x13a: {  	p0 =	sne.s32 s25, $0x1F  }
0x13b: {  	s8 =	sand.u32 $0x3F8, s26;
	s0 =	simm.s32 @!p0 $0x0  }
0x13c: {  	s3 =	sand.u32 $0x4, s26;
	s9 =	sadd.s32 $0x4, s26;
	s0 =	simm.s32 @p0 $0x1  }
0x13d: {  	s6 =	sand.u32 $0x7F8, s9;
	[smem:$0x7FB] =	sst s0;
	s0 =	sadd.s32 s8, s1;
	v4 =	vmul.f32 s2, v4  }
0x13e: {  	s6 =	sadd.s32 s6, s1;
	s0 =	sadd.s32 s3, s0;
	s3 =	sand.u32 $0x4, s9  }
0x13f: {  	s3 =	sadd.s32 s3, s6;
	[tilespmem:s17+$0x17840] =	vst v4  }
0x140: {  	v9 =	vld [tilespmem:s3+$0x0]  }
0x141: {  	v10 =	vld [tilespmem:s0+$0x0];
	_ =	sdelay $0x3  }
0x142: {  	(v2sf) =	vpush v9, $0xD  }
0x143: {  	(v2sf) =	vpush v10, $0x6  }
0x144: {  	(v2sf) =	vpush v10, $0xF;
	_ =	sdelay $0x1  }
0x145: {  	(v2sf) =	vpush v10, $0xC  }
0x146: {  	(v2sf) =	vpush v10, $0x4  }
0x147: {  	(v2sf) =	vpush v10, $0x7;
	_ =	sdelay $0x1  }
0x148: {  	(v2sf) =	vpush v10, $0x3  }
0x149: {  	(v2sf) =	vpush v10, $0x5  }
0x14a: {  	(v2sf) =	vpush v10, $0x2  }
0x14b: {  	(v2sf) =	vpush v10, $0x1  }
0x14c: {  	(v2sf) =	vpush v10, $0x0;
	_ =	sdelay $0x1  }
0x14d: {  	(v2sf) =	vpush v10, $0x8  }
0x14e: {  	s30 =	sadd.s32 $0x500, s30;
	s6 =	spop (v2sf)  }
0x14f: {  	s5 =	smov.u32 s25;
	p0 =	seq.s32 s6, $0x0;
	s8 =	spop (v2sf)  }
0x150: {  	s31 =	simm.s32 $0x1;
	s0 =	simm.s32 @!p0 $0x0;
	s9 =	spop (v2sf)  }
0x151: {  	s0 =	simm.s32 @p0 $0x1;
	p0 =	seq.s32 s8, $0x0;
	p1 =	seq.s32 s9, $0x0  }
0x152: {  	v5 =	vld [tilespmem:s30+$0xFFFFFDC0];
	s17 =	spop (v2sf);
	[smem:$0x7FA] =	sst s0;
	s0 =	simm.s32 @!p1 $0x0  }
0x153: {  	v4 =	vld [tilespmem:s30+$0xFFFFFD80];
	p5 =	seq.s32 s17, $0x0;
	s2 =	spop (v2sf);
	s17 =	simm.s32 $0x1  }
0x154: {  	(v2sf) =	vpush v10, $0x9;
	s0 =	simm.s32 @p1 $0x1;
	p3 =	seq.s32 s2, $0x0;
	s3 =	spop (v2sf)  }
0x155: {  	v14 =	vld [tilespmem:s30+$0xFFFFFE00];
	s2 =	sand.u32 $0x18, s5;
	[smem:$0x7F9] =	sst s0;
	s0 =	sand.u32 $0x7, s5  }
0x156: {  	(v2sf) =	vpush v10, $0xA;
	p6 =	seq.s32 s3, $0x0;
	s6 =	spop (v2sf);
	s3 =	simm.s32 $0x1  }
0x157: {  	v15 =	vld [tilespmem:s30+$0xFFFFFE40];
	p1 =	seq.s32 s6, $0x0;
	s8 =	spop (v2sf);
	s6 =	simm.s32 $0x1  }
0x158: {  	v16 =	vadd.f32 v5, v4;
	s3 =	simm.s32 @!p0 $0x0;
	s6 =	simm.s32 @!p1 $0x0;
	s9 =	spop (v2sf)  }
0x159: {  	v17 =	vld [tilespmem:s30+$0xFFFFFE80];
	(v2sf) =	vpush v10, $0xB;
	p2 =	seq.s32 s8, $0x0;
	p0 =	seq.s32 s9, $0x0;
	s8 =	spop (v2sf)  }
0x15a: {  	v14 =	vadd.f32 v14, v16;
	(v2sf) =	vpush v10, $0xD;
	p1 =	seq.s32 s8, $0x0;
	s8 =	simm.s32 $0x1;
	s9 =	spop (v2sf)  }
0x15b: {  	v16 =	vld [tilespmem:s30+$0xFFFFFEC0];
	(v2sf) =	vpush v10, $0xE;
	s8 =	simm.s32 @!p0 $0x0;
	p0 =	seq.s32 s9, $0x0;
	p4 =	sne.s32 s9, $0x0  }
0x15c: {  	v14 =	vadd.f32 v15, v14;
	s9 =	spop (v2sf);
	s31 =	simm.s32 @!p1 $0x0;
	s17 =	simm.s32 @!p0 $0x0  }
0x15d: {  	v15 =	vld [tilespmem:s30+$0xFFFFFF00];
	s5 =	rddreg [dreg:$0x3];
	p1 =	seq.s32 s9, $0x0;
	s9 =	sadd.s32 s31, s17  }
0x15e: {  	v14 =	vadd.f32 v17, v14;
	s2 =	sadd.s32 s2, s5;
	s5 =	simm.s32 $0x1;
	s8 =	sadd.s32 s8, s9  }
0x15f: {  	v17 =	vld [tilespmem:s30+$0xFFFFFF40];
	(v2sf) =	vpush v9, $0xC;
	s5 =	simm.s32 @!p3 $0x0;
	s8 =	sadd.s32 s6, s8  }
0x160: {  	v14 =	vadd.f32 v16, v14;
	s0 =	sadd.s32 s0, s2;
	(v2sf) =	vpush v9, $0xE;
	s2 =	sadd.s32 s5, s8;
	s5 =	simm.s32 $0x1  }
0x161: {  	v16 =	vld [tilespmem:s30+$0xFFFFFF80];
	s5 =	simm.s32 @!p2 $0x0  }
0x162: {  	v14 =	vadd.f32 v15, v14;
	s2 =	sadd.s32 s5, s2  }
0x163: {  	v15 =	vld [tilespmem:s30+$0xFFFFFFC0];
	s17 =	spop (v2sf);
	s2 =	sadd.s32 s3, s2;
	s3 =	simm.s32 $0x1  }
0x164: {  	v14 =	vadd.f32 v17, v14;
	p0 =	seq.s32 s17, $0x0;
	s3 =	simm.s32 @!p6 $0x0  }
0x165: {  	v11 =	vld [tilespmem:s30+$0x0];
	s9 =	spop (v2sf);
	s2 =	sadd.s32 s3, s2;
	s3 =	simm.s32 $0x1  }
0x166: {  	v10 =	vadd.f32 v16, v14;
	s6 =	simm.s32 $0x1;
	p2 =	seq.s32 s9, $0x0;
	s3 =	simm.s32 @!p1 $0x0  }
0x167: {  	v12 =	vld [tilespmem:s30+$0x40];
	s5 =	simm.s32 $0x1;
	s2 =	sadd.s32 s3, s2;
	s3 =	simm.s32 $0x1  }
0x168: {  	v10 =	vadd.f32 v15, v10;
	(v2sf) =	vpush v9, $0xF;
	s17 =	spop (v2sf);
	s5 =	simm.s32 @!p2 $0x0;
	s3 =	simm.s32 @!p0 $0x0  }
0x169: {  	v13 =	vld [tilespmem:s30+$0x80];
	p2 =	seq.s32 s17, $0x0;
	s8 =	spop (v2sf);
	s2 =	sadd.s32 s3, s2  }
0x16a: {  	v10 =	vadd.f32 v11, v10;
	s6 =	simm.s32 @!p2 $0x0;
	s9 =	spop (v2sf);
	s2 =	sadd.s32 s5, s2  }
0x16b: {  	v8 =	vld [tilespmem:s30+$0xC0];
	p1 =	seq.s32 s9, $0x0;
	s2 =	sadd.s32 s6, s2;
	s6 =	simm.s32 $0x1  }
0x16c: {  	v9 =	vadd.f32 v12, v10;
	p0 =	seq.s32 s8, $0x0;
	s3 =	simm.s32 $0x1;
	s6 =	simm.s32 @!p5 $0x0  }
0x16d: {  	s8 =	sld [smem:$0x7F9];
	s3 =	simm.s32 @!p0 $0x0;
	s2 =	sadd.s32 s6, s2  }
0x16e: {  	v7 =	vld [tilespmem:s30+$0x100];
	v9 =	vadd.f32 v13, v9;
	s17 =	spop (v2sf);
	s9 =	sadd.s32 s3, s2;
	s2 =	simm.s32 $0x1  }
0x16f: {  	v6 =	vld [tilespmem:s30+$0x140];
	p0 =	seq.s32 s17, $0x0;
	s17 =	spop (v2sf);
	s2 =	simm.s32 @!p1 $0x0  }
0x170: {  	v8 =	vadd.f32 v8, v9;
	v9 =	vld [tilespmem:s0+$0x0];
	p1 =	seq.s32 s8, $0x1;
	s0 =	sadd.s32 s2, s9;
	s2 =	simm.s32 $0x1  }
0x171: {  	s2 =	simm.s32 @!p1 $0x0;
	p1 =	seq.s32 s17, $0x0;
	s17 =	sld [smem:$0x7FA]  }
0x172: {  	v5 =	vld [tilespmem:s30+$0x180];
	s0 =	sadd.s32 s2, s0;
	s2 =	simm.s32 $0x1  }
0x173: {  	v7 =	vadd.f32 v7, v8;
	s2 =	simm.s32 @!p0 $0x0  }
0x174: {  	v8 =	vld [tilespmem:s30+$0x1C0];
	s0 =	sadd.s32 s2, s0;
	s2 =	simm.s32 $0x1;
	p0 =	seq.s32 s17, $0x1  }
0x175: {  	v6 =	vadd.f32 v6, v7;
	(v2sf) =	vpush v9, $0x0;
	s2 =	simm.s32 @!p0 $0x0  }
0x176: {  	v7 =	vld [tilespmem:s30+$0x200];
	s0 =	sadd.s32 s2, s0;
	s2 =	simm.s32 $0x1  }
0x177: {  	v5 =	vadd.f32 v5, v6;
	s9 =	spop (v2sf);
	s2 =	simm.s32 @!p1 $0x0  }
0x178: {  	v6 =	vld [tilespmem:s30+$0x240];
	p0 =	seq.s32 s9, $0x0;
	s0 =	sadd.s32 s2, s0;
	s2 =	simm.s32 $0x1  }
0x179: {  	v5 =	vadd.f32 v8, v5;
	s2 =	simm.s32 @!p0 $0x0  }
0x17a: {  	s0 =	sadd.s32 s2, s0  }
0x17b: {  	v5 =	vadd.f32 v7, v5;
	s31 =	scvt.s32.f32 s0  }
0x17c: {  	s5 =	simm.f32 $1.000000000e+00  }
0x17d: {  	s5 =	simm.s32 @!p4 $0x0;
	v5 =	vadd.f32 v6, v5;
	v6 =	vmul.f32 s31, v0  }
0x17e: {  	v4 =	vmul.f32 s5, v4  }
0x17f: {  	s22 =	sadd.s32 $0x80, s22;
	v5 =	vsub.f32 v5, v6  }
0x180: {  	[tilespmem:s22+$0xFFFFFFC0] =	vst v4  }
0x181: {  	[tilespmem:s22+$0x0] =	vst v5  }
0x182: {  	v4 =	vld [tilespmem:s29+$0xFFFFFFE0];
	_ =	sdelay $0x1  }
0x183: {  	s8 =	spop (v2sf)  }
0x184: {  	p0 =	sne.s32 s8, $0x0;
	s2 =	simm.f32 $1.000000000e+00  }
0x185: {  	s2 =	simm.s32 @!p0 $0x0  }
0x186: {  	s15 =	sadd.s32 $0x40, s15;
	v4 =	vmul.f32 s2, v4  }
0x187: {  	s17 =	sand.u32 $0x7C0, s15  }
0x188: {  	[tilespmem:s17+$0x17810] =	vst v4  }
0x189: {  	v4 =	vld [tilespmem:s30+$0xFFFFFD90]  }
0x18a: {  	v5 =	vld [tilespmem:s30+$0xFFFFFDD0];
	_ =	sdelay $0x1  }
0x18b: {  	v6 =	vld [tilespmem:s30+$0xFFFFFE10];
	_ =	sdelay $0x1  }
0x18c: {  	v7 =	vld [tilespmem:s30+$0xFFFFFE50]  }
0x18d: {  	v8 =	vmul.f32 s5, v4;
	v4 =	vadd.f32 v5, v4  }
0x18e: {  	v5 =	vld [tilespmem:s30+$0xFFFFFE90]  }
0x18f: {  	v4 =	vadd.f32 v6, v4  }
0x190: {  	v6 =	vld [tilespmem:s30+$0xFFFFFED0]  }
0x191: {  	v4 =	vadd.f32 v7, v4  }
0x192: {  	v9 =	vld [tilespmem:s30+$0xFFFFFF10]  }
0x193: {  	v4 =	vadd.f32 v5, v4  }
0x194: {  	v10 =	vld [tilespmem:s30+$0xFFFFFF50]  }
0x195: {  	v4 =	vadd.f32 v6, v4  }
0x196: {  	v11 =	vld [tilespmem:s30+$0xFFFFFF90]  }
0x197: {  	v4 =	vadd.f32 v9, v4  }
0x198: {  	v12 =	vld [tilespmem:s30+$0xFFFFFFD0]  }
0x199: {  	v4 =	vadd.f32 v10, v4  }
0x19a: {  	v13 =	vld [tilespmem:s30+$0x10]  }
0x19b: {  	v4 =	vadd.f32 v11, v4  }
0x19c: {  	v14 =	vld [tilespmem:s30+$0x50]  }
0x19d: {  	v4 =	vadd.f32 v12, v4  }
0x19e: {  	v15 =	vld [tilespmem:s30+$0x90]  }
0x19f: {  	v4 =	vadd.f32 v13, v4  }
0x1a0: {  	v12 =	vld [tilespmem:s30+$0xD0]  }
0x1a1: {  	v4 =	vadd.f32 v14, v4  }
0x1a2: {  	v10 =	vld [tilespmem:s30+$0x110]  }
0x1a3: {  	v4 =	vadd.f32 v15, v4  }
0x1a4: {  	v9 =	vld [tilespmem:s30+$0x150]  }
0x1a5: {  	v4 =	vadd.f32 v12, v4  }
0x1a6: {  	v11 =	vld [tilespmem:s30+$0x190]  }
0x1a7: {  	v4 =	vadd.f32 v10, v4  }
0x1a8: {  	v6 =	vld [tilespmem:s30+$0x1D0]  }
0x1a9: {  	v4 =	vadd.f32 v9, v4  }
0x1aa: {  	v5 =	vld [tilespmem:s30+$0x210]  }
0x1ab: {  	v4 =	vadd.f32 v11, v4  }
0x1ac: {  	v7 =	vld [tilespmem:s30+$0x250]  }
0x1ad: {  	v4 =	vadd.f32 v6, v4;
	_ =	sdelay $0x1  }
0x1ae: {  	v4 =	vadd.f32 v5, v4;
	_ =	sdelay $0x1  }
0x1af: {  	v5 =	vmul.f32 s31, v1;
	v4 =	vadd.f32 v7, v4;
	_ =	sdelay $0x1  }
0x1b0: {  	v4 =	vsub.f32 v4, v5  }
0x1b1: {  	[tilespmem:s22+$0xFFFFFFD0] =	vst v8  }
0x1b2: {  	[tilespmem:s22+$0x10] =	vst v4  }
0x1b3: {  	v4 =	vld [tilespmem:s29+$0xFFFFFFF0];
	_ =	sdelay $0x4  }
0x1b4: {  	v4 =	vmul.f32 s2, v4;
	_ =	sdelay $0x1  }
0x1b5: {  	[tilespmem:s17+$0x17820] =	vst v4  }
0x1b6: {  	v4 =	vld [tilespmem:s30+$0xFFFFFDA0]  }
0x1b7: {  	v5 =	vld [tilespmem:s30+$0xFFFFFDE0];
	_ =	sdelay $0x1  }
0x1b8: {  	v6 =	vld [tilespmem:s30+$0xFFFFFE20];
	_ =	sdelay $0x1  }
0x1b9: {  	v7 =	vld [tilespmem:s30+$0xFFFFFE60]  }
0x1ba: {  	v8 =	vmul.f32 s5, v4;
	v4 =	vadd.f32 v5, v4  }
0x1bb: {  	v5 =	vld [tilespmem:s30+$0xFFFFFEA0]  }
0x1bc: {  	v4 =	vadd.f32 v6, v4  }
0x1bd: {  	v6 =	vld [tilespmem:s30+$0xFFFFFEE0]  }
0x1be: {  	v4 =	vadd.f32 v7, v4  }
0x1bf: {  	v9 =	vld [tilespmem:s30+$0xFFFFFF20]  }
0x1c0: {  	v4 =	vadd.f32 v5, v4  }
0x1c1: {  	v10 =	vld [tilespmem:s30+$0xFFFFFF60]  }
0x1c2: {  	v4 =	vadd.f32 v6, v4  }
0x1c3: {  	v11 =	vld [tilespmem:s30+$0xFFFFFFA0]  }
0x1c4: {  	v4 =	vadd.f32 v9, v4  }
0x1c5: {  	v12 =	vld [tilespmem:s30+$0xFFFFFFE0]  }
0x1c6: {  	v4 =	vadd.f32 v10, v4  }
0x1c7: {  	v13 =	vld [tilespmem:s30+$0x20]  }
0x1c8: {  	v4 =	vadd.f32 v11, v4  }
0x1c9: {  	v14 =	vld [tilespmem:s30+$0x60]  }
0x1ca: {  	v4 =	vadd.f32 v12, v4  }
0x1cb: {  	v15 =	vld [tilespmem:s30+$0xA0]  }
0x1cc: {  	v4 =	vadd.f32 v13, v4  }
0x1cd: {  	v12 =	vld [tilespmem:s30+$0xE0]  }
0x1ce: {  	v4 =	vadd.f32 v14, v4  }
0x1cf: {  	v11 =	vld [tilespmem:s30+$0x120]  }
0x1d0: {  	v4 =	vadd.f32 v15, v4  }
0x1d1: {  	v10 =	vld [tilespmem:s30+$0x160]  }
0x1d2: {  	v4 =	vadd.f32 v12, v4  }
0x1d3: {  	v9 =	vld [tilespmem:s30+$0x1A0]  }
0x1d4: {  	v4 =	vadd.f32 v11, v4  }
0x1d5: {  	v6 =	vld [tilespmem:s30+$0x1E0]  }
0x1d6: {  	v4 =	vadd.f32 v10, v4  }
0x1d7: {  	v5 =	vld [tilespmem:s30+$0x220]  }
0x1d8: {  	v4 =	vadd.f32 v9, v4  }
0x1d9: {  	v7 =	vld [tilespmem:s30+$0x260]  }
0x1da: {  	v4 =	vadd.f32 v6, v4;
	_ =	sdelay $0x1  }
0x1db: {  	v4 =	vadd.f32 v5, v4;
	_ =	sdelay $0x1  }
0x1dc: {  	v5 =	vmul.f32 s31, v2;
	v4 =	vadd.f32 v7, v4;
	_ =	sdelay $0x1  }
0x1dd: {  	v4 =	vsub.f32 v4, v5  }
0x1de: {  	[tilespmem:s22+$0xFFFFFFE0] =	vst v8  }
0x1df: {  	[tilespmem:s22+$0x20] =	vst v4  }
0x1e0: {  	v4 =	vld [tilespmem:s29+$0x0];
	_ =	sdelay $0x4  }
0x1e1: {  	v4 =	vmul.f32 s2, v4;
	_ =	sdelay $0x1  }
0x1e2: {  	[tilespmem:s17+$0x17830] =	vst v4  }
0x1e3: {  	v5 =	vld [tilespmem:s30+$0xFFFFFDB0]  }
0x1e4: {  	v6 =	vld [tilespmem:s30+$0xFFFFFDF0]  }
0x1e5: {  	v7 =	vld [tilespmem:s30+$0xFFFFFE30]  }
0x1e6: {  	v8 =	vld [tilespmem:s30+$0xFFFFFE70]  }
0x1e7: {  	v13 =	vld [tilespmem:s30+$0xFFFFFEB0]  }
0x1e8: {  	v15 =	vld [tilespmem:s30+$0xFFFFFEF0]  }
0x1e9: {  	v16 =	vld [tilespmem:s30+$0xFFFFFF30];
	v4 =	vmul.f32 s5, v5;
	v5 =	vadd.f32 v6, v5  }
0x1ea: {  	v14 =	vld [tilespmem:s30+$0xFFFFFF70]  }
0x1eb: {  	s9 =	sld [smem:$0x7FB];
	v11 =	vld [tilespmem:s30+$0xFFFFFFB0];
	v5 =	vadd.f32 v7, v5  }
0x1ec: {  	v9 =	vld [tilespmem:s30+$0xFFFFFFF0]  }
0x1ed: {  	v12 =	vld [tilespmem:s30+$0x30];
	v5 =	vadd.f32 v8, v5  }
0x1ee: {  	p0 =	seq.s32 s9, $0x1;
	v10 =	vld [tilespmem:s30+$0x70]  }
.Ltmp2:
0x1ef: {  	v6 =	vld [tilespmem:s30+$0xF0];
	v5 =	vadd.f32 v13, v5;
	(pc) =	sbr.rel @p0 .LBB2_6-.Ltmp2, $4  }
0x1f0: {  	v7 =	vld [tilespmem:s30+$0x130]  }
0x1f1: {  	v13 =	vld [tilespmem:s30+$0xB0];
	v8 =	vadd.f32 v15, v5  }
0x1f2: {  	s25 =	sadd.s32 $0x1, s25;
	s26 =	sadd.s32 $0x14, s26;
	s19 =	smov.u32 s30;
	v5 =	vld [tilespmem:s30+$0x170]  }
0x1f3: {  	s23 =	smov.u32 s22;
	s20 =	smov.u32 s29;
	s29 =	sadd.s32 $0x40, s29;
	v15 =	vadd.f32 v16, v8;
	v8 =	vld [tilespmem:s30+$0x1B0]  }
0x1f4: {  	_ = 	snop  }
0x1f5: {  	v14 =	vadd.f32 v14, v15;
	_ =	sdelay $0x1  }
0x1f6: {  	v11 =	vadd.f32 v11, v14;
	_ =	sdelay $0x1  }
0x1f7: {  	v9 =	vadd.f32 v9, v11;
	_ =	sdelay $0x1  }
0x1f8: {  	v9 =	vadd.f32 v12, v9;
	_ =	sdelay $0x1  }
0x1f9: {  	v9 =	vadd.f32 v10, v9;
	_ =	sdelay $0x1  }
0x1fa: {  	v9 =	vadd.f32 v13, v9;
	_ =	sdelay $0x1  }
0x1fb: {  	v6 =	vadd.f32 v6, v9;
	_ =	sdelay $0x1  }
0x1fc: {  	v6 =	vadd.f32 v7, v6  }
0x1fd: {  	v60 =	vld [tilespmem:s19+$0x1F0]  }
0x1fe: {  	v5 =	vadd.f32 v5, v6  }
0x1ff: {  	v61 =	vld [tilespmem:s19+$0x230]  }
0x200: {  	v5 =	vadd.f32 v8, v5  }
0x201: {  	v62 =	vld [tilespmem:s19+$0x270]  }
0x202: {  	v5 =	vadd.f32 v60, v5;
	_ =	sdelay $0x1  }
0x203: {  	v5 =	vadd.f32 v61, v5;
	_ =	sdelay $0x1  }
0x204: {  	v63 =	vmul.f32 s31, v3;
	v5 =	vadd.f32 v62, v5;
	_ =	sdelay $0x1  }
0x205: {  	v5 =	vsub.f32 v5, v63  }
0x206: {  	[tilespmem:s23+$0xFFFFFFF0] =	vst v4  }
0x207: {  	[tilespmem:s23+$0x30] =	vst v5  }
0x208: {  	v4 =	vld [tilespmem:s20+$0x10];
	_ =	sdelay $0x3  }
0x209: {  	s0 =	sshll.u32 s11, $0x6  }
0x20a: {  	s31 =	rddreg [dreg:$0x7];
	s25 =	simm.s32 $0x0;
	s0 =	sadd.s32 s4, s0;
	v4 =	vmul.f32 s2, v4  }
0x20b: {  	s19 =	simm.s32 $0x15810;
	s22 =	sld [smem:$0x7FD];
	s1 =	sshll.u32 s0, $0x4  }
0x20c: {  	s9 =	rddreg [dreg:$0x1];
	s0 =	sshll.u32 s0, $0x3;
	s1 =	sadd.s32 s31, s1;
	[tilespmem:s17+$0x17840] =	vst v4  }
0x20d: {  	[hbm4b:s1+s25] =	stream.linear.scatter [tilespmem:s19], [sflag:$0x4], $0x1000, $0x38;
	[tilespmem:$0x18850] =	vst v63  }
0x20e: {  	s0 =	sadd.s32 s9, s0;
	p0 =	seq.s32 s22, $0x1;
	s20 =	simm.s32 $0x17810  }
0x20f: {  	[hbm4b:s0+s25] =	stream.linear.scatter [tilespmem:s20], [sflag:$0x4], $0x800, $0x38;
	[tilespmem:$0x18850] =	vst v63  }
0x210: {  	s0 =	smulhi.u32 @!p0 $0x55555556, s10  }
0x211: {  	s1 =	simm.s32 @!p0 $0x1  }
0x212: {  	_ =	swait.ge @!p0 [sflag:s1], $0x280;
	s0 =	smul.u32 @!p0 $0x3, s0  }
0x213: {  	[sflag:s1] =	ssyncset.done @!p0 $0x0  }
0x214: {  	[sflag:s1] =	ssyncadd.s32 @!p0 $0xFFFFFD80;
	s0 =	ssub.s32 @!p0 s10, s0  }
0x215: {  	_ =	swait.ge @!p0 [sflag:s1], $0x20;
	s2 =	smul.u32 @!p0 $0xA00, s0  }
0x216: {  	s3 =	simm.s32 @!p0 $0x780;
	[sflag:s1] =	ssyncset.done @!p0 $0x0  }
0x217: {  	[sflag:s1] =	ssyncadd.s32 @!p0 $0xFFFFFFE0;
	s1 =	sshrl.u32 @!p0 s2, $0x2;
	s2 =	simm.s32 @!p0 $0x80  }
0x218: {  	[tilespmem:s3], [sflag:$0x2] =	stream.indirect.gather @!p0 [hbm4b:s7+s2], $0x40, s1, s2, $0xb8;
	[tilespmem:$0x18850] =	vst v63  }
0x219: {  	s5 =	simm.s32 @!p0 $0x2780;
	s3 =	sadd.s32 @!p0 $0x80, s1  }
0x21a: {  	[tilespmem:s5], [sflag:$0x2] =	stream.indirect.gather @!p0 [hbm4b:s7+s2], $0x40, s3, s2, $0xb8;
	[tilespmem:$0x18850] =	vst v63  }
0x21b: {  	s0 =	smul.u32 @!p0 $0xC0, s0;
	s3 =	sadd.s32 @!p0 $0x100, s1;
	s5 =	simm.s32 @!p0 $0x4780  }
0x21c: {  	[tilespmem:s5], [sflag:$0x2] =	stream.indirect.gather @!p0 [hbm4b:s7+s2], $0x40, s3, s2, $0xb8;
	[tilespmem:$0x18850] =	vst v63  }
0x21d: {  	s30 =	rddreg [dreg:$0x6];
	s3 =	sadd.s32 @!p0 $0x180, s1;
	s5 =	simm.s32 @!p0 $0x6780  }
0x21e: {  	[tilespmem:s5], [sflag:$0x2] =	stream.indirect.gather @!p0 [hbm4b:s7+s2], $0x40, s3, s2, $0xb8;
	[tilespmem:$0x18850] =	vst v63  }
0x21f: {  	s0 =	sshrl.u32 @!p0 s0, $0x2;
	s1 =	sadd.s32 @!p0 $0x200, s1;
	s3 =	simm.s32 @!p0 $0x8780  }
0x220: {  	[tilespmem:s3], [sflag:$0x2] =	stream.indirect.gather @!p0 [hbm4b:s7+s2], $0x40, s1, s2, $0xb8;
	[tilespmem:$0x18850] =	vst v63  }
0x221: {  	s0 =	sadd.s32 @!p0 $0x14780, s0;
	s1 =	simm.s32 @!p0 $0x20;
	s2 =	simm.s32 @!p0 $0x14810  }
0x222: {  	[tilespmem:s2], [sflag:$0x2] =	stream.indirect.gather @!p0 [hbm4b:s30+s1], $0x40, s0, s1, $0xb8;
	[tilespmem:$0x18850] =	vst v63  }
0x223: {  	_ =	swait.ge [sflag:s28], $0x2000  }
0x224: {  	[sflag:s28] =	ssyncset.done $0x0  }
0x225: {  	[sflag:s28] =	ssyncadd.s32 $0xFFFFE000  }
0x226: {  	_ =	swait.ge [sflag:s28], $0x2000  }
0x227: {  	[sflag:s28] =	ssyncset.done $0x0  }
0x228: {  	[sflag:s28] =	ssyncadd.s32 $0xFFFFE000  }
0x229: {  	_ =	swait.ge [sflag:s28], $0x2000  }
0x22a: {  	s0 =	sadd.s32 @!p0 $0x3, s16;
	[sflag:s28] =	ssyncset.done $0x0  }
0x22b: {  	s1 =	smulhi.u32 @!p0 $0x55555556, s0;
	[sflag:s28] =	ssyncadd.s32 $0xFFFFE000  }
0x22c: {  	_ =	swait.ge [sflag:s28], $0x2000  }
0x22d: {  	s1 =	smul.u32 @!p0 $0x3, s1;
	[sflag:s28] =	ssyncset.done $0x0  }
0x22e: {  	[sflag:s28] =	ssyncadd.s32 $0xFFFFE000  }
0x22f: {  	s2 =	sshll.u32 @!p0 s0, $0x5;
	s0 =	ssub.s32 @!p0 s0, s1;
	_ =	swait.ge [sflag:s28], $0x2000  }
0x230: {  	s1 =	sadd.s32 @!p0 s4, s2;
	s2 =	smul.u32 @!p0 $0xA00, s0;
	[sflag:s28] =	ssyncset.done $0x0  }
0x231: {  	s5 =	simm.s32 @!p0 $0x0;
	s3 =	smul.u32 @!p0 $0x14, s1;
	[sflag:s28] =	ssyncadd.s32 $0xFFFFE000  }
0x232: {  	s0 =	smul.u32 @!p0 $0xC0, s0;
	s1 =	sshrl.u32 @!p0 s1, $0x3;
	_ =	swait.ge [sflag:s28], $0x800  }
0x233: {  	s2 =	sshrl.u32 @!p0 s2, $0x2;
	s3 =	sshrl.u32 @!p0 s3, $0x3;
	s26 =	rddreg [dreg:$0x4]  }
0x234: {  	s0 =	sshrl.u32 @!p0 s0, $0x2;
	[sflag:s28] =	ssyncset.done $0x0;
	s23 =	sld [smem:$0x7FC]  }
0x235: {  	s29 =	rddreg [dreg:$0x5];
	[sflag:s28] =	ssyncadd.s32 $0xFFFFF800;
	s3 =	sadd.s32 @!p0 s26, s3  }
0x236: {  	[tilespmem:s2], [sflag:$0x1] =	stream.linear.gather @!p0 [hbm4b:s3+s5], $0x280, $0x38;
	[tilespmem:$0x18850] =	vst v63  }
0x237: {  	s0 =	sadd.s32 @!p0 $0x14780, s0;
	s1 =	sadd.s32 @!p0 s29, s1;
	p1 =	seq.s32 s23, $0x1  }
0x238: {  	[tilespmem:s0], [sflag:$0x1] =	stream.linear.gather @!p0 [hbm4b:s1+s5], $0x20, $0x38;
	[tilespmem:$0x18850] =	vst v63  }
0x239: {  	p0 =	por p0, !p1  }
0x23a: {  	s0 =	simm.s32 @p0 $0x5  }
0x23b: {  	_ =	swait.ge @p0 [sflag:s0], $0x1000  }
0x23c: {  	[sflag:s0] =	ssyncset.done @p0 $0x0  }
0x23d: {  	[sflag:s0] =	ssyncadd.s32 @p0 $0xFFFFF000  }
0x23e: {  	s15 =	simm.s32 $0x0;
	s17 =	simm.s32 $0x0;
	_ =	swait.ge @p0 [sflag:s0], $0x800  }
0x23f: {  	s10 =	simm.s32 $0x0;
	s16 =	simm.s32 $0x0;
	[sflag:s0] =	ssyncset.done @p0 $0x0  }
0x240: {  	s2 =	simm.s32 $0x15040;
	s1 =	simm.s32 $0x16880;
	[sflag:s0] =	ssyncadd.s32 @p0 $0xFFFFF800  }
.LBB2_8:
0x241: {  	s0 =	sand.u32 $0x3F8, s10  }
0x242: {  	s3 =	sand.u32 $0x4, s10;
	s0 =	sadd.s32 s0, s13  }
0x243: {  	s0 =	sadd.s32 s3, s0  }
0x244: {  	v5 =	vld [tilespmem:s0+$0x0];
	_ =	sdelay $0x4  }
0x245: {  	(v2sf) =	vpush v5, $0x0  }
0x246: {  	(v2sf) =	vpush v5, $0x1;
	_ =	sdelay $0x1  }
0x247: {  	(v2sf) =	vpush v5, $0x2;
	_ =	sdelay $0x1  }
0x248: {  	(v2sf) =	vpush v5, $0x3;
	_ =	sdelay $0x2  }
0x249: {  	(v2sf) =	vpush v5, $0x4;
	_ =	sdelay $0x3  }
0x24a: {  	(v2sf) =	vpush v5, $0x5;
	_ =	sdelay $0x1  }
0x24b: {  	(v2sf) =	vpush v5, $0x6  }
0x24c: {  	s5 =	spop (v2sf);
	(v2sf) =	vpush v5, $0x7  }
0x24d: {  	s20 =	spop (v2sf);
	(v2sf) =	vpush v5, $0x8  }
0x24e: {  	s19 =	sshra.s32 s16, $0x2  }
0x24f: {  	s23 =	sadd.s32 $0x4, s10;
	v4 =	vld [tilespmem:s19+$0xA780];
	s22 =	spop (v2sf);
	(v2sf) =	vpush v5, $0x9  }
0x250: {  	v6 =	vld [tilespmem:s19+$0xA7C0];
	s8 =	sand.u32 $0x7F8, s23  }
0x251: {  	s3 =	simm.s32 $0x1;
	s8 =	sadd.s32 s8, s13;
	s6 =	spop (v2sf);
	(v2sf) =	vpush v5, $0xA  }
0x252: {  	v7 =	vld [tilespmem:s19+$0xA800];
	s0 =	simm.s32 $0x1;
	p0 =	seq.s32 s5, $0x0;
	p1 =	seq.s32 s20, $0x0  }
0x253: {  	s0 =	simm.s32 @!p0 $0x0;
	s3 =	simm.s32 @!p1 $0x0;
	p0 =	seq.s32 s22, $0x0  }
0x254: {  	v8 =	vld [tilespmem:s19+$0xA840];
	s0 =	sadd.s32 s3, s0;
	s3 =	simm.s32 $0x1;
	s20 =	spop (v2sf);
	(v2sf) =	vpush v5, $0xB  }
0x255: {  	v6 =	vadd.f32 v6, v4;
	s3 =	simm.s32 @!p0 $0x0;
	p0 =	seq.s32 s6, $0x0;
	s6 =	simm.s32 $0x1  }
0x256: {  	v9 =	vld [tilespmem:s19+$0xA880];
	s0 =	sadd.s32 s3, s0;
	s6 =	simm.s32 @!p0 $0x0;
	p0 =	seq.s32 s20, $0x0  }
0x257: {  	v6 =	vadd.f32 v7, v6;
	s3 =	sand.u32 $0x4, s23;
	s0 =	sadd.s32 s6, s0;
	s6 =	simm.s32 $0x1  }
0x258: {  	v43 =	vld [tilespmem:s19+$0xA8C0];
	(v2sf) =	vpush v5, $0xC;
	s22 =	spop (v2sf);
	s3 =	sadd.s32 s3, s8;
	s6 =	simm.s32 @!p0 $0x0  }
0x259: {  	v44 =	vld [tilespmem:s19+$0xA900];
	v6 =	vadd.f32 v8, v6;
	(v2sf) =	vpush v5, $0xD;
	p0 =	seq.s32 s22, $0x0;
	s0 =	sadd.s32 s6, s0;
	s6 =	simm.s32 $0x1  }
0x25a: {  	s23 =	spop (v2sf);
	v10 =	vld [tilespmem:s3+$0x0];
	s3 =	simm.s32 $0x1;
	s6 =	simm.s32 @!p0 $0x0  }
0x25b: {  	v6 =	vadd.f32 v9, v6;
	p0 =	seq.s32 s23, $0x0;
	s0 =	sadd.s32 s6, s0;
	s8 =	spop (v2sf);
	(v2sf) =	vpush v5, $0xE  }
0x25c: {  	s3 =	simm.s32 @!p0 $0x0;
	s6 =	simm.s32 $0x1;
	s20 =	spop (v2sf);
	(v2sf) =	vpush v5, $0xF;
	v5 =	vld [tilespmem:s19+$0xA940]  }
0x25d: {  	v6 =	vadd.f32 v43, v6;
	s0 =	sadd.s32 s3, s0;
	s3 =	simm.s32 $0x1;
	p0 =	seq.s32 s8, $0x0  }
0x25e: {  	v45 =	vld [tilespmem:s19+$0xA980];
	s3 =	simm.s32 @!p0 $0x0;
	p0 =	seq.s32 s20, $0x0;
	s22 =	spop (v2sf)  }
0x25f: {  	v6 =	vadd.f32 v44, v6;
	(v2sf) =	vpush v10, $0xC;
	s0 =	sadd.s32 s3, s0;
	s6 =	simm.s32 @!p0 $0x0;
	p0 =	seq.s32 s22, $0x0  }
0x260: {  	v46 =	vld [tilespmem:s19+$0xA9C0];
	s3 =	simm.s32 $0x1;
	s23 =	spop (v2sf);
	s0 =	sadd.s32 s6, s0  }
0x261: {  	(v2sf) =	vpush v10, $0xD;
	s3 =	simm.s32 @!p0 $0x0;
	p0 =	seq.s32 s23, $0x0;
	s6 =	simm.s32 $0x1;
	v5 =	vadd.f32 v5, v6  }
0x262: {  	v47 =	vld [tilespmem:s19+$0xAA00];
	s0 =	sadd.s32 s3, s0;
	s6 =	simm.s32 @!p0 $0x0  }
0x263: {  	s0 =	sadd.s32 s6, s0;
	s6 =	spop (v2sf);
	(v2sf) =	vpush v10, $0xE;
	v5 =	vadd.f32 v45, v5  }
0x264: {  	v48 =	vld [tilespmem:s19+$0xAA40];
	(v2sf) =	vpush v10, $0xF  }
0x265: {  	v5 =	vadd.f32 v46, v5  }
0x266: {  	v49 =	vld [tilespmem:s19+$0xAA80];
	s22 =	sand.u32 $0x18, s17;
	s23 =	sand.u32 $0x7, s17;
	s3 =	simm.s32 $0x1  }
0x267: {  	p0 =	seq.s32 s6, $0x0;
	s8 =	spop (v2sf);
	s6 =	simm.s32 $0x1;
	v5 =	vadd.f32 v47, v5  }
0x268: {  	v50 =	vld [tilespmem:s19+$0xAAC0];
	s3 =	simm.s32 @!p0 $0x0;
	p0 =	seq.s32 s8, $0x0;
	s20 =	spop (v2sf)  }
0x269: {  	s0 =	sadd.s32 s3, s0;
	s6 =	simm.s32 @!p0 $0x0;
	p0 =	seq.s32 s20, $0x0;
	v5 =	vadd.f32 v48, v5  }
0x26a: {  	v51 =	vld [tilespmem:s19+$0xAB00];
	s3 =	simm.s32 $0x1;
	s0 =	sadd.s32 s6, s0;
	s6 =	sadd.s32 s22, s14  }
0x26b: {  	v53 =	vld [tilespmem:s19+$0xAB40];
	s3 =	simm.s32 @!p0 $0x0;
	s8 =	sadd.s32 s23, s6;
	s20 =	spop (v2sf);
	v5 =	vadd.f32 v49, v5  }
0x26c: {  	s0 =	sadd.s32 s3, s0;
	s3 =	simm.s32 $0x1;
	v52 =	vld [tilespmem:s8+$0x0];
	p0 =	seq.s32 s20, $0x0  }
0x26d: {  	s6 =	simm.s32 $0x1;
	s22 =	spop (v2sf);
	s3 =	simm.s32 @!p0 $0x0;
	v5 =	vadd.f32 v50, v5  }
0x26e: {  	v54 =	vld [tilespmem:s19+$0xAB80];
	p0 =	seq.s32 s22, $0x0;
	s23 =	spop (v2sf);
	s0 =	sadd.s32 s3, s0  }
0x26f: {  	s6 =	simm.s32 @!p0 $0x0;
	p0 =	seq.s32 s23, $0x0;
	s3 =	simm.s32 $0x1;
	v5 =	vadd.f32 v51, v5  }
0x270: {  	v55 =	vld [tilespmem:s19+$0xABC0];
	s8 =	spop (v2sf);
	s0 =	sadd.s32 s6, s0;
	s3 =	simm.s32 @!p0 $0x0  }
0x271: {  	(v2sf) =	vpush v52, $0x0;
	p0 =	seq.s32 s8, $0x0;
	s6 =	simm.s32 $0x1;
	s0 =	sadd.s32 s3, s0;
	v5 =	vadd.f32 v53, v5  }
0x272: {  	v56 =	vld [tilespmem:s19+$0xAC00];
	s6 =	simm.s32 @!p0 $0x0;
	s3 =	simm.s32 $0x1;
	s20 =	spop (v2sf)  }
0x273: {  	s0 =	sadd.s32 s6, s0;
	s22 =	spop (v2sf);
	p0 =	seq.s32 s20, $0x0;
	v5 =	vadd.f32 v54, v5  }
0x274: {  	v57 =	vld [tilespmem:s19+$0xAC40];
	s6 =	simm.s32 $0x1;
	s3 =	simm.s32 @!p0 $0x0;
	p0 =	seq.s32 s22, $0x0  }
0x275: {  	s0 =	sadd.s32 s3, s0;
	s6 =	simm.s32 @!p0 $0x0;
	v5 =	vadd.f32 v55, v5  }
0x276: {  	s0 =	sadd.s32 s6, s0  }
0x277: {  	s20 =	scvt.s32.f32 s0;
	v5 =	vadd.f32 v56, v5  }
0x278: {  	p0 =	sne.s32 s5, $0x0;
	s5 =	simm.f32 $1.000000000e+00  }
0x279: {  	s5 =	simm.s32 @!p0 $0x0;
	v58 =	vmul.f32 s20, v0;
	v5 =	vadd.f32 v57, v5  }
0x27a: {  	v4 =	vmul.f32 s5, v4  }
0x27b: {  	v5 =	vsub.f32 v5, v58  }
0x27c: {  	[tilespmem:s1+$0xFFFFFF90] =	vst v4  }
0x27d: {  	[tilespmem:s1+$0xFFFFFFD0] =	vst v5  }
0x27e: {  	v4 =	vld [tilespmem:s2+$0xFFFFFFD0];
	_ =	sdelay $0x1  }
0x27f: {  	s23 =	spop (v2sf)  }
0x280: {  	p0 =	sne.s32 s23, $0x0;
	s23 =	simm.f32 $1.000000000e+00  }
0x281: {  	s23 =	simm.s32 @!p0 $0x0  }
0x282: {  	v4 =	vmul.f32 s23, v4  }
0x283: {  	s22 =	sand.u32 $0x7C0, s15  }
0x284: {  	[tilespmem:s22+$0x18010] =	vst v4  }
0x285: {  	v4 =	vld [tilespmem:s19+$0xA790]  }
0x286: {  	v5 =	vld [tilespmem:s19+$0xA7D0];
	_ =	sdelay $0x1  }
0x287: {  	v59 =	vld [tilespmem:s19+$0xA810];
	_ =	sdelay $0x1  }
0x288: {  	v60 =	vld [tilespmem:s19+$0xA850]  }
0x289: {  	v5 =	vadd.f32 v5, v4  }
0x28a: {  	v61 =	vld [tilespmem:s19+$0xA890]  }
0x28b: {  	v5 =	vadd.f32 v59, v5  }
0x28c: {  	v62 =	vld [tilespmem:s19+$0xA8D0]  }
0x28d: {  	v5 =	vadd.f32 v60, v5  }
0x28e: {  	v63 =	vld [tilespmem:s19+$0xA910]  }
0x28f: {  	v5 =	vadd.f32 v61, v5  }
0x290: {  	v12 =	vld [tilespmem:s19+$0xA950]  }
0x291: {  	v5 =	vadd.f32 v62, v5  }
0x292: {  	v13 =	vld [tilespmem:s19+$0xA990]  }
0x293: {  	v5 =	vadd.f32 v63, v5  }
0x294: {  	v14 =	vld [tilespmem:s19+$0xA9D0]  }
0x295: {  	v5 =	vadd.f32 v12, v5  }
0x296: {  	v15 =	vld [tilespmem:s19+$0xAA10]  }
0x297: {  	v5 =	vadd.f32 v13, v5  }
0x298: {  	v16 =	vld [tilespmem:s19+$0xAA50]  }
0x299: {  	v5 =	vadd.f32 v14, v5  }
0x29a: {  	v17 =	vld [tilespmem:s19+$0xAA90]  }
0x29b: {  	v5 =	vadd.f32 v15, v5  }
0x29c: {  	v18 =	vld [tilespmem:s19+$0xAAD0]  }
0x29d: {  	v5 =	vadd.f32 v16, v5  }
0x29e: {  	v19 =	vld [tilespmem:s19+$0xAB10]  }
0x29f: {  	v5 =	vadd.f32 v17, v5  }
0x2a0: {  	v20 =	vld [tilespmem:s19+$0xAB50]  }
0x2a1: {  	v5 =	vadd.f32 v18, v5  }
0x2a2: {  	v21 =	vld [tilespmem:s19+$0xAB90]  }
0x2a3: {  	v5 =	vadd.f32 v19, v5  }
0x2a4: {  	v22 =	vld [tilespmem:s19+$0xABD0]  }
0x2a5: {  	v5 =	vadd.f32 v20, v5  }
0x2a6: {  	v23 =	vld [tilespmem:s19+$0xAC10]  }
0x2a7: {  	v5 =	vadd.f32 v21, v5  }
0x2a8: {  	v24 =	vld [tilespmem:s19+$0xAC50]  }
0x2a9: {  	v5 =	vadd.f32 v22, v5;
	_ =	sdelay $0x1  }
0x2aa: {  	v5 =	vadd.f32 v23, v5;
	_ =	sdelay $0x1  }
0x2ab: {  	v25 =	vmul.f32 s20, v1;
	v5 =	vadd.f32 v24, v5  }
0x2ac: {  	v4 =	vmul.f32 s5, v4  }
0x2ad: {  	v5 =	vsub.f32 v5, v25  }
0x2ae: {  	[tilespmem:s1+$0xFFFFFFA0] =	vst v4  }
0x2af: {  	[tilespmem:s1+$0xFFFFFFE0] =	vst v5  }
0x2b0: {  	v4 =	vld [tilespmem:s2+$0xFFFFFFE0];
	_ =	sdelay $0x4  }
0x2b1: {  	v4 =	vmul.f32 s23, v4;
	_ =	sdelay $0x1  }
0x2b2: {  	[tilespmem:s22+$0x18020] =	vst v4  }
0x2b3: {  	v4 =	vld [tilespmem:s19+$0xA7A0]  }
0x2b4: {  	v5 =	vld [tilespmem:s19+$0xA7E0];
	_ =	sdelay $0x1  }
0x2b5: {  	v26 =	vld [tilespmem:s19+$0xA820];
	_ =	sdelay $0x1  }
0x2b6: {  	v27 =	vld [tilespmem:s19+$0xA860]  }
0x2b7: {  	v5 =	vadd.f32 v5, v4  }
0x2b8: {  	v28 =	vld [tilespmem:s19+$0xA8A0]  }
0x2b9: {  	v5 =	vadd.f32 v26, v5  }
0x2ba: {  	v29 =	vld [tilespmem:s19+$0xA8E0]  }
0x2bb: {  	v5 =	vadd.f32 v27, v5  }
0x2bc: {  	v30 =	vld [tilespmem:s19+$0xA920]  }
0x2bd: {  	v5 =	vadd.f32 v28, v5  }
0x2be: {  	v31 =	vld [tilespmem:s19+$0xA960]  }
0x2bf: {  	v5 =	vadd.f32 v29, v5  }
0x2c0: {  	v32 =	vld [tilespmem:s19+$0xA9A0]  }
0x2c1: {  	v5 =	vadd.f32 v30, v5  }
0x2c2: {  	v33 =	vld [tilespmem:s19+$0xA9E0]  }
0x2c3: {  	v5 =	vadd.f32 v31, v5  }
0x2c4: {  	v34 =	vld [tilespmem:s19+$0xAA20]  }
0x2c5: {  	v5 =	vadd.f32 v32, v5  }
0x2c6: {  	v35 =	vld [tilespmem:s19+$0xAA60]  }
0x2c7: {  	v5 =	vadd.f32 v33, v5  }
0x2c8: {  	v36 =	vld [tilespmem:s19+$0xAAA0]  }
0x2c9: {  	v5 =	vadd.f32 v34, v5  }
0x2ca: {  	v37 =	vld [tilespmem:s19+$0xAAE0]  }
0x2cb: {  	v5 =	vadd.f32 v35, v5  }
0x2cc: {  	v38 =	vld [tilespmem:s19+$0xAB20]  }
0x2cd: {  	v5 =	vadd.f32 v36, v5  }
0x2ce: {  	v39 =	vld [tilespmem:s19+$0xAB60]  }
0x2cf: {  	v5 =	vadd.f32 v37, v5  }
0x2d0: {  	v40 =	vld [tilespmem:s19+$0xABA0]  }
0x2d1: {  	v5 =	vadd.f32 v38, v5  }
0x2d2: {  	v41 =	vld [tilespmem:s19+$0xABE0]  }
0x2d3: {  	v5 =	vadd.f32 v39, v5  }
0x2d4: {  	v42 =	vld [tilespmem:s19+$0xAC20]  }
0x2d5: {  	v5 =	vadd.f32 v40, v5  }
0x2d6: {  	v43 =	vld [tilespmem:s19+$0xAC60]  }
0x2d7: {  	v5 =	vadd.f32 v41, v5;
	_ =	sdelay $0x1  }
0x2d8: {  	v5 =	vadd.f32 v42, v5;
	_ =	sdelay $0x1  }
0x2d9: {  	v44 =	vmul.f32 s20, v2;
	v5 =	vadd.f32 v43, v5  }
0x2da: {  	v4 =	vmul.f32 s5, v4  }
0x2db: {  	v5 =	vsub.f32 v5, v44  }
0x2dc: {  	[tilespmem:s1+$0xFFFFFFB0] =	vst v4  }
0x2dd: {  	[tilespmem:s1+$0xFFFFFFF0] =	vst v5  }
0x2de: {  	v4 =	vld [tilespmem:s2+$0xFFFFFFF0];
	_ =	sdelay $0x4  }
0x2df: {  	v4 =	vmul.f32 s23, v4;
	_ =	sdelay $0x1  }
0x2e0: {  	[tilespmem:s22+$0x18030] =	vst v4  }
0x2e1: {  	v4 =	vld [tilespmem:s19+$0xA7B0]  }
0x2e2: {  	v5 =	vld [tilespmem:s19+$0xA7F0];
	_ =	sdelay $0x1  }
0x2e3: {  	v45 =	vld [tilespmem:s19+$0xA830];
	_ =	sdelay $0x1  }
0x2e4: {  	v46 =	vld [tilespmem:s19+$0xA870]  }
0x2e5: {  	v5 =	vadd.f32 v5, v4  }
0x2e6: {  	v47 =	vld [tilespmem:s19+$0xA8B0]  }
0x2e7: {  	v5 =	vadd.f32 v45, v5  }
0x2e8: {  	v48 =	vld [tilespmem:s19+$0xA8F0]  }
0x2e9: {  	v5 =	vadd.f32 v46, v5  }
0x2ea: {  	v49 =	vld [tilespmem:s19+$0xA930]  }
0x2eb: {  	v5 =	vadd.f32 v47, v5  }
0x2ec: {  	v50 =	vld [tilespmem:s19+$0xA970]  }
0x2ed: {  	v5 =	vadd.f32 v48, v5  }
0x2ee: {  	v51 =	vld [tilespmem:s19+$0xA9B0]  }
0x2ef: {  	v5 =	vadd.f32 v49, v5  }
0x2f0: {  	v52 =	vld [tilespmem:s19+$0xA9F0]  }
0x2f1: {  	v5 =	vadd.f32 v50, v5  }
0x2f2: {  	v53 =	vld [tilespmem:s19+$0xAA30]  }
0x2f3: {  	v5 =	vadd.f32 v51, v5  }
0x2f4: {  	v54 =	vld [tilespmem:s19+$0xAA70]  }
0x2f5: {  	v5 =	vadd.f32 v52, v5  }
0x2f6: {  	v55 =	vld [tilespmem:s19+$0xAAB0]  }
0x2f7: {  	v5 =	vadd.f32 v53, v5  }
0x2f8: {  	v56 =	vld [tilespmem:s19+$0xAAF0]  }
0x2f9: {  	v5 =	vadd.f32 v54, v5  }
0x2fa: {  	v57 =	vld [tilespmem:s19+$0xAB30]  }
0x2fb: {  	v5 =	vadd.f32 v55, v5  }
0x2fc: {  	v58 =	vld [tilespmem:s19+$0xAB70]  }
0x2fd: {  	v5 =	vadd.f32 v56, v5  }
0x2fe: {  	v59 =	vld [tilespmem:s19+$0xABB0]  }
0x2ff: {  	v5 =	vadd.f32 v57, v5  }
0x300: {  	v60 =	vld [tilespmem:s19+$0xABF0]  }
0x301: {  	v5 =	vadd.f32 v58, v5  }
0x302: {  	v61 =	vld [tilespmem:s19+$0xAC30]  }
0x303: {  	v5 =	vadd.f32 v59, v5  }
0x304: {  	v62 =	vld [tilespmem:s19+$0xAC70]  }
0x305: {  	v5 =	vadd.f32 v60, v5;
	_ =	sdelay $0x1  }
0x306: {  	v5 =	vadd.f32 v61, v5;
	_ =	sdelay $0x1  }
0x307: {  	v63 =	vmul.f32 s20, v3;
	v5 =	vadd.f32 v62, v5  }
0x308: {  	v4 =	vmul.f32 s5, v4  }
0x309: {  	v5 =	vsub.f32 v5, v63  }
0x30a: {  	[tilespmem:s1+$0xFFFFFFC0] =	vst v4  }
0x30b: {  	[tilespmem:s1+$0x0] =	vst v5  }
0x30c: {  	v4 =	vld [tilespmem:s2+$0x0];
	_ =	sdelay $0x1  }
0x30d: {  	p0 =	sne.s32 s16, $0x26C00  }
.Ltmp3:
0x30e: {  	_ = 	snop;
	(pc) =	sbr.rel @p0 .LBB2_8-.Ltmp3, $4  }
0x30f: {  	_ = 	snop  }
0x310: {  	v4 =	vmul.f32 s23, v4  }
0x311: {  	s10 =	sadd.s32 $0x14, s10;
	s17 =	sadd.s32 $0x1, s17;
	s15 =	sadd.s32 $0x40, s15  }
0x312: {  	s16 =	sadd.s32 $0x1400, s16;
	s1 =	sadd.s32 $0x80, s1;
	s2 =	sadd.s32 $0x40, s2;
	[tilespmem:s22+$0x18040] =	vst v4  }
0x313: {  	s0 =	sshll.u32 s12, $0x5  }
0x314: {  	s11 =	sadd.s32 $0x1, s11;
	s0 =	sadd.s32 s4, s0  }
0x315: {  	p0 =	sne.s32 s11, $0x19;
	s1 =	sshll.u32 s0, $0x4  }
.Ltmp4:
0x316: {  	s0 =	sshll.u32 s0, $0x3;
	s1 =	sand.u32 $0x1FFFFE00, s1;
	(pc) =	sbr.rel @p0 .LBB2_2-.Ltmp4, $4  }
0x317: {  	s2 =	simm.s32 $0x16810;
	s0 =	sand.u32 $0x1FFFFF00, s0;
	s1 =	sadd.s32 s31, s1  }
0x318: {  	[hbm4b:s1+s25] =	stream.linear.scatter [tilespmem:s2], [sflag:$0x5], $0x1000, $0x38;
	[tilespmem:$0x18850] =	vst v63  }
0x319: {  	s0 =	sadd.s32 s9, s0;
	s31 =	simm.s32 $0x18010  }
0x31a: {  	[hbm4b:s0+s25] =	stream.linear.scatter [tilespmem:s31], [sflag:$0x5], $0x800, $0x38;
	[tilespmem:$0x18850] =	vst v63  }
0x31b: {  	s0 =	simm.s32 $0x4  }
0x31c: {  	_ =	swait.ge [sflag:s0], $0x1000  }
0x31d: {  	[sflag:s0] =	ssyncset.done $0x0  }
0x31e: {  	[sflag:s0] =	ssyncadd.s32 $0xFFFFF000  }
0x31f: {  	_ =	swait.ge [sflag:s0], $0x800  }
0x320: {  	[sflag:s0] =	ssyncset.done $0x0  }
0x321: {  	s1 =	simm.s32 $0x5;
	[sflag:s0] =	ssyncadd.s32 $0xFFFFF800  }
0x322: {  	_ =	swait.ge [sflag:s1], $0x1000  }
0x323: {  	[sflag:s1] =	ssyncset.done $0x0  }
0x324: {  	[sflag:s1] =	ssyncadd.s32 $0xFFFFF000  }
0x325: {  	_ =	swait.ge [sflag:s1], $0x800  }
0x326: {  	s2 =	rddreg [dreg:$0xd]  }
0x327: {  	s31 =	rddreg [dreg:$0xc];
	s2 =	sadd.s32 $0x1, s2  }
0x328: {  	p0 =	sne.s32 s2, s31  }
.Ltmp5:
0x329: {  	_ = 	snop;
	(pc) =	sbr.rel @p0 .LBB2_1-.Ltmp5, $3  }
0x32a: {  	_ =	sdelay $0x1  }
0x32b: {  	[sflag:s1] =	ssyncset.done $0x0  }
0x32c: {  	[sflag:s1] =	ssyncadd.s32 $0xFFFFF800  }
0x32d: {  	_ =	sfence.sel $0x180000  }
0x32e: {  	[bflag:$0x0] =	sbarrier.arrive $0xFFFF  }
0x32f: {  	_ =	strace $0x90000047  }
0x330: {  	s0 =	stileid.u32;
	[bflag:$0x2] =	sbarrier.arrive $0xFFFF  }
0x331: {  	p0 =	sne.s32 s0, $0x0;
	s0 =	rddreg [dreg:$0x2]  }
0x332: {  	s0 =	sadd.s32 @!p0 $0x100000, s0  }
0x333: {  	[sflag:s0] =	ssyncadd.tile.s32 @!p0 $0x1;
	_ =	shalt  }
.Lfunc_end2:
_tile_overlayer_lowered:
.L_overlay_start_2:
0x334: {  	(tag) =	ssettag $0x2  }
0x335: {  	s0 =	rddreg [dreg:$0x0];
	s2 =	stileid.u32  }
0x336: {  	s1 =	rddreg [dreg:$0x1];
	p0 =	sne.s32 s2, $0x0  }
0x337: {  	s3 =	rddreg [dreg:$0x2];
	[bflag:$0x3] =	sbarrier.arrive $0xFFFF;
	s2 =	simm.s32 @!p0 $0x1C06  }
0x338: {  	[timem:s3], [sflag:s2] =	dma.local @!p0 [hbm:s0], s1  }
0x339: {  	s0 =	simm.s32 @!p0 $0x6  }
0x33a: {  	_ =	swait.ge @!p0 [sflag:s0], s1  }
0x33b: {  	s1 =	ssub.s32 @!p0 $0x0, s1;
	[sflag:s0] =	ssyncset.done @!p0 $0x0  }
0x33c: {  	[sflag:s0] =	ssyncadd.s32 @!p0 s1  }
0x33d: {  	[bflag:$0x3] =	sbarrier.arrive $0xFFFF  }
0x33e: {  	_ =	shalt  }

</sc_bundles>
